<compile_context>
chip_gen: v7x
topology: tpu7x:2x2x1
jax: 0.10.2.dev20260603
libtpu: 0.0.44.dev20260713+nightly
codegen_flags: <defaults>
</compile_context>

<pallas_src>
import functools

import jax
import jax.numpy as jnp
from jax import lax
from jax.experimental import pallas as pl
from jax.experimental.pallas import tpu as pltpu
from jax.experimental.pallas import tpu_sc as plsc

_V = 1_000_000
_EMB = 64
_B = 16384
_NC = 2
_NS = 16
_NW = _NC * _NS
_NBLK = 7813
_BASEB = _NBLK // _NW
_EXTRA = _NBLK % _NW
_CAP = _B


def _select(src_hbm, ibuf, selidx, selpos, bstart, bend, lane):

    def chunk_body(ci, base):
        pltpu.sync_copy(src_hbm.at[pl.ds(ci * 512, 512)], ibuf)

        def vec_body(i, b):
            sl = pl.ds(i * 16, 16)
            v = ibuf[sl]
            blk = lax.shift_right_logical(v, 7)
            m = (blk >= bstart) & (blk < bend)
            cnt = plsc.all_reduce_population_count(m)[0]

            @pl.when(cnt > 0)
            def _():
                poss = ci * 512 + i * 16 + lane
                plsc.store_compressed(selidx.at[pl.ds(b, 16)], v, mask=m)
                plsc.store_compressed(selpos.at[pl.ds(b, 16)], poss, mask=m)

            return b + cnt

        return lax.fori_loop(0, 32, vec_body, base)

    return lax.fori_loop(0, _B // 512, chunk_body, 0)


def _extract_block(b, vb, par, selidx, selpos, ntot, mq, mp, stage, out_hbm,
                   sem2, lane, carry, tail=False):
    issued0, drained0 = carry
    nvec = lax.shift_right_logical(ntot + 15, 4)

    def scan_body(i, c):
        issued, drained = c
        sl = pl.ds(i * 16, 16)
        v = selidx[sl]
        m = lax.shift_right_logical(v, 7) == b
        cnt = plsc.all_reduce_population_count(m)[0]

        def drain_all(d):
            def dr(j, _):
                pltpu.make_async_copy(out_hbm.at[pl.ds(0, _EMB)],
                                      stage.at[0], sem2).wait()
                return 0
            lax.fori_loop(0, issued - d, dr, 0)
            return issued

        drained = lax.cond((cnt > 0) & (issued - drained > 48),
                           drain_all, lambda d: d, drained)

        @pl.when(cnt > 0)
        def _():
            plsc.store_compressed(mq.at[pl.ds(0, 16)], v & 127, mask=m)
            plsc.store_compressed(mp.at[pl.ds(0, 16)], selpos[sl], mask=m)

            def ent_body(j, _):
                q = mq[pl.ds(j, 16)][0]
                pos = mp[pl.ds(j, 16)][0]
                slot = (issued + j) & 63
                for fg in range(4):
                    f16 = fg * 16 + lane
                    if tail:
                        vals = plsc.load_gather(
                            vb, [f16, jnp.full((16,), q, jnp.int32)])
                    else:
                        vals = plsc.load_gather(
                            vb, [jnp.full((16,), par, jnp.int32), f16,
                                 jnp.full((16,), q, jnp.int32)])
                    stage[slot, pl.ds(fg * 16, 16)] = vals
                pltpu.async_copy(stage.at[slot],
                                 out_hbm.at[pl.ds(pos * _EMB, _EMB)], sem2)
                return 0

            lax.fori_loop(0, cnt, ent_body, 0)

        return (issued + cnt, drained)

    return lax.fori_loop(0, nvec, scan_body, (issued0, drained0))


def _gather_body(tw, cw, tt, tcc, out_t, out_c, ibuf, selidx_t, selpos_t,
                 selidx_c, selpos_c, mq, mp, vb_t, vb_c, vtail_t, vtail_c,
                 stage, semp, sem2):
    core = lax.axis_index("c")
    sid = lax.axis_index("s")
    wid = sid * _NC + core
    lane = lax.iota(jnp.int32, 16)

    bstart = wid * _BASEB + jnp.minimum(wid, _EXTRA)
    nb = _BASEB + jnp.where(wid < _EXTRA, 1, 0)
    bend = bstart + nb
    nb_full = nb - jnp.where(wid == _NW - 1, 1, 0)

    ntot_t = _select(tw, ibuf, selidx_t, selpos_t, bstart, bend, lane)
    ntot_c = _select(cw, ibuf, selidx_c, selpos_c, bstart, bend, lane)

    def issue(b, par):
        sl = pl.ds(b * 128, 128)
        pltpu.async_copy(tt.at[:, sl], vb_t.at[par], semp)
        pltpu.async_copy(tcc.at[:, sl], vb_c.at[par], semp)

    def wait_pair():
        dummy2d = tt.at[:, pl.ds(0, 128)]
        pltpu.make_async_copy(dummy2d, vb_t.at[0], semp).wait()
        pltpu.make_async_copy(dummy2d, vb_c.at[0], semp).wait()

    issue(bstart, 0)

    def blk_body(r, carry):
        b = bstart + r
        par = lax.rem(r, 2)
        wait_pair()

        @pl.when(r + 1 < nb_full)
        def _():
            issue(b + 1, 1 - par)

        carry = _extract_block(b, vb_t, par, selidx_t, selpos_t, ntot_t, mq,
                               mp, stage, out_t, sem2, lane, carry)
        carry = _extract_block(b, vb_c, par, selidx_c, selpos_c, ntot_c, mq,
                               mp, stage, out_c, sem2, lane, carry)
        return carry

    carry = lax.fori_loop(0, nb_full, blk_body, (0, 0))

    issued, drained = carry

    @pl.when(wid == _NW - 1)
    def _():
        tsl = pl.ds((_NBLK - 1) * 128, _V - (_NBLK - 1) * 128)
        pltpu.sync_copy(tt.at[:, tsl], vtail_t)
        pltpu.sync_copy(tcc.at[:, tsl], vtail_c)
        c2 = _extract_block(_NBLK - 1, vtail_t, 0, selidx_t, selpos_t,
                            ntot_t, mq, mp, stage, out_t, sem2, lane,
                            (issued, drained), tail=True)
        c3 = _extract_block(_NBLK - 1, vtail_c, 0, selidx_c, selpos_c,
                            ntot_c, mq, mp, stage, out_c, sem2, lane, c2,
                            tail=True)

        def dr(j, _):
            pltpu.make_async_copy(out_t.at[pl.ds(0, _EMB)], stage.at[0],
                                  sem2).wait()
            return 0

        lax.fori_loop(0, c3[0] - c3[1], dr, 0)

    @pl.when(wid != _NW - 1)
    def _():
        def dr(j, _):
            pltpu.make_async_copy(out_t.at[pl.ds(0, _EMB)], stage.at[0],
                                  sem2).wait()
            return 0

        lax.fori_loop(0, issued - drained, dr, 0)


def _compute_body(gt, gc, out, vt, vc, accv):
    wid = lax.axis_index("s") * _NC + lax.axis_index("c")
    pltpu.sync_copy(gt.at[pl.ds(wid * 32768, 32768)], vt)
    pltpu.sync_copy(gc.at[pl.ds(wid * 32768, 32768)], vc)
    lane = lax.iota(jnp.int32, 16)

    def grp_body(g, tot):
        x = jnp.zeros((16,), jnp.float32)
        for k in range(16):
            off = (g * 16 + k) * _EMB
            acc = vt[pl.ds(off, 16)] * vc[pl.ds(off, 16)]
            for cb in range(1, _EMB // 16):
                acc = acc + (vt[pl.ds(off + cb * 16, 16)]
                             * vc[pl.ds(off + cb * 16, 16)])
            x = jnp.where(lane == k, jnp.sum(acc), x)

        u = jnp.exp(-jnp.abs(x))
        s = u / (u + 2.0)
        s2 = s * s
        poly = 1.0 + s2 * (1.0 / 3.0 + s2 * (1.0 / 5.0 + s2 * (
            1.0 / 7.0 + s2 * (1.0 / 9.0 + s2 * (1.0 / 11.0)))))
        return tot + jnp.maximum(-x, 0.0) + 2.0 * (s * poly)

    tot = lax.fori_loop(0, 32, grp_body, jnp.zeros((16,), jnp.float32))
    accv[...] = tot
    pltpu.sync_copy(accv, out.at[pl.ds(wid * 16, 16)])


@jax.jit
def _run(tw, cw, tt, tcc):
    mesh = plsc.VectorSubcoreMesh(core_axis_name="c", subcore_axis_name="s")
    params = pltpu.CompilerParams(
        needs_layout_passes=False, use_tc_tiling_on_sc=True)

    gather = pl.kernel(
        _gather_body,
        mesh=mesh,
        compiler_params=params,
        out_type=(
            jax.ShapeDtypeStruct((_B * _EMB,), jnp.float32),
            jax.ShapeDtypeStruct((_B * _EMB,), jnp.float32),
        ),
        scratch_types=[
            pltpu.VMEM((512,), jnp.int32),
            pltpu.VMEM((_CAP + 16,), jnp.int32),
            pltpu.VMEM((_CAP + 16,), jnp.int32),
            pltpu.VMEM((_CAP + 16,), jnp.int32),
            pltpu.VMEM((_CAP + 16,), jnp.int32),
            pltpu.VMEM((32,), jnp.int32),
            pltpu.VMEM((32,), jnp.int32),
            pltpu.VMEM((2, _EMB, 128), jnp.float32),
            pltpu.VMEM((2, _EMB, 128), jnp.float32),
            pltpu.VMEM((_EMB, 64), jnp.float32),
            pltpu.VMEM((_EMB, 64), jnp.float32),
            pltpu.VMEM((64, _EMB), jnp.float32),
            pltpu.SemaphoreType.DMA,
            pltpu.SemaphoreType.DMA,
        ],
    )
    gt, gc = gather(tw, cw, tt, tcc)

    compute = pl.kernel(
        _compute_body,
        mesh=mesh,
        compiler_params=params,
        out_type=jax.ShapeDtypeStruct((_NW * 16,), jnp.float32),
        scratch_types=[
            pltpu.VMEM((32768,), jnp.float32),
            pltpu.VMEM((32768,), jnp.float32),
            pltpu.VMEM((16,), jnp.float32),
        ],
    )
    return compute(gt, gc)


def kernel(target_word, context_word, target_embeddings, context_embeddings):
    tw = target_word.astype(jnp.int32)
    cw = context_word.astype(jnp.int32)
    part = _run(tw, cw, target_embeddings.T, context_embeddings.T)
    return jnp.sum(part)

# --- scband reference (transcript-rebuilt; emitter-appended) ---
"""Pipeline reference for scband-word2-vec-26431228740165 (READ-ONLY COPY).

The authoritative reference and input builder live on the scoring server;
editing this copy changes nothing except your own understanding.
"""

import jax, jax.numpy as jnp
import numpy as np

VOCAB = 1000000
EMB = 64
BATCH = 16384

def setup_inputs(seed: int = 0) -> dict:
    key = jax.random.key(seed)
    k1, k2, k3, k4 = jax.random.split(key, 4)
    target_word = jax.random.randint(k1, (BATCH,), 0, VOCAB, dtype=jnp.int64 if jax.config.jax_enable_x64 else jnp.int32)
    context_word = jax.random.randint(k2, (BATCH,), 0, VOCAB, dtype=jnp.int64 if jax.config.jax_enable_x64 else jnp.int32)
    target_embeddings = jax.random.normal(k3, (VOCAB, EMB), dtype=jnp.float32)
    context_embeddings = jax.random.normal(k4, (VOCAB, EMB), dtype=jnp.float32)
    return {
        "target_word": target_word,
        "context_word": context_word,
        "target_embeddings": target_embeddings,
        "context_embeddings": context_embeddings,
    }

def reference(target_word, context_word, target_embeddings, context_embeddings):
    emb_target = jnp.take(target_embeddings, target_word, axis=0)
    emb_context = jnp.take(context_embeddings, context_word, axis=0)
    emb_product = emb_target * emb_context
    emb_product = jnp.sum(emb_product, axis=1)
    output = jnp.sum(jax.nn.log_sigmoid(emb_product))
    return -output

if __name__ == "__main__":
    import jax
    _d = setup_inputs()
    print(jax.jit(kernel)(*tuple(_d.values())))

</pallas_src>

<mosaic_0001>
#map = affine_map<(d0, d1) -> (0)>
module attributes {stable_mosaic.version = 14 : i64} {
  func.func @_compute_body(%arg0: i32, %arg1: i32, %arg2: memref<1048576xf32, #tpu.memory_space<hbm>>, %arg3: memref<1048576xf32, #tpu.memory_space<hbm>>, %arg4: memref<512xf32, #tpu.memory_space<hbm>>, %arg5: memref<32768xf32, #tpu.memory_space<vmem>>, %arg6: memref<32768xf32, #tpu.memory_space<vmem>>, %arg7: memref<16xf32, #tpu.memory_space<vmem>>) attributes {dimension_semantics = [#tpu.dimension_semantics<core_parallel>, #tpu.dimension_semantics<subcore_parallel>], iteration_bounds = array<i64: 2, 16>, scalar_prefetch = 0 : i64, scratch_operands = 3 : i64, tpu.core_type = #tpu.core_type<sc_vector_subcore>, window_params = [{transform_indices = #map}, {transform_indices = #map}, {transform_indices = #map}]} {
    %mul3A = arith.constant 2 : i32
    %mul3A_0 = arith.muli %arg1, %mul3A : i32
    %add3A = arith.addi %mul3A_0, %arg0 : i32
    %mul3A_1 = arith.constant 32768 : i32
    %mul3A_2 = arith.muli %add3A, %mul3A_1 : i32
    "tpu.region"() ({
      %run_scoped3A = tpu.sem_alloc : memref<!tpu.dma_semaphore, #tpu.memory_space<semaphore_mem>>
      %dma_start3A = tpu.memref_slice %arg2[%mul3A_2] : memref<1048576xf32, #tpu.memory_space<hbm>> -> memref<32768xf32, #tpu.memory_space<hbm>>
      %dma_start3A_14 = tpu.memref_slice %arg2[%mul3A_2] : memref<1048576xf32, #tpu.memory_space<hbm>> -> memref<32768xf32, #tpu.memory_space<hbm>>
      tpu.enqueue_dma source(%dma_start3A_14 : memref<32768xf32, #tpu.memory_space<hbm>>) target(%arg5 : memref<32768xf32, #tpu.memory_space<vmem>>) target_semaphore(%run_scoped3A : memref<!tpu.dma_semaphore, #tpu.memory_space<semaphore_mem>>)
      %dma_wait3A = tpu.memref_slice %arg2[%mul3A_2] : memref<1048576xf32, #tpu.memory_space<hbm>> -> memref<32768xf32, #tpu.memory_space<hbm>>
      %dma_wait3A_15 = tpu.memref_slice %arg2[%mul3A_2] : memref<1048576xf32, #tpu.memory_space<hbm>> -> memref<32768xf32, #tpu.memory_space<hbm>>
      tpu.wait_dma2 semaphore(%run_scoped3A : memref<!tpu.dma_semaphore, #tpu.memory_space<semaphore_mem>>) src(%dma_wait3A_15 : memref<32768xf32, #tpu.memory_space<hbm>>) dst(%arg5 : memref<32768xf32, #tpu.memory_space<vmem>>)
      tpu.yield
    }) : () -> ()
    %mul3A_3 = arith.constant 32768 : i32
    %mul3A_4 = arith.muli %add3A, %mul3A_3 : i32
    "tpu.region"() ({
      %run_scoped3A = tpu.sem_alloc : memref<!tpu.dma_semaphore, #tpu.memory_space<semaphore_mem>>
      %dma_start3A = tpu.memref_slice %arg3[%mul3A_4] : memref<1048576xf32, #tpu.memory_space<hbm>> -> memref<32768xf32, #tpu.memory_space<hbm>>
      %dma_start3A_14 = tpu.memref_slice %arg3[%mul3A_4] : memref<1048576xf32, #tpu.memory_space<hbm>> -> memref<32768xf32, #tpu.memory_space<hbm>>
      tpu.enqueue_dma source(%dma_start3A_14 : memref<32768xf32, #tpu.memory_space<hbm>>) target(%arg6 : memref<32768xf32, #tpu.memory_space<vmem>>) target_semaphore(%run_scoped3A : memref<!tpu.dma_semaphore, #tpu.memory_space<semaphore_mem>>)
      %dma_wait3A = tpu.memref_slice %arg3[%mul3A_4] : memref<1048576xf32, #tpu.memory_space<hbm>> -> memref<32768xf32, #tpu.memory_space<hbm>>
      %dma_wait3A_15 = tpu.memref_slice %arg3[%mul3A_4] : memref<1048576xf32, #tpu.memory_space<hbm>> -> memref<32768xf32, #tpu.memory_space<hbm>>
      tpu.wait_dma2 semaphore(%run_scoped3A : memref<!tpu.dma_semaphore, #tpu.memory_space<semaphore_mem>>) src(%dma_wait3A_15 : memref<32768xf32, #tpu.memory_space<hbm>>) dst(%arg6 : memref<32768xf32, #tpu.memory_space<vmem>>)
      tpu.yield
    }) : () -> ()
    %iota3A = tpu.iota {dimensions = array<i32: 0>} : vector<16xi32>
    %broadcast_in_dim3A = arith.constant 0.000000e+00 : f32
    %broadcast_in_dim3A_5 = vector.broadcast %broadcast_in_dim3A : f32 to vector<16xf32>
    %scan3A = arith.constant 0 : i32
    %scan3A_6 = arith.constant 32 : i32
    %scan3A_7 = arith.addi %scan3A, %scan3A_6 : i32
    %scan3A_8 = arith.constant 1 : i32
    %scan3A_9 = scf.for %scan3A_14 = %scan3A to %scan3A_7 step %scan3A_8 iter_args(%scan3A_15 = %broadcast_in_dim3A_5) -> (vector<16xf32>)  : i32 {
      %broadcast_in_dim3A_16 = arith.constant 0.000000e+00 : f32
      %broadcast_in_dim3A_17 = vector.broadcast %broadcast_in_dim3A_16 : f32 to vector<16xf32>
      %mul3A_18 = arith.constant 16 : i32
      %mul3A_19 = arith.muli %scan3A_14, %mul3A_18 : i32
      %add3A_20 = arith.constant 0 : i32
      %add3A_21 = arith.addi %mul3A_19, %add3A_20 : i32
      %mul3A_22 = arith.constant 64 : i32
      %mul3A_23 = arith.muli %add3A_21, %mul3A_22 : i32
      %get3A = arith.index_cast %mul3A_23 : i32 to index
      %get3A_24 = tpu.vector_load %arg5[%get3A] {strides = array<i32>} : memref<32768xf32, #tpu.memory_space<vmem>>, vector<16xf32>,
      %get3A_25 = arith.index_cast %mul3A_23 : i32 to index
      %get3A_26 = tpu.vector_load %arg6[%get3A_25] {strides = array<i32>} : memref<32768xf32, #tpu.memory_space<vmem>>, vector<16xf32>,
      %mul3A_27 = arith.mulf %get3A_24, %get3A_26 : vector<16xf32>
      %add3A_28 = arith.constant 16 : i32
      %add3A_29 = arith.addi %mul3A_23, %add3A_28 : i32
      %get3A_30 = arith.index_cast %add3A_29 : i32 to index
      %get3A_31 = tpu.vector_load %arg5[%get3A_30] {strides = array<i32>} : memref<32768xf32, #tpu.memory_space<vmem>>, vector<16xf32>,
      %add3A_32 = arith.constant 16 : i32
      %add3A_33 = arith.addi %mul3A_23, %add3A_32 : i32
      %get3A_34 = arith.index_cast %add3A_33 : i32 to index
      %get3A_35 = tpu.vector_load %arg6[%get3A_34] {strides = array<i32>} : memref<32768xf32, #tpu.memory_space<vmem>>, vector<16xf32>,
      %mul3A_36 = arith.mulf %get3A_31, %get3A_35 : vector<16xf32>
      %add3A_37 = arith.addf %mul3A_27, %mul3A_36 : vector<16xf32>
      %add3A_38 = arith.constant 32 : i32
      %add3A_39 = arith.addi %mul3A_23, %add3A_38 : i32
      %get3A_40 = arith.index_cast %add3A_39 : i32 to index
      %get3A_41 = tpu.vector_load %arg5[%get3A_40] {strides = array<i32>} : memref<32768xf32, #tpu.memory_space<vmem>>, vector<16xf32>,
      %add3A_42 = arith.constant 32 : i32
      %add3A_43 = arith.addi %mul3A_23, %add3A_42 : i32
      %get3A_44 = arith.index_cast %add3A_43 : i32 to index
      %get3A_45 = tpu.vector_load %arg6[%get3A_44] {strides = array<i32>} : memref<32768xf32, #tpu.memory_space<vmem>>, vector<16xf32>,
      %mul3A_46 = arith.mulf %get3A_41, %get3A_45 : vector<16xf32>
      %add3A_47 = arith.addf %add3A_37, %mul3A_46 : vector<16xf32>
      %add3A_48 = arith.constant 48 : i32
      %add3A_49 = arith.addi %mul3A_23, %add3A_48 : i32
      %get3A_50 = arith.index_cast %add3A_49 : i32 to index
      %get3A_51 = tpu.vector_load %arg5[%get3A_50] {strides = array<i32>} : memref<32768xf32, #tpu.memory_space<vmem>>, vector<16xf32>,
      %add3A_52 = arith.constant 48 : i32
      %add3A_53 = arith.addi %mul3A_23, %add3A_52 : i32
      %get3A_54 = arith.index_cast %add3A_53 : i32 to index
      %get3A_55 = tpu.vector_load %arg6[%get3A_54] {strides = array<i32>} : memref<32768xf32, #tpu.memory_space<vmem>>, vector<16xf32>,
      %mul3A_56 = arith.mulf %get3A_51, %get3A_55 : vector<16xf32>
      %add3A_57 = arith.addf %add3A_47, %mul3A_56 : vector<16xf32>
      %eq3A = arith.constant 0 : i32
      %eq3A_58 = vector.broadcast %eq3A : i32 to vector<16xi32>
      %eq3A_59 = arith.cmpi eq, %iota3A, %eq3A_58 : vector<16xi32>
      %reduce_sum3A = arith.constant true
      %reduce_sum3A_60 = vector.broadcast %reduce_sum3A : i1 to vector<16xi1>
      %reduce_sum3A_61 = tpu.scan <sum>, %add3A_57 masked %reduce_sum3A_60 : vector<16xf32>, vector<16xi1> -> vector<16xf32>
      %reduce_sum3A_62 = vector.extract %reduce_sum3A_61[15] : f32 from vector<16xf32>
      %broadcast_in_dim3A_63 = vector.broadcast %reduce_sum3A_62 : f32 to vector<16xf32>
      %select_n3A = arith.select %eq3A_59, %broadcast_in_dim3A_63, %broadcast_in_dim3A_17 : vector<16xi1>, vector<16xf32>
      %mul3A_64 = arith.constant 16 : i32
      %mul3A_65 = arith.muli %scan3A_14, %mul3A_64 : i32
      %add3A_66 = arith.constant 1 : i32
      %add3A_67 = arith.addi %mul3A_65, %add3A_66 : i32
      %mul3A_68 = arith.constant 64 : i32
      %mul3A_69 = arith.muli %add3A_67, %mul3A_68 : i32
      %get3A_70 = arith.index_cast %mul3A_69 : i32 to index
      %get3A_71 = tpu.vector_load %arg5[%get3A_70] {strides = array<i32>} : memref<32768xf32, #tpu.memory_space<vmem>>, vector<16xf32>,
      %get3A_72 = arith.index_cast %mul3A_69 : i32 to index
      %get3A_73 = tpu.vector_load %arg6[%get3A_72] {strides = array<i32>} : memref<32768xf32, #tpu.memory_space<vmem>>, vector<16xf32>,
      %mul3A_74 = arith.mulf %get3A_71, %get3A_73 : vector<16xf32>
      %add3A_75 = arith.constant 16 : i32
      %add3A_76 = arith.addi %mul3A_69, %add3A_75 : i32
      %get3A_77 = arith.index_cast %add3A_76 : i32 to index
      %get3A_78 = tpu.vector_load %arg5[%get3A_77] {strides = array<i32>} : memref<32768xf32, #tpu.memory_space<vmem>>, vector<16xf32>,
      %add3A_79 = arith.constant 16 : i32
      %add3A_80 = arith.addi %mul3A_69, %add3A_79 : i32
      %get3A_81 = arith.index_cast %add3A_80 : i32 to index
      %get3A_82 = tpu.vector_load %arg6[%get3A_81] {strides = array<i32>} : memref<32768xf32, #tpu.memory_space<vmem>>, vector<16xf32>,
      %mul3A_83 = arith.mulf %get3A_78, %get3A_82 : vector<16xf32>
      %add3A_84 = arith.addf %mul3A_74, %mul3A_83 : vector<16xf32>
      %add3A_85 = arith.constant 32 : i32
      %add3A_86 = arith.addi %mul3A_69, %add3A_85 : i32
      %get3A_87 = arith.index_cast %add3A_86 : i32 to index
      %get3A_88 = tpu.vector_load %arg5[%get3A_87] {strides = array<i32>} : memref<32768xf32, #tpu.memory_space<vmem>>, vector<16xf32>,
      %add3A_89 = arith.constant 32 : i32
      %add3A_90 = arith.addi %mul3A_69, %add3A_89 : i32
      %get3A_91 = arith.index_cast %add3A_90 : i32 to index
      %get3A_92 = tpu.vector_load %arg6[%get3A_91] {strides = array<i32>} : memref<32768xf32, #tpu.memory_space<vmem>>, vector<16xf32>,
      %mul3A_93 = arith.mulf %get3A_88, %get3A_92 : vector<16xf32>
      %add3A_94 = arith.addf %add3A_84, %mul3A_93 : vector<16xf32>
      %add3A_95 = arith.constant 48 : i32
      %add3A_96 = arith.addi %mul3A_69, %add3A_95 : i32
      %get3A_97 = arith.index_cast %add3A_96 : i32 to index
      %get3A_98 = tpu.vector_load %arg5[%get3A_97] {strides = array<i32>} : memref<32768xf32, #tpu.memory_space<vmem>>, vector<16xf32>,
      %add3A_99 = arith.constant 48 : i32
      %add3A_100 = arith.addi %mul3A_69, %add3A_99 : i32
      %get3A_101 = arith.index_cast %add3A_100 : i32 to index
      %get3A_102 = tpu.vector_load %arg6[%get3A_101] {strides = array<i32>} : memref<32768xf32, #tpu.memory_space<vmem>>, vector<16xf32>,
      %mul3A_103 = arith.mulf %get3A_98, %get3A_102 : vector<16xf32>
      %add3A_104 = arith.addf %add3A_94, %mul3A_103 : vector<16xf32>
      %eq3A_105 = arith.constant 1 : i32
      %eq3A_106 = vector.broadcast %eq3A_105 : i32 to vector<16xi32>
      %eq3A_107 = arith.cmpi eq, %iota3A, %eq3A_106 : vector<16xi32>
      %reduce_sum3A_108 = arith.constant true
      %reduce_sum3A_109 = vector.broadcast %reduce_sum3A_108 : i1 to vector<16xi1>
      %reduce_sum3A_110 = tpu.scan <sum>, %add3A_104 masked %reduce_sum3A_109 : vector<16xf32>, vector<16xi1> -> vector<16xf32>
      %reduce_sum3A_111 = vector.extract %reduce_sum3A_110[15] : f32 from vector<16xf32>
      %broadcast_in_dim3A_112 = vector.broadcast %reduce_sum3A_111 : f32 to vector<16xf32>
      %select_n3A_113 = arith.select %eq3A_107, %broadcast_in_dim3A_112, %select_n3A : vector<16xi1>, vector<16xf32>
      %mul3A_114 = arith.constant 16 : i32
      %mul3A_115 = arith.muli %scan3A_14, %mul3A_114 : i32
      %add3A_116 = arith.constant 2 : i32
      %add3A_117 = arith.addi %mul3A_115, %add3A_116 : i32
      %mul3A_118 = arith.constant 64 : i32
      %mul3A_119 = arith.muli %add3A_117, %mul3A_118 : i32
      %get3A_120 = arith.index_cast %mul3A_119 : i32 to index
      %get3A_121 = tpu.vector_load %arg5[%get3A_120] {strides = array<i32>} : memref<32768xf32, #tpu.memory_space<vmem>>, vector<16xf32>,
      %get3A_122 = arith.index_cast %mul3A_119 : i32 to index
      %get3A_123 = tpu.vector_load %arg6[%get3A_122] {strides = array<i32>} : memref<32768xf32, #tpu.memory_space<vmem>>, vector<16xf32>,
      %mul3A_124 = arith.mulf %get3A_121, %get3A_123 : vector<16xf32>
      %add3A_125 = arith.constant 16 : i32
      %add3A_126 = arith.addi %mul3A_119, %add3A_125 : i32
      %get3A_127 = arith.index_cast %add3A_126 : i32 to index
      %get3A_128 = tpu.vector_load %arg5[%get3A_127] {strides = array<i32>} : memref<32768xf32, #tpu.memory_space<vmem>>, vector<16xf32>,
      %add3A_129 = arith.constant 16 : i32
      %add3A_130 = arith.addi %mul3A_119, %add3A_129 : i32
      %get3A_131 = arith.index_cast %add3A_130 : i32 to index
      %get3A_132 = tpu.vector_load %arg6[%get3A_131] {strides = array<i32>} : memref<32768xf32, #tpu.memory_space<vmem>>, vector<16xf32>,
      %mul3A_133 = arith.mulf %get3A_128, %get3A_132 : vector<16xf32>
      %add3A_134 = arith.addf %mul3A_124, %mul3A_133 : vector<16xf32>
      %add3A_135 = arith.constant 32 : i32
      %add3A_136 = arith.addi %mul3A_119, %add3A_135 : i32
      %get3A_137 = arith.index_cast %add3A_136 : i32 to index
      %get3A_138 = tpu.vector_load %arg5[%get3A_137] {strides = array<i32>} : memref<32768xf32, #tpu.memory_space<vmem>>, vector<16xf32>,
      %add3A_139 = arith.constant 32 : i32
      %add3A_140 = arith.addi %mul3A_119, %add3A_139 : i32
      %get3A_141 = arith.index_cast %add3A_140 : i32 to index
      %get3A_142 = tpu.vector_load %arg6[%get3A_141] {strides = array<i32>} : memref<32768xf32, #tpu.memory_space<vmem>>, vector<16xf32>,
      %mul3A_143 = arith.mulf %get3A_138, %get3A_142 : vector<16xf32>
      %add3A_144 = arith.addf %add3A_134, %mul3A_143 : vector<16xf32>
      %add3A_145 = arith.constant 48 : i32
      %add3A_146 = arith.addi %mul3A_119, %add3A_145 : i32
      %get3A_147 = arith.index_cast %add3A_146 : i32 to index
      %get3A_148 = tpu.vector_load %arg5[%get3A_147] {strides = array<i32>} : memref<32768xf32, #tpu.memory_space<vmem>>, vector<16xf32>,
      %add3A_149 = arith.constant 48 : i32
      %add3A_150 = arith.addi %mul3A_119, %add3A_149 : i32
      %get3A_151 = arith.index_cast %add3A_150 : i32 to index
      %get3A_152 = tpu.vector_load %arg6[%get3A_151] {strides = array<i32>} : memref<32768xf32, #tpu.memory_space<vmem>>, vector<16xf32>,
      %mul3A_153 = arith.mulf %get3A_148, %get3A_152 : vector<16xf32>
      %add3A_154 = arith.addf %add3A_144, %mul3A_153 : vector<16xf32>
      %eq3A_155 = arith.constant 2 : i32
      %eq3A_156 = vector.broadcast %eq3A_155 : i32 to vector<16xi32>
      %eq3A_157 = arith.cmpi eq, %iota3A, %eq3A_156 : vector<16xi32>
      %reduce_sum3A_158 = arith.constant true
      %reduce_sum3A_159 = vector.broadcast %reduce_sum3A_158 : i1 to vector<16xi1>
      %reduce_sum3A_160 = tpu.scan <sum>, %add3A_154 masked %reduce_sum3A_159 : vector<16xf32>, vector<16xi1> -> vector<16xf32>
      %reduce_sum3A_161 = vector.extract %reduce_sum3A_160[15] : f32 from vector<16xf32>
      %broadcast_in_dim3A_162 = vector.broadcast %reduce_sum3A_161 : f32 to vector<16xf32>
      %select_n3A_163 = arith.select %eq3A_157, %broadcast_in_dim3A_162, %select_n3A_113 : vector<16xi1>, vector<16xf32>
      %mul3A_164 = arith.constant 16 : i32
      %mul3A_165 = arith.muli %scan3A_14, %mul3A_164 : i32
      %add3A_166 = arith.constant 3 : i32
      %add3A_167 = arith.addi %mul3A_165, %add3A_166 : i32
      %mul3A_168 = arith.constant 64 : i32
      %mul3A_169 = arith.muli %add3A_167, %mul3A_168 : i32
      %get3A_170 = arith.index_cast %mul3A_169 : i32 to index
      %get3A_171 = tpu.vector_load %arg5[%get3A_170] {strides = array<i32>} : memref<32768xf32, #tpu.memory_space<vmem>>, vector<16xf32>,
      %get3A_172 = arith.index_cast %mul3A_169 : i32 to index
      %get3A_173 = tpu.vector_load %arg6[%get3A_172] {strides = array<i32>} : memref<32768xf32, #tpu.memory_space<vmem>>, vector<16xf32>,
      %mul3A_174 = arith.mulf %get3A_171, %get3A_173 : vector<16xf32>
      %add3A_175 = arith.constant 16 : i32
      %add3A_176 = arith.addi %mul3A_169, %add3A_175 : i32
      %get3A_177 = arith.index_cast %add3A_176 : i32 to index
      %get3A_178 = tpu.vector_load %arg5[%get3A_177] {strides = array<i32>} : memref<32768xf32, #tpu.memory_space<vmem>>, vector<16xf32>,
      %add3A_179 = arith.constant 16 : i32
      %add3A_180 = arith.addi %mul3A_169, %add3A_179 : i32
      %get3A_181 = arith.index_cast %add3A_180 : i32 to index
      %get3A_182 = tpu.vector_load %arg6[%get3A_181] {strides = array<i32>} : memref<32768xf32, #tpu.memory_space<vmem>>, vector<16xf32>,
      %mul3A_183 = arith.mulf %get3A_178, %get3A_182 : vector<16xf32>
      %add3A_184 = arith.addf %mul3A_174, %mul3A_183 : vector<16xf32>
      %add3A_185 = arith.constant 32 : i32
      %add3A_186 = arith.addi %mul3A_169, %add3A_185 : i32
      %get3A_187 = arith.index_cast %add3A_186 : i32 to index
      %get3A_188 = tpu.vector_load %arg5[%get3A_187] {strides = array<i32>} : memref<32768xf32, #tpu.memory_space<vmem>>, vector<16xf32>,
      %add3A_189 = arith.constant 32 : i32
      %add3A_190 = arith.addi %mul3A_169, %add3A_189 : i32
      %get3A_191 = arith.index_cast %add3A_190 : i32 to index
      %get3A_192 = tpu.vector_load %arg6[%get3A_191] {strides = array<i32>} : memref<32768xf32, #tpu.memory_space<vmem>>, vector<16xf32>,
      %mul3A_193 = arith.mulf %get3A_188, %get3A_192 : vector<16xf32>
      %add3A_194 = arith.addf %add3A_184, %mul3A_193 : vector<16xf32>
      %add3A_195 = arith.constant 48 : i32
      %add3A_196 = arith.addi %mul3A_169, %add3A_195 : i32
      %get3A_197 = arith.index_cast %add3A_196 : i32 to index
      %get3A_198 = tpu.vector_load %arg5[%get3A_197] {strides = array<i32>} : memref<32768xf32, #tpu.memory_space<vmem>>, vector<16xf32>,
      %add3A_199 = arith.constant 48 : i32
      %add3A_200 = arith.addi %mul3A_169, %add3A_199 : i32
      %get3A_201 = arith.index_cast %add3A_200 : i32 to index
      %get3A_202 = tpu.vector_load %arg6[%get3A_201] {strides = array<i32>} : memref<32768xf32, #tpu.memory_space<vmem>>, vector<16xf32>,
      %mul3A_203 = arith.mulf %get3A_198, %get3A_202 : vector<16xf32>
      %add3A_204 = arith.addf %add3A_194, %mul3A_203 : vector<16xf32>
      %eq3A_205 = arith.constant 3 : i32
      %eq3A_206 = vector.broadcast %eq3A_205 : i32 to vector<16xi32>
      %eq3A_207 = arith.cmpi eq, %iota3A, %eq3A_206 : vector<16xi32>
      %reduce_sum3A_208 = arith.constant true
      %reduce_sum3A_209 = vector.broadcast %reduce_sum3A_208 : i1 to vector<16xi1>
      %reduce_sum3A_210 = tpu.scan <sum>, %add3A_204 masked %reduce_sum3A_209 : vector<16xf32>, vector<16xi1> -> vector<16xf32>
      %reduce_sum3A_211 = vector.extract %reduce_sum3A_210[15] : f32 from vector<16xf32>
      %broadcast_in_dim3A_212 = vector.broadcast %reduce_sum3A_211 : f32 to vector<16xf32>
      %select_n3A_213 = arith.select %eq3A_207, %broadcast_in_dim3A_212, %select_n3A_163 : vector<16xi1>, vector<16xf32>
      %mul3A_214 = arith.constant 16 : i32
      %mul3A_215 = arith.muli %scan3A_14, %mul3A_214 : i32
      %add3A_216 = arith.constant 4 : i32
      %add3A_217 = arith.addi %mul3A_215, %add3A_216 : i32
      %mul3A_218 = arith.constant 64 : i32
      %mul3A_219 = arith.muli %add3A_217, %mul3A_218 : i32
      %get3A_220 = arith.index_cast %mul3A_219 : i32 to index
      %get3A_221 = tpu.vector_load %arg5[%get3A_220] {strides = array<i32>} : memref<32768xf32, #tpu.memory_space<vmem>>, vector<16xf32>,
      %get3A_222 = arith.index_cast %mul3A_219 : i32 to index
      %get3A_223 = tpu.vector_load %arg6[%get3A_222] {strides = array<i32>} : memref<32768xf32, #tpu.memory_space<vmem>>, vector<16xf32>,
      %mul3A_224 = arith.mulf %get3A_221, %get3A_223 : vector<16xf32>
      %add3A_225 = arith.constant 16 : i32
      %add3A_226 = arith.addi %mul3A_219, %add3A_225 : i32
      %get3A_227 = arith.index_cast %add3A_226 : i32 to index
      %get3A_228 = tpu.vector_load %arg5[%get3A_227] {strides = array<i32>} : memref<32768xf32, #tpu.memory_space<vmem>>, vector<16xf32>,
      %add3A_229 = arith.constant 16 : i32
      %add3A_230 = arith.addi %mul3A_219, %add3A_229 : i32
      %get3A_231 = arith.index_cast %add3A_230 : i32 to index
      %get3A_232 = tpu.vector_load %arg6[%get3A_231] {strides = array<i32>} : memref<32768xf32, #tpu.memory_space<vmem>>, vector<16xf32>,
      %mul3A_233 = arith.mulf %get3A_228, %get3A_232 : vector<16xf32>
      %add3A_234 = arith.addf %mul3A_224, %mul3A_233 : vector<16xf32>
      %add3A_235 = arith.constant 32 : i32
      %add3A_236 = arith.addi %mul3A_219, %add3A_235 : i32
      %get3A_237 = arith.index_cast %add3A_236 : i32 to index
      %get3A_238 = tpu.vector_load %arg5[%get3A_237] {strides = array<i32>} : memref<32768xf32, #tpu.memory_space<vmem>>, vector<16xf32>,
      %add3A_239 = arith.constant 32 : i32
      %add3A_240 = arith.addi %mul3A_219, %add3A_239 : i32
      %get3A_241 = arith.index_cast %add3A_240 : i32 to index
      %get3A_242 = tpu.vector_load %arg6[%get3A_241] {strides = array<i32>} : memref<32768xf32, #tpu.memory_space<vmem>>, vector<16xf32>,
      %mul3A_243 = arith.mulf %get3A_238, %get3A_242 : vector<16xf32>
      %add3A_244 = arith.addf %add3A_234, %mul3A_243 : vector<16xf32>
      %add3A_245 = arith.constant 48 : i32
      %add3A_246 = arith.addi %mul3A_219, %add3A_245 : i32
      %get3A_247 = arith.index_cast %add3A_246 : i32 to index
      %get3A_248 = tpu.vector_load %arg5[%get3A_247] {strides = array<i32>} : memref<32768xf32, #tpu.memory_space<vmem>>, vector<16xf32>,
      %add3A_249 = arith.constant 48 : i32
      %add3A_250 = arith.addi %mul3A_219, %add3A_249 : i32
      %get3A_251 = arith.index_cast %add3A_250 : i32 to index
      %get3A_252 = tpu.vector_load %arg6[%get3A_251] {strides = array<i32>} : memref<32768xf32, #tpu.memory_space<vmem>>, vector<16xf32>,
      %mul3A_253 = arith.mulf %get3A_248, %get3A_252 : vector<16xf32>
      %add3A_254 = arith.addf %add3A_244, %mul3A_253 : vector<16xf32>
      %eq3A_255 = arith.constant 4 : i32
      %eq3A_256 = vector.broadcast %eq3A_255 : i32 to vector<16xi32>
      %eq3A_257 = arith.cmpi eq, %iota3A, %eq3A_256 : vector<16xi32>
      %reduce_sum3A_258 = arith.constant true
      %reduce_sum3A_259 = vector.broadcast %reduce_sum3A_258 : i1 to vector<16xi1>
      %reduce_sum3A_260 = tpu.scan <sum>, %add3A_254 masked %reduce_sum3A_259 : vector<16xf32>, vector<16xi1> -> vector<16xf32>
      %reduce_sum3A_261 = vector.extract %reduce_sum3A_260[15] : f32 from vector<16xf32>
      %broadcast_in_dim3A_262 = vector.broadcast %reduce_sum3A_261 : f32 to vector<16xf32>
      %select_n3A_263 = arith.select %eq3A_257, %broadcast_in_dim3A_262, %select_n3A_213 : vector<16xi1>, vector<16xf32>
      %mul3A_264 = arith.constant 16 : i32
      %mul3A_265 = arith.muli %scan3A_14, %mul3A_264 : i32
      %add3A_266 = arith.constant 5 : i32
      %add3A_267 = arith.addi %mul3A_265, %add3A_266 : i32
      %mul3A_268 = arith.constant 64 : i32
      %mul3A_269 = arith.muli %add3A_267, %mul3A_268 : i32
      %get3A_270 = arith.index_cast %mul3A_269 : i32 to index
      %get3A_271 = tpu.vector_load %arg5[%get3A_270] {strides = array<i32>} : memref<32768xf32, #tpu.memory_space<vmem>>, vector<16xf32>,
      %get3A_272 = arith.index_cast %mul3A_269 : i32 to index
      %get3A_273 = tpu.vector_load %arg6[%get3A_272] {strides = array<i32>} : memref<32768xf32, #tpu.memory_space<vmem>>, vector<16xf32>,
      %mul3A_274 = arith.mulf %get3A_271, %get3A_273 : vector<16xf32>
      %add3A_275 = arith.constant 16 : i32
      %add3A_276 = arith.addi %mul3A_269, %add3A_275 : i32
      %get3A_277 = arith.index_cast %add3A_276 : i32 to index
      %get3A_278 = tpu.vector_load %arg5[%get3A_277] {strides = array<i32>} : memref<32768xf32, #tpu.memory_space<vmem>>, vector<16xf32>,
      %add3A_279 = arith.constant 16 : i32
      %add3A_280 = arith.addi %mul3A_269, %add3A_279 : i32
      %get3A_281 = arith.index_cast %add3A_280 : i32 to index
      %get3A_282 = tpu.vector_load %arg6[%get3A_281] {strides = array<i32>} : memref<32768xf32, #tpu.memory_space<vmem>>, vector<16xf32>,
      %mul3A_283 = arith.mulf %get3A_278, %get3A_282 : vector<16xf32>
      %add3A_284 = arith.addf %mul3A_274, %mul3A_283 : vector<16xf32>
      %add3A_285 = arith.constant 32 : i32
      %add3A_286 = arith.addi %mul3A_269, %add3A_285 : i32
      %get3A_287 = arith.index_cast %add3A_286 : i32 to index
      %get3A_288 = tpu.vector_load %arg5[%get3A_287] {strides = array<i32>} : memref<32768xf32, #tpu.memory_space<vmem>>, vector<16xf32>,
      %add3A_289 = arith.constant 32 : i32
      %add3A_290 = arith.addi %mul3A_269, %add3A_289 : i32
      %get3A_291 = arith.index_cast %add3A_290 : i32 to index
      %get3A_292 = tpu.vector_load %arg6[%get3A_291] {strides = array<i32>} : memref<32768xf32, #tpu.memory_space<vmem>>, vector<16xf32>,
      %mul3A_293 = arith.mulf %get3A_288, %get3A_292 : vector<16xf32>
      %add3A_294 = arith.addf %add3A_284, %mul3A_293 : vector<16xf32>
      %add3A_295 = arith.constant 48 : i32
      %add3A_296 = arith.addi %mul3A_269, %add3A_295 : i32
      %get3A_297 = arith.index_cast %add3A_296 : i32 to index
      %get3A_298 = tpu.vector_load %arg5[%get3A_297] {strides = array<i32>} : memref<32768xf32, #tpu.memory_space<vmem>>, vector<16xf32>,
      %add3A_299 = arith.constant 48 : i32
      %add3A_300 = arith.addi %mul3A_269, %add3A_299 : i32
      %get3A_301 = arith.index_cast %add3A_300 : i32 to index
      %get3A_302 = tpu.vector_load %arg6[%get3A_301] {strides = array<i32>} : memref<32768xf32, #tpu.memory_space<vmem>>, vector<16xf32>,
      %mul3A_303 = arith.mulf %get3A_298, %get3A_302 : vector<16xf32>
      %add3A_304 = arith.addf %add3A_294, %mul3A_303 : vector<16xf32>
      %eq3A_305 = arith.constant 5 : i32
      %eq3A_306 = vector.broadcast %eq3A_305 : i32 to vector<16xi32>
      %eq3A_307 = arith.cmpi eq, %iota3A, %eq3A_306 : vector<16xi32>
      %reduce_sum3A_308 = arith.constant true
      %reduce_sum3A_309 = vector.broadcast %reduce_sum3A_308 : i1 to vector<16xi1>
      %reduce_sum3A_310 = tpu.scan <sum>, %add3A_304 masked %reduce_sum3A_309 : vector<16xf32>, vector<16xi1> -> vector<16xf32>
      %reduce_sum3A_311 = vector.extract %reduce_sum3A_310[15] : f32 from vector<16xf32>
      %broadcast_in_dim3A_312 = vector.broadcast %reduce_sum3A_311 : f32 to vector<16xf32>
      %select_n3A_313 = arith.select %eq3A_307, %broadcast_in_dim3A_312, %select_n3A_263 : vector<16xi1>, vector<16xf32>
      %mul3A_314 = arith.constant 16 : i32
      %mul3A_315 = arith.muli %scan3A_14, %mul3A_314 : i32
      %add3A_316 = arith.constant 6 : i32
      %add3A_317 = arith.addi %mul3A_315, %add3A_316 : i32
      %mul3A_318 = arith.constant 64 : i32
      %mul3A_319 = arith.muli %add3A_317, %mul3A_318 : i32
      %get3A_320 = arith.index_cast %mul3A_319 : i32 to index
      %get3A_321 = tpu.vector_load %arg5[%get3A_320] {strides = array<i32>} : memref<32768xf32, #tpu.memory_space<vmem>>, vector<16xf32>,
      %get3A_322 = arith.index_cast %mul3A_319 : i32 to index
      %get3A_323 = tpu.vector_load %arg6[%get3A_322] {strides = array<i32>} : memref<32768xf32, #tpu.memory_space<vmem>>, vector<16xf32>,
      %mul3A_324 = arith.mulf %get3A_321, %get3A_323 : vector<16xf32>
      %add3A_325 = arith.constant 16 : i32
      %add3A_326 = arith.addi %mul3A_319, %add3A_325 : i32
      %get3A_327 = arith.index_cast %add3A_326 : i32 to index
      %get3A_328 = tpu.vector_load %arg5[%get3A_327] {strides = array<i32>} : memref<32768xf32, #tpu.memory_space<vmem>>, vector<16xf32>,
      %add3A_329 = arith.constant 16 : i32
      %add3A_330 = arith.addi %mul3A_319, %add3A_329 : i32
      %get3A_331 = arith.index_cast %add3A_330 : i32 to index
      %get3A_332 = tpu.vector_load %arg6[%get3A_331] {strides = array<i32>} : memref<32768xf32, #tpu.memory_space<vmem>>, vector<16xf32>,
      %mul3A_333 = arith.mulf %get3A_328, %get3A_332 : vector<16xf32>
      %add3A_334 = arith.addf %mul3A_324, %mul3A_333 : vector<16xf32>
      %add3A_335 = arith.constant 32 : i32
      %add3A_336 = arith.addi %mul3A_319, %add3A_335 : i32
      %get3A_337 = arith.index_cast %add3A_336 : i32 to index
      %get3A_338 = tpu.vector_load %arg5[%get3A_337] {strides = array<i32>} : memref<32768xf32, #tpu.memory_space<vmem>>, vector<16xf32>,
      %add3A_339 = arith.constant 32 : i32
      %add3A_340 = arith.addi %mul3A_319, %add3A_339 : i32
      %get3A_341 = arith.index_cast %add3A_340 : i32 to index
      %get3A_342 = tpu.vector_load %arg6[%get3A_341] {strides = array<i32>} : memref<32768xf32, #tpu.memory_space<vmem>>, vector<16xf32>,
      %mul3A_343 = arith.mulf %get3A_338, %get3A_342 : vector<16xf32>
      %add3A_344 = arith.addf %add3A_334, %mul3A_343 : vector<16xf32>
      %add3A_345 = arith.constant 48 : i32
      %add3A_346 = arith.addi %mul3A_319, %add3A_345 : i32
      %get3A_347 = arith.index_cast %add3A_346 : i32 to index
      %get3A_348 = tpu.vector_load %arg5[%get3A_347] {strides = array<i32>} : memref<32768xf32, #tpu.memory_space<vmem>>, vector<16xf32>,
      %add3A_349 = arith.constant 48 : i32
      %add3A_350 = arith.addi %mul3A_319, %add3A_349 : i32
      %get3A_351 = arith.index_cast %add3A_350 : i32 to index
      %get3A_352 = tpu.vector_load %arg6[%get3A_351] {strides = array<i32>} : memref<32768xf32, #tpu.memory_space<vmem>>, vector<16xf32>,
      %mul3A_353 = arith.mulf %get3A_348, %get3A_352 : vector<16xf32>
      %add3A_354 = arith.addf %add3A_344, %mul3A_353 : vector<16xf32>
      %eq3A_355 = arith.constant 6 : i32
      %eq3A_356 = vector.broadcast %eq3A_355 : i32 to vector<16xi32>
      %eq3A_357 = arith.cmpi eq, %iota3A, %eq3A_356 : vector<16xi32>
      %reduce_sum3A_358 = arith.constant true
      %reduce_sum3A_359 = vector.broadcast %reduce_sum3A_358 : i1 to vector<16xi1>
      %reduce_sum3A_360 = tpu.scan <sum>, %add3A_354 masked %reduce_sum3A_359 : vector<16xf32>, vector<16xi1> -> vector<16xf32>
      %reduce_sum3A_361 = vector.extract %reduce_sum3A_360[15] : f32 from vector<16xf32>
      %broadcast_in_dim3A_362 = vector.broadcast %reduce_sum3A_361 : f32 to vector<16xf32>
      %select_n3A_363 = arith.select %eq3A_357, %broadcast_in_dim3A_362, %select_n3A_313 : vector<16xi1>, vector<16xf32>
      %mul3A_364 = arith.constant 16 : i32
      %mul3A_365 = arith.muli %scan3A_14, %mul3A_364 : i32
      %add3A_366 = arith.constant 7 : i32
      %add3A_367 = arith.addi %mul3A_365, %add3A_366 : i32
      %mul3A_368 = arith.constant 64 : i32
      %mul3A_369 = arith.muli %add3A_367, %mul3A_368 : i32
      %get3A_370 = arith.index_cast %mul3A_369 : i32 to index
      %get3A_371 = tpu.vector_load %arg5[%get3A_370] {strides = array<i32>} : memref<32768xf32, #tpu.memory_space<vmem>>, vector<16xf32>,
      %get3A_372 = arith.index_cast %mul3A_369 : i32 to index
      %get3A_373 = tpu.vector_load %arg6[%get3A_372] {strides = array<i32>} : memref<32768xf32, #tpu.memory_space<vmem>>, vector<16xf32>,
      %mul3A_374 = arith.mulf %get3A_371, %get3A_373 : vector<16xf32>
      %add3A_375 = arith.constant 16 : i32
      %add3A_376 = arith.addi %mul3A_369, %add3A_375 : i32
      %get3A_377 = arith.index_cast %add3A_376 : i32 to index
      %get3A_378 = tpu.vector_load %arg5[%get3A_377] {strides = array<i32>} : memref<32768xf32, #tpu.memory_space<vmem>>, vector<16xf32>,
      %add3A_379 = arith.constant 16 : i32
      %add3A_380 = arith.addi %mul3A_369, %add3A_379 : i32
      %get3A_381 = arith.index_cast %add3A_380 : i32 to index
      %get3A_382 = tpu.vector_load %arg6[%get3A_381] {strides = array<i32>} : memref<32768xf32, #tpu.memory_space<vmem>>, vector<16xf32>,
      %mul3A_383 = arith.mulf %get3A_378, %get3A_382 : vector<16xf32>
      %add3A_384 = arith.addf %mul3A_374, %mul3A_383 : vector<16xf32>
      %add3A_385 = arith.constant 32 : i32
      %add3A_386 = arith.addi %mul3A_369, %add3A_385 : i32
      %get3A_387 = arith.index_cast %add3A_386 : i32 to index
      %get3A_388 = tpu.vector_load %arg5[%get3A_387] {strides = array<i32>} : memref<32768xf32, #tpu.memory_space<vmem>>, vector<16xf32>,
      %add3A_389 = arith.constant 32 : i32
      %add3A_390 = arith.addi %mul3A_369, %add3A_389 : i32
      %get3A_391 = arith.index_cast %add3A_390 : i32 to index
      %get3A_392 = tpu.vector_load %arg6[%get3A_391] {strides = array<i32>} : memref<32768xf32, #tpu.memory_space<vmem>>, vector<16xf32>,
      %mul3A_393 = arith.mulf %get3A_388, %get3A_392 : vector<16xf32>
      %add3A_394 = arith.addf %add3A_384, %mul3A_393 : vector<16xf32>
      %add3A_395 = arith.constant 48 : i32
      %add3A_396 = arith.addi %mul3A_369, %add3A_395 : i32
      %get3A_397 = arith.index_cast %add3A_396 : i32 to index
      %get3A_398 = tpu.vector_load %arg5[%get3A_397] {strides = array<i32>} : memref<32768xf32, #tpu.memory_space<vmem>>, vector<16xf32>,
      %add3A_399 = arith.constant 48 : i32
      %add3A_400 = arith.addi %mul3A_369, %add3A_399 : i32
      %get3A_401 = arith.index_cast %add3A_400 : i32 to index
      %get3A_402 = tpu.vector_load %arg6[%get3A_401] {strides = array<i32>} : memref<32768xf32, #tpu.memory_space<vmem>>, vector<16xf32>,
      %mul3A_403 = arith.mulf %get3A_398, %get3A_402 : vector<16xf32>
      %add3A_404 = arith.addf %add3A_394, %mul3A_403 : vector<16xf32>
      %eq3A_405 = arith.constant 7 : i32
      %eq3A_406 = vector.broadcast %eq3A_405 : i32 to vector<16xi32>
      %eq3A_407 = arith.cmpi eq, %iota3A, %eq3A_406 : vector<16xi32>
      %reduce_sum3A_408 = arith.constant true
      %reduce_sum3A_409 = vector.broadcast %reduce_sum3A_408 : i1 to vector<16xi1>
      %reduce_sum3A_410 = tpu.scan <sum>, %add3A_404 masked %reduce_sum3A_409 : vector<16xf32>, vector<16xi1> -> vector<16xf32>
      %reduce_sum3A_411 = vector.extract %reduce_sum3A_410[15] : f32 from vector<16xf32>
      %broadcast_in_dim3A_412 = vector.broadcast %reduce_sum3A_411 : f32 to vector<16xf32>
      %select_n3A_413 = arith.select %eq3A_407, %broadcast_in_dim3A_412, %select_n3A_363 : vector<16xi1>, vector<16xf32>
      %mul3A_414 = arith.constant 16 : i32
      %mul3A_415 = arith.muli %scan3A_14, %mul3A_414 : i32
      %add3A_416 = arith.constant 8 : i32
      %add3A_417 = arith.addi %mul3A_415, %add3A_416 : i32
      %mul3A_418 = arith.constant 64 : i32
      %mul3A_419 = arith.muli %add3A_417, %mul3A_418 : i32
      %get3A_420 = arith.index_cast %mul3A_419 : i32 to index
      %get3A_421 = tpu.vector_load %arg5[%get3A_420] {strides = array<i32>} : memref<32768xf32, #tpu.memory_space<vmem>>, vector<16xf32>,
      %get3A_422 = arith.index_cast %mul3A_419 : i32 to index
      %get3A_423 = tpu.vector_load %arg6[%get3A_422] {strides = array<i32>} : memref<32768xf32, #tpu.memory_space<vmem>>, vector<16xf32>,
      %mul3A_424 = arith.mulf %get3A_421, %get3A_423 : vector<16xf32>
      %add3A_425 = arith.constant 16 : i32
      %add3A_426 = arith.addi %mul3A_419, %add3A_425 : i32
      %get3A_427 = arith.index_cast %add3A_426 : i32 to index
      %get3A_428 = tpu.vector_load %arg5[%get3A_427] {strides = array<i32>} : memref<32768xf32, #tpu.memory_space<vmem>>, vector<16xf32>,
      %add3A_429 = arith.constant 16 : i32
      %add3A_430 = arith.addi %mul3A_419, %add3A_429 : i32
      %get3A_431 = arith.index_cast %add3A_430 : i32 to index
      %get3A_432 = tpu.vector_load %arg6[%get3A_431] {strides = array<i32>} : memref<32768xf32, #tpu.memory_space<vmem>>, vector<16xf32>,
      %mul3A_433 = arith.mulf %get3A_428, %get3A_432 : vector<16xf32>
      %add3A_434 = arith.addf %mul3A_424, %mul3A_433 : vector<16xf32>
      %add3A_435 = arith.constant 32 : i32
      %add3A_436 = arith.addi %mul3A_419, %add3A_435 : i32
      %get3A_437 = arith.index_cast %add3A_436 : i32 to index
      %get3A_438 = tpu.vector_load %arg5[%get3A_437] {strides = array<i32>} : memref<32768xf32, #tpu.memory_space<vmem>>, vector<16xf32>,
      %add3A_439 = arith.constant 32 : i32
      %add3A_440 = arith.addi %mul3A_419, %add3A_439 : i32
      %get3A_441 = arith.index_cast %add3A_440 : i32 to index
      %get3A_442 = tpu.vector_load %arg6[%get3A_441] {strides = array<i32>} : memref<32768xf32, #tpu.memory_space<vmem>>, vector<16xf32>,
      %mul3A_443 = arith.mulf %get3A_438, %get3A_442 : vector<16xf32>
      %add3A_444 = arith.addf %add3A_434, %mul3A_443 : vector<16xf32>
      %add3A_445 = arith.constant 48 : i32
      %add3A_446 = arith.addi %mul3A_419, %add3A_445 : i32
      %get3A_447 = arith.index_cast %add3A_446 : i32 to index
      %get3A_448 = tpu.vector_load %arg5[%get3A_447] {strides = array<i32>} : memref<32768xf32, #tpu.memory_space<vmem>>, vector<16xf32>,
      %add3A_449 = arith.constant 48 : i32
      %add3A_450 = arith.addi %mul3A_419, %add3A_449 : i32
      %get3A_451 = arith.index_cast %add3A_450 : i32 to index
      %get3A_452 = tpu.vector_load %arg6[%get3A_451] {strides = array<i32>} : memref<32768xf32, #tpu.memory_space<vmem>>, vector<16xf32>,
      %mul3A_453 = arith.mulf %get3A_448, %get3A_452 : vector<16xf32>
      %add3A_454 = arith.addf %add3A_444, %mul3A_453 : vector<16xf32>
      %eq3A_455 = arith.constant 8 : i32
      %eq3A_456 = vector.broadcast %eq3A_455 : i32 to vector<16xi32>
      %eq3A_457 = arith.cmpi eq, %iota3A, %eq3A_456 : vector<16xi32>
      %reduce_sum3A_458 = arith.constant true
      %reduce_sum3A_459 = vector.broadcast %reduce_sum3A_458 : i1 to vector<16xi1>
      %reduce_sum3A_460 = tpu.scan <sum>, %add3A_454 masked %reduce_sum3A_459 : vector<16xf32>, vector<16xi1> -> vector<16xf32>
      %reduce_sum3A_461 = vector.extract %reduce_sum3A_460[15] : f32 from vector<16xf32>
      %broadcast_in_dim3A_462 = vector.broadcast %reduce_sum3A_461 : f32 to vector<16xf32>
      %select_n3A_463 = arith.select %eq3A_457, %broadcast_in_dim3A_462, %select_n3A_413 : vector<16xi1>, vector<16xf32>
      %mul3A_464 = arith.constant 16 : i32
      %mul3A_465 = arith.muli %scan3A_14, %mul3A_464 : i32
      %add3A_466 = arith.constant 9 : i32
      %add3A_467 = arith.addi %mul3A_465, %add3A_466 : i32
      %mul3A_468 = arith.constant 64 : i32
      %mul3A_469 = arith.muli %add3A_467, %mul3A_468 : i32
      %get3A_470 = arith.index_cast %mul3A_469 : i32 to index
      %get3A_471 = tpu.vector_load %arg5[%get3A_470] {strides = array<i32>} : memref<32768xf32, #tpu.memory_space<vmem>>, vector<16xf32>,
      %get3A_472 = arith.index_cast %mul3A_469 : i32 to index
      %get3A_473 = tpu.vector_load %arg6[%get3A_472] {strides = array<i32>} : memref<32768xf32, #tpu.memory_space<vmem>>, vector<16xf32>,
      %mul3A_474 = arith.mulf %get3A_471, %get3A_473 : vector<16xf32>
      %add3A_475 = arith.constant 16 : i32
      %add3A_476 = arith.addi %mul3A_469, %add3A_475 : i32
      %get3A_477 = arith.index_cast %add3A_476 : i32 to index
      %get3A_478 = tpu.vector_load %arg5[%get3A_477] {strides = array<i32>} : memref<32768xf32, #tpu.memory_space<vmem>>, vector<16xf32>,
      %add3A_479 = arith.constant 16 : i32
      %add3A_480 = arith.addi %mul3A_469, %add3A_479 : i32
      %get3A_481 = arith.index_cast %add3A_480 : i32 to index
      %get3A_482 = tpu.vector_load %arg6[%get3A_481] {strides = array<i32>} : memref<32768xf32, #tpu.memory_space<vmem>>, vector<16xf32>,
      %mul3A_483 = arith.mulf %get3A_478, %get3A_482 : vector<16xf32>
      %add3A_484 = arith.addf %mul3A_474, %mul3A_483 : vector<16xf32>
      %add3A_485 = arith.constant 32 : i32
      %add3A_486 = arith.addi %mul3A_469, %add3A_485 : i32
      %get3A_487 = arith.index_cast %add3A_486 : i32 to index
      %get3A_488 = tpu.vector_load %arg5[%get3A_487] {strides = array<i32>} : memref<32768xf32, #tpu.memory_space<vmem>>, vector<16xf32>,
      %add3A_489 = arith.constant 32 : i32
      %add3A_490 = arith.addi %mul3A_469, %add3A_489 : i32
      %get3A_491 = arith.index_cast %add3A_490 : i32 to index
      %get3A_492 = tpu.vector_load %arg6[%get3A_491] {strides = array<i32>} : memref<32768xf32, #tpu.memory_space<vmem>>, vector<16xf32>,
      %mul3A_493 = arith.mulf %get3A_488, %get3A_492 : vector<16xf32>
      %add3A_494 = arith.addf %add3A_484, %mul3A_493 : vector<16xf32>
      %add3A_495 = arith.constant 48 : i32
      %add3A_496 = arith.addi %mul3A_469, %add3A_495 : i32
      %get3A_497 = arith.index_cast %add3A_496 : i32 to index
      %get3A_498 = tpu.vector_load %arg5[%get3A_497] {strides = array<i32>} : memref<32768xf32, #tpu.memory_space<vmem>>, vector<16xf32>,
      %add3A_499 = arith.constant 48 : i32
      %add3A_500 = arith.addi %mul3A_469, %add3A_499 : i32
      %get3A_501 = arith.index_cast %add3A_500 : i32 to index
      %get3A_502 = tpu.vector_load %arg6[%get3A_501] {strides = array<i32>} : memref<32768xf32, #tpu.memory_space<vmem>>, vector<16xf32>,
      %mul3A_503 = arith.mulf %get3A_498, %get3A_502 : vector<16xf32>
      %add3A_504 = arith.addf %add3A_494, %mul3A_503 : vector<16xf32>
      %eq3A_505 = arith.constant 9 : i32
      %eq3A_506 = vector.broadcast %eq3A_505 : i32 to vector<16xi32>
      %eq3A_507 = arith.cmpi eq, %iota3A, %eq3A_506 : vector<16xi32>
      %reduce_sum3A_508 = arith.constant true
      %reduce_sum3A_509 = vector.broadcast %reduce_sum3A_508 : i1 to vector<16xi1>
      %reduce_sum3A_510 = tpu.scan <sum>, %add3A_504 masked %reduce_sum3A_509 : vector<16xf32>, vector<16xi1> -> vector<16xf32>
      %reduce_sum3A_511 = vector.extract %reduce_sum3A_510[15] : f32 from vector<16xf32>
      %broadcast_in_dim3A_512 = vector.broadcast %reduce_sum3A_511 : f32 to vector<16xf32>
      %select_n3A_513 = arith.select %eq3A_507, %broadcast_in_dim3A_512, %select_n3A_463 : vector<16xi1>, vector<16xf32>
      %mul3A_514 = arith.constant 16 : i32
      %mul3A_515 = arith.muli %scan3A_14, %mul3A_514 : i32
      %add3A_516 = arith.constant 10 : i32
      %add3A_517 = arith.addi %mul3A_515, %add3A_516 : i32
      %mul3A_518 = arith.constant 64 : i32
      %mul3A_519 = arith.muli %add3A_517, %mul3A_518 : i32
      %get3A_520 = arith.index_cast %mul3A_519 : i32 to index
      %get3A_521 = tpu.vector_load %arg5[%get3A_520] {strides = array<i32>} : memref<32768xf32, #tpu.memory_space<vmem>>, vector<16xf32>,
      %get3A_522 = arith.index_cast %mul3A_519 : i32 to index
      %get3A_523 = tpu.vector_load %arg6[%get3A_522] {strides = array<i32>} : memref<32768xf32, #tpu.memory_space<vmem>>, vector<16xf32>,
      %mul3A_524 = arith.mulf %get3A_521, %get3A_523 : vector<16xf32>
      %add3A_525 = arith.constant 16 : i32
      %add3A_526 = arith.addi %mul3A_519, %add3A_525 : i32
      %get3A_527 = arith.index_cast %add3A_526 : i32 to index
      %get3A_528 = tpu.vector_load %arg5[%get3A_527] {strides = array<i32>} : memref<32768xf32, #tpu.memory_space<vmem>>, vector<16xf32>,
      %add3A_529 = arith.constant 16 : i32
      %add3A_530 = arith.addi %mul3A_519, %add3A_529 : i32
      %get3A_531 = arith.index_cast %add3A_530 : i32 to index
      %get3A_532 = tpu.vector_load %arg6[%get3A_531] {strides = array<i32>} : memref<32768xf32, #tpu.memory_space<vmem>>, vector<16xf32>,
      %mul3A_533 = arith.mulf %get3A_528, %get3A_532 : vector<16xf32>
      %add3A_534 = arith.addf %mul3A_524, %mul3A_533 : vector<16xf32>
      %add3A_535 = arith.constant 32 : i32
      %add3A_536 = arith.addi %mul3A_519, %add3A_535 : i32
      %get3A_537 = arith.index_cast %add3A_536 : i32 to index
      %get3A_538 = tpu.vector_load %arg5[%get3A_537] {strides = array<i32>} : memref<32768xf32, #tpu.memory_space<vmem>>, vector<16xf32>,
      %add3A_539 = arith.constant 32 : i32
      %add3A_540 = arith.addi %mul3A_519, %add3A_539 : i32
      %get3A_541 = arith.index_cast %add3A_540 : i32 to index
      %get3A_542 = tpu.vector_load %arg6[%get3A_541] {strides = array<i32>} : memref<32768xf32, #tpu.memory_space<vmem>>, vector<16xf32>,
      %mul3A_543 = arith.mulf %get3A_538, %get3A_542 : vector<16xf32>
      %add3A_544 = arith.addf %add3A_534, %mul3A_543 : vector<16xf32>
      %add3A_545 = arith.constant 48 : i32
      %add3A_546 = arith.addi %mul3A_519, %add3A_545 : i32
      %get3A_547 = arith.index_cast %add3A_546 : i32 to index
      %get3A_548 = tpu.vector_load %arg5[%get3A_547] {strides = array<i32>} : memref<32768xf32, #tpu.memory_space<vmem>>, vector<16xf32>,
      %add3A_549 = arith.constant 48 : i32
      %add3A_550 = arith.addi %mul3A_519, %add3A_549 : i32
      %get3A_551 = arith.index_cast %add3A_550 : i32 to index
      %get3A_552 = tpu.vector_load %arg6[%get3A_551] {strides = array<i32>} : memref<32768xf32, #tpu.memory_space<vmem>>, vector<16xf32>,
      %mul3A_553 = arith.mulf %get3A_548, %get3A_552 : vector<16xf32>
      %add3A_554 = arith.addf %add3A_544, %mul3A_553 : vector<16xf32>
      %eq3A_555 = arith.constant 10 : i32
      %eq3A_556 = vector.broadcast %eq3A_555 : i32 to vector<16xi32>
      %eq3A_557 = arith.cmpi eq, %iota3A, %eq3A_556 : vector<16xi32>
      %reduce_sum3A_558 = arith.constant true
      %reduce_sum3A_559 = vector.broadcast %reduce_sum3A_558 : i1 to vector<16xi1>
      %reduce_sum3A_560 = tpu.scan <sum>, %add3A_554 masked %reduce_sum3A_559 : vector<16xf32>, vector<16xi1> -> vector<16xf32>
      %reduce_sum3A_561 = vector.extract %reduce_sum3A_560[15] : f32 from vector<16xf32>
      %broadcast_in_dim3A_562 = vector.broadcast %reduce_sum3A_561 : f32 to vector<16xf32>
      %select_n3A_563 = arith.select %eq3A_557, %broadcast_in_dim3A_562, %select_n3A_513 : vector<16xi1>, vector<16xf32>
      %mul3A_564 = arith.constant 16 : i32
      %mul3A_565 = arith.muli %scan3A_14, %mul3A_564 : i32
      %add3A_566 = arith.constant 11 : i32
      %add3A_567 = arith.addi %mul3A_565, %add3A_566 : i32
      %mul3A_568 = arith.constant 64 : i32
      %mul3A_569 = arith.muli %add3A_567, %mul3A_568 : i32
      %get3A_570 = arith.index_cast %mul3A_569 : i32 to index
      %get3A_571 = tpu.vector_load %arg5[%get3A_570] {strides = array<i32>} : memref<32768xf32, #tpu.memory_space<vmem>>, vector<16xf32>,
      %get3A_572 = arith.index_cast %mul3A_569 : i32 to index
      %get3A_573 = tpu.vector_load %arg6[%get3A_572] {strides = array<i32>} : memref<32768xf32, #tpu.memory_space<vmem>>, vector<16xf32>,
      %mul3A_574 = arith.mulf %get3A_571, %get3A_573 : vector<16xf32>
      %add3A_575 = arith.constant 16 : i32
      %add3A_576 = arith.addi %mul3A_569, %add3A_575 : i32
      %get3A_577 = arith.index_cast %add3A_576 : i32 to index
      %get3A_578 = tpu.vector_load %arg5[%get3A_577] {strides = array<i32>} : memref<32768xf32, #tpu.memory_space<vmem>>, vector<16xf32>,
      %add3A_579 = arith.constant 16 : i32
      %add3A_580 = arith.addi %mul3A_569, %add3A_579 : i32
      %get3A_581 = arith.index_cast %add3A_580 : i32 to index
      %get3A_582 = tpu.vector_load %arg6[%get3A_581] {strides = array<i32>} : memref<32768xf32, #tpu.memory_space<vmem>>, vector<16xf32>,
      %mul3A_583 = arith.mulf %get3A_578, %get3A_582 : vector<16xf32>
      %add3A_584 = arith.addf %mul3A_574, %mul3A_583 : vector<16xf32>
      %add3A_585 = arith.constant 32 : i32
      %add3A_586 = arith.addi %mul3A_569, %add3A_585 : i32
      %get3A_587 = arith.index_cast %add3A_586 : i32 to index
      %get3A_588 = tpu.vector_load %arg5[%get3A_587] {strides = array<i32>} : memref<32768xf32, #tpu.memory_space<vmem>>, vector<16xf32>,
      %add3A_589 = arith.constant 32 : i32
      %add3A_590 = arith.addi %mul3A_569, %add3A_589 : i32
      %get3A_591 = arith.index_cast %add3A_590 : i32 to index
      %get3A_592 = tpu.vector_load %arg6[%get3A_591] {strides = array<i32>} : memref<32768xf32, #tpu.memory_space<vmem>>, vector<16xf32>,
      %mul3A_593 = arith.mulf %get3A_588, %get3A_592 : vector<16xf32>
      %add3A_594 = arith.addf %add3A_584, %mul3A_593 : vector<16xf32>
      %add3A_595 = arith.constant 48 : i32
      %add3A_596 = arith.addi %mul3A_569, %add3A_595 : i32
      %get3A_597 = arith.index_cast %add3A_596 : i32 to index
      %get3A_598 = tpu.vector_load %arg5[%get3A_597] {strides = array<i32>} : memref<32768xf32, #tpu.memory_space<vmem>>, vector<16xf32>,
      %add3A_599 = arith.constant 48 : i32
      %add3A_600 = arith.addi %mul3A_569, %add3A_599 : i32
      %get3A_601 = arith.index_cast %add3A_600 : i32 to index
      %get3A_602 = tpu.vector_load %arg6[%get3A_601] {strides = array<i32>} : memref<32768xf32, #tpu.memory_space<vmem>>, vector<16xf32>,
      %mul3A_603 = arith.mulf %get3A_598, %get3A_602 : vector<16xf32>
      %add3A_604 = arith.addf %add3A_594, %mul3A_603 : vector<16xf32>
      %eq3A_605 = arith.constant 11 : i32
      %eq3A_606 = vector.broadcast %eq3A_605 : i32 to vector<16xi32>
      %eq3A_607 = arith.cmpi eq, %iota3A, %eq3A_606 : vector<16xi32>
      %reduce_sum3A_608 = arith.constant true
      %reduce_sum3A_609 = vector.broadcast %reduce_sum3A_608 : i1 to vector<16xi1>
      %reduce_sum3A_610 = tpu.scan <sum>, %add3A_604 masked %reduce_sum3A_609 : vector<16xf32>, vector<16xi1> -> vector<16xf32>
      %reduce_sum3A_611 = vector.extract %reduce_sum3A_610[15] : f32 from vector<16xf32>
      %broadcast_in_dim3A_612 = vector.broadcast %reduce_sum3A_611 : f32 to vector<16xf32>
      %select_n3A_613 = arith.select %eq3A_607, %broadcast_in_dim3A_612, %select_n3A_563 : vector<16xi1>, vector<16xf32>
      %mul3A_614 = arith.constant 16 : i32
      %mul3A_615 = arith.muli %scan3A_14, %mul3A_614 : i32
      %add3A_616 = arith.constant 12 : i32
      %add3A_617 = arith.addi %mul3A_615, %add3A_616 : i32
      %mul3A_618 = arith.constant 64 : i32
      %mul3A_619 = arith.muli %add3A_617, %mul3A_618 : i32
      %get3A_620 = arith.index_cast %mul3A_619 : i32 to index
      %get3A_621 = tpu.vector_load %arg5[%get3A_620] {strides = array<i32>} : memref<32768xf32, #tpu.memory_space<vmem>>, vector<16xf32>,
      %get3A_622 = arith.index_cast %mul3A_619 : i32 to index
      %get3A_623 = tpu.vector_load %arg6[%get3A_622] {strides = array<i32>} : memref<32768xf32, #tpu.memory_space<vmem>>, vector<16xf32>,
      %mul3A_624 = arith.mulf %get3A_621, %get3A_623 : vector<16xf32>
      %add3A_625 = arith.constant 16 : i32
      %add3A_626 = arith.addi %mul3A_619, %add3A_625 : i32
      %get3A_627 = arith.index_cast %add3A_626 : i32 to index
      %get3A_628 = tpu.vector_load %arg5[%get3A_627] {strides = array<i32>} : memref<32768xf32, #tpu.memory_space<vmem>>, vector<16xf32>,
      %add3A_629 = arith.constant 16 : i32
      %add3A_630 = arith.addi %mul3A_619, %add3A_629 : i32
      %get3A_631 = arith.index_cast %add3A_630 : i32 to index
      %get3A_632 = tpu.vector_load %arg6[%get3A_631] {strides = array<i32>} : memref<32768xf32, #tpu.memory_space<vmem>>, vector<16xf32>,
      %mul3A_633 = arith.mulf %get3A_628, %get3A_632 : vector<16xf32>
      %add3A_634 = arith.addf %mul3A_624, %mul3A_633 : vector<16xf32>
      %add3A_635 = arith.constant 32 : i32
      %add3A_636 = arith.addi %mul3A_619, %add3A_635 : i32
      %get3A_637 = arith.index_cast %add3A_636 : i32 to index
      %get3A_638 = tpu.vector_load %arg5[%get3A_637] {strides = array<i32>} : memref<32768xf32, #tpu.memory_space<vmem>>, vector<16xf32>,
      %add3A_639 = arith.constant 32 : i32
      %add3A_640 = arith.addi %mul3A_619, %add3A_639 : i32
      %get3A_641 = arith.index_cast %add3A_640 : i32 to index
      %get3A_642 = tpu.vector_load %arg6[%get3A_641] {strides = array<i32>} : memref<32768xf32, #tpu.memory_space<vmem>>, vector<16xf32>,
      %mul3A_643 = arith.mulf %get3A_638, %get3A_642 : vector<16xf32>
      %add3A_644 = arith.addf %add3A_634, %mul3A_643 : vector<16xf32>
      %add3A_645 = arith.constant 48 : i32
      %add3A_646 = arith.addi %mul3A_619, %add3A_645 : i32
      %get3A_647 = arith.index_cast %add3A_646 : i32 to index
      %get3A_648 = tpu.vector_load %arg5[%get3A_647] {strides = array<i32>} : memref<32768xf32, #tpu.memory_space<vmem>>, vector<16xf32>,
      %add3A_649 = arith.constant 48 : i32
      %add3A_650 = arith.addi %mul3A_619, %add3A_649 : i32
      %get3A_651 = arith.index_cast %add3A_650 : i32 to index
      %get3A_652 = tpu.vector_load %arg6[%get3A_651] {strides = array<i32>} : memref<32768xf32, #tpu.memory_space<vmem>>, vector<16xf32>,
      %mul3A_653 = arith.mulf %get3A_648, %get3A_652 : vector<16xf32>
      %add3A_654 = arith.addf %add3A_644, %mul3A_653 : vector<16xf32>
      %eq3A_655 = arith.constant 12 : i32
      %eq3A_656 = vector.broadcast %eq3A_655 : i32 to vector<16xi32>
      %eq3A_657 = arith.cmpi eq, %iota3A, %eq3A_656 : vector<16xi32>
      %reduce_sum3A_658 = arith.constant true
      %reduce_sum3A_659 = vector.broadcast %reduce_sum3A_658 : i1 to vector<16xi1>
      %reduce_sum3A_660 = tpu.scan <sum>, %add3A_654 masked %reduce_sum3A_659 : vector<16xf32>, vector<16xi1> -> vector<16xf32>
      %reduce_sum3A_661 = vector.extract %reduce_sum3A_660[15] : f32 from vector<16xf32>
      %broadcast_in_dim3A_662 = vector.broadcast %reduce_sum3A_661 : f32 to vector<16xf32>
      %select_n3A_663 = arith.select %eq3A_657, %broadcast_in_dim3A_662, %select_n3A_613 : vector<16xi1>, vector<16xf32>
      %mul3A_664 = arith.constant 16 : i32
      %mul3A_665 = arith.muli %scan3A_14, %mul3A_664 : i32
      %add3A_666 = arith.constant 13 : i32
      %add3A_667 = arith.addi %mul3A_665, %add3A_666 : i32
      %mul3A_668 = arith.constant 64 : i32
      %mul3A_669 = arith.muli %add3A_667, %mul3A_668 : i32
      %get3A_670 = arith.index_cast %mul3A_669 : i32 to index
      %get3A_671 = tpu.vector_load %arg5[%get3A_670] {strides = array<i32>} : memref<32768xf32, #tpu.memory_space<vmem>>, vector<16xf32>,
      %get3A_672 = arith.index_cast %mul3A_669 : i32 to index
      %get3A_673 = tpu.vector_load %arg6[%get3A_672] {strides = array<i32>} : memref<32768xf32, #tpu.memory_space<vmem>>, vector<16xf32>,
      %mul3A_674 = arith.mulf %get3A_671, %get3A_673 : vector<16xf32>
      %add3A_675 = arith.constant 16 : i32
      %add3A_676 = arith.addi %mul3A_669, %add3A_675 : i32
      %get3A_677 = arith.index_cast %add3A_676 : i32 to index
      %get3A_678 = tpu.vector_load %arg5[%get3A_677] {strides = array<i32>} : memref<32768xf32, #tpu.memory_space<vmem>>, vector<16xf32>,
      %add3A_679 = arith.constant 16 : i32
      %add3A_680 = arith.addi %mul3A_669, %add3A_679 : i32
      %get3A_681 = arith.index_cast %add3A_680 : i32 to index
      %get3A_682 = tpu.vector_load %arg6[%get3A_681] {strides = array<i32>} : memref<32768xf32, #tpu.memory_space<vmem>>, vector<16xf32>,
      %mul3A_683 = arith.mulf %get3A_678, %get3A_682 : vector<16xf32>
      %add3A_684 = arith.addf %mul3A_674, %mul3A_683 : vector<16xf32>
      %add3A_685 = arith.constant 32 : i32
      %add3A_686 = arith.addi %mul3A_669, %add3A_685 : i32
      %get3A_687 = arith.index_cast %add3A_686 : i32 to index
      %get3A_688 = tpu.vector_load %arg5[%get3A_687] {strides = array<i32>} : memref<32768xf32, #tpu.memory_space<vmem>>, vector<16xf32>,
      %add3A_689 = arith.constant 32 : i32
      %add3A_690 = arith.addi %mul3A_669, %add3A_689 : i32
      %get3A_691 = arith.index_cast %add3A_690 : i32 to index
      %get3A_692 = tpu.vector_load %arg6[%get3A_691] {strides = array<i32>} : memref<32768xf32, #tpu.memory_space<vmem>>, vector<16xf32>,
      %mul3A_693 = arith.mulf %get3A_688, %get3A_692 : vector<16xf32>
      %add3A_694 = arith.addf %add3A_684, %mul3A_693 : vector<16xf32>
      %add3A_695 = arith.constant 48 : i32
      %add3A_696 = arith.addi %mul3A_669, %add3A_695 : i32
      %get3A_697 = arith.index_cast %add3A_696 : i32 to index
      %get3A_698 = tpu.vector_load %arg5[%get3A_697] {strides = array<i32>} : memref<32768xf32, #tpu.memory_space<vmem>>, vector<16xf32>,
      %add3A_699 = arith.constant 48 : i32
      %add3A_700 = arith.addi %mul3A_669, %add3A_699 : i32
      %get3A_701 = arith.index_cast %add3A_700 : i32 to index
      %get3A_702 = tpu.vector_load %arg6[%get3A_701] {strides = array<i32>} : memref<32768xf32, #tpu.memory_space<vmem>>, vector<16xf32>,
      %mul3A_703 = arith.mulf %get3A_698, %get3A_702 : vector<16xf32>
      %add3A_704 = arith.addf %add3A_694, %mul3A_703 : vector<16xf32>
      %eq3A_705 = arith.constant 13 : i32
      %eq3A_706 = vector.broadcast %eq3A_705 : i32 to vector<16xi32>
      %eq3A_707 = arith.cmpi eq, %iota3A, %eq3A_706 : vector<16xi32>
      %reduce_sum3A_708 = arith.constant true
      %reduce_sum3A_709 = vector.broadcast %reduce_sum3A_708 : i1 to vector<16xi1>
      %reduce_sum3A_710 = tpu.scan <sum>, %add3A_704 masked %reduce_sum3A_709 : vector<16xf32>, vector<16xi1> -> vector<16xf32>
      %reduce_sum3A_711 = vector.extract %reduce_sum3A_710[15] : f32 from vector<16xf32>
      %broadcast_in_dim3A_712 = vector.broadcast %reduce_sum3A_711 : f32 to vector<16xf32>
      %select_n3A_713 = arith.select %eq3A_707, %broadcast_in_dim3A_712, %select_n3A_663 : vector<16xi1>, vector<16xf32>
      %mul3A_714 = arith.constant 16 : i32
      %mul3A_715 = arith.muli %scan3A_14, %mul3A_714 : i32
      %add3A_716 = arith.constant 14 : i32
      %add3A_717 = arith.addi %mul3A_715, %add3A_716 : i32
      %mul3A_718 = arith.constant 64 : i32
      %mul3A_719 = arith.muli %add3A_717, %mul3A_718 : i32
      %get3A_720 = arith.index_cast %mul3A_719 : i32 to index
      %get3A_721 = tpu.vector_load %arg5[%get3A_720] {strides = array<i32>} : memref<32768xf32, #tpu.memory_space<vmem>>, vector<16xf32>,
      %get3A_722 = arith.index_cast %mul3A_719 : i32 to index
      %get3A_723 = tpu.vector_load %arg6[%get3A_722] {strides = array<i32>} : memref<32768xf32, #tpu.memory_space<vmem>>, vector<16xf32>,
      %mul3A_724 = arith.mulf %get3A_721, %get3A_723 : vector<16xf32>
      %add3A_725 = arith.constant 16 : i32
      %add3A_726 = arith.addi %mul3A_719, %add3A_725 : i32
      %get3A_727 = arith.index_cast %add3A_726 : i32 to index
      %get3A_728 = tpu.vector_load %arg5[%get3A_727] {strides = array<i32>} : memref<32768xf32, #tpu.memory_space<vmem>>, vector<16xf32>,
      %add3A_729 = arith.constant 16 : i32
      %add3A_730 = arith.addi %mul3A_719, %add3A_729 : i32
      %get3A_731 = arith.index_cast %add3A_730 : i32 to index
      %get3A_732 = tpu.vector_load %arg6[%get3A_731] {strides = array<i32>} : memref<32768xf32, #tpu.memory_space<vmem>>, vector<16xf32>,
      %mul3A_733 = arith.mulf %get3A_728, %get3A_732 : vector<16xf32>
      %add3A_734 = arith.addf %mul3A_724, %mul3A_733 : vector<16xf32>
      %add3A_735 = arith.constant 32 : i32
      %add3A_736 = arith.addi %mul3A_719, %add3A_735 : i32
      %get3A_737 = arith.index_cast %add3A_736 : i32 to index
      %get3A_738 = tpu.vector_load %arg5[%get3A_737] {strides = array<i32>} : memref<32768xf32, #tpu.memory_space<vmem>>, vector<16xf32>,
      %add3A_739 = arith.constant 32 : i32
      %add3A_740 = arith.addi %mul3A_719, %add3A_739 : i32
      %get3A_741 = arith.index_cast %add3A_740 : i32 to index
      %get3A_742 = tpu.vector_load %arg6[%get3A_741] {strides = array<i32>} : memref<32768xf32, #tpu.memory_space<vmem>>, vector<16xf32>,
      %mul3A_743 = arith.mulf %get3A_738, %get3A_742 : vector<16xf32>
      %add3A_744 = arith.addf %add3A_734, %mul3A_743 : vector<16xf32>
      %add3A_745 = arith.constant 48 : i32
      %add3A_746 = arith.addi %mul3A_719, %add3A_745 : i32
      %get3A_747 = arith.index_cast %add3A_746 : i32 to index
      %get3A_748 = tpu.vector_load %arg5[%get3A_747] {strides = array<i32>} : memref<32768xf32, #tpu.memory_space<vmem>>, vector<16xf32>,
      %add3A_749 = arith.constant 48 : i32
      %add3A_750 = arith.addi %mul3A_719, %add3A_749 : i32
      %get3A_751 = arith.index_cast %add3A_750 : i32 to index
      %get3A_752 = tpu.vector_load %arg6[%get3A_751] {strides = array<i32>} : memref<32768xf32, #tpu.memory_space<vmem>>, vector<16xf32>,
      %mul3A_753 = arith.mulf %get3A_748, %get3A_752 : vector<16xf32>
      %add3A_754 = arith.addf %add3A_744, %mul3A_753 : vector<16xf32>
      %eq3A_755 = arith.constant 14 : i32
      %eq3A_756 = vector.broadcast %eq3A_755 : i32 to vector<16xi32>
      %eq3A_757 = arith.cmpi eq, %iota3A, %eq3A_756 : vector<16xi32>
      %reduce_sum3A_758 = arith.constant true
      %reduce_sum3A_759 = vector.broadcast %reduce_sum3A_758 : i1 to vector<16xi1>
      %reduce_sum3A_760 = tpu.scan <sum>, %add3A_754 masked %reduce_sum3A_759 : vector<16xf32>, vector<16xi1> -> vector<16xf32>
      %reduce_sum3A_761 = vector.extract %reduce_sum3A_760[15] : f32 from vector<16xf32>
      %broadcast_in_dim3A_762 = vector.broadcast %reduce_sum3A_761 : f32 to vector<16xf32>
      %select_n3A_763 = arith.select %eq3A_757, %broadcast_in_dim3A_762, %select_n3A_713 : vector<16xi1>, vector<16xf32>
      %mul3A_764 = arith.constant 16 : i32
      %mul3A_765 = arith.muli %scan3A_14, %mul3A_764 : i32
      %add3A_766 = arith.constant 15 : i32
      %add3A_767 = arith.addi %mul3A_765, %add3A_766 : i32
      %mul3A_768 = arith.constant 64 : i32
      %mul3A_769 = arith.muli %add3A_767, %mul3A_768 : i32
      %get3A_770 = arith.index_cast %mul3A_769 : i32 to index
      %get3A_771 = tpu.vector_load %arg5[%get3A_770] {strides = array<i32>} : memref<32768xf32, #tpu.memory_space<vmem>>, vector<16xf32>,
      %get3A_772 = arith.index_cast %mul3A_769 : i32 to index
      %get3A_773 = tpu.vector_load %arg6[%get3A_772] {strides = array<i32>} : memref<32768xf32, #tpu.memory_space<vmem>>, vector<16xf32>,
      %mul3A_774 = arith.mulf %get3A_771, %get3A_773 : vector<16xf32>
      %add3A_775 = arith.constant 16 : i32
      %add3A_776 = arith.addi %mul3A_769, %add3A_775 : i32
      %get3A_777 = arith.index_cast %add3A_776 : i32 to index
      %get3A_778 = tpu.vector_load %arg5[%get3A_777] {strides = array<i32>} : memref<32768xf32, #tpu.memory_space<vmem>>, vector<16xf32>,
      %add3A_779 = arith.constant 16 : i32
      %add3A_780 = arith.addi %mul3A_769, %add3A_779 : i32
      %get3A_781 = arith.index_cast %add3A_780 : i32 to index
      %get3A_782 = tpu.vector_load %arg6[%get3A_781] {strides = array<i32>} : memref<32768xf32, #tpu.memory_space<vmem>>, vector<16xf32>,
      %mul3A_783 = arith.mulf %get3A_778, %get3A_782 : vector<16xf32>
      %add3A_784 = arith.addf %mul3A_774, %mul3A_783 : vector<16xf32>
      %add3A_785 = arith.constant 32 : i32
      %add3A_786 = arith.addi %mul3A_769, %add3A_785 : i32
      %get3A_787 = arith.index_cast %add3A_786 : i32 to index
      %get3A_788 = tpu.vector_load %arg5[%get3A_787] {strides = array<i32>} : memref<32768xf32, #tpu.memory_space<vmem>>, vector<16xf32>,
      %add3A_789 = arith.constant 32 : i32
      %add3A_790 = arith.addi %mul3A_769, %add3A_789 : i32
      %get3A_791 = arith.index_cast %add3A_790 : i32 to index
      %get3A_792 = tpu.vector_load %arg6[%get3A_791] {strides = array<i32>} : memref<32768xf32, #tpu.memory_space<vmem>>, vector<16xf32>,
      %mul3A_793 = arith.mulf %get3A_788, %get3A_792 : vector<16xf32>
      %add3A_794 = arith.addf %add3A_784, %mul3A_793 : vector<16xf32>
      %add3A_795 = arith.constant 48 : i32
      %add3A_796 = arith.addi %mul3A_769, %add3A_795 : i32
      %get3A_797 = arith.index_cast %add3A_796 : i32 to index
      %get3A_798 = tpu.vector_load %arg5[%get3A_797] {strides = array<i32>} : memref<32768xf32, #tpu.memory_space<vmem>>, vector<16xf32>,
      %add3A_799 = arith.constant 48 : i32
      %add3A_800 = arith.addi %mul3A_769, %add3A_799 : i32
      %get3A_801 = arith.index_cast %add3A_800 : i32 to index
      %get3A_802 = tpu.vector_load %arg6[%get3A_801] {strides = array<i32>} : memref<32768xf32, #tpu.memory_space<vmem>>, vector<16xf32>,
      %mul3A_803 = arith.mulf %get3A_798, %get3A_802 : vector<16xf32>
      %add3A_804 = arith.addf %add3A_794, %mul3A_803 : vector<16xf32>
      %eq3A_805 = arith.constant 15 : i32
      %eq3A_806 = vector.broadcast %eq3A_805 : i32 to vector<16xi32>
      %eq3A_807 = arith.cmpi eq, %iota3A, %eq3A_806 : vector<16xi32>
      %reduce_sum3A_808 = arith.constant true
      %reduce_sum3A_809 = vector.broadcast %reduce_sum3A_808 : i1 to vector<16xi1>
      %reduce_sum3A_810 = tpu.scan <sum>, %add3A_804 masked %reduce_sum3A_809 : vector<16xf32>, vector<16xi1> -> vector<16xf32>
      %reduce_sum3A_811 = vector.extract %reduce_sum3A_810[15] : f32 from vector<16xf32>
      %broadcast_in_dim3A_812 = vector.broadcast %reduce_sum3A_811 : f32 to vector<16xf32>
      %select_n3A_813 = arith.select %eq3A_807, %broadcast_in_dim3A_812, %select_n3A_763 : vector<16xi1>, vector<16xf32>
      %abs3A = math.absf %select_n3A_813 : vector<16xf32>
      %neg3A = arith.constant 0.000000e+00 : f32
      %neg3A_814 = vector.broadcast %neg3A : f32 to vector<16xf32>
      %neg3A_815 = arith.subf %neg3A_814, %abs3A : vector<16xf32>
      %exp3A = math.exp %neg3A_815 : vector<16xf32>
      %add3A_816 = arith.constant 2.000000e+00 : f32
      %add3A_817 = vector.broadcast %add3A_816 : f32 to vector<16xf32>
      %add3A_818 = arith.addf %exp3A, %add3A_817 : vector<16xf32>
      %div3A = arith.divf %exp3A, %add3A_818 : vector<16xf32>
      %mul3A_819 = arith.mulf %div3A, %div3A : vector<16xf32>
      %mul3A_820 = arith.constant 0.0909090936 : f32
      %mul3A_821 = vector.broadcast %mul3A_820 : f32 to vector<16xf32>
      %mul3A_822 = arith.mulf %mul3A_819, %mul3A_821 : vector<16xf32>
      %add3A_823 = arith.constant 0.111111112 : f32
      %add3A_824 = vector.broadcast %add3A_823 : f32 to vector<16xf32>
      %add3A_825 = arith.addf %add3A_824, %mul3A_822 : vector<16xf32>
      %mul3A_826 = arith.mulf %mul3A_819, %add3A_825 : vector<16xf32>
      %add3A_827 = arith.constant 0.142857149 : f32
      %add3A_828 = vector.broadcast %add3A_827 : f32 to vector<16xf32>
      %add3A_829 = arith.addf %add3A_828, %mul3A_826 : vector<16xf32>
      %mul3A_830 = arith.mulf %mul3A_819, %add3A_829 : vector<16xf32>
      %add3A_831 = arith.constant 2.000000e-01 : f32
      %add3A_832 = vector.broadcast %add3A_831 : f32 to vector<16xf32>
      %add3A_833 = arith.addf %add3A_832, %mul3A_830 : vector<16xf32>
      %mul3A_834 = arith.mulf %mul3A_819, %add3A_833 : vector<16xf32>
      %add3A_835 = arith.constant 0.333333343 : f32
      %add3A_836 = vector.broadcast %add3A_835 : f32 to vector<16xf32>
      %add3A_837 = arith.addf %add3A_836, %mul3A_834 : vector<16xf32>
      %mul3A_838 = arith.mulf %mul3A_819, %add3A_837 : vector<16xf32>
      %add3A_839 = arith.constant 1.000000e+00 : f32
      %add3A_840 = vector.broadcast %add3A_839 : f32 to vector<16xf32>
      %add3A_841 = arith.addf %add3A_840, %mul3A_838 : vector<16xf32>
      %neg3A_842 = arith.constant 0.000000e+00 : f32
      %neg3A_843 = vector.broadcast %neg3A_842 : f32 to vector<16xf32>
      %neg3A_844 = arith.subf %neg3A_843, %select_n3A_813 : vector<16xf32>
      %max3A = arith.constant 0.000000e+00 : f32
      %max3A_845 = vector.broadcast %max3A : f32 to vector<16xf32>
      %max3A_846 = arith.maximumf %neg3A_844, %max3A_845 : vector<16xf32>
      %add3A_847 = arith.addf %scan3A_15, %max3A_846 : vector<16xf32>
      %mul3A_848 = arith.mulf %div3A, %add3A_841 : vector<16xf32>
      %mul3A_849 = arith.constant 2.000000e+00 : f32
      %mul3A_850 = vector.broadcast %mul3A_849 : f32 to vector<16xf32>
      %mul3A_851 = arith.mulf %mul3A_850, %mul3A_848 : vector<16xf32>
      %add3A_852 = arith.addf %add3A_847, %mul3A_851 : vector<16xf32>
      scf.yield %add3A_852 : vector<16xf32>
    }
    %scan3A_10 = arith.constant 32 : i32
    %swap3A = arith.constant 0 : index
    %swap3A_11 = tpu.vector_load %arg7[%swap3A] {strides = array<i32>} : memref<16xf32, #tpu.memory_space<vmem>>, vector<16xf32>,
    tpu.vector_store %arg7[%swap3A], %scan3A_9 {strides = array<i32>} : memref<16xf32, #tpu.memory_space<vmem>>, vector<16xf32>,
    %mul3A_12 = arith.constant 16 : i32
    %mul3A_13 = arith.muli %add3A, %mul3A_12 : i32
    "tpu.region"() ({
      %run_scoped3A = tpu.sem_alloc : memref<!tpu.dma_semaphore, #tpu.memory_space<semaphore_mem>>
      %dma_start3A = tpu.memref_slice %arg4[%mul3A_13] : memref<512xf32, #tpu.memory_space<hbm>> -> memref<16xf32, #tpu.memory_space<hbm>>
      %dma_start3A_14 = tpu.memref_slice %arg4[%mul3A_13] : memref<512xf32, #tpu.memory_space<hbm>> -> memref<16xf32, #tpu.memory_space<hbm>>
      tpu.enqueue_dma source(%arg7 : memref<16xf32, #tpu.memory_space<vmem>>) target(%dma_start3A_14 : memref<16xf32, #tpu.memory_space<hbm>>) target_semaphore(%run_scoped3A : memref<!tpu.dma_semaphore, #tpu.memory_space<semaphore_mem>>)
      %dma_wait3A = tpu.memref_slice %arg4[%mul3A_13] : memref<512xf32, #tpu.memory_space<hbm>> -> memref<16xf32, #tpu.memory_space<hbm>>
      %dma_wait3A_15 = tpu.memref_slice %arg4[%mul3A_13] : memref<512xf32, #tpu.memory_space<hbm>> -> memref<16xf32, #tpu.memory_space<hbm>>
      tpu.wait_dma2 semaphore(%run_scoped3A : memref<!tpu.dma_semaphore, #tpu.memory_space<semaphore_mem>>) src(%arg7 : memref<16xf32, #tpu.memory_space<vmem>>) dst(%dma_wait3A_15 : memref<16xf32, #tpu.memory_space<hbm>>)
      tpu.yield
    }) : () -> ()
    return
  }
}

#map = affine_map<(d0, d1) -> (0)>
#map1 = affine_map<(d0, d1) -> (0, 0)>
module attributes {stable_mosaic.version = 14 : i64} {
  func.func @_gather_body(%arg0: i32, %arg1: i32, %arg2: memref<16384xi32, #tpu.memory_space<hbm>>, %arg3: memref<16384xi32, #tpu.memory_space<hbm>>, %arg4: memref<64x1000000xf32, #tpu.memory_space<hbm>>, %arg5: memref<64x1000000xf32, #tpu.memory_space<hbm>>, %arg6: memref<1048576xf32, #tpu.memory_space<hbm>>, %arg7: memref<1048576xf32, #tpu.memory_space<hbm>>, %arg8: memref<512xi32, #tpu.memory_space<vmem>>, %arg9: memref<16400xi32, #tpu.memory_space<vmem>>, %arg10: memref<16400xi32, #tpu.memory_space<vmem>>, %arg11: memref<16400xi32, #tpu.memory_space<vmem>>, %arg12: memref<16400xi32, #tpu.memory_space<vmem>>, %arg13: memref<32xi32, #tpu.memory_space<vmem>>, %arg14: memref<32xi32, #tpu.memory_space<vmem>>, %arg15: memref<2x64x128xf32, #tpu.memory_space<vmem>>, %arg16: memref<2x64x128xf32, #tpu.memory_space<vmem>>, %arg17: memref<64x64xf32, #tpu.memory_space<vmem>>, %arg18: memref<64x64xf32, #tpu.memory_space<vmem>>, %arg19: memref<64x64xf32, #tpu.memory_space<vmem>>, %arg20: memref<!tpu.dma_semaphore, #tpu.memory_space<semaphore_mem>>, %arg21: memref<!tpu.dma_semaphore, #tpu.memory_space<semaphore_mem>>) attributes {dimension_semantics = [#tpu.dimension_semantics<core_parallel>, #tpu.dimension_semantics<subcore_parallel>], iteration_bounds = array<i64: 2, 16>, scalar_prefetch = 0 : i64, scratch_operands = 14 : i64, tpu.core_type = #tpu.core_type<sc_vector_subcore>, window_params = [{transform_indices = #map}, {transform_indices = #map}, {transform_indices = #map1}, {transform_indices = #map1}, {transform_indices = #map}, {transform_indices = #map}]} {
    %mul3A = arith.constant 2 : i32
    %mul3A_0 = arith.muli %arg1, %mul3A : i32
    %add3A = arith.addi %mul3A_0, %arg0 : i32
    %iota3A = tpu.iota {dimensions = array<i32: 0>} : vector<16xi32>
    %mul3A_1 = arith.constant 244 : i32
    %mul3A_2 = arith.muli %add3A, %mul3A_1 : i32
    %min3A = arith.constant 5 : i32
    %min3A_3 = arith.minsi %add3A, %min3A : i32
    %add3A_4 = arith.addi %mul3A_2, %min3A_3 : i32
    %lt3A = arith.constant 5 : i32
    %lt3A_5 = arith.cmpi slt, %add3A, %lt3A : i32
    %jit3A = arith.constant 1 : i32
    %jit3A_6 = arith.constant 0 : i32
    %select_n3A = arith.select %lt3A_5, %jit3A, %jit3A_6 : i32
    %add3A_7 = arith.constant 244 : i32
    %add3A_8 = arith.addi %add3A_7, %select_n3A : i32
    %add3A_9 = arith.addi %add3A_4, %add3A_8 : i32
    %eq3A = arith.constant 31 : i32
    %eq3A_10 = arith.cmpi eq, %add3A, %eq3A : i32
    %jit3A_11 = arith.constant 1 : i32
    %jit3A_12 = arith.constant 0 : i32
    %select_n3A_13 = arith.select %eq3A_10, %jit3A_11, %jit3A_12 : i32
    %sub3A = arith.subi %add3A_8, %select_n3A_13 : i32
    %scan3A = arith.constant 0 : i32
    %scan3A_14 = arith.constant 0 : i32
    %scan3A_15 = arith.constant 32 : i32
    %scan3A_16 = arith.addi %scan3A_14, %scan3A_15 : i32
    %scan3A_17 = arith.constant 1 : i32
    %scan3A_18 = scf.for %scan3A_73 = %scan3A_14 to %scan3A_16 step %scan3A_17 iter_args(%scan3A_74 = %scan3A) -> (i32)  : i32 {
      %mul3A_75 = arith.constant 512 : i32
      %mul3A_76 = arith.muli %scan3A_73, %mul3A_75 : i32
      "tpu.region"() ({
        %run_scoped3A = tpu.sem_alloc : memref<!tpu.dma_semaphore, #tpu.memory_space<semaphore_mem>>
        %dma_start3A_83 = tpu.memref_slice %arg2[%mul3A_76] : memref<16384xi32, #tpu.memory_space<hbm>> -> memref<512xi32, #tpu.memory_space<hbm>>
        %dma_start3A_84 = tpu.memref_slice %arg2[%mul3A_76] : memref<16384xi32, #tpu.memory_space<hbm>> -> memref<512xi32, #tpu.memory_space<hbm>>
        tpu.enqueue_dma source(%dma_start3A_84 : memref<512xi32, #tpu.memory_space<hbm>>) target(%arg8 : memref<512xi32, #tpu.memory_space<vmem>>) target_semaphore(%run_scoped3A : memref<!tpu.dma_semaphore, #tpu.memory_space<semaphore_mem>>)
        %dma_wait3A = tpu.memref_slice %arg2[%mul3A_76] : memref<16384xi32, #tpu.memory_space<hbm>> -> memref<512xi32, #tpu.memory_space<hbm>>
        %dma_wait3A_85 = tpu.memref_slice %arg2[%mul3A_76] : memref<16384xi32, #tpu.memory_space<hbm>> -> memref<512xi32, #tpu.memory_space<hbm>>
        tpu.wait_dma2 semaphore(%run_scoped3A : memref<!tpu.dma_semaphore, #tpu.memory_space<semaphore_mem>>) src(%dma_wait3A_85 : memref<512xi32, #tpu.memory_space<hbm>>) dst(%arg8 : memref<512xi32, #tpu.memory_space<vmem>>)
        tpu.yield
      }) : () -> ()
      %scan3A_77 = arith.constant 0 : i32
      %scan3A_78 = arith.constant 32 : i32
      %scan3A_79 = arith.addi %scan3A_77, %scan3A_78 : i32
      %scan3A_80 = arith.constant 1 : i32
      %scan3A_81 = scf.for %scan3A_83 = %scan3A_77 to %scan3A_79 step %scan3A_80 iter_args(%scan3A_84 = %scan3A_74) -> (i32)  : i32 {
        %mul3A_85 = arith.constant 16 : i32
        %mul3A_86 = arith.muli %scan3A_83, %mul3A_85 : i32
        %get3A = arith.index_cast %mul3A_86 : i32 to index
        %get3A_87 = tpu.vector_load %arg8[%get3A] {strides = array<i32>} : memref<512xi32, #tpu.memory_space<vmem>>, vector<16xi32>,
        %shift_right_logical3A = arith.constant 7 : i32
        %shift_right_logical3A_88 = vector.broadcast %shift_right_logical3A : i32 to vector<16xi32>
        %shift_right_logical3A_89 = arith.shrui %get3A_87, %shift_right_logical3A_88 : vector<16xi32>
        %ge3A = vector.broadcast %add3A_4 : i32 to vector<16xi32>
        %ge3A_90 = arith.cmpi sge, %shift_right_logical3A_89, %ge3A : vector<16xi32>
        %lt3A_91 = vector.broadcast %add3A_9 : i32 to vector<16xi32>
        %lt3A_92 = arith.cmpi slt, %shift_right_logical3A_89, %lt3A_91 : vector<16xi32>
        %and3A = arith.andi %ge3A_90, %lt3A_92 : vector<16xi1>
        %all_reduce_population_count3A = tpu.all_reduce %and3A {dim = 0 : i64, kind = #tpu.reduction_kind<sum>} : vector<16xi1> -> vector<16xi32>
        %slice3A = vector.extract_strided_slice %all_reduce_population_count3A {offsets = [0], sizes = [1], strides = [1]} : vector<16xi32> to vector<1xi32>
        %squeeze3A = vector.extract %slice3A[0] : i32 from vector<1xi32>
        %gt3A = arith.constant 0 : i32
        %gt3A_93 = arith.cmpi sgt, %squeeze3A, %gt3A : i32
        %convert_element_type3A_94 = arith.extui %gt3A_93 : i1 to i32
        %cond3A_95 = arith.constant 0 : i32
        %cond3A_96 = arith.cmpi ne, %convert_element_type3A_94, %cond3A_95 : i32
        scf.if %cond3A_96 {
          %mul3A_98 = arith.constant 512 : i32
          %mul3A_99 = arith.muli %scan3A_73, %mul3A_98 : i32
          %mul3A_100 = arith.constant 16 : i32
          %mul3A_101 = arith.muli %scan3A_83, %mul3A_100 : i32
          %add3A_102 = arith.addi %mul3A_99, %mul3A_101 : i32
          %add3A_103 = vector.broadcast %add3A_102 : i32 to vector<16xi32>
          %add3A_104 = arith.addi %add3A_103, %iota3A : vector<16xi32>
          %swap3A = arith.index_cast %scan3A_84 : i32 to index
          %swap3A_105 = tpu.vector_load %arg9[%swap3A] masked %and3A {strides = array<i32>} : memref<16400xi32, #tpu.memory_space<vmem>>, vector<16xi32>, vector<16xi1>
          tpu.vector_store %arg9[%swap3A], %get3A_87 masked %and3A {strides = array<i32>} : memref<16400xi32, #tpu.memory_space<vmem>>, vector<16xi32>, vector<16xi1>
          %swap3A_106 = arith.index_cast %scan3A_84 : i32 to index
          %swap3A_107 = tpu.vector_load %arg10[%swap3A_106] masked %and3A {strides = array<i32>} : memref<16400xi32, #tpu.memory_space<vmem>>, vector<16xi32>, vector<16xi1>
          tpu.vector_store %arg10[%swap3A_106], %add3A_104 masked %and3A {strides = array<i32>} : memref<16400xi32, #tpu.memory_space<vmem>>, vector<16xi32>, vector<16xi1>
        } else {
        }
        %add3A_97 = arith.addi %scan3A_84, %squeeze3A : i32
        scf.yield %add3A_97 : i32
      }
      %scan3A_82 = arith.constant 32 : i32
      scf.yield %scan3A_81 : i32
    }
    %scan3A_19 = arith.constant 32 : i32
    %scan3A_20 = arith.constant 0 : i32
    %scan3A_21 = arith.constant 0 : i32
    %scan3A_22 = arith.constant 32 : i32
    %scan3A_23 = arith.addi %scan3A_21, %scan3A_22 : i32
    %scan3A_24 = arith.constant 1 : i32
    %scan3A_25 = scf.for %scan3A_73 = %scan3A_21 to %scan3A_23 step %scan3A_24 iter_args(%scan3A_74 = %scan3A_20) -> (i32)  : i32 {
      %mul3A_75 = arith.constant 512 : i32
      %mul3A_76 = arith.muli %scan3A_73, %mul3A_75 : i32
      "tpu.region"() ({
        %run_scoped3A = tpu.sem_alloc : memref<!tpu.dma_semaphore, #tpu.memory_space<semaphore_mem>>
        %dma_start3A_83 = tpu.memref_slice %arg3[%mul3A_76] : memref<16384xi32, #tpu.memory_space<hbm>> -> memref<512xi32, #tpu.memory_space<hbm>>
        %dma_start3A_84 = tpu.memref_slice %arg3[%mul3A_76] : memref<16384xi32, #tpu.memory_space<hbm>> -> memref<512xi32, #tpu.memory_space<hbm>>
        tpu.enqueue_dma source(%dma_start3A_84 : memref<512xi32, #tpu.memory_space<hbm>>) target(%arg8 : memref<512xi32, #tpu.memory_space<vmem>>) target_semaphore(%run_scoped3A : memref<!tpu.dma_semaphore, #tpu.memory_space<semaphore_mem>>)
        %dma_wait3A = tpu.memref_slice %arg3[%mul3A_76] : memref<16384xi32, #tpu.memory_space<hbm>> -> memref<512xi32, #tpu.memory_space<hbm>>
        %dma_wait3A_85 = tpu.memref_slice %arg3[%mul3A_76] : memref<16384xi32, #tpu.memory_space<hbm>> -> memref<512xi32, #tpu.memory_space<hbm>>
        tpu.wait_dma2 semaphore(%run_scoped3A : memref<!tpu.dma_semaphore, #tpu.memory_space<semaphore_mem>>) src(%dma_wait3A_85 : memref<512xi32, #tpu.memory_space<hbm>>) dst(%arg8 : memref<512xi32, #tpu.memory_space<vmem>>)
        tpu.yield
      }) : () -> ()
      %scan3A_77 = arith.constant 0 : i32
      %scan3A_78 = arith.constant 32 : i32
      %scan3A_79 = arith.addi %scan3A_77, %scan3A_78 : i32
      %scan3A_80 = arith.constant 1 : i32
      %scan3A_81 = scf.for %scan3A_83 = %scan3A_77 to %scan3A_79 step %scan3A_80 iter_args(%scan3A_84 = %scan3A_74) -> (i32)  : i32 {
        %mul3A_85 = arith.constant 16 : i32
        %mul3A_86 = arith.muli %scan3A_83, %mul3A_85 : i32
        %get3A = arith.index_cast %mul3A_86 : i32 to index
        %get3A_87 = tpu.vector_load %arg8[%get3A] {strides = array<i32>} : memref<512xi32, #tpu.memory_space<vmem>>, vector<16xi32>,
        %shift_right_logical3A = arith.constant 7 : i32
        %shift_right_logical3A_88 = vector.broadcast %shift_right_logical3A : i32 to vector<16xi32>
        %shift_right_logical3A_89 = arith.shrui %get3A_87, %shift_right_logical3A_88 : vector<16xi32>
        %ge3A = vector.broadcast %add3A_4 : i32 to vector<16xi32>
        %ge3A_90 = arith.cmpi sge, %shift_right_logical3A_89, %ge3A : vector<16xi32>
        %lt3A_91 = vector.broadcast %add3A_9 : i32 to vector<16xi32>
        %lt3A_92 = arith.cmpi slt, %shift_right_logical3A_89, %lt3A_91 : vector<16xi32>
        %and3A = arith.andi %ge3A_90, %lt3A_92 : vector<16xi1>
        %all_reduce_population_count3A = tpu.all_reduce %and3A {dim = 0 : i64, kind = #tpu.reduction_kind<sum>} : vector<16xi1> -> vector<16xi32>
        %slice3A = vector.extract_strided_slice %all_reduce_population_count3A {offsets = [0], sizes = [1], strides = [1]} : vector<16xi32> to vector<1xi32>
        %squeeze3A = vector.extract %slice3A[0] : i32 from vector<1xi32>
        %gt3A = arith.constant 0 : i32
        %gt3A_93 = arith.cmpi sgt, %squeeze3A, %gt3A : i32
        %convert_element_type3A_94 = arith.extui %gt3A_93 : i1 to i32
        %cond3A_95 = arith.constant 0 : i32
        %cond3A_96 = arith.cmpi ne, %convert_element_type3A_94, %cond3A_95 : i32
        scf.if %cond3A_96 {
          %mul3A_98 = arith.constant 512 : i32
          %mul3A_99 = arith.muli %scan3A_73, %mul3A_98 : i32
          %mul3A_100 = arith.constant 16 : i32
          %mul3A_101 = arith.muli %scan3A_83, %mul3A_100 : i32
          %add3A_102 = arith.addi %mul3A_99, %mul3A_101 : i32
          %add3A_103 = vector.broadcast %add3A_102 : i32 to vector<16xi32>
          %add3A_104 = arith.addi %add3A_103, %iota3A : vector<16xi32>
          %swap3A = arith.index_cast %scan3A_84 : i32 to index
          %swap3A_105 = tpu.vector_load %arg11[%swap3A] masked %and3A {strides = array<i32>} : memref<16400xi32, #tpu.memory_space<vmem>>, vector<16xi32>, vector<16xi1>
          tpu.vector_store %arg11[%swap3A], %get3A_87 masked %and3A {strides = array<i32>} : memref<16400xi32, #tpu.memory_space<vmem>>, vector<16xi32>, vector<16xi1>
          %swap3A_106 = arith.index_cast %scan3A_84 : i32 to index
          %swap3A_107 = tpu.vector_load %arg12[%swap3A_106] masked %and3A {strides = array<i32>} : memref<16400xi32, #tpu.memory_space<vmem>>, vector<16xi32>, vector<16xi1>
          tpu.vector_store %arg12[%swap3A_106], %add3A_104 masked %and3A {strides = array<i32>} : memref<16400xi32, #tpu.memory_space<vmem>>, vector<16xi32>, vector<16xi1>
        } else {
        }
        %add3A_97 = arith.addi %scan3A_84, %squeeze3A : i32
        scf.yield %add3A_97 : i32
      }
      %scan3A_82 = arith.constant 32 : i32
      scf.yield %scan3A_81 : i32
    }
    %scan3A_26 = arith.constant 32 : i32
    %mul3A_27 = arith.constant 128 : i32
    %mul3A_28 = arith.muli %add3A_4, %mul3A_27 : i32
    %dma_start3A = arith.constant 0 : i32
    %dma_start3A_29 = arith.constant 0 : i32
    %dma_start3A_30 = arith.constant 0 : i32
    %dma_start3A_31 = tpu.memref_slice %arg15[%dma_start3A, %dma_start3A_29, %dma_start3A_30] : memref<2x64x128xf32, #tpu.memory_space<vmem>> -> memref<1x64x128xf32, #tpu.memory_space<vmem>>
    %dma_start3A_32 = tpu.memref_squeeze %dma_start3A_31 : memref<1x64x128xf32, #tpu.memory_space<vmem>> -> memref<64x128xf32, #tpu.memory_space<vmem>>
    %dma_start3A_33 = arith.constant 0 : i32
    %dma_start3A_34 = tpu.memref_slice %arg4[%dma_start3A_33, %mul3A_28] : memref<64x1000000xf32, #tpu.memory_space<hbm>> -> memref<64x128xf32, #tpu.memory_space<hbm>>
    %dma_start3A_35 = arith.constant 0 : i32
    %dma_start3A_36 = arith.constant 0 : i32
    %dma_start3A_37 = tpu.memref_slice %arg15[%dma_start3A, %dma_start3A_35, %dma_start3A_36] : memref<2x64x128xf32, #tpu.memory_space<vmem>> -> memref<1x64x128xf32, #tpu.memory_space<vmem>>
    %dma_start3A_38 = tpu.memref_squeeze %dma_start3A_37 : memref<1x64x128xf32, #tpu.memory_space<vmem>> -> memref<64x128xf32, #tpu.memory_space<vmem>>
    %dma_start3A_39 = arith.constant 0 : i32
    %dma_start3A_40 = tpu.memref_slice %arg4[%dma_start3A_39, %mul3A_28] : memref<64x1000000xf32, #tpu.memory_space<hbm>> -> memref<64x128xf32, #tpu.memory_space<hbm>>
    tpu.enqueue_dma source(%dma_start3A_40 : memref<64x128xf32, #tpu.memory_space<hbm>>) target(%dma_start3A_38 : memref<64x128xf32, #tpu.memory_space<vmem>>) target_semaphore(%arg20 : memref<!tpu.dma_semaphore, #tpu.memory_space<semaphore_mem>>)
    %dma_start3A_41 = arith.constant 0 : i32
    %dma_start3A_42 = arith.constant 0 : i32
    %dma_start3A_43 = arith.constant 0 : i32
    %dma_start3A_44 = tpu.memref_slice %arg16[%dma_start3A_41, %dma_start3A_42, %dma_start3A_43] : memref<2x64x128xf32, #tpu.memory_space<vmem>> -> memref<1x64x128xf32, #tpu.memory_space<vmem>>
    %dma_start3A_45 = tpu.memref_squeeze %dma_start3A_44 : memref<1x64x128xf32, #tpu.memory_space<vmem>> -> memref<64x128xf32, #tpu.memory_space<vmem>>
    %dma_start3A_46 = arith.constant 0 : i32
    %dma_start3A_47 = tpu.memref_slice %arg5[%dma_start3A_46, %mul3A_28] : memref<64x1000000xf32, #tpu.memory_space<hbm>> -> memref<64x128xf32, #tpu.memory_space<hbm>>
    %dma_start3A_48 = arith.constant 0 : i32
    %dma_start3A_49 = arith.constant 0 : i32
    %dma_start3A_50 = tpu.memref_slice %arg16[%dma_start3A_41, %dma_start3A_48, %dma_start3A_49] : memref<2x64x128xf32, #tpu.memory_space<vmem>> -> memref<1x64x128xf32, #tpu.memory_space<vmem>>
    %dma_start3A_51 = tpu.memref_squeeze %dma_start3A_50 : memref<1x64x128xf32, #tpu.memory_space<vmem>> -> memref<64x128xf32, #tpu.memory_space<vmem>>
    %dma_start3A_52 = arith.constant 0 : i32
    %dma_start3A_53 = tpu.memref_slice %arg5[%dma_start3A_52, %mul3A_28] : memref<64x1000000xf32, #tpu.memory_space<hbm>> -> memref<64x128xf32, #tpu.memory_space<hbm>>
    tpu.enqueue_dma source(%dma_start3A_53 : memref<64x128xf32, #tpu.memory_space<hbm>>) target(%dma_start3A_51 : memref<64x128xf32, #tpu.memory_space<vmem>>) target_semaphore(%arg20 : memref<!tpu.dma_semaphore, #tpu.memory_space<semaphore_mem>>)
    %while3A = arith.constant 0 : i32
    %while3A_54 = arith.constant 0 : i32
    %while3A_55 = arith.constant 0 : i32
    %while3A_56 = arith.subi %sub3A, %while3A : i32
    %while3A_57 = arith.addi %while3A, %while3A_56 : i32
    %while3A_58 = arith.constant 1 : i32
    %while3A_59 = arith.divsi %while3A_56, %while3A_58 : i32
    %while3A_60 = arith.muli %while3A_59, %while3A_58 : i32
    %while3A_61 = arith.addi %while3A, %while3A_60 : i32
    %while3A_62 = arith.constant 1 : i32
    %while3A_63:2 = scf.for %while3A_73 = %while3A to %while3A_61 step %while3A_62 iter_args(%while3A_74 = %while3A_54, %while3A_75 = %while3A_55) -> (i32, i32)  : i32 {
      %add3A_76 = arith.addi %add3A_4, %while3A_73 : i32
      %rem3A = arith.constant 2 : i32
      %rem3A_77 = arith.remsi %while3A_73, %rem3A : i32
      %dma_wait3A = arith.constant 0 : i32
      %dma_wait3A_78 = arith.constant 0 : i32
      %dma_wait3A_79 = arith.constant 0 : i32
      %dma_wait3A_80 = tpu.memref_slice %arg15[%dma_wait3A, %dma_wait3A_78, %dma_wait3A_79] : memref<2x64x128xf32, #tpu.memory_space<vmem>> -> memref<1x64x128xf32, #tpu.memory_space<vmem>>
      %dma_wait3A_81 = tpu.memref_squeeze %dma_wait3A_80 : memref<1x64x128xf32, #tpu.memory_space<vmem>> -> memref<64x128xf32, #tpu.memory_space<vmem>>
      %dma_wait3A_82 = arith.constant 0 : i32
      %dma_wait3A_83 = arith.constant 0 : i32
      %dma_wait3A_84 = tpu.memref_slice %arg4[%dma_wait3A_82, %dma_wait3A_83] : memref<64x1000000xf32, #tpu.memory_space<hbm>> -> memref<64x128xf32, #tpu.memory_space<hbm>>
      %dma_wait3A_85 = arith.constant 0 : i32
      %dma_wait3A_86 = arith.constant 0 : i32
      %dma_wait3A_87 = tpu.memref_slice %arg15[%dma_wait3A, %dma_wait3A_85, %dma_wait3A_86] : memref<2x64x128xf32, #tpu.memory_space<vmem>> -> memref<1x64x128xf32, #tpu.memory_space<vmem>>
      %dma_wait3A_88 = tpu.memref_squeeze %dma_wait3A_87 : memref<1x64x128xf32, #tpu.memory_space<vmem>> -> memref<64x128xf32, #tpu.memory_space<vmem>>
      %dma_wait3A_89 = arith.constant 0 : i32
      %dma_wait3A_90 = arith.constant 0 : i32
      %dma_wait3A_91 = tpu.memref_slice %arg4[%dma_wait3A_89, %dma_wait3A_90] : memref<64x1000000xf32, #tpu.memory_space<hbm>> -> memref<64x128xf32, #tpu.memory_space<hbm>>
      tpu.wait_dma2 semaphore(%arg20 : memref<!tpu.dma_semaphore, #tpu.memory_space<semaphore_mem>>) src(%dma_wait3A_91 : memref<64x128xf32, #tpu.memory_space<hbm>>) dst(%dma_wait3A_88 : memref<64x128xf32, #tpu.memory_space<vmem>>)
      %dma_wait3A_92 = arith.constant 0 : i32
      %dma_wait3A_93 = arith.constant 0 : i32
      %dma_wait3A_94 = arith.constant 0 : i32
      %dma_wait3A_95 = tpu.memref_slice %arg16[%dma_wait3A_92, %dma_wait3A_93, %dma_wait3A_94] : memref<2x64x128xf32, #tpu.memory_space<vmem>> -> memref<1x64x128xf32, #tpu.memory_space<vmem>>
      %dma_wait3A_96 = tpu.memref_squeeze %dma_wait3A_95 : memref<1x64x128xf32, #tpu.memory_space<vmem>> -> memref<64x128xf32, #tpu.memory_space<vmem>>
      %dma_wait3A_97 = arith.constant 0 : i32
      %dma_wait3A_98 = arith.constant 0 : i32
      %dma_wait3A_99 = tpu.memref_slice %arg4[%dma_wait3A_97, %dma_wait3A_98] : memref<64x1000000xf32, #tpu.memory_space<hbm>> -> memref<64x128xf32, #tpu.memory_space<hbm>>
      %dma_wait3A_100 = arith.constant 0 : i32
      %dma_wait3A_101 = arith.constant 0 : i32
      %dma_wait3A_102 = tpu.memref_slice %arg16[%dma_wait3A_92, %dma_wait3A_100, %dma_wait3A_101] : memref<2x64x128xf32, #tpu.memory_space<vmem>> -> memref<1x64x128xf32, #tpu.memory_space<vmem>>
      %dma_wait3A_103 = tpu.memref_squeeze %dma_wait3A_102 : memref<1x64x128xf32, #tpu.memory_space<vmem>> -> memref<64x128xf32, #tpu.memory_space<vmem>>
      %dma_wait3A_104 = arith.constant 0 : i32
      %dma_wait3A_105 = arith.constant 0 : i32
      %dma_wait3A_106 = tpu.memref_slice %arg4[%dma_wait3A_104, %dma_wait3A_105] : memref<64x1000000xf32, #tpu.memory_space<hbm>> -> memref<64x128xf32, #tpu.memory_space<hbm>>
      tpu.wait_dma2 semaphore(%arg20 : memref<!tpu.dma_semaphore, #tpu.memory_space<semaphore_mem>>) src(%dma_wait3A_106 : memref<64x128xf32, #tpu.memory_space<hbm>>) dst(%dma_wait3A_103 : memref<64x128xf32, #tpu.memory_space<vmem>>)
      %add3A_107 = arith.constant 1 : i32
      %add3A_108 = arith.addi %while3A_73, %add3A_107 : i32
      %lt3A_109 = arith.cmpi slt, %add3A_108, %sub3A : i32
      %convert_element_type3A_110 = arith.extui %lt3A_109 : i1 to i32
      %cond3A_111 = arith.constant 0 : i32
      %cond3A_112 = arith.cmpi ne, %convert_element_type3A_110, %cond3A_111 : i32
      scf.if %cond3A_112 {
        %add3A_142 = arith.constant 1 : i32
        %add3A_143 = arith.addi %add3A_76, %add3A_142 : i32
        %sub3A_144 = arith.constant 1 : i32
        %sub3A_145 = arith.subi %sub3A_144, %rem3A_77 : i32
        %mul3A_146 = arith.constant 128 : i32
        %mul3A_147 = arith.muli %add3A_143, %mul3A_146 : i32
        %dma_start3A_148 = arith.constant 0 : i32
        %dma_start3A_149 = arith.constant 0 : i32
        %dma_start3A_150 = tpu.memref_slice %arg15[%sub3A_145, %dma_start3A_148, %dma_start3A_149] : memref<2x64x128xf32, #tpu.memory_space<vmem>> -> memref<1x64x128xf32, #tpu.memory_space<vmem>>
        %dma_start3A_151 = tpu.memref_squeeze %dma_start3A_150 : memref<1x64x128xf32, #tpu.memory_space<vmem>> -> memref<64x128xf32, #tpu.memory_space<vmem>>
        %dma_start3A_152 = arith.constant 0 : i32
        %dma_start3A_153 = tpu.memref_slice %arg4[%dma_start3A_152, %mul3A_147] : memref<64x1000000xf32, #tpu.memory_space<hbm>> -> memref<64x128xf32, #tpu.memory_space<hbm>>
        %dma_start3A_154 = arith.constant 0 : i32
        %dma_start3A_155 = arith.constant 0 : i32
        %dma_start3A_156 = tpu.memref_slice %arg15[%sub3A_145, %dma_start3A_154, %dma_start3A_155] : memref<2x64x128xf32, #tpu.memory_space<vmem>> -> memref<1x64x128xf32, #tpu.memory_space<vmem>>
        %dma_start3A_157 = tpu.memref_squeeze %dma_start3A_156 : memref<1x64x128xf32, #tpu.memory_space<vmem>> -> memref<64x128xf32, #tpu.memory_space<vmem>>
        %dma_start3A_158 = arith.constant 0 : i32
        %dma_start3A_159 = tpu.memref_slice %arg4[%dma_start3A_158, %mul3A_147] : memref<64x1000000xf32, #tpu.memory_space<hbm>> -> memref<64x128xf32, #tpu.memory_space<hbm>>
        tpu.enqueue_dma source(%dma_start3A_159 : memref<64x128xf32, #tpu.memory_space<hbm>>) target(%dma_start3A_157 : memref<64x128xf32, #tpu.memory_space<vmem>>) target_semaphore(%arg20 : memref<!tpu.dma_semaphore, #tpu.memory_space<semaphore_mem>>)
        %dma_start3A_160 = arith.constant 0 : i32
        %dma_start3A_161 = arith.constant 0 : i32
        %dma_start3A_162 = tpu.memref_slice %arg16[%sub3A_145, %dma_start3A_160, %dma_start3A_161] : memref<2x64x128xf32, #tpu.memory_space<vmem>> -> memref<1x64x128xf32, #tpu.memory_space<vmem>>
        %dma_start3A_163 = tpu.memref_squeeze %dma_start3A_162 : memref<1x64x128xf32, #tpu.memory_space<vmem>> -> memref<64x128xf32, #tpu.memory_space<vmem>>
        %dma_start3A_164 = arith.constant 0 : i32
        %dma_start3A_165 = tpu.memref_slice %arg5[%dma_start3A_164, %mul3A_147] : memref<64x1000000xf32, #tpu.memory_space<hbm>> -> memref<64x128xf32, #tpu.memory_space<hbm>>
        %dma_start3A_166 = arith.constant 0 : i32
        %dma_start3A_167 = arith.constant 0 : i32
        %dma_start3A_168 = tpu.memref_slice %arg16[%sub3A_145, %dma_start3A_166, %dma_start3A_167] : memref<2x64x128xf32, #tpu.memory_space<vmem>> -> memref<1x64x128xf32, #tpu.memory_space<vmem>>
        %dma_start3A_169 = tpu.memref_squeeze %dma_start3A_168 : memref<1x64x128xf32, #tpu.memory_space<vmem>> -> memref<64x128xf32, #tpu.memory_space<vmem>>
        %dma_start3A_170 = arith.constant 0 : i32
        %dma_start3A_171 = tpu.memref_slice %arg5[%dma_start3A_170, %mul3A_147] : memref<64x1000000xf32, #tpu.memory_space<hbm>> -> memref<64x128xf32, #tpu.memory_space<hbm>>
        tpu.enqueue_dma source(%dma_start3A_171 : memref<64x128xf32, #tpu.memory_space<hbm>>) target(%dma_start3A_169 : memref<64x128xf32, #tpu.memory_space<vmem>>) target_semaphore(%arg20 : memref<!tpu.dma_semaphore, #tpu.memory_space<semaphore_mem>>)
      } else {
      }
      %add3A_113 = arith.constant 15 : i32
      %add3A_114 = arith.addi %scan3A_18, %add3A_113 : i32
      %shift_right_logical3A = arith.constant 4 : i32
      %shift_right_logical3A_115 = arith.shrui %add3A_114, %shift_right_logical3A : i32
      %while3A_116 = arith.constant 0 : i32
      %while3A_117 = arith.subi %shift_right_logical3A_115, %while3A_116 : i32
      %while3A_118 = arith.addi %while3A_116, %while3A_117 : i32
      %while3A_119 = arith.constant 1 : i32
      %while3A_120 = arith.divsi %while3A_117, %while3A_119 : i32
      %while3A_121 = arith.muli %while3A_120, %while3A_119 : i32
      %while3A_122 = arith.addi %while3A_116, %while3A_121 : i32
      %while3A_123 = arith.constant 1 : i32
      %while3A_124:2 = scf.for %while3A_142 = %while3A_116 to %while3A_122 step %while3A_123 iter_args(%while3A_143 = %while3A_74, %while3A_144 = %while3A_75) -> (i32, i32)  : i32 {
        %mul3A_145 = arith.constant 16 : i32
        %mul3A_146 = arith.muli %while3A_142, %mul3A_145 : i32
        %get3A = arith.index_cast %mul3A_146 : i32 to index
        %get3A_147 = tpu.vector_load %arg9[%get3A] {strides = array<i32>} : memref<16400xi32, #tpu.memory_space<vmem>>, vector<16xi32>,
        %shift_right_logical3A_148 = arith.constant 7 : i32
        %shift_right_logical3A_149 = vector.broadcast %shift_right_logical3A_148 : i32 to vector<16xi32>
        %shift_right_logical3A_150 = arith.shrui %get3A_147, %shift_right_logical3A_149 : vector<16xi32>
        %eq3A_151 = vector.broadcast %add3A_76 : i32 to vector<16xi32>
        %eq3A_152 = arith.cmpi eq, %shift_right_logical3A_150, %eq3A_151 : vector<16xi32>
        %all_reduce_population_count3A = tpu.all_reduce %eq3A_152 {dim = 0 : i64, kind = #tpu.reduction_kind<sum>} : vector<16xi1> -> vector<16xi32>
        %slice3A = vector.extract_strided_slice %all_reduce_population_count3A {offsets = [0], sizes = [1], strides = [1]} : vector<16xi32> to vector<1xi32>
        %squeeze3A = vector.extract %slice3A[0] : i32 from vector<1xi32>
        %gt3A = arith.constant 0 : i32
        %gt3A_153 = arith.cmpi sgt, %squeeze3A, %gt3A : i32
        %sub3A_154 = arith.subi %while3A_143, %while3A_144 : i32
        %gt3A_155 = arith.constant 48 : i32
        %gt3A_156 = arith.cmpi sgt, %sub3A_154, %gt3A_155 : i32
        %and3A = arith.andi %gt3A_153, %gt3A_156 : i1
        %convert_element_type3A_157 = arith.extui %and3A : i1 to i32
        %cond3A_158 = arith.constant 0 : i32
        %cond3A_159 = arith.cmpi ne, %convert_element_type3A_157, %cond3A_158 : i32
        %cond3A_160 = scf.if %cond3A_159 -> (i32) {
          %sub3A_167 = arith.subi %while3A_143, %while3A_144 : i32
          %while3A_168 = arith.constant 0 : i32
          %while3A_169 = arith.constant 0 : i32
          %while3A_170 = arith.subi %sub3A_167, %while3A_168 : i32
          %while3A_171 = arith.addi %while3A_168, %while3A_170 : i32
          %while3A_172 = arith.constant 1 : i32
          %while3A_173 = arith.divsi %while3A_170, %while3A_172 : i32
          %while3A_174 = arith.muli %while3A_173, %while3A_172 : i32
          %while3A_175 = arith.addi %while3A_168, %while3A_174 : i32
          %while3A_176 = arith.constant 1 : i32
          %while3A_177 = scf.for %while3A_180 = %while3A_168 to %while3A_175 step %while3A_176 iter_args(%while3A_181 = %while3A_169) -> (i32)  : i32 {
            %dma_wait3A_182 = arith.constant 0 : i32
            %dma_wait3A_183 = arith.constant 0 : i32
            %dma_wait3A_184 = tpu.memref_slice %arg19[%dma_wait3A_182, %dma_wait3A_183] : memref<64x64xf32, #tpu.memory_space<vmem>> -> memref<1x64xf32, #tpu.memory_space<vmem>>
            %dma_wait3A_185 = tpu.memref_squeeze %dma_wait3A_184 : memref<1x64xf32, #tpu.memory_space<vmem>> -> memref<64xf32, #tpu.memory_space<vmem>>
            %dma_wait3A_186 = arith.constant 0 : i32
            %dma_wait3A_187 = tpu.memref_slice %arg6[%dma_wait3A_186] : memref<1048576xf32, #tpu.memory_space<hbm>> -> memref<64xf32, #tpu.memory_space<hbm>>
            %dma_wait3A_188 = arith.constant 0 : i32
            %dma_wait3A_189 = tpu.memref_slice %arg19[%dma_wait3A_182, %dma_wait3A_188] : memref<64x64xf32, #tpu.memory_space<vmem>> -> memref<1x64xf32, #tpu.memory_space<vmem>>
            %dma_wait3A_190 = tpu.memref_squeeze %dma_wait3A_189 : memref<1x64xf32, #tpu.memory_space<vmem>> -> memref<64xf32, #tpu.memory_space<vmem>>
            %dma_wait3A_191 = arith.constant 0 : i32
            %dma_wait3A_192 = tpu.memref_slice %arg6[%dma_wait3A_191] : memref<1048576xf32, #tpu.memory_space<hbm>> -> memref<64xf32, #tpu.memory_space<hbm>>
            tpu.wait_dma2 semaphore(%arg21 : memref<!tpu.dma_semaphore, #tpu.memory_space<semaphore_mem>>) src(%dma_wait3A_192 : memref<64xf32, #tpu.memory_space<hbm>>) dst(%dma_wait3A_190 : memref<64xf32, #tpu.memory_space<vmem>>)
            %while3A_193 = arith.constant 0 : i32
            scf.yield %while3A_193 : i32
          }
          %while3A_178 = arith.constant 1 : i32
          %while3A_179 = scf.for %while3A_180 = %while3A_175 to %while3A_171 step %while3A_178 iter_args(%while3A_181 = %while3A_177) -> (i32)  : i32 {
            %dma_wait3A_182 = arith.constant 0 : i32
            %dma_wait3A_183 = arith.constant 0 : i32
            %dma_wait3A_184 = tpu.memref_slice %arg19[%dma_wait3A_182, %dma_wait3A_183] : memref<64x64xf32, #tpu.memory_space<vmem>> -> memref<1x64xf32, #tpu.memory_space<vmem>>
            %dma_wait3A_185 = tpu.memref_squeeze %dma_wait3A_184 : memref<1x64xf32, #tpu.memory_space<vmem>> -> memref<64xf32, #tpu.memory_space<vmem>>
            %dma_wait3A_186 = arith.constant 0 : i32
            %dma_wait3A_187 = tpu.memref_slice %arg6[%dma_wait3A_186] : memref<1048576xf32, #tpu.memory_space<hbm>> -> memref<64xf32, #tpu.memory_space<hbm>>
            %dma_wait3A_188 = arith.constant 0 : i32
            %dma_wait3A_189 = tpu.memref_slice %arg19[%dma_wait3A_182, %dma_wait3A_188] : memref<64x64xf32, #tpu.memory_space<vmem>> -> memref<1x64xf32, #tpu.memory_space<vmem>>
            %dma_wait3A_190 = tpu.memref_squeeze %dma_wait3A_189 : memref<1x64xf32, #tpu.memory_space<vmem>> -> memref<64xf32, #tpu.memory_space<vmem>>
            %dma_wait3A_191 = arith.constant 0 : i32
            %dma_wait3A_192 = tpu.memref_slice %arg6[%dma_wait3A_191] : memref<1048576xf32, #tpu.memory_space<hbm>> -> memref<64xf32, #tpu.memory_space<hbm>>
            tpu.wait_dma2 semaphore(%arg21 : memref<!tpu.dma_semaphore, #tpu.memory_space<semaphore_mem>>) src(%dma_wait3A_192 : memref<64xf32, #tpu.memory_space<hbm>>) dst(%dma_wait3A_190 : memref<64xf32, #tpu.memory_space<vmem>>)
            %while3A_193 = arith.constant 0 : i32
            scf.yield %while3A_193 : i32
          }
          scf.yield %while3A_143 : i32
        } else {
          scf.yield %while3A_144 : i32
        }
        %gt3A_161 = arith.constant 0 : i32
        %gt3A_162 = arith.cmpi sgt, %squeeze3A, %gt3A_161 : i32
        %convert_element_type3A_163 = arith.extui %gt3A_162 : i1 to i32
        %cond3A_164 = arith.constant 0 : i32
        %cond3A_165 = arith.cmpi ne, %convert_element_type3A_163, %cond3A_164 : i32
        scf.if %cond3A_165 {
          %and3A_167 = arith.constant 127 : i32
          %and3A_168 = vector.broadcast %and3A_167 : i32 to vector<16xi32>
          %and3A_169 = arith.andi %get3A_147, %and3A_168 : vector<16xi32>
          %swap3A = arith.constant 0 : index
          %swap3A_170 = tpu.vector_load %arg13[%swap3A] masked %eq3A_152 {strides = array<i32>} : memref<32xi32, #tpu.memory_space<vmem>>, vector<16xi32>, vector<16xi1>
          tpu.vector_store %arg13[%swap3A], %and3A_169 masked %eq3A_152 {strides = array<i32>} : memref<32xi32, #tpu.memory_space<vmem>>, vector<16xi32>, vector<16xi1>
          %get3A_171 = arith.index_cast %mul3A_146 : i32 to index
          %get3A_172 = tpu.vector_load %arg10[%get3A_171] {strides = array<i32>} : memref<16400xi32, #tpu.memory_space<vmem>>, vector<16xi32>,
          %swap3A_173 = arith.constant 0 : index
          %swap3A_174 = tpu.vector_load %arg14[%swap3A_173] masked %eq3A_152 {strides = array<i32>} : memref<32xi32, #tpu.memory_space<vmem>>, vector<16xi32>, vector<16xi1>
          tpu.vector_store %arg14[%swap3A_173], %get3A_172 masked %eq3A_152 {strides = array<i32>} : memref<32xi32, #tpu.memory_space<vmem>>, vector<16xi32>, vector<16xi1>
          %while3A_175 = arith.constant 0 : i32
          %while3A_176 = arith.constant 0 : i32
          %while3A_177 = arith.subi %squeeze3A, %while3A_175 : i32
          %while3A_178 = arith.addi %while3A_175, %while3A_177 : i32
          %while3A_179 = arith.constant 1 : i32
          %while3A_180 = arith.divsi %while3A_177, %while3A_179 : i32
          %while3A_181 = arith.muli %while3A_180, %while3A_179 : i32
          %while3A_182 = arith.addi %while3A_175, %while3A_181 : i32
          %while3A_183 = arith.constant 1 : i32
          %while3A_184 = scf.for %while3A_187 = %while3A_175 to %while3A_182 step %while3A_183 iter_args(%while3A_188 = %while3A_176) -> (i32)  : i32 {
            %get3A_189 = arith.index_cast %while3A_187 : i32 to index
            %get3A_190 = tpu.vector_load %arg13[%get3A_189] {strides = array<i32>} : memref<32xi32, #tpu.memory_space<vmem>>, vector<16xi32>,
            %slice3A_191 = vector.extract_strided_slice %get3A_190 {offsets = [0], sizes = [1], strides = [1]} : vector<16xi32> to vector<1xi32>
            %squeeze3A_192 = vector.extract %slice3A_191[0] : i32 from vector<1xi32>
            %get3A_193 = arith.index_cast %while3A_187 : i32 to index
            %get3A_194 = tpu.vector_load %arg14[%get3A_193] {strides = array<i32>} : memref<32xi32, #tpu.memory_space<vmem>>, vector<16xi32>,
            %slice3A_195 = vector.extract_strided_slice %get3A_194 {offsets = [0], sizes = [1], strides = [1]} : vector<16xi32> to vector<1xi32>
            %squeeze3A_196 = vector.extract %slice3A_195[0] : i32 from vector<1xi32>
            %add3A_197 = arith.addi %while3A_143, %while3A_187 : i32
            %and3A_198 = arith.constant 63 : i32
            %and3A_199 = arith.andi %add3A_197, %and3A_198 : i32
            %add3A_200 = arith.constant 0 : i32
            %add3A_201 = vector.broadcast %add3A_200 : i32 to vector<16xi32>
            %add3A_202 = arith.addi %add3A_201, %iota3A : vector<16xi32>
            %broadcast_in_dim3A = vector.broadcast %rem3A_77 : i32 to vector<16xi32>
            %broadcast_in_dim3A_203 = vector.broadcast %squeeze3A_192 : i32 to vector<16xi32>
            %gather3A = tpu.vector_load_idx %arg15[%broadcast_in_dim3A, %add3A_202, %broadcast_in_dim3A_203] : memref<2x64x128xf32, #tpu.memory_space<vmem>>[vector<16xi32>, vector<16xi32>, vector<16xi32>], vector<16xf32>,
            %swap3A_204 = arith.index_cast %and3A_199 : i32 to index
            %swap3A_205 = arith.constant 0 : index
            %swap3A_206 = tpu.vector_load %arg19[%swap3A_204, %swap3A_205] {strides = array<i32>} : memref<64x64xf32, #tpu.memory_space<vmem>>, vector<16xf32>,
            tpu.vector_store %arg19[%swap3A_204, %swap3A_205], %gather3A {strides = array<i32>} : memref<64x64xf32, #tpu.memory_space<vmem>>, vector<16xf32>,
            %add3A_207 = arith.constant 16 : i32
            %add3A_208 = vector.broadcast %add3A_207 : i32 to vector<16xi32>
            %add3A_209 = arith.addi %add3A_208, %iota3A : vector<16xi32>
            %broadcast_in_dim3A_210 = vector.broadcast %rem3A_77 : i32 to vector<16xi32>
            %broadcast_in_dim3A_211 = vector.broadcast %squeeze3A_192 : i32 to vector<16xi32>
            %gather3A_212 = tpu.vector_load_idx %arg15[%broadcast_in_dim3A_210, %add3A_209, %broadcast_in_dim3A_211] : memref<2x64x128xf32, #tpu.memory_space<vmem>>[vector<16xi32>, vector<16xi32>, vector<16xi32>], vector<16xf32>,
            %swap3A_213 = arith.index_cast %and3A_199 : i32 to index
            %swap3A_214 = arith.constant 16 : index
            %swap3A_215 = tpu.vector_load %arg19[%swap3A_213, %swap3A_214] {strides = array<i32>} : memref<64x64xf32, #tpu.memory_space<vmem>>, vector<16xf32>,
            tpu.vector_store %arg19[%swap3A_213, %swap3A_214], %gather3A_212 {strides = array<i32>} : memref<64x64xf32, #tpu.memory_space<vmem>>, vector<16xf32>,
            %add3A_216 = arith.constant 32 : i32
            %add3A_217 = vector.broadcast %add3A_216 : i32 to vector<16xi32>
            %add3A_218 = arith.addi %add3A_217, %iota3A : vector<16xi32>
            %broadcast_in_dim3A_219 = vector.broadcast %rem3A_77 : i32 to vector<16xi32>
            %broadcast_in_dim3A_220 = vector.broadcast %squeeze3A_192 : i32 to vector<16xi32>
            %gather3A_221 = tpu.vector_load_idx %arg15[%broadcast_in_dim3A_219, %add3A_218, %broadcast_in_dim3A_220] : memref<2x64x128xf32, #tpu.memory_space<vmem>>[vector<16xi32>, vector<16xi32>, vector<16xi32>], vector<16xf32>,
            %swap3A_222 = arith.index_cast %and3A_199 : i32 to index
            %swap3A_223 = arith.constant 32 : index
            %swap3A_224 = tpu.vector_load %arg19[%swap3A_222, %swap3A_223] {strides = array<i32>} : memref<64x64xf32, #tpu.memory_space<vmem>>, vector<16xf32>,
            tpu.vector_store %arg19[%swap3A_222, %swap3A_223], %gather3A_221 {strides = array<i32>} : memref<64x64xf32, #tpu.memory_space<vmem>>, vector<16xf32>,
            %add3A_225 = arith.constant 48 : i32
            %add3A_226 = vector.broadcast %add3A_225 : i32 to vector<16xi32>
            %add3A_227 = arith.addi %add3A_226, %iota3A : vector<16xi32>
            %broadcast_in_dim3A_228 = vector.broadcast %rem3A_77 : i32 to vector<16xi32>
            %broadcast_in_dim3A_229 = vector.broadcast %squeeze3A_192 : i32 to vector<16xi32>
            %gather3A_230 = tpu.vector_load_idx %arg15[%broadcast_in_dim3A_228, %add3A_227, %broadcast_in_dim3A_229] : memref<2x64x128xf32, #tpu.memory_space<vmem>>[vector<16xi32>, vector<16xi32>, vector<16xi32>], vector<16xf32>,
            %swap3A_231 = arith.index_cast %and3A_199 : i32 to index
            %swap3A_232 = arith.constant 48 : index
            %swap3A_233 = tpu.vector_load %arg19[%swap3A_231, %swap3A_232] {strides = array<i32>} : memref<64x64xf32, #tpu.memory_space<vmem>>, vector<16xf32>,
            tpu.vector_store %arg19[%swap3A_231, %swap3A_232], %gather3A_230 {strides = array<i32>} : memref<64x64xf32, #tpu.memory_space<vmem>>, vector<16xf32>,
            %mul3A_234 = arith.constant 64 : i32
            %mul3A_235 = arith.muli %squeeze3A_196, %mul3A_234 : i32
            %dma_start3A_236 = arith.constant 0 : i32
            %dma_start3A_237 = tpu.memref_slice %arg19[%and3A_199, %dma_start3A_236] : memref<64x64xf32, #tpu.memory_space<vmem>> -> memref<1x64xf32, #tpu.memory_space<vmem>>
            %dma_start3A_238 = tpu.memref_squeeze %dma_start3A_237 : memref<1x64xf32, #tpu.memory_space<vmem>> -> memref<64xf32, #tpu.memory_space<vmem>>
            %dma_start3A_239 = tpu.memref_slice %arg6[%mul3A_235] : memref<1048576xf32, #tpu.memory_space<hbm>> -> memref<64xf32, #tpu.memory_space<hbm>>
            %dma_start3A_240 = tpu.memref_slice %arg6[%mul3A_235] : memref<1048576xf32, #tpu.memory_space<hbm>> -> memref<64xf32, #tpu.memory_space<hbm>>
            %dma_start3A_241 = arith.constant 0 : i32
            %dma_start3A_242 = tpu.memref_slice %arg19[%and3A_199, %dma_start3A_241] : memref<64x64xf32, #tpu.memory_space<vmem>> -> memref<1x64xf32, #tpu.memory_space<vmem>>
            %dma_start3A_243 = tpu.memref_squeeze %dma_start3A_242 : memref<1x64xf32, #tpu.memory_space<vmem>> -> memref<64xf32, #tpu.memory_space<vmem>>
            tpu.enqueue_dma source(%dma_start3A_243 : memref<64xf32, #tpu.memory_space<vmem>>) target(%dma_start3A_240 : memref<64xf32, #tpu.memory_space<hbm>>) target_semaphore(%arg21 : memref<!tpu.dma_semaphore, #tpu.memory_space<semaphore_mem>>)
            %while3A_244 = arith.constant 0 : i32
            scf.yield %while3A_244 : i32
          }
          %while3A_185 = arith.constant 1 : i32
          %while3A_186 = scf.for %while3A_187 = %while3A_182 to %while3A_178 step %while3A_185 iter_args(%while3A_188 = %while3A_184) -> (i32)  : i32 {
            %get3A_189 = arith.index_cast %while3A_187 : i32 to index
            %get3A_190 = tpu.vector_load %arg13[%get3A_189] {strides = array<i32>} : memref<32xi32, #tpu.memory_space<vmem>>, vector<16xi32>,
            %slice3A_191 = vector.extract_strided_slice %get3A_190 {offsets = [0], sizes = [1], strides = [1]} : vector<16xi32> to vector<1xi32>
            %squeeze3A_192 = vector.extract %slice3A_191[0] : i32 from vector<1xi32>
            %get3A_193 = arith.index_cast %while3A_187 : i32 to index
            %get3A_194 = tpu.vector_load %arg14[%get3A_193] {strides = array<i32>} : memref<32xi32, #tpu.memory_space<vmem>>, vector<16xi32>,
            %slice3A_195 = vector.extract_strided_slice %get3A_194 {offsets = [0], sizes = [1], strides = [1]} : vector<16xi32> to vector<1xi32>
            %squeeze3A_196 = vector.extract %slice3A_195[0] : i32 from vector<1xi32>
            %add3A_197 = arith.addi %while3A_143, %while3A_187 : i32
            %and3A_198 = arith.constant 63 : i32
            %and3A_199 = arith.andi %add3A_197, %and3A_198 : i32
            %add3A_200 = arith.constant 0 : i32
            %add3A_201 = vector.broadcast %add3A_200 : i32 to vector<16xi32>
            %add3A_202 = arith.addi %add3A_201, %iota3A : vector<16xi32>
            %broadcast_in_dim3A = vector.broadcast %rem3A_77 : i32 to vector<16xi32>
            %broadcast_in_dim3A_203 = vector.broadcast %squeeze3A_192 : i32 to vector<16xi32>
            %gather3A = tpu.vector_load_idx %arg15[%broadcast_in_dim3A, %add3A_202, %broadcast_in_dim3A_203] : memref<2x64x128xf32, #tpu.memory_space<vmem>>[vector<16xi32>, vector<16xi32>, vector<16xi32>], vector<16xf32>,
            %swap3A_204 = arith.index_cast %and3A_199 : i32 to index
            %swap3A_205 = arith.constant 0 : index
            %swap3A_206 = tpu.vector_load %arg19[%swap3A_204, %swap3A_205] {strides = array<i32>} : memref<64x64xf32, #tpu.memory_space<vmem>>, vector<16xf32>,
            tpu.vector_store %arg19[%swap3A_204, %swap3A_205], %gather3A {strides = array<i32>} : memref<64x64xf32, #tpu.memory_space<vmem>>, vector<16xf32>,
            %add3A_207 = arith.constant 16 : i32
            %add3A_208 = vector.broadcast %add3A_207 : i32 to vector<16xi32>
            %add3A_209 = arith.addi %add3A_208, %iota3A : vector<16xi32>
            %broadcast_in_dim3A_210 = vector.broadcast %rem3A_77 : i32 to vector<16xi32>
            %broadcast_in_dim3A_211 = vector.broadcast %squeeze3A_192 : i32 to vector<16xi32>
            %gather3A_212 = tpu.vector_load_idx %arg15[%broadcast_in_dim3A_210, %add3A_209, %broadcast_in_dim3A_211] : memref<2x64x128xf32, #tpu.memory_space<vmem>>[vector<16xi32>, vector<16xi32>, vector<16xi32>], vector<16xf32>,
            %swap3A_213 = arith.index_cast %and3A_199 : i32 to index
            %swap3A_214 = arith.constant 16 : index
            %swap3A_215 = tpu.vector_load %arg19[%swap3A_213, %swap3A_214] {strides = array<i32>} : memref<64x64xf32, #tpu.memory_space<vmem>>, vector<16xf32>,
            tpu.vector_store %arg19[%swap3A_213, %swap3A_214], %gather3A_212 {strides = array<i32>} : memref<64x64xf32, #tpu.memory_space<vmem>>, vector<16xf32>,
            %add3A_216 = arith.constant 32 : i32
            %add3A_217 = vector.broadcast %add3A_216 : i32 to vector<16xi32>
            %add3A_218 = arith.addi %add3A_217, %iota3A : vector<16xi32>
            %broadcast_in_dim3A_219 = vector.broadcast %rem3A_77 : i32 to vector<16xi32>
            %broadcast_in_dim3A_220 = vector.broadcast %squeeze3A_192 : i32 to vector<16xi32>
            %gather3A_221 = tpu.vector_load_idx %arg15[%broadcast_in_dim3A_219, %add3A_218, %broadcast_in_dim3A_220] : memref<2x64x128xf32, #tpu.memory_space<vmem>>[vector<16xi32>, vector<16xi32>, vector<16xi32>], vector<16xf32>,
            %swap3A_222 = arith.index_cast %and3A_199 : i32 to index
            %swap3A_223 = arith.constant 32 : index
            %swap3A_224 = tpu.vector_load %arg19[%swap3A_222, %swap3A_223] {strides = array<i32>} : memref<64x64xf32, #tpu.memory_space<vmem>>, vector<16xf32>,
            tpu.vector_store %arg19[%swap3A_222, %swap3A_223], %gather3A_221 {strides = array<i32>} : memref<64x64xf32, #tpu.memory_space<vmem>>, vector<16xf32>,
            %add3A_225 = arith.constant 48 : i32
            %add3A_226 = vector.broadcast %add3A_225 : i32 to vector<16xi32>
            %add3A_227 = arith.addi %add3A_226, %iota3A : vector<16xi32>
            %broadcast_in_dim3A_228 = vector.broadcast %rem3A_77 : i32 to vector<16xi32>
            %broadcast_in_dim3A_229 = vector.broadcast %squeeze3A_192 : i32 to vector<16xi32>
            %gather3A_230 = tpu.vector_load_idx %arg15[%broadcast_in_dim3A_228, %add3A_227, %broadcast_in_dim3A_229] : memref<2x64x128xf32, #tpu.memory_space<vmem>>[vector<16xi32>, vector<16xi32>, vector<16xi32>], vector<16xf32>,
            %swap3A_231 = arith.index_cast %and3A_199 : i32 to index
            %swap3A_232 = arith.constant 48 : index
            %swap3A_233 = tpu.vector_load %arg19[%swap3A_231, %swap3A_232] {strides = array<i32>} : memref<64x64xf32, #tpu.memory_space<vmem>>, vector<16xf32>,
            tpu.vector_store %arg19[%swap3A_231, %swap3A_232], %gather3A_230 {strides = array<i32>} : memref<64x64xf32, #tpu.memory_space<vmem>>, vector<16xf32>,
            %mul3A_234 = arith.constant 64 : i32
            %mul3A_235 = arith.muli %squeeze3A_196, %mul3A_234 : i32
            %dma_start3A_236 = arith.constant 0 : i32
            %dma_start3A_237 = tpu.memref_slice %arg19[%and3A_199, %dma_start3A_236] : memref<64x64xf32, #tpu.memory_space<vmem>> -> memref<1x64xf32, #tpu.memory_space<vmem>>
            %dma_start3A_238 = tpu.memref_squeeze %dma_start3A_237 : memref<1x64xf32, #tpu.memory_space<vmem>> -> memref<64xf32, #tpu.memory_space<vmem>>
            %dma_start3A_239 = tpu.memref_slice %arg6[%mul3A_235] : memref<1048576xf32, #tpu.memory_space<hbm>> -> memref<64xf32, #tpu.memory_space<hbm>>
            %dma_start3A_240 = tpu.memref_slice %arg6[%mul3A_235] : memref<1048576xf32, #tpu.memory_space<hbm>> -> memref<64xf32, #tpu.memory_space<hbm>>
            %dma_start3A_241 = arith.constant 0 : i32
            %dma_start3A_242 = tpu.memref_slice %arg19[%and3A_199, %dma_start3A_241] : memref<64x64xf32, #tpu.memory_space<vmem>> -> memref<1x64xf32, #tpu.memory_space<vmem>>
            %dma_start3A_243 = tpu.memref_squeeze %dma_start3A_242 : memref<1x64xf32, #tpu.memory_space<vmem>> -> memref<64xf32, #tpu.memory_space<vmem>>
            tpu.enqueue_dma source(%dma_start3A_243 : memref<64xf32, #tpu.memory_space<vmem>>) target(%dma_start3A_240 : memref<64xf32, #tpu.memory_space<hbm>>) target_semaphore(%arg21 : memref<!tpu.dma_semaphore, #tpu.memory_space<semaphore_mem>>)
            %while3A_244 = arith.constant 0 : i32
            scf.yield %while3A_244 : i32
          }
        } else {
        }
        %add3A_166 = arith.addi %while3A_143, %squeeze3A : i32
        scf.yield %add3A_166, %cond3A_160 : i32, i32
      }
      %while3A_125 = arith.constant 1 : i32
      %while3A_126:2 = scf.for %while3A_142 = %while3A_122 to %while3A_118 step %while3A_125 iter_args(%while3A_143 = %while3A_124#0, %while3A_144 = %while3A_124#1) -> (i32, i32)  : i32 {
        %mul3A_145 = arith.constant 16 : i32
        %mul3A_146 = arith.muli %while3A_142, %mul3A_145 : i32
        %get3A = arith.index_cast %mul3A_146 : i32 to index
        %get3A_147 = tpu.vector_load %arg9[%get3A] {strides = array<i32>} : memref<16400xi32, #tpu.memory_space<vmem>>, vector<16xi32>,
        %shift_right_logical3A_148 = arith.constant 7 : i32
        %shift_right_logical3A_149 = vector.broadcast %shift_right_logical3A_148 : i32 to vector<16xi32>
        %shift_right_logical3A_150 = arith.shrui %get3A_147, %shift_right_logical3A_149 : vector<16xi32>
        %eq3A_151 = vector.broadcast %add3A_76 : i32 to vector<16xi32>
        %eq3A_152 = arith.cmpi eq, %shift_right_logical3A_150, %eq3A_151 : vector<16xi32>
        %all_reduce_population_count3A = tpu.all_reduce %eq3A_152 {dim = 0 : i64, kind = #tpu.reduction_kind<sum>} : vector<16xi1> -> vector<16xi32>
        %slice3A = vector.extract_strided_slice %all_reduce_population_count3A {offsets = [0], sizes = [1], strides = [1]} : vector<16xi32> to vector<1xi32>
        %squeeze3A = vector.extract %slice3A[0] : i32 from vector<1xi32>
        %gt3A = arith.constant 0 : i32
        %gt3A_153 = arith.cmpi sgt, %squeeze3A, %gt3A : i32
        %sub3A_154 = arith.subi %while3A_143, %while3A_144 : i32
        %gt3A_155 = arith.constant 48 : i32
        %gt3A_156 = arith.cmpi sgt, %sub3A_154, %gt3A_155 : i32
        %and3A = arith.andi %gt3A_153, %gt3A_156 : i1
        %convert_element_type3A_157 = arith.extui %and3A : i1 to i32
        %cond3A_158 = arith.constant 0 : i32
        %cond3A_159 = arith.cmpi ne, %convert_element_type3A_157, %cond3A_158 : i32
        %cond3A_160 = scf.if %cond3A_159 -> (i32) {
          %sub3A_167 = arith.subi %while3A_143, %while3A_144 : i32
          %while3A_168 = arith.constant 0 : i32
          %while3A_169 = arith.constant 0 : i32
          %while3A_170 = arith.subi %sub3A_167, %while3A_168 : i32
          %while3A_171 = arith.addi %while3A_168, %while3A_170 : i32
          %while3A_172 = arith.constant 1 : i32
          %while3A_173 = arith.divsi %while3A_170, %while3A_172 : i32
          %while3A_174 = arith.muli %while3A_173, %while3A_172 : i32
          %while3A_175 = arith.addi %while3A_168, %while3A_174 : i32
          %while3A_176 = arith.constant 1 : i32
          %while3A_177 = scf.for %while3A_180 = %while3A_168 to %while3A_175 step %while3A_176 iter_args(%while3A_181 = %while3A_169) -> (i32)  : i32 {
            %dma_wait3A_182 = arith.constant 0 : i32
            %dma_wait3A_183 = arith.constant 0 : i32
            %dma_wait3A_184 = tpu.memref_slice %arg19[%dma_wait3A_182, %dma_wait3A_183] : memref<64x64xf32, #tpu.memory_space<vmem>> -> memref<1x64xf32, #tpu.memory_space<vmem>>
            %dma_wait3A_185 = tpu.memref_squeeze %dma_wait3A_184 : memref<1x64xf32, #tpu.memory_space<vmem>> -> memref<64xf32, #tpu.memory_space<vmem>>
            %dma_wait3A_186 = arith.constant 0 : i32
            %dma_wait3A_187 = tpu.memref_slice %arg6[%dma_wait3A_186] : memref<1048576xf32, #tpu.memory_space<hbm>> -> memref<64xf32, #tpu.memory_space<hbm>>
            %dma_wait3A_188 = arith.constant 0 : i32
            %dma_wait3A_189 = tpu.memref_slice %arg19[%dma_wait3A_182, %dma_wait3A_188] : memref<64x64xf32, #tpu.memory_space<vmem>> -> memref<1x64xf32, #tpu.memory_space<vmem>>
            %dma_wait3A_190 = tpu.memref_squeeze %dma_wait3A_189 : memref<1x64xf32, #tpu.memory_space<vmem>> -> memref<64xf32, #tpu.memory_space<vmem>>
            %dma_wait3A_191 = arith.constant 0 : i32
            %dma_wait3A_192 = tpu.memref_slice %arg6[%dma_wait3A_191] : memref<1048576xf32, #tpu.memory_space<hbm>> -> memref<64xf32, #tpu.memory_space<hbm>>
            tpu.wait_dma2 semaphore(%arg21 : memref<!tpu.dma_semaphore, #tpu.memory_space<semaphore_mem>>) src(%dma_wait3A_192 : memref<64xf32, #tpu.memory_space<hbm>>) dst(%dma_wait3A_190 : memref<64xf32, #tpu.memory_space<vmem>>)
            %while3A_193 = arith.constant 0 : i32
            scf.yield %while3A_193 : i32
          }
          %while3A_178 = arith.constant 1 : i32
          %while3A_179 = scf.for %while3A_180 = %while3A_175 to %while3A_171 step %while3A_178 iter_args(%while3A_181 = %while3A_177) -> (i32)  : i32 {
            %dma_wait3A_182 = arith.constant 0 : i32
            %dma_wait3A_183 = arith.constant 0 : i32
            %dma_wait3A_184 = tpu.memref_slice %arg19[%dma_wait3A_182, %dma_wait3A_183] : memref<64x64xf32, #tpu.memory_space<vmem>> -> memref<1x64xf32, #tpu.memory_space<vmem>>
            %dma_wait3A_185 = tpu.memref_squeeze %dma_wait3A_184 : memref<1x64xf32, #tpu.memory_space<vmem>> -> memref<64xf32, #tpu.memory_space<vmem>>
            %dma_wait3A_186 = arith.constant 0 : i32
            %dma_wait3A_187 = tpu.memref_slice %arg6[%dma_wait3A_186] : memref<1048576xf32, #tpu.memory_space<hbm>> -> memref<64xf32, #tpu.memory_space<hbm>>
            %dma_wait3A_188 = arith.constant 0 : i32
            %dma_wait3A_189 = tpu.memref_slice %arg19[%dma_wait3A_182, %dma_wait3A_188] : memref<64x64xf32, #tpu.memory_space<vmem>> -> memref<1x64xf32, #tpu.memory_space<vmem>>
            %dma_wait3A_190 = tpu.memref_squeeze %dma_wait3A_189 : memref<1x64xf32, #tpu.memory_space<vmem>> -> memref<64xf32, #tpu.memory_space<vmem>>
            %dma_wait3A_191 = arith.constant 0 : i32
            %dma_wait3A_192 = tpu.memref_slice %arg6[%dma_wait3A_191] : memref<1048576xf32, #tpu.memory_space<hbm>> -> memref<64xf32, #tpu.memory_space<hbm>>
            tpu.wait_dma2 semaphore(%arg21 : memref<!tpu.dma_semaphore, #tpu.memory_space<semaphore_mem>>) src(%dma_wait3A_192 : memref<64xf32, #tpu.memory_space<hbm>>) dst(%dma_wait3A_190 : memref<64xf32, #tpu.memory_space<vmem>>)
            %while3A_193 = arith.constant 0 : i32
            scf.yield %while3A_193 : i32
          }
          scf.yield %while3A_143 : i32
        } else {
          scf.yield %while3A_144 : i32
        }
        %gt3A_161 = arith.constant 0 : i32
        %gt3A_162 = arith.cmpi sgt, %squeeze3A, %gt3A_161 : i32
        %convert_element_type3A_163 = arith.extui %gt3A_162 : i1 to i32
        %cond3A_164 = arith.constant 0 : i32
        %cond3A_165 = arith.cmpi ne, %convert_element_type3A_163, %cond3A_164 : i32
        scf.if %cond3A_165 {
          %and3A_167 = arith.constant 127 : i32
          %and3A_168 = vector.broadcast %and3A_167 : i32 to vector<16xi32>
          %and3A_169 = arith.andi %get3A_147, %and3A_168 : vector<16xi32>
          %swap3A = arith.constant 0 : index
          %swap3A_170 = tpu.vector_load %arg13[%swap3A] masked %eq3A_152 {strides = array<i32>} : memref<32xi32, #tpu.memory_space<vmem>>, vector<16xi32>, vector<16xi1>
          tpu.vector_store %arg13[%swap3A], %and3A_169 masked %eq3A_152 {strides = array<i32>} : memref<32xi32, #tpu.memory_space<vmem>>, vector<16xi32>, vector<16xi1>
          %get3A_171 = arith.index_cast %mul3A_146 : i32 to index
          %get3A_172 = tpu.vector_load %arg10[%get3A_171] {strides = array<i32>} : memref<16400xi32, #tpu.memory_space<vmem>>, vector<16xi32>,
          %swap3A_173 = arith.constant 0 : index
          %swap3A_174 = tpu.vector_load %arg14[%swap3A_173] masked %eq3A_152 {strides = array<i32>} : memref<32xi32, #tpu.memory_space<vmem>>, vector<16xi32>, vector<16xi1>
          tpu.vector_store %arg14[%swap3A_173], %get3A_172 masked %eq3A_152 {strides = array<i32>} : memref<32xi32, #tpu.memory_space<vmem>>, vector<16xi32>, vector<16xi1>
          %while3A_175 = arith.constant 0 : i32
          %while3A_176 = arith.constant 0 : i32
          %while3A_177 = arith.subi %squeeze3A, %while3A_175 : i32
          %while3A_178 = arith.addi %while3A_175, %while3A_177 : i32
          %while3A_179 = arith.constant 1 : i32
          %while3A_180 = arith.divsi %while3A_177, %while3A_179 : i32
          %while3A_181 = arith.muli %while3A_180, %while3A_179 : i32
          %while3A_182 = arith.addi %while3A_175, %while3A_181 : i32
          %while3A_183 = arith.constant 1 : i32
          %while3A_184 = scf.for %while3A_187 = %while3A_175 to %while3A_182 step %while3A_183 iter_args(%while3A_188 = %while3A_176) -> (i32)  : i32 {
            %get3A_189 = arith.index_cast %while3A_187 : i32 to index
            %get3A_190 = tpu.vector_load %arg13[%get3A_189] {strides = array<i32>} : memref<32xi32, #tpu.memory_space<vmem>>, vector<16xi32>,
            %slice3A_191 = vector.extract_strided_slice %get3A_190 {offsets = [0], sizes = [1], strides = [1]} : vector<16xi32> to vector<1xi32>
            %squeeze3A_192 = vector.extract %slice3A_191[0] : i32 from vector<1xi32>
            %get3A_193 = arith.index_cast %while3A_187 : i32 to index
            %get3A_194 = tpu.vector_load %arg14[%get3A_193] {strides = array<i32>} : memref<32xi32, #tpu.memory_space<vmem>>, vector<16xi32>,
            %slice3A_195 = vector.extract_strided_slice %get3A_194 {offsets = [0], sizes = [1], strides = [1]} : vector<16xi32> to vector<1xi32>
            %squeeze3A_196 = vector.extract %slice3A_195[0] : i32 from vector<1xi32>
            %add3A_197 = arith.addi %while3A_143, %while3A_187 : i32
            %and3A_198 = arith.constant 63 : i32
            %and3A_199 = arith.andi %add3A_197, %and3A_198 : i32
            %add3A_200 = arith.constant 0 : i32
            %add3A_201 = vector.broadcast %add3A_200 : i32 to vector<16xi32>
            %add3A_202 = arith.addi %add3A_201, %iota3A : vector<16xi32>
            %broadcast_in_dim3A = vector.broadcast %rem3A_77 : i32 to vector<16xi32>
            %broadcast_in_dim3A_203 = vector.broadcast %squeeze3A_192 : i32 to vector<16xi32>
            %gather3A = tpu.vector_load_idx %arg15[%broadcast_in_dim3A, %add3A_202, %broadcast_in_dim3A_203] : memref<2x64x128xf32, #tpu.memory_space<vmem>>[vector<16xi32>, vector<16xi32>, vector<16xi32>], vector<16xf32>,
            %swap3A_204 = arith.index_cast %and3A_199 : i32 to index
            %swap3A_205 = arith.constant 0 : index
            %swap3A_206 = tpu.vector_load %arg19[%swap3A_204, %swap3A_205] {strides = array<i32>} : memref<64x64xf32, #tpu.memory_space<vmem>>, vector<16xf32>,
            tpu.vector_store %arg19[%swap3A_204, %swap3A_205], %gather3A {strides = array<i32>} : memref<64x64xf32, #tpu.memory_space<vmem>>, vector<16xf32>,
            %add3A_207 = arith.constant 16 : i32
            %add3A_208 = vector.broadcast %add3A_207 : i32 to vector<16xi32>
            %add3A_209 = arith.addi %add3A_208, %iota3A : vector<16xi32>
            %broadcast_in_dim3A_210 = vector.broadcast %rem3A_77 : i32 to vector<16xi32>
            %broadcast_in_dim3A_211 = vector.broadcast %squeeze3A_192 : i32 to vector<16xi32>
            %gather3A_212 = tpu.vector_load_idx %arg15[%broadcast_in_dim3A_210, %add3A_209, %broadcast_in_dim3A_211] : memref<2x64x128xf32, #tpu.memory_space<vmem>>[vector<16xi32>, vector<16xi32>, vector<16xi32>], vector<16xf32>,
            %swap3A_213 = arith.index_cast %and3A_199 : i32 to index
            %swap3A_214 = arith.constant 16 : index
            %swap3A_215 = tpu.vector_load %arg19[%swap3A_213, %swap3A_214] {strides = array<i32>} : memref<64x64xf32, #tpu.memory_space<vmem>>, vector<16xf32>,
            tpu.vector_store %arg19[%swap3A_213, %swap3A_214], %gather3A_212 {strides = array<i32>} : memref<64x64xf32, #tpu.memory_space<vmem>>, vector<16xf32>,
            %add3A_216 = arith.constant 32 : i32
            %add3A_217 = vector.broadcast %add3A_216 : i32 to vector<16xi32>
            %add3A_218 = arith.addi %add3A_217, %iota3A : vector<16xi32>
            %broadcast_in_dim3A_219 = vector.broadcast %rem3A_77 : i32 to vector<16xi32>
            %broadcast_in_dim3A_220 = vector.broadcast %squeeze3A_192 : i32 to vector<16xi32>
            %gather3A_221 = tpu.vector_load_idx %arg15[%broadcast_in_dim3A_219, %add3A_218, %broadcast_in_dim3A_220] : memref<2x64x128xf32, #tpu.memory_space<vmem>>[vector<16xi32>, vector<16xi32>, vector<16xi32>], vector<16xf32>,
            %swap3A_222 = arith.index_cast %and3A_199 : i32 to index
            %swap3A_223 = arith.constant 32 : index
            %swap3A_224 = tpu.vector_load %arg19[%swap3A_222, %swap3A_223] {strides = array<i32>} : memref<64x64xf32, #tpu.memory_space<vmem>>, vector<16xf32>,
            tpu.vector_store %arg19[%swap3A_222, %swap3A_223], %gather3A_221 {strides = array<i32>} : memref<64x64xf32, #tpu.memory_space<vmem>>, vector<16xf32>,
            %add3A_225 = arith.constant 48 : i32
            %add3A_226 = vector.broadcast %add3A_225 : i32 to vector<16xi32>
            %add3A_227 = arith.addi %add3A_226, %iota3A : vector<16xi32>
            %broadcast_in_dim3A_228 = vector.broadcast %rem3A_77 : i32 to vector<16xi32>
            %broadcast_in_dim3A_229 = vector.broadcast %squeeze3A_192 : i32 to vector<16xi32>
            %gather3A_230 = tpu.vector_load_idx %arg15[%broadcast_in_dim3A_228, %add3A_227, %broadcast_in_dim3A_229] : memref<2x64x128xf32, #tpu.memory_space<vmem>>[vector<16xi32>, vector<16xi32>, vector<16xi32>], vector<16xf32>,
            %swap3A_231 = arith.index_cast %and3A_199 : i32 to index
            %swap3A_232 = arith.constant 48 : index
            %swap3A_233 = tpu.vector_load %arg19[%swap3A_231, %swap3A_232] {strides = array<i32>} : memref<64x64xf32, #tpu.memory_space<vmem>>, vector<16xf32>,
            tpu.vector_store %arg19[%swap3A_231, %swap3A_232], %gather3A_230 {strides = array<i32>} : memref<64x64xf32, #tpu.memory_space<vmem>>, vector<16xf32>,
            %mul3A_234 = arith.constant 64 : i32
            %mul3A_235 = arith.muli %squeeze3A_196, %mul3A_234 : i32
            %dma_start3A_236 = arith.constant 0 : i32
            %dma_start3A_237 = tpu.memref_slice %arg19[%and3A_199, %dma_start3A_236] : memref<64x64xf32, #tpu.memory_space<vmem>> -> memref<1x64xf32, #tpu.memory_space<vmem>>
            %dma_start3A_238 = tpu.memref_squeeze %dma_start3A_237 : memref<1x64xf32, #tpu.memory_space<vmem>> -> memref<64xf32, #tpu.memory_space<vmem>>
            %dma_start3A_239 = tpu.memref_slice %arg6[%mul3A_235] : memref<1048576xf32, #tpu.memory_space<hbm>> -> memref<64xf32, #tpu.memory_space<hbm>>
            %dma_start3A_240 = tpu.memref_slice %arg6[%mul3A_235] : memref<1048576xf32, #tpu.memory_space<hbm>> -> memref<64xf32, #tpu.memory_space<hbm>>
            %dma_start3A_241 = arith.constant 0 : i32
            %dma_start3A_242 = tpu.memref_slice %arg19[%and3A_199, %dma_start3A_241] : memref<64x64xf32, #tpu.memory_space<vmem>> -> memref<1x64xf32, #tpu.memory_space<vmem>>
            %dma_start3A_243 = tpu.memref_squeeze %dma_start3A_242 : memref<1x64xf32, #tpu.memory_space<vmem>> -> memref<64xf32, #tpu.memory_space<vmem>>
            tpu.enqueue_dma source(%dma_start3A_243 : memref<64xf32, #tpu.memory_space<vmem>>) target(%dma_start3A_240 : memref<64xf32, #tpu.memory_space<hbm>>) target_semaphore(%arg21 : memref<!tpu.dma_semaphore, #tpu.memory_space<semaphore_mem>>)
            %while3A_244 = arith.constant 0 : i32
            scf.yield %while3A_244 : i32
          }
          %while3A_185 = arith.constant 1 : i32
          %while3A_186 = scf.for %while3A_187 = %while3A_182 to %while3A_178 step %while3A_185 iter_args(%while3A_188 = %while3A_184) -> (i32)  : i32 {
            %get3A_189 = arith.index_cast %while3A_187 : i32 to index
            %get3A_190 = tpu.vector_load %arg13[%get3A_189] {strides = array<i32>} : memref<32xi32, #tpu.memory_space<vmem>>, vector<16xi32>,
            %slice3A_191 = vector.extract_strided_slice %get3A_190 {offsets = [0], sizes = [1], strides = [1]} : vector<16xi32> to vector<1xi32>
            %squeeze3A_192 = vector.extract %slice3A_191[0] : i32 from vector<1xi32>
            %get3A_193 = arith.index_cast %while3A_187 : i32 to index
            %get3A_194 = tpu.vector_load %arg14[%get3A_193] {strides = array<i32>} : memref<32xi32, #tpu.memory_space<vmem>>, vector<16xi32>,
            %slice3A_195 = vector.extract_strided_slice %get3A_194 {offsets = [0], sizes = [1], strides = [1]} : vector<16xi32> to vector<1xi32>
            %squeeze3A_196 = vector.extract %slice3A_195[0] : i32 from vector<1xi32>
            %add3A_197 = arith.addi %while3A_143, %while3A_187 : i32
            %and3A_198 = arith.constant 63 : i32
            %and3A_199 = arith.andi %add3A_197, %and3A_198 : i32
            %add3A_200 = arith.constant 0 : i32
            %add3A_201 = vector.broadcast %add3A_200 : i32 to vector<16xi32>
            %add3A_202 = arith.addi %add3A_201, %iota3A : vector<16xi32>
            %broadcast_in_dim3A = vector.broadcast %rem3A_77 : i32 to vector<16xi32>
            %broadcast_in_dim3A_203 = vector.broadcast %squeeze3A_192 : i32 to vector<16xi32>
            %gather3A = tpu.vector_load_idx %arg15[%broadcast_in_dim3A, %add3A_202, %broadcast_in_dim3A_203] : memref<2x64x128xf32, #tpu.memory_space<vmem>>[vector<16xi32>, vector<16xi32>, vector<16xi32>], vector<16xf32>,
            %swap3A_204 = arith.index_cast %and3A_199 : i32 to index
            %swap3A_205 = arith.constant 0 : index
            %swap3A_206 = tpu.vector_load %arg19[%swap3A_204, %swap3A_205] {strides = array<i32>} : memref<64x64xf32, #tpu.memory_space<vmem>>, vector<16xf32>,
            tpu.vector_store %arg19[%swap3A_204, %swap3A_205], %gather3A {strides = array<i32>} : memref<64x64xf32, #tpu.memory_space<vmem>>, vector<16xf32>,
            %add3A_207 = arith.constant 16 : i32
            %add3A_208 = vector.broadcast %add3A_207 : i32 to vector<16xi32>
            %add3A_209 = arith.addi %add3A_208, %iota3A : vector<16xi32>
            %broadcast_in_dim3A_210 = vector.broadcast %rem3A_77 : i32 to vector<16xi32>
            %broadcast_in_dim3A_211 = vector.broadcast %squeeze3A_192 : i32 to vector<16xi32>
            %gather3A_212 = tpu.vector_load_idx %arg15[%broadcast_in_dim3A_210, %add3A_209, %broadcast_in_dim3A_211] : memref<2x64x128xf32, #tpu.memory_space<vmem>>[vector<16xi32>, vector<16xi32>, vector<16xi32>], vector<16xf32>,
            %swap3A_213 = arith.index_cast %and3A_199 : i32 to index
            %swap3A_214 = arith.constant 16 : index
            %swap3A_215 = tpu.vector_load %arg19[%swap3A_213, %swap3A_214] {strides = array<i32>} : memref<64x64xf32, #tpu.memory_space<vmem>>, vector<16xf32>,
            tpu.vector_store %arg19[%swap3A_213, %swap3A_214], %gather3A_212 {strides = array<i32>} : memref<64x64xf32, #tpu.memory_space<vmem>>, vector<16xf32>,
            %add3A_216 = arith.constant 32 : i32
            %add3A_217 = vector.broadcast %add3A_216 : i32 to vector<16xi32>
            %add3A_218 = arith.addi %add3A_217, %iota3A : vector<16xi32>
            %broadcast_in_dim3A_219 = vector.broadcast %rem3A_77 : i32 to vector<16xi32>
            %broadcast_in_dim3A_220 = vector.broadcast %squeeze3A_192 : i32 to vector<16xi32>
            %gather3A_221 = tpu.vector_load_idx %arg15[%broadcast_in_dim3A_219, %add3A_218, %broadcast_in_dim3A_220] : memref<2x64x128xf32, #tpu.memory_space<vmem>>[vector<16xi32>, vector<16xi32>, vector<16xi32>], vector<16xf32>,
            %swap3A_222 = arith.index_cast %and3A_199 : i32 to index
            %swap3A_223 = arith.constant 32 : index
            %swap3A_224 = tpu.vector_load %arg19[%swap3A_222, %swap3A_223] {strides = array<i32>} : memref<64x64xf32, #tpu.memory_space<vmem>>, vector<16xf32>,
            tpu.vector_store %arg19[%swap3A_222, %swap3A_223], %gather3A_221 {strides = array<i32>} : memref<64x64xf32, #tpu.memory_space<vmem>>, vector<16xf32>,
            %add3A_225 = arith.constant 48 : i32
            %add3A_226 = vector.broadcast %add3A_225 : i32 to vector<16xi32>
            %add3A_227 = arith.addi %add3A_226, %iota3A : vector<16xi32>
            %broadcast_in_dim3A_228 = vector.broadcast %rem3A_77 : i32 to vector<16xi32>
            %broadcast_in_dim3A_229 = vector.broadcast %squeeze3A_192 : i32 to vector<16xi32>
            %gather3A_230 = tpu.vector_load_idx %arg15[%broadcast_in_dim3A_228, %add3A_227, %broadcast_in_dim3A_229] : memref<2x64x128xf32, #tpu.memory_space<vmem>>[vector<16xi32>, vector<16xi32>, vector<16xi32>], vector<16xf32>,
            %swap3A_231 = arith.index_cast %and3A_199 : i32 to index
            %swap3A_232 = arith.constant 48 : index
            %swap3A_233 = tpu.vector_load %arg19[%swap3A_231, %swap3A_232] {strides = array<i32>} : memref<64x64xf32, #tpu.memory_space<vmem>>, vector<16xf32>,
            tpu.vector_store %arg19[%swap3A_231, %swap3A_232], %gather3A_230 {strides = array<i32>} : memref<64x64xf32, #tpu.memory_space<vmem>>, vector<16xf32>,
            %mul3A_234 = arith.constant 64 : i32
            %mul3A_235 = arith.muli %squeeze3A_196, %mul3A_234 : i32
            %dma_start3A_236 = arith.constant 0 : i32
            %dma_start3A_237 = tpu.memref_slice %arg19[%and3A_199, %dma_start3A_236] : memref<64x64xf32, #tpu.memory_space<vmem>> -> memref<1x64xf32, #tpu.memory_space<vmem>>
            %dma_start3A_238 = tpu.memref_squeeze %dma_start3A_237 : memref<1x64xf32, #tpu.memory_space<vmem>> -> memref<64xf32, #tpu.memory_space<vmem>>
            %dma_start3A_239 = tpu.memref_slice %arg6[%mul3A_235] : memref<1048576xf32, #tpu.memory_space<hbm>> -> memref<64xf32, #tpu.memory_space<hbm>>
            %dma_start3A_240 = tpu.memref_slice %arg6[%mul3A_235] : memref<1048576xf32, #tpu.memory_space<hbm>> -> memref<64xf32, #tpu.memory_space<hbm>>
            %dma_start3A_241 = arith.constant 0 : i32
            %dma_start3A_242 = tpu.memref_slice %arg19[%and3A_199, %dma_start3A_241] : memref<64x64xf32, #tpu.memory_space<vmem>> -> memref<1x64xf32, #tpu.memory_space<vmem>>
            %dma_start3A_243 = tpu.memref_squeeze %dma_start3A_242 : memref<1x64xf32, #tpu.memory_space<vmem>> -> memref<64xf32, #tpu.memory_space<vmem>>
            tpu.enqueue_dma source(%dma_start3A_243 : memref<64xf32, #tpu.memory_space<vmem>>) target(%dma_start3A_240 : memref<64xf32, #tpu.memory_space<hbm>>) target_semaphore(%arg21 : memref<!tpu.dma_semaphore, #tpu.memory_space<semaphore_mem>>)
            %while3A_244 = arith.constant 0 : i32
            scf.yield %while3A_244 : i32
          }
        } else {
        }
        %add3A_166 = arith.addi %while3A_143, %squeeze3A : i32
        scf.yield %add3A_166, %cond3A_160 : i32, i32
      }
      %add3A_127 = arith.constant 15 : i32
      %add3A_128 = arith.addi %scan3A_25, %add3A_127 : i32
      %shift_right_logical3A_129 = arith.constant 4 : i32
      %shift_right_logical3A_130 = arith.shrui %add3A_128, %shift_right_logical3A_129 : i32
      %while3A_131 = arith.constant 0 : i32
      %while3A_132 = arith.subi %shift_right_logical3A_130, %while3A_131 : i32
      %while3A_133 = arith.addi %while3A_131, %while3A_132 : i32
      %while3A_134 = arith.constant 1 : i32
      %while3A_135 = arith.divsi %while3A_132, %while3A_134 : i32
      %while3A_136 = arith.muli %while3A_135, %while3A_134 : i32
      %while3A_137 = arith.addi %while3A_131, %while3A_136 : i32
      %while3A_138 = arith.constant 1 : i32
      %while3A_139:2 = scf.for %while3A_142 = %while3A_131 to %while3A_137 step %while3A_138 iter_args(%while3A_143 = %while3A_126#0, %while3A_144 = %while3A_126#1) -> (i32, i32)  : i32 {
        %mul3A_145 = arith.constant 16 : i32
        %mul3A_146 = arith.muli %while3A_142, %mul3A_145 : i32
        %get3A = arith.index_cast %mul3A_146 : i32 to index
        %get3A_147 = tpu.vector_load %arg11[%get3A] {strides = array<i32>} : memref<16400xi32, #tpu.memory_space<vmem>>, vector<16xi32>,
        %shift_right_logical3A_148 = arith.constant 7 : i32
        %shift_right_logical3A_149 = vector.broadcast %shift_right_logical3A_148 : i32 to vector<16xi32>
        %shift_right_logical3A_150 = arith.shrui %get3A_147, %shift_right_logical3A_149 : vector<16xi32>
        %eq3A_151 = vector.broadcast %add3A_76 : i32 to vector<16xi32>
        %eq3A_152 = arith.cmpi eq, %shift_right_logical3A_150, %eq3A_151 : vector<16xi32>
        %all_reduce_population_count3A = tpu.all_reduce %eq3A_152 {dim = 0 : i64, kind = #tpu.reduction_kind<sum>} : vector<16xi1> -> vector<16xi32>
        %slice3A = vector.extract_strided_slice %all_reduce_population_count3A {offsets = [0], sizes = [1], strides = [1]} : vector<16xi32> to vector<1xi32>
        %squeeze3A = vector.extract %slice3A[0] : i32 from vector<1xi32>
        %gt3A = arith.constant 0 : i32
        %gt3A_153 = arith.cmpi sgt, %squeeze3A, %gt3A : i32
        %sub3A_154 = arith.subi %while3A_143, %while3A_144 : i32
        %gt3A_155 = arith.constant 48 : i32
        %gt3A_156 = arith.cmpi sgt, %sub3A_154, %gt3A_155 : i32
        %and3A = arith.andi %gt3A_153, %gt3A_156 : i1
        %convert_element_type3A_157 = arith.extui %and3A : i1 to i32
        %cond3A_158 = arith.constant 0 : i32
        %cond3A_159 = arith.cmpi ne, %convert_element_type3A_157, %cond3A_158 : i32
        %cond3A_160 = scf.if %cond3A_159 -> (i32) {
          %sub3A_167 = arith.subi %while3A_143, %while3A_144 : i32
          %while3A_168 = arith.constant 0 : i32
          %while3A_169 = arith.constant 0 : i32
          %while3A_170 = arith.subi %sub3A_167, %while3A_168 : i32
          %while3A_171 = arith.addi %while3A_168, %while3A_170 : i32
          %while3A_172 = arith.constant 1 : i32
          %while3A_173 = arith.divsi %while3A_170, %while3A_172 : i32
          %while3A_174 = arith.muli %while3A_173, %while3A_172 : i32
          %while3A_175 = arith.addi %while3A_168, %while3A_174 : i32
          %while3A_176 = arith.constant 1 : i32
          %while3A_177 = scf.for %while3A_180 = %while3A_168 to %while3A_175 step %while3A_176 iter_args(%while3A_181 = %while3A_169) -> (i32)  : i32 {
            %dma_wait3A_182 = arith.constant 0 : i32
            %dma_wait3A_183 = arith.constant 0 : i32
            %dma_wait3A_184 = tpu.memref_slice %arg19[%dma_wait3A_182, %dma_wait3A_183] : memref<64x64xf32, #tpu.memory_space<vmem>> -> memref<1x64xf32, #tpu.memory_space<vmem>>
            %dma_wait3A_185 = tpu.memref_squeeze %dma_wait3A_184 : memref<1x64xf32, #tpu.memory_space<vmem>> -> memref<64xf32, #tpu.memory_space<vmem>>
            %dma_wait3A_186 = arith.constant 0 : i32
            %dma_wait3A_187 = tpu.memref_slice %arg7[%dma_wait3A_186] : memref<1048576xf32, #tpu.memory_space<hbm>> -> memref<64xf32, #tpu.memory_space<hbm>>
            %dma_wait3A_188 = arith.constant 0 : i32
            %dma_wait3A_189 = tpu.memref_slice %arg19[%dma_wait3A_182, %dma_wait3A_188] : memref<64x64xf32, #tpu.memory_space<vmem>> -> memref<1x64xf32, #tpu.memory_space<vmem>>
            %dma_wait3A_190 = tpu.memref_squeeze %dma_wait3A_189 : memref<1x64xf32, #tpu.memory_space<vmem>> -> memref<64xf32, #tpu.memory_space<vmem>>
            %dma_wait3A_191 = arith.constant 0 : i32
            %dma_wait3A_192 = tpu.memref_slice %arg7[%dma_wait3A_191] : memref<1048576xf32, #tpu.memory_space<hbm>> -> memref<64xf32, #tpu.memory_space<hbm>>
            tpu.wait_dma2 semaphore(%arg21 : memref<!tpu.dma_semaphore, #tpu.memory_space<semaphore_mem>>) src(%dma_wait3A_192 : memref<64xf32, #tpu.memory_space<hbm>>) dst(%dma_wait3A_190 : memref<64xf32, #tpu.memory_space<vmem>>)
            %while3A_193 = arith.constant 0 : i32
            scf.yield %while3A_193 : i32
          }
          %while3A_178 = arith.constant 1 : i32
          %while3A_179 = scf.for %while3A_180 = %while3A_175 to %while3A_171 step %while3A_178 iter_args(%while3A_181 = %while3A_177) -> (i32)  : i32 {
            %dma_wait3A_182 = arith.constant 0 : i32
            %dma_wait3A_183 = arith.constant 0 : i32
            %dma_wait3A_184 = tpu.memref_slice %arg19[%dma_wait3A_182, %dma_wait3A_183] : memref<64x64xf32, #tpu.memory_space<vmem>> -> memref<1x64xf32, #tpu.memory_space<vmem>>
            %dma_wait3A_185 = tpu.memref_squeeze %dma_wait3A_184 : memref<1x64xf32, #tpu.memory_space<vmem>> -> memref<64xf32, #tpu.memory_space<vmem>>
            %dma_wait3A_186 = arith.constant 0 : i32
            %dma_wait3A_187 = tpu.memref_slice %arg7[%dma_wait3A_186] : memref<1048576xf32, #tpu.memory_space<hbm>> -> memref<64xf32, #tpu.memory_space<hbm>>
            %dma_wait3A_188 = arith.constant 0 : i32
            %dma_wait3A_189 = tpu.memref_slice %arg19[%dma_wait3A_182, %dma_wait3A_188] : memref<64x64xf32, #tpu.memory_space<vmem>> -> memref<1x64xf32, #tpu.memory_space<vmem>>
            %dma_wait3A_190 = tpu.memref_squeeze %dma_wait3A_189 : memref<1x64xf32, #tpu.memory_space<vmem>> -> memref<64xf32, #tpu.memory_space<vmem>>
            %dma_wait3A_191 = arith.constant 0 : i32
            %dma_wait3A_192 = tpu.memref_slice %arg7[%dma_wait3A_191] : memref<1048576xf32, #tpu.memory_space<hbm>> -> memref<64xf32, #tpu.memory_space<hbm>>
            tpu.wait_dma2 semaphore(%arg21 : memref<!tpu.dma_semaphore, #tpu.memory_space<semaphore_mem>>) src(%dma_wait3A_192 : memref<64xf32, #tpu.memory_space<hbm>>) dst(%dma_wait3A_190 : memref<64xf32, #tpu.memory_space<vmem>>)
            %while3A_193 = arith.constant 0 : i32
            scf.yield %while3A_193 : i32
          }
          scf.yield %while3A_143 : i32
        } else {
          scf.yield %while3A_144 : i32
        }
        %gt3A_161 = arith.constant 0 : i32
        %gt3A_162 = arith.cmpi sgt, %squeeze3A, %gt3A_161 : i32
        %convert_element_type3A_163 = arith.extui %gt3A_162 : i1 to i32
        %cond3A_164 = arith.constant 0 : i32
        %cond3A_165 = arith.cmpi ne, %convert_element_type3A_163, %cond3A_164 : i32
        scf.if %cond3A_165 {
          %and3A_167 = arith.constant 127 : i32
          %and3A_168 = vector.broadcast %and3A_167 : i32 to vector<16xi32>
          %and3A_169 = arith.andi %get3A_147, %and3A_168 : vector<16xi32>
          %swap3A = arith.constant 0 : index
          %swap3A_170 = tpu.vector_load %arg13[%swap3A] masked %eq3A_152 {strides = array<i32>} : memref<32xi32, #tpu.memory_space<vmem>>, vector<16xi32>, vector<16xi1>
          tpu.vector_store %arg13[%swap3A], %and3A_169 masked %eq3A_152 {strides = array<i32>} : memref<32xi32, #tpu.memory_space<vmem>>, vector<16xi32>, vector<16xi1>
          %get3A_171 = arith.index_cast %mul3A_146 : i32 to index
          %get3A_172 = tpu.vector_load %arg12[%get3A_171] {strides = array<i32>} : memref<16400xi32, #tpu.memory_space<vmem>>, vector<16xi32>,
          %swap3A_173 = arith.constant 0 : index
          %swap3A_174 = tpu.vector_load %arg14[%swap3A_173] masked %eq3A_152 {strides = array<i32>} : memref<32xi32, #tpu.memory_space<vmem>>, vector<16xi32>, vector<16xi1>
          tpu.vector_store %arg14[%swap3A_173], %get3A_172 masked %eq3A_152 {strides = array<i32>} : memref<32xi32, #tpu.memory_space<vmem>>, vector<16xi32>, vector<16xi1>
          %while3A_175 = arith.constant 0 : i32
          %while3A_176 = arith.constant 0 : i32
          %while3A_177 = arith.subi %squeeze3A, %while3A_175 : i32
          %while3A_178 = arith.addi %while3A_175, %while3A_177 : i32
          %while3A_179 = arith.constant 1 : i32
          %while3A_180 = arith.divsi %while3A_177, %while3A_179 : i32
          %while3A_181 = arith.muli %while3A_180, %while3A_179 : i32
          %while3A_182 = arith.addi %while3A_175, %while3A_181 : i32
          %while3A_183 = arith.constant 1 : i32
          %while3A_184 = scf.for %while3A_187 = %while3A_175 to %while3A_182 step %while3A_183 iter_args(%while3A_188 = %while3A_176) -> (i32)  : i32 {
            %get3A_189 = arith.index_cast %while3A_187 : i32 to index
            %get3A_190 = tpu.vector_load %arg13[%get3A_189] {strides = array<i32>} : memref<32xi32, #tpu.memory_space<vmem>>, vector<16xi32>,
            %slice3A_191 = vector.extract_strided_slice %get3A_190 {offsets = [0], sizes = [1], strides = [1]} : vector<16xi32> to vector<1xi32>
            %squeeze3A_192 = vector.extract %slice3A_191[0] : i32 from vector<1xi32>
            %get3A_193 = arith.index_cast %while3A_187 : i32 to index
            %get3A_194 = tpu.vector_load %arg14[%get3A_193] {strides = array<i32>} : memref<32xi32, #tpu.memory_space<vmem>>, vector<16xi32>,
            %slice3A_195 = vector.extract_strided_slice %get3A_194 {offsets = [0], sizes = [1], strides = [1]} : vector<16xi32> to vector<1xi32>
            %squeeze3A_196 = vector.extract %slice3A_195[0] : i32 from vector<1xi32>
            %add3A_197 = arith.addi %while3A_143, %while3A_187 : i32
            %and3A_198 = arith.constant 63 : i32
            %and3A_199 = arith.andi %add3A_197, %and3A_198 : i32
            %add3A_200 = arith.constant 0 : i32
            %add3A_201 = vector.broadcast %add3A_200 : i32 to vector<16xi32>
            %add3A_202 = arith.addi %add3A_201, %iota3A : vector<16xi32>
            %broadcast_in_dim3A = vector.broadcast %rem3A_77 : i32 to vector<16xi32>
            %broadcast_in_dim3A_203 = vector.broadcast %squeeze3A_192 : i32 to vector<16xi32>
            %gather3A = tpu.vector_load_idx %arg16[%broadcast_in_dim3A, %add3A_202, %broadcast_in_dim3A_203] : memref<2x64x128xf32, #tpu.memory_space<vmem>>[vector<16xi32>, vector<16xi32>, vector<16xi32>], vector<16xf32>,
            %swap3A_204 = arith.index_cast %and3A_199 : i32 to index
            %swap3A_205 = arith.constant 0 : index
            %swap3A_206 = tpu.vector_load %arg19[%swap3A_204, %swap3A_205] {strides = array<i32>} : memref<64x64xf32, #tpu.memory_space<vmem>>, vector<16xf32>,
            tpu.vector_store %arg19[%swap3A_204, %swap3A_205], %gather3A {strides = array<i32>} : memref<64x64xf32, #tpu.memory_space<vmem>>, vector<16xf32>,
            %add3A_207 = arith.constant 16 : i32
            %add3A_208 = vector.broadcast %add3A_207 : i32 to vector<16xi32>
            %add3A_209 = arith.addi %add3A_208, %iota3A : vector<16xi32>
            %broadcast_in_dim3A_210 = vector.broadcast %rem3A_77 : i32 to vector<16xi32>
            %broadcast_in_dim3A_211 = vector.broadcast %squeeze3A_192 : i32 to vector<16xi32>
            %gather3A_212 = tpu.vector_load_idx %arg16[%broadcast_in_dim3A_210, %add3A_209, %broadcast_in_dim3A_211] : memref<2x64x128xf32, #tpu.memory_space<vmem>>[vector<16xi32>, vector<16xi32>, vector<16xi32>], vector<16xf32>,
            %swap3A_213 = arith.index_cast %and3A_199 : i32 to index
            %swap3A_214 = arith.constant 16 : index
            %swap3A_215 = tpu.vector_load %arg19[%swap3A_213, %swap3A_214] {strides = array<i32>} : memref<64x64xf32, #tpu.memory_space<vmem>>, vector<16xf32>,
            tpu.vector_store %arg19[%swap3A_213, %swap3A_214], %gather3A_212 {strides = array<i32>} : memref<64x64xf32, #tpu.memory_space<vmem>>, vector<16xf32>,
            %add3A_216 = arith.constant 32 : i32
            %add3A_217 = vector.broadcast %add3A_216 : i32 to vector<16xi32>
            %add3A_218 = arith.addi %add3A_217, %iota3A : vector<16xi32>
            %broadcast_in_dim3A_219 = vector.broadcast %rem3A_77 : i32 to vector<16xi32>
            %broadcast_in_dim3A_220 = vector.broadcast %squeeze3A_192 : i32 to vector<16xi32>
            %gather3A_221 = tpu.vector_load_idx %arg16[%broadcast_in_dim3A_219, %add3A_218, %broadcast_in_dim3A_220] : memref<2x64x128xf32, #tpu.memory_space<vmem>>[vector<16xi32>, vector<16xi32>, vector<16xi32>], vector<16xf32>,
            %swap3A_222 = arith.index_cast %and3A_199 : i32 to index
            %swap3A_223 = arith.constant 32 : index
            %swap3A_224 = tpu.vector_load %arg19[%swap3A_222, %swap3A_223] {strides = array<i32>} : memref<64x64xf32, #tpu.memory_space<vmem>>, vector<16xf32>,
            tpu.vector_store %arg19[%swap3A_222, %swap3A_223], %gather3A_221 {strides = array<i32>} : memref<64x64xf32, #tpu.memory_space<vmem>>, vector<16xf32>,
            %add3A_225 = arith.constant 48 : i32
            %add3A_226 = vector.broadcast %add3A_225 : i32 to vector<16xi32>
            %add3A_227 = arith.addi %add3A_226, %iota3A : vector<16xi32>
            %broadcast_in_dim3A_228 = vector.broadcast %rem3A_77 : i32 to vector<16xi32>
            %broadcast_in_dim3A_229 = vector.broadcast %squeeze3A_192 : i32 to vector<16xi32>
            %gather3A_230 = tpu.vector_load_idx %arg16[%broadcast_in_dim3A_228, %add3A_227, %broadcast_in_dim3A_229] : memref<2x64x128xf32, #tpu.memory_space<vmem>>[vector<16xi32>, vector<16xi32>, vector<16xi32>], vector<16xf32>,
            %swap3A_231 = arith.index_cast %and3A_199 : i32 to index
            %swap3A_232 = arith.constant 48 : index
            %swap3A_233 = tpu.vector_load %arg19[%swap3A_231, %swap3A_232] {strides = array<i32>} : memref<64x64xf32, #tpu.memory_space<vmem>>, vector<16xf32>,
            tpu.vector_store %arg19[%swap3A_231, %swap3A_232], %gather3A_230 {strides = array<i32>} : memref<64x64xf32, #tpu.memory_space<vmem>>, vector<16xf32>,
            %mul3A_234 = arith.constant 64 : i32
            %mul3A_235 = arith.muli %squeeze3A_196, %mul3A_234 : i32
            %dma_start3A_236 = arith.constant 0 : i32
            %dma_start3A_237 = tpu.memref_slice %arg19[%and3A_199, %dma_start3A_236] : memref<64x64xf32, #tpu.memory_space<vmem>> -> memref<1x64xf32, #tpu.memory_space<vmem>>
            %dma_start3A_238 = tpu.memref_squeeze %dma_start3A_237 : memref<1x64xf32, #tpu.memory_space<vmem>> -> memref<64xf32, #tpu.memory_space<vmem>>
            %dma_start3A_239 = tpu.memref_slice %arg7[%mul3A_235] : memref<1048576xf32, #tpu.memory_space<hbm>> -> memref<64xf32, #tpu.memory_space<hbm>>
            %dma_start3A_240 = tpu.memref_slice %arg7[%mul3A_235] : memref<1048576xf32, #tpu.memory_space<hbm>> -> memref<64xf32, #tpu.memory_space<hbm>>
            %dma_start3A_241 = arith.constant 0 : i32
            %dma_start3A_242 = tpu.memref_slice %arg19[%and3A_199, %dma_start3A_241] : memref<64x64xf32, #tpu.memory_space<vmem>> -> memref<1x64xf32, #tpu.memory_space<vmem>>
            %dma_start3A_243 = tpu.memref_squeeze %dma_start3A_242 : memref<1x64xf32, #tpu.memory_space<vmem>> -> memref<64xf32, #tpu.memory_space<vmem>>
            tpu.enqueue_dma source(%dma_start3A_243 : memref<64xf32, #tpu.memory_space<vmem>>) target(%dma_start3A_240 : memref<64xf32, #tpu.memory_space<hbm>>) target_semaphore(%arg21 : memref<!tpu.dma_semaphore, #tpu.memory_space<semaphore_mem>>)
            %while3A_244 = arith.constant 0 : i32
            scf.yield %while3A_244 : i32
          }
          %while3A_185 = arith.constant 1 : i32
          %while3A_186 = scf.for %while3A_187 = %while3A_182 to %while3A_178 step %while3A_185 iter_args(%while3A_188 = %while3A_184) -> (i32)  : i32 {
            %get3A_189 = arith.index_cast %while3A_187 : i32 to index
            %get3A_190 = tpu.vector_load %arg13[%get3A_189] {strides = array<i32>} : memref<32xi32, #tpu.memory_space<vmem>>, vector<16xi32>,
            %slice3A_191 = vector.extract_strided_slice %get3A_190 {offsets = [0], sizes = [1], strides = [1]} : vector<16xi32> to vector<1xi32>
            %squeeze3A_192 = vector.extract %slice3A_191[0] : i32 from vector<1xi32>
            %get3A_193 = arith.index_cast %while3A_187 : i32 to index
            %get3A_194 = tpu.vector_load %arg14[%get3A_193] {strides = array<i32>} : memref<32xi32, #tpu.memory_space<vmem>>, vector<16xi32>,
            %slice3A_195 = vector.extract_strided_slice %get3A_194 {offsets = [0], sizes = [1], strides = [1]} : vector<16xi32> to vector<1xi32>
            %squeeze3A_196 = vector.extract %slice3A_195[0] : i32 from vector<1xi32>
            %add3A_197 = arith.addi %while3A_143, %while3A_187 : i32
            %and3A_198 = arith.constant 63 : i32
            %and3A_199 = arith.andi %add3A_197, %and3A_198 : i32
            %add3A_200 = arith.constant 0 : i32
            %add3A_201 = vector.broadcast %add3A_200 : i32 to vector<16xi32>
            %add3A_202 = arith.addi %add3A_201, %iota3A : vector<16xi32>
            %broadcast_in_dim3A = vector.broadcast %rem3A_77 : i32 to vector<16xi32>
            %broadcast_in_dim3A_203 = vector.broadcast %squeeze3A_192 : i32 to vector<16xi32>
            %gather3A = tpu.vector_load_idx %arg16[%broadcast_in_dim3A, %add3A_202, %broadcast_in_dim3A_203] : memref<2x64x128xf32, #tpu.memory_space<vmem>>[vector<16xi32>, vector<16xi32>, vector<16xi32>], vector<16xf32>,
            %swap3A_204 = arith.index_cast %and3A_199 : i32 to index
            %swap3A_205 = arith.constant 0 : index
            %swap3A_206 = tpu.vector_load %arg19[%swap3A_204, %swap3A_205] {strides = array<i32>} : memref<64x64xf32, #tpu.memory_space<vmem>>, vector<16xf32>,
            tpu.vector_store %arg19[%swap3A_204, %swap3A_205], %gather3A {strides = array<i32>} : memref<64x64xf32, #tpu.memory_space<vmem>>, vector<16xf32>,
            %add3A_207 = arith.constant 16 : i32
            %add3A_208 = vector.broadcast %add3A_207 : i32 to vector<16xi32>
            %add3A_209 = arith.addi %add3A_208, %iota3A : vector<16xi32>
            %broadcast_in_dim3A_210 = vector.broadcast %rem3A_77 : i32 to vector<16xi32>
            %broadcast_in_dim3A_211 = vector.broadcast %squeeze3A_192 : i32 to vector<16xi32>
            %gather3A_212 = tpu.vector_load_idx %arg16[%broadcast_in_dim3A_210, %add3A_209, %broadcast_in_dim3A_211] : memref<2x64x128xf32, #tpu.memory_space<vmem>>[vector<16xi32>, vector<16xi32>, vector<16xi32>], vector<16xf32>,
            %swap3A_213 = arith.index_cast %and3A_199 : i32 to index
            %swap3A_214 = arith.constant 16 : index
            %swap3A_215 = tpu.vector_load %arg19[%swap3A_213, %swap3A_214] {strides = array<i32>} : memref<64x64xf32, #tpu.memory_space<vmem>>, vector<16xf32>,
            tpu.vector_store %arg19[%swap3A_213, %swap3A_214], %gather3A_212 {strides = array<i32>} : memref<64x64xf32, #tpu.memory_space<vmem>>, vector<16xf32>,
            %add3A_216 = arith.constant 32 : i32
            %add3A_217 = vector.broadcast %add3A_216 : i32 to vector<16xi32>
            %add3A_218 = arith.addi %add3A_217, %iota3A : vector<16xi32>
            %broadcast_in_dim3A_219 = vector.broadcast %rem3A_77 : i32 to vector<16xi32>
            %broadcast_in_dim3A_220 = vector.broadcast %squeeze3A_192 : i32 to vector<16xi32>
            %gather3A_221 = tpu.vector_load_idx %arg16[%broadcast_in_dim3A_219, %add3A_218, %broadcast_in_dim3A_220] : memref<2x64x128xf32, #tpu.memory_space<vmem>>[vector<16xi32>, vector<16xi32>, vector<16xi32>], vector<16xf32>,
            %swap3A_222 = arith.index_cast %and3A_199 : i32 to index
            %swap3A_223 = arith.constant 32 : index
            %swap3A_224 = tpu.vector_load %arg19[%swap3A_222, %swap3A_223] {strides = array<i32>} : memref<64x64xf32, #tpu.memory_space<vmem>>, vector<16xf32>,
            tpu.vector_store %arg19[%swap3A_222, %swap3A_223], %gather3A_221 {strides = array<i32>} : memref<64x64xf32, #tpu.memory_space<vmem>>, vector<16xf32>,
            %add3A_225 = arith.constant 48 : i32
            %add3A_226 = vector.broadcast %add3A_225 : i32 to vector<16xi32>
            %add3A_227 = arith.addi %add3A_226, %iota3A : vector<16xi32>
            %broadcast_in_dim3A_228 = vector.broadcast %rem3A_77 : i32 to vector<16xi32>
            %broadcast_in_dim3A_229 = vector.broadcast %squeeze3A_192 : i32 to vector<16xi32>
            %gather3A_230 = tpu.vector_load_idx %arg16[%broadcast_in_dim3A_228, %add3A_227, %broadcast_in_dim3A_229] : memref<2x64x128xf32, #tpu.memory_space<vmem>>[vector<16xi32>, vector<16xi32>, vector<16xi32>], vector<16xf32>,
            %swap3A_231 = arith.index_cast %and3A_199 : i32 to index
            %swap3A_232 = arith.constant 48 : index
            %swap3A_233 = tpu.vector_load %arg19[%swap3A_231, %swap3A_232] {strides = array<i32>} : memref<64x64xf32, #tpu.memory_space<vmem>>, vector<16xf32>,
            tpu.vector_store %arg19[%swap3A_231, %swap3A_232], %gather3A_230 {strides = array<i32>} : memref<64x64xf32, #tpu.memory_space<vmem>>, vector<16xf32>,
            %mul3A_234 = arith.constant 64 : i32
            %mul3A_235 = arith.muli %squeeze3A_196, %mul3A_234 : i32
            %dma_start3A_236 = arith.constant 0 : i32
            %dma_start3A_237 = tpu.memref_slice %arg19[%and3A_199, %dma_start3A_236] : memref<64x64xf32, #tpu.memory_space<vmem>> -> memref<1x64xf32, #tpu.memory_space<vmem>>
            %dma_start3A_238 = tpu.memref_squeeze %dma_start3A_237 : memref<1x64xf32, #tpu.memory_space<vmem>> -> memref<64xf32, #tpu.memory_space<vmem>>
            %dma_start3A_239 = tpu.memref_slice %arg7[%mul3A_235] : memref<1048576xf32, #tpu.memory_space<hbm>> -> memref<64xf32, #tpu.memory_space<hbm>>
            %dma_start3A_240 = tpu.memref_slice %arg7[%mul3A_235] : memref<1048576xf32, #tpu.memory_space<hbm>> -> memref<64xf32, #tpu.memory_space<hbm>>
            %dma_start3A_241 = arith.constant 0 : i32
            %dma_start3A_242 = tpu.memref_slice %arg19[%and3A_199, %dma_start3A_241] : memref<64x64xf32, #tpu.memory_space<vmem>> -> memref<1x64xf32, #tpu.memory_space<vmem>>
            %dma_start3A_243 = tpu.memref_squeeze %dma_start3A_242 : memref<1x64xf32, #tpu.memory_space<vmem>> -> memref<64xf32, #tpu.memory_space<vmem>>
            tpu.enqueue_dma source(%dma_start3A_243 : memref<64xf32, #tpu.memory_space<vmem>>) target(%dma_start3A_240 : memref<64xf32, #tpu.memory_space<hbm>>) target_semaphore(%arg21 : memref<!tpu.dma_semaphore, #tpu.memory_space<semaphore_mem>>)
            %while3A_244 = arith.constant 0 : i32
            scf.yield %while3A_244 : i32
          }
        } else {
        }
        %add3A_166 = arith.addi %while3A_143, %squeeze3A : i32
        scf.yield %add3A_166, %cond3A_160 : i32, i32
      }
      %while3A_140 = arith.constant 1 : i32
      %while3A_141:2 = scf.for %while3A_142 = %while3A_137 to %while3A_133 step %while3A_140 iter_args(%while3A_143 = %while3A_139#0, %while3A_144 = %while3A_139#1) -> (i32, i32)  : i32 {
        %mul3A_145 = arith.constant 16 : i32
        %mul3A_146 = arith.muli %while3A_142, %mul3A_145 : i32
        %get3A = arith.index_cast %mul3A_146 : i32 to index
        %get3A_147 = tpu.vector_load %arg11[%get3A] {strides = array<i32>} : memref<16400xi32, #tpu.memory_space<vmem>>, vector<16xi32>,
        %shift_right_logical3A_148 = arith.constant 7 : i32
        %shift_right_logical3A_149 = vector.broadcast %shift_right_logical3A_148 : i32 to vector<16xi32>
        %shift_right_logical3A_150 = arith.shrui %get3A_147, %shift_right_logical3A_149 : vector<16xi32>
        %eq3A_151 = vector.broadcast %add3A_76 : i32 to vector<16xi32>
        %eq3A_152 = arith.cmpi eq, %shift_right_logical3A_150, %eq3A_151 : vector<16xi32>
        %all_reduce_population_count3A = tpu.all_reduce %eq3A_152 {dim = 0 : i64, kind = #tpu.reduction_kind<sum>} : vector<16xi1> -> vector<16xi32>
        %slice3A = vector.extract_strided_slice %all_reduce_population_count3A {offsets = [0], sizes = [1], strides = [1]} : vector<16xi32> to vector<1xi32>
        %squeeze3A = vector.extract %slice3A[0] : i32 from vector<1xi32>
        %gt3A = arith.constant 0 : i32
        %gt3A_153 = arith.cmpi sgt, %squeeze3A, %gt3A : i32
        %sub3A_154 = arith.subi %while3A_143, %while3A_144 : i32
        %gt3A_155 = arith.constant 48 : i32
        %gt3A_156 = arith.cmpi sgt, %sub3A_154, %gt3A_155 : i32
        %and3A = arith.andi %gt3A_153, %gt3A_156 : i1
        %convert_element_type3A_157 = arith.extui %and3A : i1 to i32
        %cond3A_158 = arith.constant 0 : i32
        %cond3A_159 = arith.cmpi ne, %convert_element_type3A_157, %cond3A_158 : i32
        %cond3A_160 = scf.if %cond3A_159 -> (i32) {
          %sub3A_167 = arith.subi %while3A_143, %while3A_144 : i32
          %while3A_168 = arith.constant 0 : i32
          %while3A_169 = arith.constant 0 : i32
          %while3A_170 = arith.subi %sub3A_167, %while3A_168 : i32
          %while3A_171 = arith.addi %while3A_168, %while3A_170 : i32
          %while3A_172 = arith.constant 1 : i32
          %while3A_173 = arith.divsi %while3A_170, %while3A_172 : i32
          %while3A_174 = arith.muli %while3A_173, %while3A_172 : i32
          %while3A_175 = arith.addi %while3A_168, %while3A_174 : i32
          %while3A_176 = arith.constant 1 : i32
          %while3A_177 = scf.for %while3A_180 = %while3A_168 to %while3A_175 step %while3A_176 iter_args(%while3A_181 = %while3A_169) -> (i32)  : i32 {
            %dma_wait3A_182 = arith.constant 0 : i32
            %dma_wait3A_183 = arith.constant 0 : i32
            %dma_wait3A_184 = tpu.memref_slice %arg19[%dma_wait3A_182, %dma_wait3A_183] : memref<64x64xf32, #tpu.memory_space<vmem>> -> memref<1x64xf32, #tpu.memory_space<vmem>>
            %dma_wait3A_185 = tpu.memref_squeeze %dma_wait3A_184 : memref<1x64xf32, #tpu.memory_space<vmem>> -> memref<64xf32, #tpu.memory_space<vmem>>
            %dma_wait3A_186 = arith.constant 0 : i32
            %dma_wait3A_187 = tpu.memref_slice %arg7[%dma_wait3A_186] : memref<1048576xf32, #tpu.memory_space<hbm>> -> memref<64xf32, #tpu.memory_space<hbm>>
            %dma_wait3A_188 = arith.constant 0 : i32
            %dma_wait3A_189 = tpu.memref_slice %arg19[%dma_wait3A_182, %dma_wait3A_188] : memref<64x64xf32, #tpu.memory_space<vmem>> -> memref<1x64xf32, #tpu.memory_space<vmem>>
            %dma_wait3A_190 = tpu.memref_squeeze %dma_wait3A_189 : memref<1x64xf32, #tpu.memory_space<vmem>> -> memref<64xf32, #tpu.memory_space<vmem>>
            %dma_wait3A_191 = arith.constant 0 : i32
            %dma_wait3A_192 = tpu.memref_slice %arg7[%dma_wait3A_191] : memref<1048576xf32, #tpu.memory_space<hbm>> -> memref<64xf32, #tpu.memory_space<hbm>>
            tpu.wait_dma2 semaphore(%arg21 : memref<!tpu.dma_semaphore, #tpu.memory_space<semaphore_mem>>) src(%dma_wait3A_192 : memref<64xf32, #tpu.memory_space<hbm>>) dst(%dma_wait3A_190 : memref<64xf32, #tpu.memory_space<vmem>>)
            %while3A_193 = arith.constant 0 : i32
            scf.yield %while3A_193 : i32
          }
          %while3A_178 = arith.constant 1 : i32
          %while3A_179 = scf.for %while3A_180 = %while3A_175 to %while3A_171 step %while3A_178 iter_args(%while3A_181 = %while3A_177) -> (i32)  : i32 {
            %dma_wait3A_182 = arith.constant 0 : i32
            %dma_wait3A_183 = arith.constant 0 : i32
            %dma_wait3A_184 = tpu.memref_slice %arg19[%dma_wait3A_182, %dma_wait3A_183] : memref<64x64xf32, #tpu.memory_space<vmem>> -> memref<1x64xf32, #tpu.memory_space<vmem>>
            %dma_wait3A_185 = tpu.memref_squeeze %dma_wait3A_184 : memref<1x64xf32, #tpu.memory_space<vmem>> -> memref<64xf32, #tpu.memory_space<vmem>>
            %dma_wait3A_186 = arith.constant 0 : i32
            %dma_wait3A_187 = tpu.memref_slice %arg7[%dma_wait3A_186] : memref<1048576xf32, #tpu.memory_space<hbm>> -> memref<64xf32, #tpu.memory_space<hbm>>
            %dma_wait3A_188 = arith.constant 0 : i32
            %dma_wait3A_189 = tpu.memref_slice %arg19[%dma_wait3A_182, %dma_wait3A_188] : memref<64x64xf32, #tpu.memory_space<vmem>> -> memref<1x64xf32, #tpu.memory_space<vmem>>
            %dma_wait3A_190 = tpu.memref_squeeze %dma_wait3A_189 : memref<1x64xf32, #tpu.memory_space<vmem>> -> memref<64xf32, #tpu.memory_space<vmem>>
            %dma_wait3A_191 = arith.constant 0 : i32
            %dma_wait3A_192 = tpu.memref_slice %arg7[%dma_wait3A_191] : memref<1048576xf32, #tpu.memory_space<hbm>> -> memref<64xf32, #tpu.memory_space<hbm>>
            tpu.wait_dma2 semaphore(%arg21 : memref<!tpu.dma_semaphore, #tpu.memory_space<semaphore_mem>>) src(%dma_wait3A_192 : memref<64xf32, #tpu.memory_space<hbm>>) dst(%dma_wait3A_190 : memref<64xf32, #tpu.memory_space<vmem>>)
            %while3A_193 = arith.constant 0 : i32
            scf.yield %while3A_193 : i32
          }
          scf.yield %while3A_143 : i32
        } else {
          scf.yield %while3A_144 : i32
        }
        %gt3A_161 = arith.constant 0 : i32
        %gt3A_162 = arith.cmpi sgt, %squeeze3A, %gt3A_161 : i32
        %convert_element_type3A_163 = arith.extui %gt3A_162 : i1 to i32
        %cond3A_164 = arith.constant 0 : i32
        %cond3A_165 = arith.cmpi ne, %convert_element_type3A_163, %cond3A_164 : i32
        scf.if %cond3A_165 {
          %and3A_167 = arith.constant 127 : i32
          %and3A_168 = vector.broadcast %and3A_167 : i32 to vector<16xi32>
          %and3A_169 = arith.andi %get3A_147, %and3A_168 : vector<16xi32>
          %swap3A = arith.constant 0 : index
          %swap3A_170 = tpu.vector_load %arg13[%swap3A] masked %eq3A_152 {strides = array<i32>} : memref<32xi32, #tpu.memory_space<vmem>>, vector<16xi32>, vector<16xi1>
          tpu.vector_store %arg13[%swap3A], %and3A_169 masked %eq3A_152 {strides = array<i32>} : memref<32xi32, #tpu.memory_space<vmem>>, vector<16xi32>, vector<16xi1>
          %get3A_171 = arith.index_cast %mul3A_146 : i32 to index
          %get3A_172 = tpu.vector_load %arg12[%get3A_171] {strides = array<i32>} : memref<16400xi32, #tpu.memory_space<vmem>>, vector<16xi32>,
          %swap3A_173 = arith.constant 0 : index
          %swap3A_174 = tpu.vector_load %arg14[%swap3A_173] masked %eq3A_152 {strides = array<i32>} : memref<32xi32, #tpu.memory_space<vmem>>, vector<16xi32>, vector<16xi1>
          tpu.vector_store %arg14[%swap3A_173], %get3A_172 masked %eq3A_152 {strides = array<i32>} : memref<32xi32, #tpu.memory_space<vmem>>, vector<16xi32>, vector<16xi1>
          %while3A_175 = arith.constant 0 : i32
          %while3A_176 = arith.constant 0 : i32
          %while3A_177 = arith.subi %squeeze3A, %while3A_175 : i32
          %while3A_178 = arith.addi %while3A_175, %while3A_177 : i32
          %while3A_179 = arith.constant 1 : i32
          %while3A_180 = arith.divsi %while3A_177, %while3A_179 : i32
          %while3A_181 = arith.muli %while3A_180, %while3A_179 : i32
          %while3A_182 = arith.addi %while3A_175, %while3A_181 : i32
          %while3A_183 = arith.constant 1 : i32
          %while3A_184 = scf.for %while3A_187 = %while3A_175 to %while3A_182 step %while3A_183 iter_args(%while3A_188 = %while3A_176) -> (i32)  : i32 {
            %get3A_189 = arith.index_cast %while3A_187 : i32 to index
            %get3A_190 = tpu.vector_load %arg13[%get3A_189] {strides = array<i32>} : memref<32xi32, #tpu.memory_space<vmem>>, vector<16xi32>,
            %slice3A_191 = vector.extract_strided_slice %get3A_190 {offsets = [0], sizes = [1], strides = [1]} : vector<16xi32> to vector<1xi32>
            %squeeze3A_192 = vector.extract %slice3A_191[0] : i32 from vector<1xi32>
            %get3A_193 = arith.index_cast %while3A_187 : i32 to index
            %get3A_194 = tpu.vector_load %arg14[%get3A_193] {strides = array<i32>} : memref<32xi32, #tpu.memory_space<vmem>>, vector<16xi32>,
            %slice3A_195 = vector.extract_strided_slice %get3A_194 {offsets = [0], sizes = [1], strides = [1]} : vector<16xi32> to vector<1xi32>
            %squeeze3A_196 = vector.extract %slice3A_195[0] : i32 from vector<1xi32>
            %add3A_197 = arith.addi %while3A_143, %while3A_187 : i32
            %and3A_198 = arith.constant 63 : i32
            %and3A_199 = arith.andi %add3A_197, %and3A_198 : i32
            %add3A_200 = arith.constant 0 : i32
            %add3A_201 = vector.broadcast %add3A_200 : i32 to vector<16xi32>
            %add3A_202 = arith.addi %add3A_201, %iota3A : vector<16xi32>
            %broadcast_in_dim3A = vector.broadcast %rem3A_77 : i32 to vector<16xi32>
            %broadcast_in_dim3A_203 = vector.broadcast %squeeze3A_192 : i32 to vector<16xi32>
            %gather3A = tpu.vector_load_idx %arg16[%broadcast_in_dim3A, %add3A_202, %broadcast_in_dim3A_203] : memref<2x64x128xf32, #tpu.memory_space<vmem>>[vector<16xi32>, vector<16xi32>, vector<16xi32>], vector<16xf32>,
            %swap3A_204 = arith.index_cast %and3A_199 : i32 to index
            %swap3A_205 = arith.constant 0 : index
            %swap3A_206 = tpu.vector_load %arg19[%swap3A_204, %swap3A_205] {strides = array<i32>} : memref<64x64xf32, #tpu.memory_space<vmem>>, vector<16xf32>,
            tpu.vector_store %arg19[%swap3A_204, %swap3A_205], %gather3A {strides = array<i32>} : memref<64x64xf32, #tpu.memory_space<vmem>>, vector<16xf32>,
            %add3A_207 = arith.constant 16 : i32
            %add3A_208 = vector.broadcast %add3A_207 : i32 to vector<16xi32>
            %add3A_209 = arith.addi %add3A_208, %iota3A : vector<16xi32>
            %broadcast_in_dim3A_210 = vector.broadcast %rem3A_77 : i32 to vector<16xi32>
            %broadcast_in_dim3A_211 = vector.broadcast %squeeze3A_192 : i32 to vector<16xi32>
            %gather3A_212 = tpu.vector_load_idx %arg16[%broadcast_in_dim3A_210, %add3A_209, %broadcast_in_dim3A_211] : memref<2x64x128xf32, #tpu.memory_space<vmem>>[vector<16xi32>, vector<16xi32>, vector<16xi32>], vector<16xf32>,
            %swap3A_213 = arith.index_cast %and3A_199 : i32 to index
            %swap3A_214 = arith.constant 16 : index
            %swap3A_215 = tpu.vector_load %arg19[%swap3A_213, %swap3A_214] {strides = array<i32>} : memref<64x64xf32, #tpu.memory_space<vmem>>, vector<16xf32>,
            tpu.vector_store %arg19[%swap3A_213, %swap3A_214], %gather3A_212 {strides = array<i32>} : memref<64x64xf32, #tpu.memory_space<vmem>>, vector<16xf32>,
            %add3A_216 = arith.constant 32 : i32
            %add3A_217 = vector.broadcast %add3A_216 : i32 to vector<16xi32>
            %add3A_218 = arith.addi %add3A_217, %iota3A : vector<16xi32>
            %broadcast_in_dim3A_219 = vector.broadcast %rem3A_77 : i32 to vector<16xi32>
            %broadcast_in_dim3A_220 = vector.broadcast %squeeze3A_192 : i32 to vector<16xi32>
            %gather3A_221 = tpu.vector_load_idx %arg16[%broadcast_in_dim3A_219, %add3A_218, %broadcast_in_dim3A_220] : memref<2x64x128xf32, #tpu.memory_space<vmem>>[vector<16xi32>, vector<16xi32>, vector<16xi32>], vector<16xf32>,
            %swap3A_222 = arith.index_cast %and3A_199 : i32 to index
            %swap3A_223 = arith.constant 32 : index
            %swap3A_224 = tpu.vector_load %arg19[%swap3A_222, %swap3A_223] {strides = array<i32>} : memref<64x64xf32, #tpu.memory_space<vmem>>, vector<16xf32>,
            tpu.vector_store %arg19[%swap3A_222, %swap3A_223], %gather3A_221 {strides = array<i32>} : memref<64x64xf32, #tpu.memory_space<vmem>>, vector<16xf32>,
            %add3A_225 = arith.constant 48 : i32
            %add3A_226 = vector.broadcast %add3A_225 : i32 to vector<16xi32>
            %add3A_227 = arith.addi %add3A_226, %iota3A : vector<16xi32>
            %broadcast_in_dim3A_228 = vector.broadcast %rem3A_77 : i32 to vector<16xi32>
            %broadcast_in_dim3A_229 = vector.broadcast %squeeze3A_192 : i32 to vector<16xi32>
            %gather3A_230 = tpu.vector_load_idx %arg16[%broadcast_in_dim3A_228, %add3A_227, %broadcast_in_dim3A_229] : memref<2x64x128xf32, #tpu.memory_space<vmem>>[vector<16xi32>, vector<16xi32>, vector<16xi32>], vector<16xf32>,
            %swap3A_231 = arith.index_cast %and3A_199 : i32 to index
            %swap3A_232 = arith.constant 48 : index
            %swap3A_233 = tpu.vector_load %arg19[%swap3A_231, %swap3A_232] {strides = array<i32>} : memref<64x64xf32, #tpu.memory_space<vmem>>, vector<16xf32>,
            tpu.vector_store %arg19[%swap3A_231, %swap3A_232], %gather3A_230 {strides = array<i32>} : memref<64x64xf32, #tpu.memory_space<vmem>>, vector<16xf32>,
            %mul3A_234 = arith.constant 64 : i32
            %mul3A_235 = arith.muli %squeeze3A_196, %mul3A_234 : i32
            %dma_start3A_236 = arith.constant 0 : i32
            %dma_start3A_237 = tpu.memref_slice %arg19[%and3A_199, %dma_start3A_236] : memref<64x64xf32, #tpu.memory_space<vmem>> -> memref<1x64xf32, #tpu.memory_space<vmem>>
            %dma_start3A_238 = tpu.memref_squeeze %dma_start3A_237 : memref<1x64xf32, #tpu.memory_space<vmem>> -> memref<64xf32, #tpu.memory_space<vmem>>
            %dma_start3A_239 = tpu.memref_slice %arg7[%mul3A_235] : memref<1048576xf32, #tpu.memory_space<hbm>> -> memref<64xf32, #tpu.memory_space<hbm>>
            %dma_start3A_240 = tpu.memref_slice %arg7[%mul3A_235] : memref<1048576xf32, #tpu.memory_space<hbm>> -> memref<64xf32, #tpu.memory_space<hbm>>
            %dma_start3A_241 = arith.constant 0 : i32
            %dma_start3A_242 = tpu.memref_slice %arg19[%and3A_199, %dma_start3A_241] : memref<64x64xf32, #tpu.memory_space<vmem>> -> memref<1x64xf32, #tpu.memory_space<vmem>>
            %dma_start3A_243 = tpu.memref_squeeze %dma_start3A_242 : memref<1x64xf32, #tpu.memory_space<vmem>> -> memref<64xf32, #tpu.memory_space<vmem>>
            tpu.enqueue_dma source(%dma_start3A_243 : memref<64xf32, #tpu.memory_space<vmem>>) target(%dma_start3A_240 : memref<64xf32, #tpu.memory_space<hbm>>) target_semaphore(%arg21 : memref<!tpu.dma_semaphore, #tpu.memory_space<semaphore_mem>>)
            %while3A_244 = arith.constant 0 : i32
            scf.yield %while3A_244 : i32
          }
          %while3A_185 = arith.constant 1 : i32
          %while3A_186 = scf.for %while3A_187 = %while3A_182 to %while3A_178 step %while3A_185 iter_args(%while3A_188 = %while3A_184) -> (i32)  : i32 {
            %get3A_189 = arith.index_cast %while3A_187 : i32 to index
            %get3A_190 = tpu.vector_load %arg13[%get3A_189] {strides = array<i32>} : memref<32xi32, #tpu.memory_space<vmem>>, vector<16xi32>,
            %slice3A_191 = vector.extract_strided_slice %get3A_190 {offsets = [0], sizes = [1], strides = [1]} : vector<16xi32> to vector<1xi32>
            %squeeze3A_192 = vector.extract %slice3A_191[0] : i32 from vector<1xi32>
            %get3A_193 = arith.index_cast %while3A_187 : i32 to index
            %get3A_194 = tpu.vector_load %arg14[%get3A_193] {strides = array<i32>} : memref<32xi32, #tpu.memory_space<vmem>>, vector<16xi32>,
            %slice3A_195 = vector.extract_strided_slice %get3A_194 {offsets = [0], sizes = [1], strides = [1]} : vector<16xi32> to vector<1xi32>
            %squeeze3A_196 = vector.extract %slice3A_195[0] : i32 from vector<1xi32>
            %add3A_197 = arith.addi %while3A_143, %while3A_187 : i32
            %and3A_198 = arith.constant 63 : i32
            %and3A_199 = arith.andi %add3A_197, %and3A_198 : i32
            %add3A_200 = arith.constant 0 : i32
            %add3A_201 = vector.broadcast %add3A_200 : i32 to vector<16xi32>
            %add3A_202 = arith.addi %add3A_201, %iota3A : vector<16xi32>
            %broadcast_in_dim3A = vector.broadcast %rem3A_77 : i32 to vector<16xi32>
            %broadcast_in_dim3A_203 = vector.broadcast %squeeze3A_192 : i32 to vector<16xi32>
            %gather3A = tpu.vector_load_idx %arg16[%broadcast_in_dim3A, %add3A_202, %broadcast_in_dim3A_203] : memref<2x64x128xf32, #tpu.memory_space<vmem>>[vector<16xi32>, vector<16xi32>, vector<16xi32>], vector<16xf32>,
            %swap3A_204 = arith.index_cast %and3A_199 : i32 to index
            %swap3A_205 = arith.constant 0 : index
            %swap3A_206 = tpu.vector_load %arg19[%swap3A_204, %swap3A_205] {strides = array<i32>} : memref<64x64xf32, #tpu.memory_space<vmem>>, vector<16xf32>,
            tpu.vector_store %arg19[%swap3A_204, %swap3A_205], %gather3A {strides = array<i32>} : memref<64x64xf32, #tpu.memory_space<vmem>>, vector<16xf32>,
            %add3A_207 = arith.constant 16 : i32
            %add3A_208 = vector.broadcast %add3A_207 : i32 to vector<16xi32>
            %add3A_209 = arith.addi %add3A_208, %iota3A : vector<16xi32>
            %broadcast_in_dim3A_210 = vector.broadcast %rem3A_77 : i32 to vector<16xi32>
            %broadcast_in_dim3A_211 = vector.broadcast %squeeze3A_192 : i32 to vector<16xi32>
            %gather3A_212 = tpu.vector_load_idx %arg16[%broadcast_in_dim3A_210, %add3A_209, %broadcast_in_dim3A_211] : memref<2x64x128xf32, #tpu.memory_space<vmem>>[vector<16xi32>, vector<16xi32>, vector<16xi32>], vector<16xf32>,
            %swap3A_213 = arith.index_cast %and3A_199 : i32 to index
            %swap3A_214 = arith.constant 16 : index
            %swap3A_215 = tpu.vector_load %arg19[%swap3A_213, %swap3A_214] {strides = array<i32>} : memref<64x64xf32, #tpu.memory_space<vmem>>, vector<16xf32>,
            tpu.vector_store %arg19[%swap3A_213, %swap3A_214], %gather3A_212 {strides = array<i32>} : memref<64x64xf32, #tpu.memory_space<vmem>>, vector<16xf32>,
            %add3A_216 = arith.constant 32 : i32
            %add3A_217 = vector.broadcast %add3A_216 : i32 to vector<16xi32>
            %add3A_218 = arith.addi %add3A_217, %iota3A : vector<16xi32>
            %broadcast_in_dim3A_219 = vector.broadcast %rem3A_77 : i32 to vector<16xi32>
            %broadcast_in_dim3A_220 = vector.broadcast %squeeze3A_192 : i32 to vector<16xi32>
            %gather3A_221 = tpu.vector_load_idx %arg16[%broadcast_in_dim3A_219, %add3A_218, %broadcast_in_dim3A_220] : memref<2x64x128xf32, #tpu.memory_space<vmem>>[vector<16xi32>, vector<16xi32>, vector<16xi32>], vector<16xf32>,
            %swap3A_222 = arith.index_cast %and3A_199 : i32 to index
            %swap3A_223 = arith.constant 32 : index
            %swap3A_224 = tpu.vector_load %arg19[%swap3A_222, %swap3A_223] {strides = array<i32>} : memref<64x64xf32, #tpu.memory_space<vmem>>, vector<16xf32>,
            tpu.vector_store %arg19[%swap3A_222, %swap3A_223], %gather3A_221 {strides = array<i32>} : memref<64x64xf32, #tpu.memory_space<vmem>>, vector<16xf32>,
            %add3A_225 = arith.constant 48 : i32
            %add3A_226 = vector.broadcast %add3A_225 : i32 to vector<16xi32>
            %add3A_227 = arith.addi %add3A_226, %iota3A : vector<16xi32>
            %broadcast_in_dim3A_228 = vector.broadcast %rem3A_77 : i32 to vector<16xi32>
            %broadcast_in_dim3A_229 = vector.broadcast %squeeze3A_192 : i32 to vector<16xi32>
            %gather3A_230 = tpu.vector_load_idx %arg16[%broadcast_in_dim3A_228, %add3A_227, %broadcast_in_dim3A_229] : memref<2x64x128xf32, #tpu.memory_space<vmem>>[vector<16xi32>, vector<16xi32>, vector<16xi32>], vector<16xf32>,
            %swap3A_231 = arith.index_cast %and3A_199 : i32 to index
            %swap3A_232 = arith.constant 48 : index
            %swap3A_233 = tpu.vector_load %arg19[%swap3A_231, %swap3A_232] {strides = array<i32>} : memref<64x64xf32, #tpu.memory_space<vmem>>, vector<16xf32>,
            tpu.vector_store %arg19[%swap3A_231, %swap3A_232], %gather3A_230 {strides = array<i32>} : memref<64x64xf32, #tpu.memory_space<vmem>>, vector<16xf32>,
            %mul3A_234 = arith.constant 64 : i32
            %mul3A_235 = arith.muli %squeeze3A_196, %mul3A_234 : i32
            %dma_start3A_236 = arith.constant 0 : i32
            %dma_start3A_237 = tpu.memref_slice %arg19[%and3A_199, %dma_start3A_236] : memref<64x64xf32, #tpu.memory_space<vmem>> -> memref<1x64xf32, #tpu.memory_space<vmem>>
            %dma_start3A_238 = tpu.memref_squeeze %dma_start3A_237 : memref<1x64xf32, #tpu.memory_space<vmem>> -> memref<64xf32, #tpu.memory_space<vmem>>
            %dma_start3A_239 = tpu.memref_slice %arg7[%mul3A_235] : memref<1048576xf32, #tpu.memory_space<hbm>> -> memref<64xf32, #tpu.memory_space<hbm>>
            %dma_start3A_240 = tpu.memref_slice %arg7[%mul3A_235] : memref<1048576xf32, #tpu.memory_space<hbm>> -> memref<64xf32, #tpu.memory_space<hbm>>
            %dma_start3A_241 = arith.constant 0 : i32
            %dma_start3A_242 = tpu.memref_slice %arg19[%and3A_199, %dma_start3A_241] : memref<64x64xf32, #tpu.memory_space<vmem>> -> memref<1x64xf32, #tpu.memory_space<vmem>>
            %dma_start3A_243 = tpu.memref_squeeze %dma_start3A_242 : memref<1x64xf32, #tpu.memory_space<vmem>> -> memref<64xf32, #tpu.memory_space<vmem>>
            tpu.enqueue_dma source(%dma_start3A_243 : memref<64xf32, #tpu.memory_space<vmem>>) target(%dma_start3A_240 : memref<64xf32, #tpu.memory_space<hbm>>) target_semaphore(%arg21 : memref<!tpu.dma_semaphore, #tpu.memory_space<semaphore_mem>>)
            %while3A_244 = arith.constant 0 : i32
            scf.yield %while3A_244 : i32
          }
        } else {
        }
        %add3A_166 = arith.addi %while3A_143, %squeeze3A : i32
        scf.yield %add3A_166, %cond3A_160 : i32, i32
      }
      scf.yield %while3A_141#0, %while3A_141#1 : i32, i32
    }
    %while3A_64 = arith.constant 1 : i32
    %while3A_65:2 = scf.for %while3A_73 = %while3A_61 to %while3A_57 step %while3A_64 iter_args(%while3A_74 = %while3A_63#0, %while3A_75 = %while3A_63#1) -> (i32, i32)  : i32 {
      %add3A_76 = arith.addi %add3A_4, %while3A_73 : i32
      %rem3A = arith.constant 2 : i32
      %rem3A_77 = arith.remsi %while3A_73, %rem3A : i32
      %dma_wait3A = arith.constant 0 : i32
      %dma_wait3A_78 = arith.constant 0 : i32
      %dma_wait3A_79 = arith.constant 0 : i32
      %dma_wait3A_80 = tpu.memref_slice %arg15[%dma_wait3A, %dma_wait3A_78, %dma_wait3A_79] : memref<2x64x128xf32, #tpu.memory_space<vmem>> -> memref<1x64x128xf32, #tpu.memory_space<vmem>>
      %dma_wait3A_81 = tpu.memref_squeeze %dma_wait3A_80 : memref<1x64x128xf32, #tpu.memory_space<vmem>> -> memref<64x128xf32, #tpu.memory_space<vmem>>
      %dma_wait3A_82 = arith.constant 0 : i32
      %dma_wait3A_83 = arith.constant 0 : i32
      %dma_wait3A_84 = tpu.memref_slice %arg4[%dma_wait3A_82, %dma_wait3A_83] : memref<64x1000000xf32, #tpu.memory_space<hbm>> -> memref<64x128xf32, #tpu.memory_space<hbm>>
      %dma_wait3A_85 = arith.constant 0 : i32
      %dma_wait3A_86 = arith.constant 0 : i32
      %dma_wait3A_87 = tpu.memref_slice %arg15[%dma_wait3A, %dma_wait3A_85, %dma_wait3A_86] : memref<2x64x128xf32, #tpu.memory_space<vmem>> -> memref<1x64x128xf32, #tpu.memory_space<vmem>>
      %dma_wait3A_88 = tpu.memref_squeeze %dma_wait3A_87 : memref<1x64x128xf32, #tpu.memory_space<vmem>> -> memref<64x128xf32, #tpu.memory_space<vmem>>
      %dma_wait3A_89 = arith.constant 0 : i32
      %dma_wait3A_90 = arith.constant 0 : i32
      %dma_wait3A_91 = tpu.memref_slice %arg4[%dma_wait3A_89, %dma_wait3A_90] : memref<64x1000000xf32, #tpu.memory_space<hbm>> -> memref<64x128xf32, #tpu.memory_space<hbm>>
      tpu.wait_dma2 semaphore(%arg20 : memref<!tpu.dma_semaphore, #tpu.memory_space<semaphore_mem>>) src(%dma_wait3A_91 : memref<64x128xf32, #tpu.memory_space<hbm>>) dst(%dma_wait3A_88 : memref<64x128xf32, #tpu.memory_space<vmem>>)
      %dma_wait3A_92 = arith.constant 0 : i32
      %dma_wait3A_93 = arith.constant 0 : i32
      %dma_wait3A_94 = arith.constant 0 : i32
      %dma_wait3A_95 = tpu.memref_slice %arg16[%dma_wait3A_92, %dma_wait3A_93, %dma_wait3A_94] : memref<2x64x128xf32, #tpu.memory_space<vmem>> -> memref<1x64x128xf32, #tpu.memory_space<vmem>>
      %dma_wait3A_96 = tpu.memref_squeeze %dma_wait3A_95 : memref<1x64x128xf32, #tpu.memory_space<vmem>> -> memref<64x128xf32, #tpu.memory_space<vmem>>
      %dma_wait3A_97 = arith.constant 0 : i32
      %dma_wait3A_98 = arith.constant 0 : i32
      %dma_wait3A_99 = tpu.memref_slice %arg4[%dma_wait3A_97, %dma_wait3A_98] : memref<64x1000000xf32, #tpu.memory_space<hbm>> -> memref<64x128xf32, #tpu.memory_space<hbm>>
      %dma_wait3A_100 = arith.constant 0 : i32
      %dma_wait3A_101 = arith.constant 0 : i32
      %dma_wait3A_102 = tpu.memref_slice %arg16[%dma_wait3A_92, %dma_wait3A_100, %dma_wait3A_101] : memref<2x64x128xf32, #tpu.memory_space<vmem>> -> memref<1x64x128xf32, #tpu.memory_space<vmem>>
      %dma_wait3A_103 = tpu.memref_squeeze %dma_wait3A_102 : memref<1x64x128xf32, #tpu.memory_space<vmem>> -> memref<64x128xf32, #tpu.memory_space<vmem>>
      %dma_wait3A_104 = arith.constant 0 : i32
      %dma_wait3A_105 = arith.constant 0 : i32
      %dma_wait3A_106 = tpu.memref_slice %arg4[%dma_wait3A_104, %dma_wait3A_105] : memref<64x1000000xf32, #tpu.memory_space<hbm>> -> memref<64x128xf32, #tpu.memory_space<hbm>>
      tpu.wait_dma2 semaphore(%arg20 : memref<!tpu.dma_semaphore, #tpu.memory_space<semaphore_mem>>) src(%dma_wait3A_106 : memref<64x128xf32, #tpu.memory_space<hbm>>) dst(%dma_wait3A_103 : memref<64x128xf32, #tpu.memory_space<vmem>>)
      %add3A_107 = arith.constant 1 : i32
      %add3A_108 = arith.addi %while3A_73, %add3A_107 : i32
      %lt3A_109 = arith.cmpi slt, %add3A_108, %sub3A : i32
      %convert_element_type3A_110 = arith.extui %lt3A_109 : i1 to i32
      %cond3A_111 = arith.constant 0 : i32
      %cond3A_112 = arith.cmpi ne, %convert_element_type3A_110, %cond3A_111 : i32
      scf.if %cond3A_112 {
        %add3A_142 = arith.constant 1 : i32
        %add3A_143 = arith.addi %add3A_76, %add3A_142 : i32
        %sub3A_144 = arith.constant 1 : i32
        %sub3A_145 = arith.subi %sub3A_144, %rem3A_77 : i32
        %mul3A_146 = arith.constant 128 : i32
        %mul3A_147 = arith.muli %add3A_143, %mul3A_146 : i32
        %dma_start3A_148 = arith.constant 0 : i32
        %dma_start3A_149 = arith.constant 0 : i32
        %dma_start3A_150 = tpu.memref_slice %arg15[%sub3A_145, %dma_start3A_148, %dma_start3A_149] : memref<2x64x128xf32, #tpu.memory_space<vmem>> -> memref<1x64x128xf32, #tpu.memory_space<vmem>>
        %dma_start3A_151 = tpu.memref_squeeze %dma_start3A_150 : memref<1x64x128xf32, #tpu.memory_space<vmem>> -> memref<64x128xf32, #tpu.memory_space<vmem>>
        %dma_start3A_152 = arith.constant 0 : i32
        %dma_start3A_153 = tpu.memref_slice %arg4[%dma_start3A_152, %mul3A_147] : memref<64x1000000xf32, #tpu.memory_space<hbm>> -> memref<64x128xf32, #tpu.memory_space<hbm>>
        %dma_start3A_154 = arith.constant 0 : i32
        %dma_start3A_155 = arith.constant 0 : i32
        %dma_start3A_156 = tpu.memref_slice %arg15[%sub3A_145, %dma_start3A_154, %dma_start3A_155] : memref<2x64x128xf32, #tpu.memory_space<vmem>> -> memref<1x64x128xf32, #tpu.memory_space<vmem>>
        %dma_start3A_157 = tpu.memref_squeeze %dma_start3A_156 : memref<1x64x128xf32, #tpu.memory_space<vmem>> -> memref<64x128xf32, #tpu.memory_space<vmem>>
        %dma_start3A_158 = arith.constant 0 : i32
        %dma_start3A_159 = tpu.memref_slice %arg4[%dma_start3A_158, %mul3A_147] : memref<64x1000000xf32, #tpu.memory_space<hbm>> -> memref<64x128xf32, #tpu.memory_space<hbm>>
        tpu.enqueue_dma source(%dma_start3A_159 : memref<64x128xf32, #tpu.memory_space<hbm>>) target(%dma_start3A_157 : memref<64x128xf32, #tpu.memory_space<vmem>>) target_semaphore(%arg20 : memref<!tpu.dma_semaphore, #tpu.memory_space<semaphore_mem>>)
        %dma_start3A_160 = arith.constant 0 : i32
        %dma_start3A_161 = arith.constant 0 : i32
        %dma_start3A_162 = tpu.memref_slice %arg16[%sub3A_145, %dma_start3A_160, %dma_start3A_161] : memref<2x64x128xf32, #tpu.memory_space<vmem>> -> memref<1x64x128xf32, #tpu.memory_space<vmem>>
        %dma_start3A_163 = tpu.memref_squeeze %dma_start3A_162 : memref<1x64x128xf32, #tpu.memory_space<vmem>> -> memref<64x128xf32, #tpu.memory_space<vmem>>
        %dma_start3A_164 = arith.constant 0 : i32
        %dma_start3A_165 = tpu.memref_slice %arg5[%dma_start3A_164, %mul3A_147] : memref<64x1000000xf32, #tpu.memory_space<hbm>> -> memref<64x128xf32, #tpu.memory_space<hbm>>
        %dma_start3A_166 = arith.constant 0 : i32
        %dma_start3A_167 = arith.constant 0 : i32
        %dma_start3A_168 = tpu.memref_slice %arg16[%sub3A_145, %dma_start3A_166, %dma_start3A_167] : memref<2x64x128xf32, #tpu.memory_space<vmem>> -> memref<1x64x128xf32, #tpu.memory_space<vmem>>
        %dma_start3A_169 = tpu.memref_squeeze %dma_start3A_168 : memref<1x64x128xf32, #tpu.memory_space<vmem>> -> memref<64x128xf32, #tpu.memory_space<vmem>>
        %dma_start3A_170 = arith.constant 0 : i32
        %dma_start3A_171 = tpu.memref_slice %arg5[%dma_start3A_170, %mul3A_147] : memref<64x1000000xf32, #tpu.memory_space<hbm>> -> memref<64x128xf32, #tpu.memory_space<hbm>>
        tpu.enqueue_dma source(%dma_start3A_171 : memref<64x128xf32, #tpu.memory_space<hbm>>) target(%dma_start3A_169 : memref<64x128xf32, #tpu.memory_space<vmem>>) target_semaphore(%arg20 : memref<!tpu.dma_semaphore, #tpu.memory_space<semaphore_mem>>)
      } else {
      }
      %add3A_113 = arith.constant 15 : i32
      %add3A_114 = arith.addi %scan3A_18, %add3A_113 : i32
      %shift_right_logical3A = arith.constant 4 : i32
      %shift_right_logical3A_115 = arith.shrui %add3A_114, %shift_right_logical3A : i32
      %while3A_116 = arith.constant 0 : i32
      %while3A_117 = arith.subi %shift_right_logical3A_115, %while3A_116 : i32
      %while3A_118 = arith.addi %while3A_116, %while3A_117 : i32
      %while3A_119 = arith.constant 1 : i32
      %while3A_120 = arith.divsi %while3A_117, %while3A_119 : i32
      %while3A_121 = arith.muli %while3A_120, %while3A_119 : i32
      %while3A_122 = arith.addi %while3A_116, %while3A_121 : i32
      %while3A_123 = arith.constant 1 : i32
      %while3A_124:2 = scf.for %while3A_142 = %while3A_116 to %while3A_122 step %while3A_123 iter_args(%while3A_143 = %while3A_74, %while3A_144 = %while3A_75) -> (i32, i32)  : i32 {
        %mul3A_145 = arith.constant 16 : i32
        %mul3A_146 = arith.muli %while3A_142, %mul3A_145 : i32
        %get3A = arith.index_cast %mul3A_146 : i32 to index
        %get3A_147 = tpu.vector_load %arg9[%get3A] {strides = array<i32>} : memref<16400xi32, #tpu.memory_space<vmem>>, vector<16xi32>,
        %shift_right_logical3A_148 = arith.constant 7 : i32
        %shift_right_logical3A_149 = vector.broadcast %shift_right_logical3A_148 : i32 to vector<16xi32>
        %shift_right_logical3A_150 = arith.shrui %get3A_147, %shift_right_logical3A_149 : vector<16xi32>
        %eq3A_151 = vector.broadcast %add3A_76 : i32 to vector<16xi32>
        %eq3A_152 = arith.cmpi eq, %shift_right_logical3A_150, %eq3A_151 : vector<16xi32>
        %all_reduce_population_count3A = tpu.all_reduce %eq3A_152 {dim = 0 : i64, kind = #tpu.reduction_kind<sum>} : vector<16xi1> -> vector<16xi32>
        %slice3A = vector.extract_strided_slice %all_reduce_population_count3A {offsets = [0], sizes = [1], strides = [1]} : vector<16xi32> to vector<1xi32>
        %squeeze3A = vector.extract %slice3A[0] : i32 from vector<1xi32>
        %gt3A = arith.constant 0 : i32
        %gt3A_153 = arith.cmpi sgt, %squeeze3A, %gt3A : i32
        %sub3A_154 = arith.subi %while3A_143, %while3A_144 : i32
        %gt3A_155 = arith.constant 48 : i32
        %gt3A_156 = arith.cmpi sgt, %sub3A_154, %gt3A_155 : i32
        %and3A = arith.andi %gt3A_153, %gt3A_156 : i1
        %convert_element_type3A_157 = arith.extui %and3A : i1 to i32
        %cond3A_158 = arith.constant 0 : i32
        %cond3A_159 = arith.cmpi ne, %convert_element_type3A_157, %cond3A_158 : i32
        %cond3A_160 = scf.if %cond3A_159 -> (i32) {
          %sub3A_167 = arith.subi %while3A_143, %while3A_144 : i32
          %while3A_168 = arith.constant 0 : i32
          %while3A_169 = arith.constant 0 : i32
          %while3A_170 = arith.subi %sub3A_167, %while3A_168 : i32
          %while3A_171 = arith.addi %while3A_168, %while3A_170 : i32
          %while3A_172 = arith.constant 1 : i32
          %while3A_173 = arith.divsi %while3A_170, %while3A_172 : i32
          %while3A_174 = arith.muli %while3A_173, %while3A_172 : i32
          %while3A_175 = arith.addi %while3A_168, %while3A_174 : i32
          %while3A_176 = arith.constant 1 : i32
          %while3A_177 = scf.for %while3A_180 = %while3A_168 to %while3A_175 step %while3A_176 iter_args(%while3A_181 = %while3A_169) -> (i32)  : i32 {
            %dma_wait3A_182 = arith.constant 0 : i32
            %dma_wait3A_183 = arith.constant 0 : i32
            %dma_wait3A_184 = tpu.memref_slice %arg19[%dma_wait3A_182, %dma_wait3A_183] : memref<64x64xf32, #tpu.memory_space<vmem>> -> memref<1x64xf32, #tpu.memory_space<vmem>>
            %dma_wait3A_185 = tpu.memref_squeeze %dma_wait3A_184 : memref<1x64xf32, #tpu.memory_space<vmem>> -> memref<64xf32, #tpu.memory_space<vmem>>
            %dma_wait3A_186 = arith.constant 0 : i32
            %dma_wait3A_187 = tpu.memref_slice %arg6[%dma_wait3A_186] : memref<1048576xf32, #tpu.memory_space<hbm>> -> memref<64xf32, #tpu.memory_space<hbm>>
            %dma_wait3A_188 = arith.constant 0 : i32
            %dma_wait3A_189 = tpu.memref_slice %arg19[%dma_wait3A_182, %dma_wait3A_188] : memref<64x64xf32, #tpu.memory_space<vmem>> -> memref<1x64xf32, #tpu.memory_space<vmem>>
            %dma_wait3A_190 = tpu.memref_squeeze %dma_wait3A_189 : memref<1x64xf32, #tpu.memory_space<vmem>> -> memref<64xf32, #tpu.memory_space<vmem>>
            %dma_wait3A_191 = arith.constant 0 : i32
            %dma_wait3A_192 = tpu.memref_slice %arg6[%dma_wait3A_191] : memref<1048576xf32, #tpu.memory_space<hbm>> -> memref<64xf32, #tpu.memory_space<hbm>>
            tpu.wait_dma2 semaphore(%arg21 : memref<!tpu.dma_semaphore, #tpu.memory_space<semaphore_mem>>) src(%dma_wait3A_192 : memref<64xf32, #tpu.memory_space<hbm>>) dst(%dma_wait3A_190 : memref<64xf32, #tpu.memory_space<vmem>>)
            %while3A_193 = arith.constant 0 : i32
            scf.yield %while3A_193 : i32
          }
          %while3A_178 = arith.constant 1 : i32
          %while3A_179 = scf.for %while3A_180 = %while3A_175 to %while3A_171 step %while3A_178 iter_args(%while3A_181 = %while3A_177) -> (i32)  : i32 {
            %dma_wait3A_182 = arith.constant 0 : i32
            %dma_wait3A_183 = arith.constant 0 : i32
            %dma_wait3A_184 = tpu.memref_slice %arg19[%dma_wait3A_182, %dma_wait3A_183] : memref<64x64xf32, #tpu.memory_space<vmem>> -> memref<1x64xf32, #tpu.memory_space<vmem>>
            %dma_wait3A_185 = tpu.memref_squeeze %dma_wait3A_184 : memref<1x64xf32, #tpu.memory_space<vmem>> -> memref<64xf32, #tpu.memory_space<vmem>>
            %dma_wait3A_186 = arith.constant 0 : i32
            %dma_wait3A_187 = tpu.memref_slice %arg6[%dma_wait3A_186] : memref<1048576xf32, #tpu.memory_space<hbm>> -> memref<64xf32, #tpu.memory_space<hbm>>
            %dma_wait3A_188 = arith.constant 0 : i32
            %dma_wait3A_189 = tpu.memref_slice %arg19[%dma_wait3A_182, %dma_wait3A_188] : memref<64x64xf32, #tpu.memory_space<vmem>> -> memref<1x64xf32, #tpu.memory_space<vmem>>
            %dma_wait3A_190 = tpu.memref_squeeze %dma_wait3A_189 : memref<1x64xf32, #tpu.memory_space<vmem>> -> memref<64xf32, #tpu.memory_space<vmem>>
            %dma_wait3A_191 = arith.constant 0 : i32
            %dma_wait3A_192 = tpu.memref_slice %arg6[%dma_wait3A_191] : memref<1048576xf32, #tpu.memory_space<hbm>> -> memref<64xf32, #tpu.memory_space<hbm>>
            tpu.wait_dma2 semaphore(%arg21 : memref<!tpu.dma_semaphore, #tpu.memory_space<semaphore_mem>>) src(%dma_wait3A_192 : memref<64xf32, #tpu.memory_space<hbm>>) dst(%dma_wait3A_190 : memref<64xf32, #tpu.memory_space<vmem>>)
            %while3A_193 = arith.constant 0 : i32
            scf.yield %while3A_193 : i32
          }
          scf.yield %while3A_143 : i32
        } else {
          scf.yield %while3A_144 : i32
        }
        %gt3A_161 = arith.constant 0 : i32
        %gt3A_162 = arith.cmpi sgt, %squeeze3A, %gt3A_161 : i32
        %convert_element_type3A_163 = arith.extui %gt3A_162 : i1 to i32
        %cond3A_164 = arith.constant 0 : i32
        %cond3A_165 = arith.cmpi ne, %convert_element_type3A_163, %cond3A_164 : i32
        scf.if %cond3A_165 {
          %and3A_167 = arith.constant 127 : i32
          %and3A_168 = vector.broadcast %and3A_167 : i32 to vector<16xi32>
          %and3A_169 = arith.andi %get3A_147, %and3A_168 : vector<16xi32>
          %swap3A = arith.constant 0 : index
          %swap3A_170 = tpu.vector_load %arg13[%swap3A] masked %eq3A_152 {strides = array<i32>} : memref<32xi32, #tpu.memory_space<vmem>>, vector<16xi32>, vector<16xi1>
          tpu.vector_store %arg13[%swap3A], %and3A_169 masked %eq3A_152 {strides = array<i32>} : memref<32xi32, #tpu.memory_space<vmem>>, vector<16xi32>, vector<16xi1>
          %get3A_171 = arith.index_cast %mul3A_146 : i32 to index
          %get3A_172 = tpu.vector_load %arg10[%get3A_171] {strides = array<i32>} : memref<16400xi32, #tpu.memory_space<vmem>>, vector<16xi32>,
          %swap3A_173 = arith.constant 0 : index
          %swap3A_174 = tpu.vector_load %arg14[%swap3A_173] masked %eq3A_152 {strides = array<i32>} : memref<32xi32, #tpu.memory_space<vmem>>, vector<16xi32>, vector<16xi1>
          tpu.vector_store %arg14[%swap3A_173], %get3A_172 masked %eq3A_152 {strides = array<i32>} : memref<32xi32, #tpu.memory_space<vmem>>, vector<16xi32>, vector<16xi1>
          %while3A_175 = arith.constant 0 : i32
          %while3A_176 = arith.constant 0 : i32
          %while3A_177 = arith.subi %squeeze3A, %while3A_175 : i32
          %while3A_178 = arith.addi %while3A_175, %while3A_177 : i32
          %while3A_179 = arith.constant 1 : i32
          %while3A_180 = arith.divsi %while3A_177, %while3A_179 : i32
          %while3A_181 = arith.muli %while3A_180, %while3A_179 : i32
          %while3A_182 = arith.addi %while3A_175, %while3A_181 : i32
          %while3A_183 = arith.constant 1 : i32
          %while3A_184 = scf.for %while3A_187 = %while3A_175 to %while3A_182 step %while3A_183 iter_args(%while3A_188 = %while3A_176) -> (i32)  : i32 {
            %get3A_189 = arith.index_cast %while3A_187 : i32 to index
            %get3A_190 = tpu.vector_load %arg13[%get3A_189] {strides = array<i32>} : memref<32xi32, #tpu.memory_space<vmem>>, vector<16xi32>,
            %slice3A_191 = vector.extract_strided_slice %get3A_190 {offsets = [0], sizes = [1], strides = [1]} : vector<16xi32> to vector<1xi32>
            %squeeze3A_192 = vector.extract %slice3A_191[0] : i32 from vector<1xi32>
            %get3A_193 = arith.index_cast %while3A_187 : i32 to index
            %get3A_194 = tpu.vector_load %arg14[%get3A_193] {strides = array<i32>} : memref<32xi32, #tpu.memory_space<vmem>>, vector<16xi32>,
            %slice3A_195 = vector.extract_strided_slice %get3A_194 {offsets = [0], sizes = [1], strides = [1]} : vector<16xi32> to vector<1xi32>
            %squeeze3A_196 = vector.extract %slice3A_195[0] : i32 from vector<1xi32>
            %add3A_197 = arith.addi %while3A_143, %while3A_187 : i32
            %and3A_198 = arith.constant 63 : i32
            %and3A_199 = arith.andi %add3A_197, %and3A_198 : i32
            %add3A_200 = arith.constant 0 : i32
            %add3A_201 = vector.broadcast %add3A_200 : i32 to vector<16xi32>
            %add3A_202 = arith.addi %add3A_201, %iota3A : vector<16xi32>
            %broadcast_in_dim3A = vector.broadcast %rem3A_77 : i32 to vector<16xi32>
            %broadcast_in_dim3A_203 = vector.broadcast %squeeze3A_192 : i32 to vector<16xi32>
            %gather3A = tpu.vector_load_idx %arg15[%broadcast_in_dim3A, %add3A_202, %broadcast_in_dim3A_203] : memref<2x64x128xf32, #tpu.memory_space<vmem>>[vector<16xi32>, vector<16xi32>, vector<16xi32>], vector<16xf32>,
            %swap3A_204 = arith.index_cast %and3A_199 : i32 to index
            %swap3A_205 = arith.constant 0 : index
            %swap3A_206 = tpu.vector_load %arg19[%swap3A_204, %swap3A_205] {strides = array<i32>} : memref<64x64xf32, #tpu.memory_space<vmem>>, vector<16xf32>,
            tpu.vector_store %arg19[%swap3A_204, %swap3A_205], %gather3A {strides = array<i32>} : memref<64x64xf32, #tpu.memory_space<vmem>>, vector<16xf32>,
            %add3A_207 = arith.constant 16 : i32
            %add3A_208 = vector.broadcast %add3A_207 : i32 to vector<16xi32>
            %add3A_209 = arith.addi %add3A_208, %iota3A : vector<16xi32>
            %broadcast_in_dim3A_210 = vector.broadcast %rem3A_77 : i32 to vector<16xi32>
            %broadcast_in_dim3A_211 = vector.broadcast %squeeze3A_192 : i32 to vector<16xi32>
            %gather3A_212 = tpu.vector_load_idx %arg15[%broadcast_in_dim3A_210, %add3A_209, %broadcast_in_dim3A_211] : memref<2x64x128xf32, #tpu.memory_space<vmem>>[vector<16xi32>, vector<16xi32>, vector<16xi32>], vector<16xf32>,
            %swap3A_213 = arith.index_cast %and3A_199 : i32 to index
            %swap3A_214 = arith.constant 16 : index
            %swap3A_215 = tpu.vector_load %arg19[%swap3A_213, %swap3A_214] {strides = array<i32>} : memref<64x64xf32, #tpu.memory_space<vmem>>, vector<16xf32>,
            tpu.vector_store %arg19[%swap3A_213, %swap3A_214], %gather3A_212 {strides = array<i32>} : memref<64x64xf32, #tpu.memory_space<vmem>>, vector<16xf32>,
            %add3A_216 = arith.constant 32 : i32
            %add3A_217 = vector.broadcast %add3A_216 : i32 to vector<16xi32>
            %add3A_218 = arith.addi %add3A_217, %iota3A : vector<16xi32>
            %broadcast_in_dim3A_219 = vector.broadcast %rem3A_77 : i32 to vector<16xi32>
            %broadcast_in_dim3A_220 = vector.broadcast %squeeze3A_192 : i32 to vector<16xi32>
            %gather3A_221 = tpu.vector_load_idx %arg15[%broadcast_in_dim3A_219, %add3A_218, %broadcast_in_dim3A_220] : memref<2x64x128xf32, #tpu.memory_space<vmem>>[vector<16xi32>, vector<16xi32>, vector<16xi32>], vector<16xf32>,
            %swap3A_222 = arith.index_cast %and3A_199 : i32 to index
            %swap3A_223 = arith.constant 32 : index
            %swap3A_224 = tpu.vector_load %arg19[%swap3A_222, %swap3A_223] {strides = array<i32>} : memref<64x64xf32, #tpu.memory_space<vmem>>, vector<16xf32>,
            tpu.vector_store %arg19[%swap3A_222, %swap3A_223], %gather3A_221 {strides = array<i32>} : memref<64x64xf32, #tpu.memory_space<vmem>>, vector<16xf32>,
            %add3A_225 = arith.constant 48 : i32
            %add3A_226 = vector.broadcast %add3A_225 : i32 to vector<16xi32>
            %add3A_227 = arith.addi %add3A_226, %iota3A : vector<16xi32>
            %broadcast_in_dim3A_228 = vector.broadcast %rem3A_77 : i32 to vector<16xi32>
            %broadcast_in_dim3A_229 = vector.broadcast %squeeze3A_192 : i32 to vector<16xi32>
            %gather3A_230 = tpu.vector_load_idx %arg15[%broadcast_in_dim3A_228, %add3A_227, %broadcast_in_dim3A_229] : memref<2x64x128xf32, #tpu.memory_space<vmem>>[vector<16xi32>, vector<16xi32>, vector<16xi32>], vector<16xf32>,
            %swap3A_231 = arith.index_cast %and3A_199 : i32 to index
            %swap3A_232 = arith.constant 48 : index
            %swap3A_233 = tpu.vector_load %arg19[%swap3A_231, %swap3A_232] {strides = array<i32>} : memref<64x64xf32, #tpu.memory_space<vmem>>, vector<16xf32>,
            tpu.vector_store %arg19[%swap3A_231, %swap3A_232], %gather3A_230 {strides = array<i32>} : memref<64x64xf32, #tpu.memory_space<vmem>>, vector<16xf32>,
            %mul3A_234 = arith.constant 64 : i32
            %mul3A_235 = arith.muli %squeeze3A_196, %mul3A_234 : i32
            %dma_start3A_236 = arith.constant 0 : i32
            %dma_start3A_237 = tpu.memref_slice %arg19[%and3A_199, %dma_start3A_236] : memref<64x64xf32, #tpu.memory_space<vmem>> -> memref<1x64xf32, #tpu.memory_space<vmem>>
            %dma_start3A_238 = tpu.memref_squeeze %dma_start3A_237 : memref<1x64xf32, #tpu.memory_space<vmem>> -> memref<64xf32, #tpu.memory_space<vmem>>
            %dma_start3A_239 = tpu.memref_slice %arg6[%mul3A_235] : memref<1048576xf32, #tpu.memory_space<hbm>> -> memref<64xf32, #tpu.memory_space<hbm>>
            %dma_start3A_240 = tpu.memref_slice %arg6[%mul3A_235] : memref<1048576xf32, #tpu.memory_space<hbm>> -> memref<64xf32, #tpu.memory_space<hbm>>
            %dma_start3A_241 = arith.constant 0 : i32
            %dma_start3A_242 = tpu.memref_slice %arg19[%and3A_199, %dma_start3A_241] : memref<64x64xf32, #tpu.memory_space<vmem>> -> memref<1x64xf32, #tpu.memory_space<vmem>>
            %dma_start3A_243 = tpu.memref_squeeze %dma_start3A_242 : memref<1x64xf32, #tpu.memory_space<vmem>> -> memref<64xf32, #tpu.memory_space<vmem>>
            tpu.enqueue_dma source(%dma_start3A_243 : memref<64xf32, #tpu.memory_space<vmem>>) target(%dma_start3A_240 : memref<64xf32, #tpu.memory_space<hbm>>) target_semaphore(%arg21 : memref<!tpu.dma_semaphore, #tpu.memory_space<semaphore_mem>>)
            %while3A_244 = arith.constant 0 : i32
            scf.yield %while3A_244 : i32
          }
          %while3A_185 = arith.constant 1 : i32
          %while3A_186 = scf.for %while3A_187 = %while3A_182 to %while3A_178 step %while3A_185 iter_args(%while3A_188 = %while3A_184) -> (i32)  : i32 {
            %get3A_189 = arith.index_cast %while3A_187 : i32 to index
            %get3A_190 = tpu.vector_load %arg13[%get3A_189] {strides = array<i32>} : memref<32xi32, #tpu.memory_space<vmem>>, vector<16xi32>,
            %slice3A_191 = vector.extract_strided_slice %get3A_190 {offsets = [0], sizes = [1], strides = [1]} : vector<16xi32> to vector<1xi32>
            %squeeze3A_192 = vector.extract %slice3A_191[0] : i32 from vector<1xi32>
            %get3A_193 = arith.index_cast %while3A_187 : i32 to index
            %get3A_194 = tpu.vector_load %arg14[%get3A_193] {strides = array<i32>} : memref<32xi32, #tpu.memory_space<vmem>>, vector<16xi32>,
            %slice3A_195 = vector.extract_strided_slice %get3A_194 {offsets = [0], sizes = [1], strides = [1]} : vector<16xi32> to vector<1xi32>
            %squeeze3A_196 = vector.extract %slice3A_195[0] : i32 from vector<1xi32>
            %add3A_197 = arith.addi %while3A_143, %while3A_187 : i32
            %and3A_198 = arith.constant 63 : i32
            %and3A_199 = arith.andi %add3A_197, %and3A_198 : i32
            %add3A_200 = arith.constant 0 : i32
            %add3A_201 = vector.broadcast %add3A_200 : i32 to vector<16xi32>
            %add3A_202 = arith.addi %add3A_201, %iota3A : vector<16xi32>
            %broadcast_in_dim3A = vector.broadcast %rem3A_77 : i32 to vector<16xi32>
            %broadcast_in_dim3A_203 = vector.broadcast %squeeze3A_192 : i32 to vector<16xi32>
            %gather3A = tpu.vector_load_idx %arg15[%broadcast_in_dim3A, %add3A_202, %broadcast_in_dim3A_203] : memref<2x64x128xf32, #tpu.memory_space<vmem>>[vector<16xi32>, vector<16xi32>, vector<16xi32>], vector<16xf32>,
            %swap3A_204 = arith.index_cast %and3A_199 : i32 to index
            %swap3A_205 = arith.constant 0 : index
            %swap3A_206 = tpu.vector_load %arg19[%swap3A_204, %swap3A_205] {strides = array<i32>} : memref<64x64xf32, #tpu.memory_space<vmem>>, vector<16xf32>,
            tpu.vector_store %arg19[%swap3A_204, %swap3A_205], %gather3A {strides = array<i32>} : memref<64x64xf32, #tpu.memory_space<vmem>>, vector<16xf32>,
            %add3A_207 = arith.constant 16 : i32
            %add3A_208 = vector.broadcast %add3A_207 : i32 to vector<16xi32>
            %add3A_209 = arith.addi %add3A_208, %iota3A : vector<16xi32>
            %broadcast_in_dim3A_210 = vector.broadcast %rem3A_77 : i32 to vector<16xi32>
            %broadcast_in_dim3A_211 = vector.broadcast %squeeze3A_192 : i32 to vector<16xi32>
            %gather3A_212 = tpu.vector_load_idx %arg15[%broadcast_in_dim3A_210, %add3A_209, %broadcast_in_dim3A_211] : memref<2x64x128xf32, #tpu.memory_space<vmem>>[vector<16xi32>, vector<16xi32>, vector<16xi32>], vector<16xf32>,
            %swap3A_213 = arith.index_cast %and3A_199 : i32 to index
            %swap3A_214 = arith.constant 16 : index
            %swap3A_215 = tpu.vector_load %arg19[%swap3A_213, %swap3A_214] {strides = array<i32>} : memref<64x64xf32, #tpu.memory_space<vmem>>, vector<16xf32>,
            tpu.vector_store %arg19[%swap3A_213, %swap3A_214], %gather3A_212 {strides = array<i32>} : memref<64x64xf32, #tpu.memory_space<vmem>>, vector<16xf32>,
            %add3A_216 = arith.constant 32 : i32
            %add3A_217 = vector.broadcast %add3A_216 : i32 to vector<16xi32>
            %add3A_218 = arith.addi %add3A_217, %iota3A : vector<16xi32>
            %broadcast_in_dim3A_219 = vector.broadcast %rem3A_77 : i32 to vector<16xi32>
            %broadcast_in_dim3A_220 = vector.broadcast %squeeze3A_192 : i32 to vector<16xi32>
            %gather3A_221 = tpu.vector_load_idx %arg15[%broadcast_in_dim3A_219, %add3A_218, %broadcast_in_dim3A_220] : memref<2x64x128xf32, #tpu.memory_space<vmem>>[vector<16xi32>, vector<16xi32>, vector<16xi32>], vector<16xf32>,
            %swap3A_222 = arith.index_cast %and3A_199 : i32 to index
            %swap3A_223 = arith.constant 32 : index
            %swap3A_224 = tpu.vector_load %arg19[%swap3A_222, %swap3A_223] {strides = array<i32>} : memref<64x64xf32, #tpu.memory_space<vmem>>, vector<16xf32>,
            tpu.vector_store %arg19[%swap3A_222, %swap3A_223], %gather3A_221 {strides = array<i32>} : memref<64x64xf32, #tpu.memory_space<vmem>>, vector<16xf32>,
            %add3A_225 = arith.constant 48 : i32
            %add3A_226 = vector.broadcast %add3A_225 : i32 to vector<16xi32>
            %add3A_227 = arith.addi %add3A_226, %iota3A : vector<16xi32>
            %broadcast_in_dim3A_228 = vector.broadcast %rem3A_77 : i32 to vector<16xi32>
            %broadcast_in_dim3A_229 = vector.broadcast %squeeze3A_192 : i32 to vector<16xi32>
            %gather3A_230 = tpu.vector_load_idx %arg15[%broadcast_in_dim3A_228, %add3A_227, %broadcast_in_dim3A_229] : memref<2x64x128xf32, #tpu.memory_space<vmem>>[vector<16xi32>, vector<16xi32>, vector<16xi32>], vector<16xf32>,
            %swap3A_231 = arith.index_cast %and3A_199 : i32 to index
            %swap3A_232 = arith.constant 48 : index
            %swap3A_233 = tpu.vector_load %arg19[%swap3A_231, %swap3A_232] {strides = array<i32>} : memref<64x64xf32, #tpu.memory_space<vmem>>, vector<16xf32>,
            tpu.vector_store %arg19[%swap3A_231, %swap3A_232], %gather3A_230 {strides = array<i32>} : memref<64x64xf32, #tpu.memory_space<vmem>>, vector<16xf32>,
            %mul3A_234 = arith.constant 64 : i32
            %mul3A_235 = arith.muli %squeeze3A_196, %mul3A_234 : i32
            %dma_start3A_236 = arith.constant 0 : i32
            %dma_start3A_237 = tpu.memref_slice %arg19[%and3A_199, %dma_start3A_236] : memref<64x64xf32, #tpu.memory_space<vmem>> -> memref<1x64xf32, #tpu.memory_space<vmem>>
            %dma_start3A_238 = tpu.memref_squeeze %dma_start3A_237 : memref<1x64xf32, #tpu.memory_space<vmem>> -> memref<64xf32, #tpu.memory_space<vmem>>
            %dma_start3A_239 = tpu.memref_slice %arg6[%mul3A_235] : memref<1048576xf32, #tpu.memory_space<hbm>> -> memref<64xf32, #tpu.memory_space<hbm>>
            %dma_start3A_240 = tpu.memref_slice %arg6[%mul3A_235] : memref<1048576xf32, #tpu.memory_space<hbm>> -> memref<64xf32, #tpu.memory_space<hbm>>
            %dma_start3A_241 = arith.constant 0 : i32
            %dma_start3A_242 = tpu.memref_slice %arg19[%and3A_199, %dma_start3A_241] : memref<64x64xf32, #tpu.memory_space<vmem>> -> memref<1x64xf32, #tpu.memory_space<vmem>>
            %dma_start3A_243 = tpu.memref_squeeze %dma_start3A_242 : memref<1x64xf32, #tpu.memory_space<vmem>> -> memref<64xf32, #tpu.memory_space<vmem>>
            tpu.enqueue_dma source(%dma_start3A_243 : memref<64xf32, #tpu.memory_space<vmem>>) target(%dma_start3A_240 : memref<64xf32, #tpu.memory_space<hbm>>) target_semaphore(%arg21 : memref<!tpu.dma_semaphore, #tpu.memory_space<semaphore_mem>>)
            %while3A_244 = arith.constant 0 : i32
            scf.yield %while3A_244 : i32
          }
        } else {
        }
        %add3A_166 = arith.addi %while3A_143, %squeeze3A : i32
        scf.yield %add3A_166, %cond3A_160 : i32, i32
      }
      %while3A_125 = arith.constant 1 : i32
      %while3A_126:2 = scf.for %while3A_142 = %while3A_122 to %while3A_118 step %while3A_125 iter_args(%while3A_143 = %while3A_124#0, %while3A_144 = %while3A_124#1) -> (i32, i32)  : i32 {
        %mul3A_145 = arith.constant 16 : i32
        %mul3A_146 = arith.muli %while3A_142, %mul3A_145 : i32
        %get3A = arith.index_cast %mul3A_146 : i32 to index
        %get3A_147 = tpu.vector_load %arg9[%get3A] {strides = array<i32>} : memref<16400xi32, #tpu.memory_space<vmem>>, vector<16xi32>,
        %shift_right_logical3A_148 = arith.constant 7 : i32
        %shift_right_logical3A_149 = vector.broadcast %shift_right_logical3A_148 : i32 to vector<16xi32>
        %shift_right_logical3A_150 = arith.shrui %get3A_147, %shift_right_logical3A_149 : vector<16xi32>
        %eq3A_151 = vector.broadcast %add3A_76 : i32 to vector<16xi32>
        %eq3A_152 = arith.cmpi eq, %shift_right_logical3A_150, %eq3A_151 : vector<16xi32>
        %all_reduce_population_count3A = tpu.all_reduce %eq3A_152 {dim = 0 : i64, kind = #tpu.reduction_kind<sum>} : vector<16xi1> -> vector<16xi32>
        %slice3A = vector.extract_strided_slice %all_reduce_population_count3A {offsets = [0], sizes = [1], strides = [1]} : vector<16xi32> to vector<1xi32>
        %squeeze3A = vector.extract %slice3A[0] : i32 from vector<1xi32>
        %gt3A = arith.constant 0 : i32
        %gt3A_153 = arith.cmpi sgt, %squeeze3A, %gt3A : i32
        %sub3A_154 = arith.subi %while3A_143, %while3A_144 : i32
        %gt3A_155 = arith.constant 48 : i32
        %gt3A_156 = arith.cmpi sgt, %sub3A_154, %gt3A_155 : i32
        %and3A = arith.andi %gt3A_153, %gt3A_156 : i1
        %convert_element_type3A_157 = arith.extui %and3A : i1 to i32
        %cond3A_158 = arith.constant 0 : i32
        %cond3A_159 = arith.cmpi ne, %convert_element_type3A_157, %cond3A_158 : i32
        %cond3A_160 = scf.if %cond3A_159 -> (i32) {
          %sub3A_167 = arith.subi %while3A_143, %while3A_144 : i32
          %while3A_168 = arith.constant 0 : i32
          %while3A_169 = arith.constant 0 : i32
          %while3A_170 = arith.subi %sub3A_167, %while3A_168 : i32
          %while3A_171 = arith.addi %while3A_168, %while3A_170 : i32
          %while3A_172 = arith.constant 1 : i32
          %while3A_173 = arith.divsi %while3A_170, %while3A_172 : i32
          %while3A_174 = arith.muli %while3A_173, %while3A_172 : i32
          %while3A_175 = arith.addi %while3A_168, %while3A_174 : i32
          %while3A_176 = arith.constant 1 : i32
          %while3A_177 = scf.for %while3A_180 = %while3A_168 to %while3A_175 step %while3A_176 iter_args(%while3A_181 = %while3A_169) -> (i32)  : i32 {
            %dma_wait3A_182 = arith.constant 0 : i32
            %dma_wait3A_183 = arith.constant 0 : i32
            %dma_wait3A_184 = tpu.memref_slice %arg19[%dma_wait3A_182, %dma_wait3A_183] : memref<64x64xf32, #tpu.memory_space<vmem>> -> memref<1x64xf32, #tpu.memory_space<vmem>>
            %dma_wait3A_185 = tpu.memref_squeeze %dma_wait3A_184 : memref<1x64xf32, #tpu.memory_space<vmem>> -> memref<64xf32, #tpu.memory_space<vmem>>
            %dma_wait3A_186 = arith.constant 0 : i32
            %dma_wait3A_187 = tpu.memref_slice %arg6[%dma_wait3A_186] : memref<1048576xf32, #tpu.memory_space<hbm>> -> memref<64xf32, #tpu.memory_space<hbm>>
            %dma_wait3A_188 = arith.constant 0 : i32
            %dma_wait3A_189 = tpu.memref_slice %arg19[%dma_wait3A_182, %dma_wait3A_188] : memref<64x64xf32, #tpu.memory_space<vmem>> -> memref<1x64xf32, #tpu.memory_space<vmem>>
            %dma_wait3A_190 = tpu.memref_squeeze %dma_wait3A_189 : memref<1x64xf32, #tpu.memory_space<vmem>> -> memref<64xf32, #tpu.memory_space<vmem>>
            %dma_wait3A_191 = arith.constant 0 : i32
            %dma_wait3A_192 = tpu.memref_slice %arg6[%dma_wait3A_191] : memref<1048576xf32, #tpu.memory_space<hbm>> -> memref<64xf32, #tpu.memory_space<hbm>>
            tpu.wait_dma2 semaphore(%arg21 : memref<!tpu.dma_semaphore, #tpu.memory_space<semaphore_mem>>) src(%dma_wait3A_192 : memref<64xf32, #tpu.memory_space<hbm>>) dst(%dma_wait3A_190 : memref<64xf32, #tpu.memory_space<vmem>>)
            %while3A_193 = arith.constant 0 : i32
            scf.yield %while3A_193 : i32
          }
          %while3A_178 = arith.constant 1 : i32
          %while3A_179 = scf.for %while3A_180 = %while3A_175 to %while3A_171 step %while3A_178 iter_args(%while3A_181 = %while3A_177) -> (i32)  : i32 {
            %dma_wait3A_182 = arith.constant 0 : i32
            %dma_wait3A_183 = arith.constant 0 : i32
            %dma_wait3A_184 = tpu.memref_slice %arg19[%dma_wait3A_182, %dma_wait3A_183] : memref<64x64xf32, #tpu.memory_space<vmem>> -> memref<1x64xf32, #tpu.memory_space<vmem>>
            %dma_wait3A_185 = tpu.memref_squeeze %dma_wait3A_184 : memref<1x64xf32, #tpu.memory_space<vmem>> -> memref<64xf32, #tpu.memory_space<vmem>>
            %dma_wait3A_186 = arith.constant 0 : i32
            %dma_wait3A_187 = tpu.memref_slice %arg6[%dma_wait3A_186] : memref<1048576xf32, #tpu.memory_space<hbm>> -> memref<64xf32, #tpu.memory_space<hbm>>
            %dma_wait3A_188 = arith.constant 0 : i32
            %dma_wait3A_189 = tpu.memref_slice %arg19[%dma_wait3A_182, %dma_wait3A_188] : memref<64x64xf32, #tpu.memory_space<vmem>> -> memref<1x64xf32, #tpu.memory_space<vmem>>
            %dma_wait3A_190 = tpu.memref_squeeze %dma_wait3A_189 : memref<1x64xf32, #tpu.memory_space<vmem>> -> memref<64xf32, #tpu.memory_space<vmem>>
            %dma_wait3A_191 = arith.constant 0 : i32
            %dma_wait3A_192 = tpu.memref_slice %arg6[%dma_wait3A_191] : memref<1048576xf32, #tpu.memory_space<hbm>> -> memref<64xf32, #tpu.memory_space<hbm>>
            tpu.wait_dma2 semaphore(%arg21 : memref<!tpu.dma_semaphore, #tpu.memory_space<semaphore_mem>>) src(%dma_wait3A_192 : memref<64xf32, #tpu.memory_space<hbm>>) dst(%dma_wait3A_190 : memref<64xf32, #tpu.memory_space<vmem>>)
            %while3A_193 = arith.constant 0 : i32
            scf.yield %while3A_193 : i32
          }
          scf.yield %while3A_143 : i32
        } else {
          scf.yield %while3A_144 : i32
        }
        %gt3A_161 = arith.constant 0 : i32
        %gt3A_162 = arith.cmpi sgt, %squeeze3A, %gt3A_161 : i32
        %convert_element_type3A_163 = arith.extui %gt3A_162 : i1 to i32
        %cond3A_164 = arith.constant 0 : i32
        %cond3A_165 = arith.cmpi ne, %convert_element_type3A_163, %cond3A_164 : i32
        scf.if %cond3A_165 {
          %and3A_167 = arith.constant 127 : i32
          %and3A_168 = vector.broadcast %and3A_167 : i32 to vector<16xi32>
          %and3A_169 = arith.andi %get3A_147, %and3A_168 : vector<16xi32>
          %swap3A = arith.constant 0 : index
          %swap3A_170 = tpu.vector_load %arg13[%swap3A] masked %eq3A_152 {strides = array<i32>} : memref<32xi32, #tpu.memory_space<vmem>>, vector<16xi32>, vector<16xi1>
          tpu.vector_store %arg13[%swap3A], %and3A_169 masked %eq3A_152 {strides = array<i32>} : memref<32xi32, #tpu.memory_space<vmem>>, vector<16xi32>, vector<16xi1>
          %get3A_171 = arith.index_cast %mul3A_146 : i32 to index
          %get3A_172 = tpu.vector_load %arg10[%get3A_171] {strides = array<i32>} : memref<16400xi32, #tpu.memory_space<vmem>>, vector<16xi32>,
          %swap3A_173 = arith.constant 0 : index
          %swap3A_174 = tpu.vector_load %arg14[%swap3A_173] masked %eq3A_152 {strides = array<i32>} : memref<32xi32, #tpu.memory_space<vmem>>, vector<16xi32>, vector<16xi1>
          tpu.vector_store %arg14[%swap3A_173], %get3A_172 masked %eq3A_152 {strides = array<i32>} : memref<32xi32, #tpu.memory_space<vmem>>, vector<16xi32>, vector<16xi1>
          %while3A_175 = arith.constant 0 : i32
          %while3A_176 = arith.constant 0 : i32
          %while3A_177 = arith.subi %squeeze3A, %while3A_175 : i32
          %while3A_178 = arith.addi %while3A_175, %while3A_177 : i32
          %while3A_179 = arith.constant 1 : i32
          %while3A_180 = arith.divsi %while3A_177, %while3A_179 : i32
          %while3A_181 = arith.muli %while3A_180, %while3A_179 : i32
          %while3A_182 = arith.addi %while3A_175, %while3A_181 : i32
          %while3A_183 = arith.constant 1 : i32
          %while3A_184 = scf.for %while3A_187 = %while3A_175 to %while3A_182 step %while3A_183 iter_args(%while3A_188 = %while3A_176) -> (i32)  : i32 {
            %get3A_189 = arith.index_cast %while3A_187 : i32 to index
            %get3A_190 = tpu.vector_load %arg13[%get3A_189] {strides = array<i32>} : memref<32xi32, #tpu.memory_space<vmem>>, vector<16xi32>,
            %slice3A_191 = vector.extract_strided_slice %get3A_190 {offsets = [0], sizes = [1], strides = [1]} : vector<16xi32> to vector<1xi32>
            %squeeze3A_192 = vector.extract %slice3A_191[0] : i32 from vector<1xi32>
            %get3A_193 = arith.index_cast %while3A_187 : i32 to index
            %get3A_194 = tpu.vector_load %arg14[%get3A_193] {strides = array<i32>} : memref<32xi32, #tpu.memory_space<vmem>>, vector<16xi32>,
            %slice3A_195 = vector.extract_strided_slice %get3A_194 {offsets = [0], sizes = [1], strides = [1]} : vector<16xi32> to vector<1xi32>
            %squeeze3A_196 = vector.extract %slice3A_195[0] : i32 from vector<1xi32>
            %add3A_197 = arith.addi %while3A_143, %while3A_187 : i32
            %and3A_198 = arith.constant 63 : i32
            %and3A_199 = arith.andi %add3A_197, %and3A_198 : i32
            %add3A_200 = arith.constant 0 : i32
            %add3A_201 = vector.broadcast %add3A_200 : i32 to vector<16xi32>
            %add3A_202 = arith.addi %add3A_201, %iota3A : vector<16xi32>
            %broadcast_in_dim3A = vector.broadcast %rem3A_77 : i32 to vector<16xi32>
            %broadcast_in_dim3A_203 = vector.broadcast %squeeze3A_192 : i32 to vector<16xi32>
            %gather3A = tpu.vector_load_idx %arg15[%broadcast_in_dim3A, %add3A_202, %broadcast_in_dim3A_203] : memref<2x64x128xf32, #tpu.memory_space<vmem>>[vector<16xi32>, vector<16xi32>, vector<16xi32>], vector<16xf32>,
            %swap3A_204 = arith.index_cast %and3A_199 : i32 to index
            %swap3A_205 = arith.constant 0 : index
            %swap3A_206 = tpu.vector_load %arg19[%swap3A_204, %swap3A_205] {strides = array<i32>} : memref<64x64xf32, #tpu.memory_space<vmem>>, vector<16xf32>,
            tpu.vector_store %arg19[%swap3A_204, %swap3A_205], %gather3A {strides = array<i32>} : memref<64x64xf32, #tpu.memory_space<vmem>>, vector<16xf32>,
            %add3A_207 = arith.constant 16 : i32
            %add3A_208 = vector.broadcast %add3A_207 : i32 to vector<16xi32>
            %add3A_209 = arith.addi %add3A_208, %iota3A : vector<16xi32>
            %broadcast_in_dim3A_210 = vector.broadcast %rem3A_77 : i32 to vector<16xi32>
            %broadcast_in_dim3A_211 = vector.broadcast %squeeze3A_192 : i32 to vector<16xi32>
            %gather3A_212 = tpu.vector_load_idx %arg15[%broadcast_in_dim3A_210, %add3A_209, %broadcast_in_dim3A_211] : memref<2x64x128xf32, #tpu.memory_space<vmem>>[vector<16xi32>, vector<16xi32>, vector<16xi32>], vector<16xf32>,
            %swap3A_213 = arith.index_cast %and3A_199 : i32 to index
            %swap3A_214 = arith.constant 16 : index
            %swap3A_215 = tpu.vector_load %arg19[%swap3A_213, %swap3A_214] {strides = array<i32>} : memref<64x64xf32, #tpu.memory_space<vmem>>, vector<16xf32>,
            tpu.vector_store %arg19[%swap3A_213, %swap3A_214], %gather3A_212 {strides = array<i32>} : memref<64x64xf32, #tpu.memory_space<vmem>>, vector<16xf32>,
            %add3A_216 = arith.constant 32 : i32
            %add3A_217 = vector.broadcast %add3A_216 : i32 to vector<16xi32>
            %add3A_218 = arith.addi %add3A_217, %iota3A : vector<16xi32>
            %broadcast_in_dim3A_219 = vector.broadcast %rem3A_77 : i32 to vector<16xi32>
            %broadcast_in_dim3A_220 = vector.broadcast %squeeze3A_192 : i32 to vector<16xi32>
            %gather3A_221 = tpu.vector_load_idx %arg15[%broadcast_in_dim3A_219, %add3A_218, %broadcast_in_dim3A_220] : memref<2x64x128xf32, #tpu.memory_space<vmem>>[vector<16xi32>, vector<16xi32>, vector<16xi32>], vector<16xf32>,
            %swap3A_222 = arith.index_cast %and3A_199 : i32 to index
            %swap3A_223 = arith.constant 32 : index
            %swap3A_224 = tpu.vector_load %arg19[%swap3A_222, %swap3A_223] {strides = array<i32>} : memref<64x64xf32, #tpu.memory_space<vmem>>, vector<16xf32>,
            tpu.vector_store %arg19[%swap3A_222, %swap3A_223], %gather3A_221 {strides = array<i32>} : memref<64x64xf32, #tpu.memory_space<vmem>>, vector<16xf32>,
            %add3A_225 = arith.constant 48 : i32
            %add3A_226 = vector.broadcast %add3A_225 : i32 to vector<16xi32>
            %add3A_227 = arith.addi %add3A_226, %iota3A : vector<16xi32>
            %broadcast_in_dim3A_228 = vector.broadcast %rem3A_77 : i32 to vector<16xi32>
            %broadcast_in_dim3A_229 = vector.broadcast %squeeze3A_192 : i32 to vector<16xi32>
            %gather3A_230 = tpu.vector_load_idx %arg15[%broadcast_in_dim3A_228, %add3A_227, %broadcast_in_dim3A_229] : memref<2x64x128xf32, #tpu.memory_space<vmem>>[vector<16xi32>, vector<16xi32>, vector<16xi32>], vector<16xf32>,
            %swap3A_231 = arith.index_cast %and3A_199 : i32 to index
            %swap3A_232 = arith.constant 48 : index
            %swap3A_233 = tpu.vector_load %arg19[%swap3A_231, %swap3A_232] {strides = array<i32>} : memref<64x64xf32, #tpu.memory_space<vmem>>, vector<16xf32>,
            tpu.vector_store %arg19[%swap3A_231, %swap3A_232], %gather3A_230 {strides = array<i32>} : memref<64x64xf32, #tpu.memory_space<vmem>>, vector<16xf32>,
            %mul3A_234 = arith.constant 64 : i32
            %mul3A_235 = arith.muli %squeeze3A_196, %mul3A_234 : i32
            %dma_start3A_236 = arith.constant 0 : i32
            %dma_start3A_237 = tpu.memref_slice %arg19[%and3A_199, %dma_start3A_236] : memref<64x64xf32, #tpu.memory_space<vmem>> -> memref<1x64xf32, #tpu.memory_space<vmem>>
            %dma_start3A_238 = tpu.memref_squeeze %dma_start3A_237 : memref<1x64xf32, #tpu.memory_space<vmem>> -> memref<64xf32, #tpu.memory_space<vmem>>
            %dma_start3A_239 = tpu.memref_slice %arg6[%mul3A_235] : memref<1048576xf32, #tpu.memory_space<hbm>> -> memref<64xf32, #tpu.memory_space<hbm>>
            %dma_start3A_240 = tpu.memref_slice %arg6[%mul3A_235] : memref<1048576xf32, #tpu.memory_space<hbm>> -> memref<64xf32, #tpu.memory_space<hbm>>
            %dma_start3A_241 = arith.constant 0 : i32
            %dma_start3A_242 = tpu.memref_slice %arg19[%and3A_199, %dma_start3A_241] : memref<64x64xf32, #tpu.memory_space<vmem>> -> memref<1x64xf32, #tpu.memory_space<vmem>>
            %dma_start3A_243 = tpu.memref_squeeze %dma_start3A_242 : memref<1x64xf32, #tpu.memory_space<vmem>> -> memref<64xf32, #tpu.memory_space<vmem>>
            tpu.enqueue_dma source(%dma_start3A_243 : memref<64xf32, #tpu.memory_space<vmem>>) target(%dma_start3A_240 : memref<64xf32, #tpu.memory_space<hbm>>) target_semaphore(%arg21 : memref<!tpu.dma_semaphore, #tpu.memory_space<semaphore_mem>>)
            %while3A_244 = arith.constant 0 : i32
            scf.yield %while3A_244 : i32
          }
          %while3A_185 = arith.constant 1 : i32
          %while3A_186 = scf.for %while3A_187 = %while3A_182 to %while3A_178 step %while3A_185 iter_args(%while3A_188 = %while3A_184) -> (i32)  : i32 {
            %get3A_189 = arith.index_cast %while3A_187 : i32 to index
            %get3A_190 = tpu.vector_load %arg13[%get3A_189] {strides = array<i32>} : memref<32xi32, #tpu.memory_space<vmem>>, vector<16xi32>,
            %slice3A_191 = vector.extract_strided_slice %get3A_190 {offsets = [0], sizes = [1], strides = [1]} : vector<16xi32> to vector<1xi32>
            %squeeze3A_192 = vector.extract %slice3A_191[0] : i32 from vector<1xi32>
            %get3A_193 = arith.index_cast %while3A_187 : i32 to index
            %get3A_194 = tpu.vector_load %arg14[%get3A_193] {strides = array<i32>} : memref<32xi32, #tpu.memory_space<vmem>>, vector<16xi32>,
            %slice3A_195 = vector.extract_strided_slice %get3A_194 {offsets = [0], sizes = [1], strides = [1]} : vector<16xi32> to vector<1xi32>
            %squeeze3A_196 = vector.extract %slice3A_195[0] : i32 from vector<1xi32>
            %add3A_197 = arith.addi %while3A_143, %while3A_187 : i32
            %and3A_198 = arith.constant 63 : i32
            %and3A_199 = arith.andi %add3A_197, %and3A_198 : i32
            %add3A_200 = arith.constant 0 : i32
            %add3A_201 = vector.broadcast %add3A_200 : i32 to vector<16xi32>
            %add3A_202 = arith.addi %add3A_201, %iota3A : vector<16xi32>
            %broadcast_in_dim3A = vector.broadcast %rem3A_77 : i32 to vector<16xi32>
            %broadcast_in_dim3A_203 = vector.broadcast %squeeze3A_192 : i32 to vector<16xi32>
            %gather3A = tpu.vector_load_idx %arg15[%broadcast_in_dim3A, %add3A_202, %broadcast_in_dim3A_203] : memref<2x64x128xf32, #tpu.memory_space<vmem>>[vector<16xi32>, vector<16xi32>, vector<16xi32>], vector<16xf32>,
            %swap3A_204 = arith.index_cast %and3A_199 : i32 to index
            %swap3A_205 = arith.constant 0 : index
            %swap3A_206 = tpu.vector_load %arg19[%swap3A_204, %swap3A_205] {strides = array<i32>} : memref<64x64xf32, #tpu.memory_space<vmem>>, vector<16xf32>,
            tpu.vector_store %arg19[%swap3A_204, %swap3A_205], %gather3A {strides = array<i32>} : memref<64x64xf32, #tpu.memory_space<vmem>>, vector<16xf32>,
            %add3A_207 = arith.constant 16 : i32
            %add3A_208 = vector.broadcast %add3A_207 : i32 to vector<16xi32>
            %add3A_209 = arith.addi %add3A_208, %iota3A : vector<16xi32>
            %broadcast_in_dim3A_210 = vector.broadcast %rem3A_77 : i32 to vector<16xi32>
            %broadcast_in_dim3A_211 = vector.broadcast %squeeze3A_192 : i32 to vector<16xi32>
            %gather3A_212 = tpu.vector_load_idx %arg15[%broadcast_in_dim3A_210, %add3A_209, %broadcast_in_dim3A_211] : memref<2x64x128xf32, #tpu.memory_space<vmem>>[vector<16xi32>, vector<16xi32>, vector<16xi32>], vector<16xf32>,
            %swap3A_213 = arith.index_cast %and3A_199 : i32 to index
            %swap3A_214 = arith.constant 16 : index
            %swap3A_215 = tpu.vector_load %arg19[%swap3A_213, %swap3A_214] {strides = array<i32>} : memref<64x64xf32, #tpu.memory_space<vmem>>, vector<16xf32>,
            tpu.vector_store %arg19[%swap3A_213, %swap3A_214], %gather3A_212 {strides = array<i32>} : memref<64x64xf32, #tpu.memory_space<vmem>>, vector<16xf32>,
            %add3A_216 = arith.constant 32 : i32
            %add3A_217 = vector.broadcast %add3A_216 : i32 to vector<16xi32>
            %add3A_218 = arith.addi %add3A_217, %iota3A : vector<16xi32>
            %broadcast_in_dim3A_219 = vector.broadcast %rem3A_77 : i32 to vector<16xi32>
            %broadcast_in_dim3A_220 = vector.broadcast %squeeze3A_192 : i32 to vector<16xi32>
            %gather3A_221 = tpu.vector_load_idx %arg15[%broadcast_in_dim3A_219, %add3A_218, %broadcast_in_dim3A_220] : memref<2x64x128xf32, #tpu.memory_space<vmem>>[vector<16xi32>, vector<16xi32>, vector<16xi32>], vector<16xf32>,
            %swap3A_222 = arith.index_cast %and3A_199 : i32 to index
            %swap3A_223 = arith.constant 32 : index
            %swap3A_224 = tpu.vector_load %arg19[%swap3A_222, %swap3A_223] {strides = array<i32>} : memref<64x64xf32, #tpu.memory_space<vmem>>, vector<16xf32>,
            tpu.vector_store %arg19[%swap3A_222, %swap3A_223], %gather3A_221 {strides = array<i32>} : memref<64x64xf32, #tpu.memory_space<vmem>>, vector<16xf32>,
            %add3A_225 = arith.constant 48 : i32
            %add3A_226 = vector.broadcast %add3A_225 : i32 to vector<16xi32>
            %add3A_227 = arith.addi %add3A_226, %iota3A : vector<16xi32>
            %broadcast_in_dim3A_228 = vector.broadcast %rem3A_77 : i32 to vector<16xi32>
            %broadcast_in_dim3A_229 = vector.broadcast %squeeze3A_192 : i32 to vector<16xi32>
            %gather3A_230 = tpu.vector_load_idx %arg15[%broadcast_in_dim3A_228, %add3A_227, %broadcast_in_dim3A_229] : memref<2x64x128xf32, #tpu.memory_space<vmem>>[vector<16xi32>, vector<16xi32>, vector<16xi32>], vector<16xf32>,
            %swap3A_231 = arith.index_cast %and3A_199 : i32 to index
            %swap3A_232 = arith.constant 48 : index
            %swap3A_233 = tpu.vector_load %arg19[%swap3A_231, %swap3A_232] {strides = array<i32>} : memref<64x64xf32, #tpu.memory_space<vmem>>, vector<16xf32>,
            tpu.vector_store %arg19[%swap3A_231, %swap3A_232], %gather3A_230 {strides = array<i32>} : memref<64x64xf32, #tpu.memory_space<vmem>>, vector<16xf32>,
            %mul3A_234 = arith.constant 64 : i32
            %mul3A_235 = arith.muli %squeeze3A_196, %mul3A_234 : i32
            %dma_start3A_236 = arith.constant 0 : i32
            %dma_start3A_237 = tpu.memref_slice %arg19[%and3A_199, %dma_start3A_236] : memref<64x64xf32, #tpu.memory_space<vmem>> -> memref<1x64xf32, #tpu.memory_space<vmem>>
            %dma_start3A_238 = tpu.memref_squeeze %dma_start3A_237 : memref<1x64xf32, #tpu.memory_space<vmem>> -> memref<64xf32, #tpu.memory_space<vmem>>
            %dma_start3A_239 = tpu.memref_slice %arg6[%mul3A_235] : memref<1048576xf32, #tpu.memory_space<hbm>> -> memref<64xf32, #tpu.memory_space<hbm>>
            %dma_start3A_240 = tpu.memref_slice %arg6[%mul3A_235] : memref<1048576xf32, #tpu.memory_space<hbm>> -> memref<64xf32, #tpu.memory_space<hbm>>
            %dma_start3A_241 = arith.constant 0 : i32
            %dma_start3A_242 = tpu.memref_slice %arg19[%and3A_199, %dma_start3A_241] : memref<64x64xf32, #tpu.memory_space<vmem>> -> memref<1x64xf32, #tpu.memory_space<vmem>>
            %dma_start3A_243 = tpu.memref_squeeze %dma_start3A_242 : memref<1x64xf32, #tpu.memory_space<vmem>> -> memref<64xf32, #tpu.memory_space<vmem>>
            tpu.enqueue_dma source(%dma_start3A_243 : memref<64xf32, #tpu.memory_space<vmem>>) target(%dma_start3A_240 : memref<64xf32, #tpu.memory_space<hbm>>) target_semaphore(%arg21 : memref<!tpu.dma_semaphore, #tpu.memory_space<semaphore_mem>>)
            %while3A_244 = arith.constant 0 : i32
            scf.yield %while3A_244 : i32
          }
        } else {
        }
        %add3A_166 = arith.addi %while3A_143, %squeeze3A : i32
        scf.yield %add3A_166, %cond3A_160 : i32, i32
      }
      %add3A_127 = arith.constant 15 : i32
      %add3A_128 = arith.addi %scan3A_25, %add3A_127 : i32
      %shift_right_logical3A_129 = arith.constant 4 : i32
      %shift_right_logical3A_130 = arith.shrui %add3A_128, %shift_right_logical3A_129 : i32
      %while3A_131 = arith.constant 0 : i32
      %while3A_132 = arith.subi %shift_right_logical3A_130, %while3A_131 : i32
      %while3A_133 = arith.addi %while3A_131, %while3A_132 : i32
      %while3A_134 = arith.constant 1 : i32
      %while3A_135 = arith.divsi %while3A_132, %while3A_134 : i32
      %while3A_136 = arith.muli %while3A_135, %while3A_134 : i32
      %while3A_137 = arith.addi %while3A_131, %while3A_136 : i32
      %while3A_138 = arith.constant 1 : i32
      %while3A_139:2 = scf.for %while3A_142 = %while3A_131 to %while3A_137 step %while3A_138 iter_args(%while3A_143 = %while3A_126#0, %while3A_144 = %while3A_126#1) -> (i32, i32)  : i32 {
        %mul3A_145 = arith.constant 16 : i32
        %mul3A_146 = arith.muli %while3A_142, %mul3A_145 : i32
        %get3A = arith.index_cast %mul3A_146 : i32 to index
        %get3A_147 = tpu.vector_load %arg11[%get3A] {strides = array<i32>} : memref<16400xi32, #tpu.memory_space<vmem>>, vector<16xi32>,
        %shift_right_logical3A_148 = arith.constant 7 : i32
        %shift_right_logical3A_149 = vector.broadcast %shift_right_logical3A_148 : i32 to vector<16xi32>
        %shift_right_logical3A_150 = arith.shrui %get3A_147, %shift_right_logical3A_149 : vector<16xi32>
        %eq3A_151 = vector.broadcast %add3A_76 : i32 to vector<16xi32>
        %eq3A_152 = arith.cmpi eq, %shift_right_logical3A_150, %eq3A_151 : vector<16xi32>
        %all_reduce_population_count3A = tpu.all_reduce %eq3A_152 {dim = 0 : i64, kind = #tpu.reduction_kind<sum>} : vector<16xi1> -> vector<16xi32>
        %slice3A = vector.extract_strided_slice %all_reduce_population_count3A {offsets = [0], sizes = [1], strides = [1]} : vector<16xi32> to vector<1xi32>
        %squeeze3A = vector.extract %slice3A[0] : i32 from vector<1xi32>
        %gt3A = arith.constant 0 : i32
        %gt3A_153 = arith.cmpi sgt, %squeeze3A, %gt3A : i32
        %sub3A_154 = arith.subi %while3A_143, %while3A_144 : i32
        %gt3A_155 = arith.constant 48 : i32
        %gt3A_156 = arith.cmpi sgt, %sub3A_154, %gt3A_155 : i32
        %and3A = arith.andi %gt3A_153, %gt3A_156 : i1
        %convert_element_type3A_157 = arith.extui %and3A : i1 to i32
        %cond3A_158 = arith.constant 0 : i32
        %cond3A_159 = arith.cmpi ne, %convert_element_type3A_157, %cond3A_158 : i32
        %cond3A_160 = scf.if %cond3A_159 -> (i32) {
          %sub3A_167 = arith.subi %while3A_143, %while3A_144 : i32
          %while3A_168 = arith.constant 0 : i32
          %while3A_169 = arith.constant 0 : i32
          %while3A_170 = arith.subi %sub3A_167, %while3A_168 : i32
          %while3A_171 = arith.addi %while3A_168, %while3A_170 : i32
          %while3A_172 = arith.constant 1 : i32
          %while3A_173 = arith.divsi %while3A_170, %while3A_172 : i32
          %while3A_174 = arith.muli %while3A_173, %while3A_172 : i32
          %while3A_175 = arith.addi %while3A_168, %while3A_174 : i32
          %while3A_176 = arith.constant 1 : i32
          %while3A_177 = scf.for %while3A_180 = %while3A_168 to %while3A_175 step %while3A_176 iter_args(%while3A_181 = %while3A_169) -> (i32)  : i32 {
            %dma_wait3A_182 = arith.constant 0 : i32
            %dma_wait3A_183 = arith.constant 0 : i32
            %dma_wait3A_184 = tpu.memref_slice %arg19[%dma_wait3A_182, %dma_wait3A_183] : memref<64x64xf32, #tpu.memory_space<vmem>> -> memref<1x64xf32, #tpu.memory_space<vmem>>
            %dma_wait3A_185 = tpu.memref_squeeze %dma_wait3A_184 : memref<1x64xf32, #tpu.memory_space<vmem>> -> memref<64xf32, #tpu.memory_space<vmem>>
            %dma_wait3A_186 = arith.constant 0 : i32
            %dma_wait3A_187 = tpu.memref_slice %arg7[%dma_wait3A_186] : memref<1048576xf32, #tpu.memory_space<hbm>> -> memref<64xf32, #tpu.memory_space<hbm>>
            %dma_wait3A_188 = arith.constant 0 : i32
            %dma_wait3A_189 = tpu.memref_slice %arg19[%dma_wait3A_182, %dma_wait3A_188] : memref<64x64xf32, #tpu.memory_space<vmem>> -> memref<1x64xf32, #tpu.memory_space<vmem>>
            %dma_wait3A_190 = tpu.memref_squeeze %dma_wait3A_189 : memref<1x64xf32, #tpu.memory_space<vmem>> -> memref<64xf32, #tpu.memory_space<vmem>>
            %dma_wait3A_191 = arith.constant 0 : i32
            %dma_wait3A_192 = tpu.memref_slice %arg7[%dma_wait3A_191] : memref<1048576xf32, #tpu.memory_space<hbm>> -> memref<64xf32, #tpu.memory_space<hbm>>
            tpu.wait_dma2 semaphore(%arg21 : memref<!tpu.dma_semaphore, #tpu.memory_space<semaphore_mem>>) src(%dma_wait3A_192 : memref<64xf32, #tpu.memory_space<hbm>>) dst(%dma_wait3A_190 : memref<64xf32, #tpu.memory_space<vmem>>)
            %while3A_193 = arith.constant 0 : i32
            scf.yield %while3A_193 : i32
          }
          %while3A_178 = arith.constant 1 : i32
          %while3A_179 = scf.for %while3A_180 = %while3A_175 to %while3A_171 step %while3A_178 iter_args(%while3A_181 = %while3A_177) -> (i32)  : i32 {
            %dma_wait3A_182 = arith.constant 0 : i32
            %dma_wait3A_183 = arith.constant 0 : i32
            %dma_wait3A_184 = tpu.memref_slice %arg19[%dma_wait3A_182, %dma_wait3A_183] : memref<64x64xf32, #tpu.memory_space<vmem>> -> memref<1x64xf32, #tpu.memory_space<vmem>>
            %dma_wait3A_185 = tpu.memref_squeeze %dma_wait3A_184 : memref<1x64xf32, #tpu.memory_space<vmem>> -> memref<64xf32, #tpu.memory_space<vmem>>
            %dma_wait3A_186 = arith.constant 0 : i32
            %dma_wait3A_187 = tpu.memref_slice %arg7[%dma_wait3A_186] : memref<1048576xf32, #tpu.memory_space<hbm>> -> memref<64xf32, #tpu.memory_space<hbm>>
            %dma_wait3A_188 = arith.constant 0 : i32
            %dma_wait3A_189 = tpu.memref_slice %arg19[%dma_wait3A_182, %dma_wait3A_188] : memref<64x64xf32, #tpu.memory_space<vmem>> -> memref<1x64xf32, #tpu.memory_space<vmem>>
            %dma_wait3A_190 = tpu.memref_squeeze %dma_wait3A_189 : memref<1x64xf32, #tpu.memory_space<vmem>> -> memref<64xf32, #tpu.memory_space<vmem>>
            %dma_wait3A_191 = arith.constant 0 : i32
            %dma_wait3A_192 = tpu.memref_slice %arg7[%dma_wait3A_191] : memref<1048576xf32, #tpu.memory_space<hbm>> -> memref<64xf32, #tpu.memory_space<hbm>>
            tpu.wait_dma2 semaphore(%arg21 : memref<!tpu.dma_semaphore, #tpu.memory_space<semaphore_mem>>) src(%dma_wait3A_192 : memref<64xf32, #tpu.memory_space<hbm>>) dst(%dma_wait3A_190 : memref<64xf32, #tpu.memory_space<vmem>>)
            %while3A_193 = arith.constant 0 : i32
            scf.yield %while3A_193 : i32
          }
          scf.yield %while3A_143 : i32
        } else {
          scf.yield %while3A_144 : i32
        }
        %gt3A_161 = arith.constant 0 : i32
        %gt3A_162 = arith.cmpi sgt, %squeeze3A, %gt3A_161 : i32
        %convert_element_type3A_163 = arith.extui %gt3A_162 : i1 to i32
        %cond3A_164 = arith.constant 0 : i32
        %cond3A_165 = arith.cmpi ne, %convert_element_type3A_163, %cond3A_164 : i32
        scf.if %cond3A_165 {
          %and3A_167 = arith.constant 127 : i32
          %and3A_168 = vector.broadcast %and3A_167 : i32 to vector<16xi32>
          %and3A_169 = arith.andi %get3A_147, %and3A_168 : vector<16xi32>
          %swap3A = arith.constant 0 : index
          %swap3A_170 = tpu.vector_load %arg13[%swap3A] masked %eq3A_152 {strides = array<i32>} : memref<32xi32, #tpu.memory_space<vmem>>, vector<16xi32>, vector<16xi1>
          tpu.vector_store %arg13[%swap3A], %and3A_169 masked %eq3A_152 {strides = array<i32>} : memref<32xi32, #tpu.memory_space<vmem>>, vector<16xi32>, vector<16xi1>
          %get3A_171 = arith.index_cast %mul3A_146 : i32 to index
          %get3A_172 = tpu.vector_load %arg12[%get3A_171] {strides = array<i32>} : memref<16400xi32, #tpu.memory_space<vmem>>, vector<16xi32>,
          %swap3A_173 = arith.constant 0 : index
          %swap3A_174 = tpu.vector_load %arg14[%swap3A_173] masked %eq3A_152 {strides = array<i32>} : memref<32xi32, #tpu.memory_space<vmem>>, vector<16xi32>, vector<16xi1>
          tpu.vector_store %arg14[%swap3A_173], %get3A_172 masked %eq3A_152 {strides = array<i32>} : memref<32xi32, #tpu.memory_space<vmem>>, vector<16xi32>, vector<16xi1>
          %while3A_175 = arith.constant 0 : i32
          %while3A_176 = arith.constant 0 : i32
          %while3A_177 = arith.subi %squeeze3A, %while3A_175 : i32
          %while3A_178 = arith.addi %while3A_175, %while3A_177 : i32
          %while3A_179 = arith.constant 1 : i32
          %while3A_180 = arith.divsi %while3A_177, %while3A_179 : i32
          %while3A_181 = arith.muli %while3A_180, %while3A_179 : i32
          %while3A_182 = arith.addi %while3A_175, %while3A_181 : i32
          %while3A_183 = arith.constant 1 : i32
          %while3A_184 = scf.for %while3A_187 = %while3A_175 to %while3A_182 step %while3A_183 iter_args(%while3A_188 = %while3A_176) -> (i32)  : i32 {
            %get3A_189 = arith.index_cast %while3A_187 : i32 to index
            %get3A_190 = tpu.vector_load %arg13[%get3A_189] {strides = array<i32>} : memref<32xi32, #tpu.memory_space<vmem>>, vector<16xi32>,
            %slice3A_191 = vector.extract_strided_slice %get3A_190 {offsets = [0], sizes = [1], strides = [1]} : vector<16xi32> to vector<1xi32>
            %squeeze3A_192 = vector.extract %slice3A_191[0] : i32 from vector<1xi32>
            %get3A_193 = arith.index_cast %while3A_187 : i32 to index
            %get3A_194 = tpu.vector_load %arg14[%get3A_193] {strides = array<i32>} : memref<32xi32, #tpu.memory_space<vmem>>, vector<16xi32>,
            %slice3A_195 = vector.extract_strided_slice %get3A_194 {offsets = [0], sizes = [1], strides = [1]} : vector<16xi32> to vector<1xi32>
            %squeeze3A_196 = vector.extract %slice3A_195[0] : i32 from vector<1xi32>
            %add3A_197 = arith.addi %while3A_143, %while3A_187 : i32
            %and3A_198 = arith.constant 63 : i32
            %and3A_199 = arith.andi %add3A_197, %and3A_198 : i32
            %add3A_200 = arith.constant 0 : i32
            %add3A_201 = vector.broadcast %add3A_200 : i32 to vector<16xi32>
            %add3A_202 = arith.addi %add3A_201, %iota3A : vector<16xi32>
            %broadcast_in_dim3A = vector.broadcast %rem3A_77 : i32 to vector<16xi32>
            %broadcast_in_dim3A_203 = vector.broadcast %squeeze3A_192 : i32 to vector<16xi32>
            %gather3A = tpu.vector_load_idx %arg16[%broadcast_in_dim3A, %add3A_202, %broadcast_in_dim3A_203] : memref<2x64x128xf32, #tpu.memory_space<vmem>>[vector<16xi32>, vector<16xi32>, vector<16xi32>], vector<16xf32>,
            %swap3A_204 = arith.index_cast %and3A_199 : i32 to index
            %swap3A_205 = arith.constant 0 : index
            %swap3A_206 = tpu.vector_load %arg19[%swap3A_204, %swap3A_205] {strides = array<i32>} : memref<64x64xf32, #tpu.memory_space<vmem>>, vector<16xf32>,
            tpu.vector_store %arg19[%swap3A_204, %swap3A_205], %gather3A {strides = array<i32>} : memref<64x64xf32, #tpu.memory_space<vmem>>, vector<16xf32>,
            %add3A_207 = arith.constant 16 : i32
            %add3A_208 = vector.broadcast %add3A_207 : i32 to vector<16xi32>
            %add3A_209 = arith.addi %add3A_208, %iota3A : vector<16xi32>
            %broadcast_in_dim3A_210 = vector.broadcast %rem3A_77 : i32 to vector<16xi32>
            %broadcast_in_dim3A_211 = vector.broadcast %squeeze3A_192 : i32 to vector<16xi32>
            %gather3A_212 = tpu.vector_load_idx %arg16[%broadcast_in_dim3A_210, %add3A_209, %broadcast_in_dim3A_211] : memref<2x64x128xf32, #tpu.memory_space<vmem>>[vector<16xi32>, vector<16xi32>, vector<16xi32>], vector<16xf32>,
            %swap3A_213 = arith.index_cast %and3A_199 : i32 to index
            %swap3A_214 = arith.constant 16 : index
            %swap3A_215 = tpu.vector_load %arg19[%swap3A_213, %swap3A_214] {strides = array<i32>} : memref<64x64xf32, #tpu.memory_space<vmem>>, vector<16xf32>,
            tpu.vector_store %arg19[%swap3A_213, %swap3A_214], %gather3A_212 {strides = array<i32>} : memref<64x64xf32, #tpu.memory_space<vmem>>, vector<16xf32>,
            %add3A_216 = arith.constant 32 : i32
            %add3A_217 = vector.broadcast %add3A_216 : i32 to vector<16xi32>
            %add3A_218 = arith.addi %add3A_217, %iota3A : vector<16xi32>
            %broadcast_in_dim3A_219 = vector.broadcast %rem3A_77 : i32 to vector<16xi32>
            %broadcast_in_dim3A_220 = vector.broadcast %squeeze3A_192 : i32 to vector<16xi32>
            %gather3A_221 = tpu.vector_load_idx %arg16[%broadcast_in_dim3A_219, %add3A_218, %broadcast_in_dim3A_220] : memref<2x64x128xf32, #tpu.memory_space<vmem>>[vector<16xi32>, vector<16xi32>, vector<16xi32>], vector<16xf32>,
            %swap3A_222 = arith.index_cast %and3A_199 : i32 to index
            %swap3A_223 = arith.constant 32 : index
            %swap3A_224 = tpu.vector_load %arg19[%swap3A_222, %swap3A_223] {strides = array<i32>} : memref<64x64xf32, #tpu.memory_space<vmem>>, vector<16xf32>,
            tpu.vector_store %arg19[%swap3A_222, %swap3A_223], %gather3A_221 {strides = array<i32>} : memref<64x64xf32, #tpu.memory_space<vmem>>, vector<16xf32>,
            %add3A_225 = arith.constant 48 : i32
            %add3A_226 = vector.broadcast %add3A_225 : i32 to vector<16xi32>
            %add3A_227 = arith.addi %add3A_226, %iota3A : vector<16xi32>
            %broadcast_in_dim3A_228 = vector.broadcast %rem3A_77 : i32 to vector<16xi32>
            %broadcast_in_dim3A_229 = vector.broadcast %squeeze3A_192 : i32 to vector<16xi32>
            %gather3A_230 = tpu.vector_load_idx %arg16[%broadcast_in_dim3A_228, %add3A_227, %broadcast_in_dim3A_229] : memref<2x64x128xf32, #tpu.memory_space<vmem>>[vector<16xi32>, vector<16xi32>, vector<16xi32>], vector<16xf32>,
            %swap3A_231 = arith.index_cast %and3A_199 : i32 to index
            %swap3A_232 = arith.constant 48 : index
            %swap3A_233 = tpu.vector_load %arg19[%swap3A_231, %swap3A_232] {strides = array<i32>} : memref<64x64xf32, #tpu.memory_space<vmem>>, vector<16xf32>,
            tpu.vector_store %arg19[%swap3A_231, %swap3A_232], %gather3A_230 {strides = array<i32>} : memref<64x64xf32, #tpu.memory_space<vmem>>, vector<16xf32>,
            %mul3A_234 = arith.constant 64 : i32
            %mul3A_235 = arith.muli %squeeze3A_196, %mul3A_234 : i32
            %dma_start3A_236 = arith.constant 0 : i32
            %dma_start3A_237 = tpu.memref_slice %arg19[%and3A_199, %dma_start3A_236] : memref<64x64xf32, #tpu.memory_space<vmem>> -> memref<1x64xf32, #tpu.memory_space<vmem>>
            %dma_start3A_238 = tpu.memref_squeeze %dma_start3A_237 : memref<1x64xf32, #tpu.memory_space<vmem>> -> memref<64xf32, #tpu.memory_space<vmem>>
            %dma_start3A_239 = tpu.memref_slice %arg7[%mul3A_235] : memref<1048576xf32, #tpu.memory_space<hbm>> -> memref<64xf32, #tpu.memory_space<hbm>>
            %dma_start3A_240 = tpu.memref_slice %arg7[%mul3A_235] : memref<1048576xf32, #tpu.memory_space<hbm>> -> memref<64xf32, #tpu.memory_space<hbm>>
            %dma_start3A_241 = arith.constant 0 : i32
            %dma_start3A_242 = tpu.memref_slice %arg19[%and3A_199, %dma_start3A_241] : memref<64x64xf32, #tpu.memory_space<vmem>> -> memref<1x64xf32, #tpu.memory_space<vmem>>
            %dma_start3A_243 = tpu.memref_squeeze %dma_start3A_242 : memref<1x64xf32, #tpu.memory_space<vmem>> -> memref<64xf32, #tpu.memory_space<vmem>>
            tpu.enqueue_dma source(%dma_start3A_243 : memref<64xf32, #tpu.memory_space<vmem>>) target(%dma_start3A_240 : memref<64xf32, #tpu.memory_space<hbm>>) target_semaphore(%arg21 : memref<!tpu.dma_semaphore, #tpu.memory_space<semaphore_mem>>)
            %while3A_244 = arith.constant 0 : i32
            scf.yield %while3A_244 : i32
          }
          %while3A_185 = arith.constant 1 : i32
          %while3A_186 = scf.for %while3A_187 = %while3A_182 to %while3A_178 step %while3A_185 iter_args(%while3A_188 = %while3A_184) -> (i32)  : i32 {
            %get3A_189 = arith.index_cast %while3A_187 : i32 to index
            %get3A_190 = tpu.vector_load %arg13[%get3A_189] {strides = array<i32>} : memref<32xi32, #tpu.memory_space<vmem>>, vector<16xi32>,
            %slice3A_191 = vector.extract_strided_slice %get3A_190 {offsets = [0], sizes = [1], strides = [1]} : vector<16xi32> to vector<1xi32>
            %squeeze3A_192 = vector.extract %slice3A_191[0] : i32 from vector<1xi32>
            %get3A_193 = arith.index_cast %while3A_187 : i32 to index
            %get3A_194 = tpu.vector_load %arg14[%get3A_193] {strides = array<i32>} : memref<32xi32, #tpu.memory_space<vmem>>, vector<16xi32>,
            %slice3A_195 = vector.extract_strided_slice %get3A_194 {offsets = [0], sizes = [1], strides = [1]} : vector<16xi32> to vector<1xi32>
            %squeeze3A_196 = vector.extract %slice3A_195[0] : i32 from vector<1xi32>
            %add3A_197 = arith.addi %while3A_143, %while3A_187 : i32
            %and3A_198 = arith.constant 63 : i32
            %and3A_199 = arith.andi %add3A_197, %and3A_198 : i32
            %add3A_200 = arith.constant 0 : i32
            %add3A_201 = vector.broadcast %add3A_200 : i32 to vector<16xi32>
            %add3A_202 = arith.addi %add3A_201, %iota3A : vector<16xi32>
            %broadcast_in_dim3A = vector.broadcast %rem3A_77 : i32 to vector<16xi32>
            %broadcast_in_dim3A_203 = vector.broadcast %squeeze3A_192 : i32 to vector<16xi32>
            %gather3A = tpu.vector_load_idx %arg16[%broadcast_in_dim3A, %add3A_202, %broadcast_in_dim3A_203] : memref<2x64x128xf32, #tpu.memory_space<vmem>>[vector<16xi32>, vector<16xi32>, vector<16xi32>], vector<16xf32>,
            %swap3A_204 = arith.index_cast %and3A_199 : i32 to index
            %swap3A_205 = arith.constant 0 : index
            %swap3A_206 = tpu.vector_load %arg19[%swap3A_204, %swap3A_205] {strides = array<i32>} : memref<64x64xf32, #tpu.memory_space<vmem>>, vector<16xf32>,
            tpu.vector_store %arg19[%swap3A_204, %swap3A_205], %gather3A {strides = array<i32>} : memref<64x64xf32, #tpu.memory_space<vmem>>, vector<16xf32>,
            %add3A_207 = arith.constant 16 : i32
            %add3A_208 = vector.broadcast %add3A_207 : i32 to vector<16xi32>
            %add3A_209 = arith.addi %add3A_208, %iota3A : vector<16xi32>
            %broadcast_in_dim3A_210 = vector.broadcast %rem3A_77 : i32 to vector<16xi32>
            %broadcast_in_dim3A_211 = vector.broadcast %squeeze3A_192 : i32 to vector<16xi32>
            %gather3A_212 = tpu.vector_load_idx %arg16[%broadcast_in_dim3A_210, %add3A_209, %broadcast_in_dim3A_211] : memref<2x64x128xf32, #tpu.memory_space<vmem>>[vector<16xi32>, vector<16xi32>, vector<16xi32>], vector<16xf32>,
            %swap3A_213 = arith.index_cast %and3A_199 : i32 to index
            %swap3A_214 = arith.constant 16 : index
            %swap3A_215 = tpu.vector_load %arg19[%swap3A_213, %swap3A_214] {strides = array<i32>} : memref<64x64xf32, #tpu.memory_space<vmem>>, vector<16xf32>,
            tpu.vector_store %arg19[%swap3A_213, %swap3A_214], %gather3A_212 {strides = array<i32>} : memref<64x64xf32, #tpu.memory_space<vmem>>, vector<16xf32>,
            %add3A_216 = arith.constant 32 : i32
            %add3A_217 = vector.broadcast %add3A_216 : i32 to vector<16xi32>
            %add3A_218 = arith.addi %add3A_217, %iota3A : vector<16xi32>
            %broadcast_in_dim3A_219 = vector.broadcast %rem3A_77 : i32 to vector<16xi32>
            %broadcast_in_dim3A_220 = vector.broadcast %squeeze3A_192 : i32 to vector<16xi32>
            %gather3A_221 = tpu.vector_load_idx %arg16[%broadcast_in_dim3A_219, %add3A_218, %broadcast_in_dim3A_220] : memref<2x64x128xf32, #tpu.memory_space<vmem>>[vector<16xi32>, vector<16xi32>, vector<16xi32>], vector<16xf32>,
            %swap3A_222 = arith.index_cast %and3A_199 : i32 to index
            %swap3A_223 = arith.constant 32 : index
            %swap3A_224 = tpu.vector_load %arg19[%swap3A_222, %swap3A_223] {strides = array<i32>} : memref<64x64xf32, #tpu.memory_space<vmem>>, vector<16xf32>,
            tpu.vector_store %arg19[%swap3A_222, %swap3A_223], %gather3A_221 {strides = array<i32>} : memref<64x64xf32, #tpu.memory_space<vmem>>, vector<16xf32>,
            %add3A_225 = arith.constant 48 : i32
            %add3A_226 = vector.broadcast %add3A_225 : i32 to vector<16xi32>
            %add3A_227 = arith.addi %add3A_226, %iota3A : vector<16xi32>
            %broadcast_in_dim3A_228 = vector.broadcast %rem3A_77 : i32 to vector<16xi32>
            %broadcast_in_dim3A_229 = vector.broadcast %squeeze3A_192 : i32 to vector<16xi32>
            %gather3A_230 = tpu.vector_load_idx %arg16[%broadcast_in_dim3A_228, %add3A_227, %broadcast_in_dim3A_229] : memref<2x64x128xf32, #tpu.memory_space<vmem>>[vector<16xi32>, vector<16xi32>, vector<16xi32>], vector<16xf32>,
            %swap3A_231 = arith.index_cast %and3A_199 : i32 to index
            %swap3A_232 = arith.constant 48 : index
            %swap3A_233 = tpu.vector_load %arg19[%swap3A_231, %swap3A_232] {strides = array<i32>} : memref<64x64xf32, #tpu.memory_space<vmem>>, vector<16xf32>,
            tpu.vector_store %arg19[%swap3A_231, %swap3A_232], %gather3A_230 {strides = array<i32>} : memref<64x64xf32, #tpu.memory_space<vmem>>, vector<16xf32>,
            %mul3A_234 = arith.constant 64 : i32
            %mul3A_235 = arith.muli %squeeze3A_196, %mul3A_234 : i32
            %dma_start3A_236 = arith.constant 0 : i32
            %dma_start3A_237 = tpu.memref_slice %arg19[%and3A_199, %dma_start3A_236] : memref<64x64xf32, #tpu.memory_space<vmem>> -> memref<1x64xf32, #tpu.memory_space<vmem>>
            %dma_start3A_238 = tpu.memref_squeeze %dma_start3A_237 : memref<1x64xf32, #tpu.memory_space<vmem>> -> memref<64xf32, #tpu.memory_space<vmem>>
            %dma_start3A_239 = tpu.memref_slice %arg7[%mul3A_235] : memref<1048576xf32, #tpu.memory_space<hbm>> -> memref<64xf32, #tpu.memory_space<hbm>>
            %dma_start3A_240 = tpu.memref_slice %arg7[%mul3A_235] : memref<1048576xf32, #tpu.memory_space<hbm>> -> memref<64xf32, #tpu.memory_space<hbm>>
            %dma_start3A_241 = arith.constant 0 : i32
            %dma_start3A_242 = tpu.memref_slice %arg19[%and3A_199, %dma_start3A_241] : memref<64x64xf32, #tpu.memory_space<vmem>> -> memref<1x64xf32, #tpu.memory_space<vmem>>
            %dma_start3A_243 = tpu.memref_squeeze %dma_start3A_242 : memref<1x64xf32, #tpu.memory_space<vmem>> -> memref<64xf32, #tpu.memory_space<vmem>>
            tpu.enqueue_dma source(%dma_start3A_243 : memref<64xf32, #tpu.memory_space<vmem>>) target(%dma_start3A_240 : memref<64xf32, #tpu.memory_space<hbm>>) target_semaphore(%arg21 : memref<!tpu.dma_semaphore, #tpu.memory_space<semaphore_mem>>)
            %while3A_244 = arith.constant 0 : i32
            scf.yield %while3A_244 : i32
          }
        } else {
        }
        %add3A_166 = arith.addi %while3A_143, %squeeze3A : i32
        scf.yield %add3A_166, %cond3A_160 : i32, i32
      }
      %while3A_140 = arith.constant 1 : i32
      %while3A_141:2 = scf.for %while3A_142 = %while3A_137 to %while3A_133 step %while3A_140 iter_args(%while3A_143 = %while3A_139#0, %while3A_144 = %while3A_139#1) -> (i32, i32)  : i32 {
        %mul3A_145 = arith.constant 16 : i32
        %mul3A_146 = arith.muli %while3A_142, %mul3A_145 : i32
        %get3A = arith.index_cast %mul3A_146 : i32 to index
        %get3A_147 = tpu.vector_load %arg11[%get3A] {strides = array<i32>} : memref<16400xi32, #tpu.memory_space<vmem>>, vector<16xi32>,
        %shift_right_logical3A_148 = arith.constant 7 : i32
        %shift_right_logical3A_149 = vector.broadcast %shift_right_logical3A_148 : i32 to vector<16xi32>
        %shift_right_logical3A_150 = arith.shrui %get3A_147, %shift_right_logical3A_149 : vector<16xi32>
        %eq3A_151 = vector.broadcast %add3A_76 : i32 to vector<16xi32>
        %eq3A_152 = arith.cmpi eq, %shift_right_logical3A_150, %eq3A_151 : vector<16xi32>
        %all_reduce_population_count3A = tpu.all_reduce %eq3A_152 {dim = 0 : i64, kind = #tpu.reduction_kind<sum>} : vector<16xi1> -> vector<16xi32>
        %slice3A = vector.extract_strided_slice %all_reduce_population_count3A {offsets = [0], sizes = [1], strides = [1]} : vector<16xi32> to vector<1xi32>
        %squeeze3A = vector.extract %slice3A[0] : i32 from vector<1xi32>
        %gt3A = arith.constant 0 : i32
        %gt3A_153 = arith.cmpi sgt, %squeeze3A, %gt3A : i32
        %sub3A_154 = arith.subi %while3A_143, %while3A_144 : i32
        %gt3A_155 = arith.constant 48 : i32
        %gt3A_156 = arith.cmpi sgt, %sub3A_154, %gt3A_155 : i32
        %and3A = arith.andi %gt3A_153, %gt3A_156 : i1
        %convert_element_type3A_157 = arith.extui %and3A : i1 to i32
        %cond3A_158 = arith.constant 0 : i32
        %cond3A_159 = arith.cmpi ne, %convert_element_type3A_157, %cond3A_158 : i32
        %cond3A_160 = scf.if %cond3A_159 -> (i32) {
          %sub3A_167 = arith.subi %while3A_143, %while3A_144 : i32
          %while3A_168 = arith.constant 0 : i32
          %while3A_169 = arith.constant 0 : i32
          %while3A_170 = arith.subi %sub3A_167, %while3A_168 : i32
          %while3A_171 = arith.addi %while3A_168, %while3A_170 : i32
          %while3A_172 = arith.constant 1 : i32
          %while3A_173 = arith.divsi %while3A_170, %while3A_172 : i32
          %while3A_174 = arith.muli %while3A_173, %while3A_172 : i32
          %while3A_175 = arith.addi %while3A_168, %while3A_174 : i32
          %while3A_176 = arith.constant 1 : i32
          %while3A_177 = scf.for %while3A_180 = %while3A_168 to %while3A_175 step %while3A_176 iter_args(%while3A_181 = %while3A_169) -> (i32)  : i32 {
            %dma_wait3A_182 = arith.constant 0 : i32
            %dma_wait3A_183 = arith.constant 0 : i32
            %dma_wait3A_184 = tpu.memref_slice %arg19[%dma_wait3A_182, %dma_wait3A_183] : memref<64x64xf32, #tpu.memory_space<vmem>> -> memref<1x64xf32, #tpu.memory_space<vmem>>
            %dma_wait3A_185 = tpu.memref_squeeze %dma_wait3A_184 : memref<1x64xf32, #tpu.memory_space<vmem>> -> memref<64xf32, #tpu.memory_space<vmem>>
            %dma_wait3A_186 = arith.constant 0 : i32
            %dma_wait3A_187 = tpu.memref_slice %arg7[%dma_wait3A_186] : memref<1048576xf32, #tpu.memory_space<hbm>> -> memref<64xf32, #tpu.memory_space<hbm>>
            %dma_wait3A_188 = arith.constant 0 : i32
            %dma_wait3A_189 = tpu.memref_slice %arg19[%dma_wait3A_182, %dma_wait3A_188] : memref<64x64xf32, #tpu.memory_space<vmem>> -> memref<1x64xf32, #tpu.memory_space<vmem>>
            %dma_wait3A_190 = tpu.memref_squeeze %dma_wait3A_189 : memref<1x64xf32, #tpu.memory_space<vmem>> -> memref<64xf32, #tpu.memory_space<vmem>>
            %dma_wait3A_191 = arith.constant 0 : i32
            %dma_wait3A_192 = tpu.memref_slice %arg7[%dma_wait3A_191] : memref<1048576xf32, #tpu.memory_space<hbm>> -> memref<64xf32, #tpu.memory_space<hbm>>
            tpu.wait_dma2 semaphore(%arg21 : memref<!tpu.dma_semaphore, #tpu.memory_space<semaphore_mem>>) src(%dma_wait3A_192 : memref<64xf32, #tpu.memory_space<hbm>>) dst(%dma_wait3A_190 : memref<64xf32, #tpu.memory_space<vmem>>)
            %while3A_193 = arith.constant 0 : i32
            scf.yield %while3A_193 : i32
          }
          %while3A_178 = arith.constant 1 : i32
          %while3A_179 = scf.for %while3A_180 = %while3A_175 to %while3A_171 step %while3A_178 iter_args(%while3A_181 = %while3A_177) -> (i32)  : i32 {
            %dma_wait3A_182 = arith.constant 0 : i32
            %dma_wait3A_183 = arith.constant 0 : i32
            %dma_wait3A_184 = tpu.memref_slice %arg19[%dma_wait3A_182, %dma_wait3A_183] : memref<64x64xf32, #tpu.memory_space<vmem>> -> memref<1x64xf32, #tpu.memory_space<vmem>>
            %dma_wait3A_185 = tpu.memref_squeeze %dma_wait3A_184 : memref<1x64xf32, #tpu.memory_space<vmem>> -> memref<64xf32, #tpu.memory_space<vmem>>
            %dma_wait3A_186 = arith.constant 0 : i32
            %dma_wait3A_187 = tpu.memref_slice %arg7[%dma_wait3A_186] : memref<1048576xf32, #tpu.memory_space<hbm>> -> memref<64xf32, #tpu.memory_space<hbm>>
            %dma_wait3A_188 = arith.constant 0 : i32
            %dma_wait3A_189 = tpu.memref_slice %arg19[%dma_wait3A_182, %dma_wait3A_188] : memref<64x64xf32, #tpu.memory_space<vmem>> -> memref<1x64xf32, #tpu.memory_space<vmem>>
            %dma_wait3A_190 = tpu.memref_squeeze %dma_wait3A_189 : memref<1x64xf32, #tpu.memory_space<vmem>> -> memref<64xf32, #tpu.memory_space<vmem>>
            %dma_wait3A_191 = arith.constant 0 : i32
            %dma_wait3A_192 = tpu.memref_slice %arg7[%dma_wait3A_191] : memref<1048576xf32, #tpu.memory_space<hbm>> -> memref<64xf32, #tpu.memory_space<hbm>>
            tpu.wait_dma2 semaphore(%arg21 : memref<!tpu.dma_semaphore, #tpu.memory_space<semaphore_mem>>) src(%dma_wait3A_192 : memref<64xf32, #tpu.memory_space<hbm>>) dst(%dma_wait3A_190 : memref<64xf32, #tpu.memory_space<vmem>>)
            %while3A_193 = arith.constant 0 : i32
            scf.yield %while3A_193 : i32
          }
          scf.yield %while3A_143 : i32
        } else {
          scf.yield %while3A_144 : i32
        }
        %gt3A_161 = arith.constant 0 : i32
        %gt3A_162 = arith.cmpi sgt, %squeeze3A, %gt3A_161 : i32
        %convert_element_type3A_163 = arith.extui %gt3A_162 : i1 to i32
        %cond3A_164 = arith.constant 0 : i32
        %cond3A_165 = arith.cmpi ne, %convert_element_type3A_163, %cond3A_164 : i32
        scf.if %cond3A_165 {
          %and3A_167 = arith.constant 127 : i32
          %and3A_168 = vector.broadcast %and3A_167 : i32 to vector<16xi32>
          %and3A_169 = arith.andi %get3A_147, %and3A_168 : vector<16xi32>
          %swap3A = arith.constant 0 : index
          %swap3A_170 = tpu.vector_load %arg13[%swap3A] masked %eq3A_152 {strides = array<i32>} : memref<32xi32, #tpu.memory_space<vmem>>, vector<16xi32>, vector<16xi1>
          tpu.vector_store %arg13[%swap3A], %and3A_169 masked %eq3A_152 {strides = array<i32>} : memref<32xi32, #tpu.memory_space<vmem>>, vector<16xi32>, vector<16xi1>
          %get3A_171 = arith.index_cast %mul3A_146 : i32 to index
          %get3A_172 = tpu.vector_load %arg12[%get3A_171] {strides = array<i32>} : memref<16400xi32, #tpu.memory_space<vmem>>, vector<16xi32>,
          %swap3A_173 = arith.constant 0 : index
          %swap3A_174 = tpu.vector_load %arg14[%swap3A_173] masked %eq3A_152 {strides = array<i32>} : memref<32xi32, #tpu.memory_space<vmem>>, vector<16xi32>, vector<16xi1>
          tpu.vector_store %arg14[%swap3A_173], %get3A_172 masked %eq3A_152 {strides = array<i32>} : memref<32xi32, #tpu.memory_space<vmem>>, vector<16xi32>, vector<16xi1>
          %while3A_175 = arith.constant 0 : i32
          %while3A_176 = arith.constant 0 : i32
          %while3A_177 = arith.subi %squeeze3A, %while3A_175 : i32
          %while3A_178 = arith.addi %while3A_175, %while3A_177 : i32
          %while3A_179 = arith.constant 1 : i32
          %while3A_180 = arith.divsi %while3A_177, %while3A_179 : i32
          %while3A_181 = arith.muli %while3A_180, %while3A_179 : i32
          %while3A_182 = arith.addi %while3A_175, %while3A_181 : i32
          %while3A_183 = arith.constant 1 : i32
          %while3A_184 = scf.for %while3A_187 = %while3A_175 to %while3A_182 step %while3A_183 iter_args(%while3A_188 = %while3A_176) -> (i32)  : i32 {
            %get3A_189 = arith.index_cast %while3A_187 : i32 to index
            %get3A_190 = tpu.vector_load %arg13[%get3A_189] {strides = array<i32>} : memref<32xi32, #tpu.memory_space<vmem>>, vector<16xi32>,
            %slice3A_191 = vector.extract_strided_slice %get3A_190 {offsets = [0], sizes = [1], strides = [1]} : vector<16xi32> to vector<1xi32>
            %squeeze3A_192 = vector.extract %slice3A_191[0] : i32 from vector<1xi32>
            %get3A_193 = arith.index_cast %while3A_187 : i32 to index
            %get3A_194 = tpu.vector_load %arg14[%get3A_193] {strides = array<i32>} : memref<32xi32, #tpu.memory_space<vmem>>, vector<16xi32>,
            %slice3A_195 = vector.extract_strided_slice %get3A_194 {offsets = [0], sizes = [1], strides = [1]} : vector<16xi32> to vector<1xi32>
            %squeeze3A_196 = vector.extract %slice3A_195[0] : i32 from vector<1xi32>
            %add3A_197 = arith.addi %while3A_143, %while3A_187 : i32
            %and3A_198 = arith.constant 63 : i32
            %and3A_199 = arith.andi %add3A_197, %and3A_198 : i32
            %add3A_200 = arith.constant 0 : i32
            %add3A_201 = vector.broadcast %add3A_200 : i32 to vector<16xi32>
            %add3A_202 = arith.addi %add3A_201, %iota3A : vector<16xi32>
            %broadcast_in_dim3A = vector.broadcast %rem3A_77 : i32 to vector<16xi32>
            %broadcast_in_dim3A_203 = vector.broadcast %squeeze3A_192 : i32 to vector<16xi32>
            %gather3A = tpu.vector_load_idx %arg16[%broadcast_in_dim3A, %add3A_202, %broadcast_in_dim3A_203] : memref<2x64x128xf32, #tpu.memory_space<vmem>>[vector<16xi32>, vector<16xi32>, vector<16xi32>], vector<16xf32>,
            %swap3A_204 = arith.index_cast %and3A_199 : i32 to index
            %swap3A_205 = arith.constant 0 : index
            %swap3A_206 = tpu.vector_load %arg19[%swap3A_204, %swap3A_205] {strides = array<i32>} : memref<64x64xf32, #tpu.memory_space<vmem>>, vector<16xf32>,
            tpu.vector_store %arg19[%swap3A_204, %swap3A_205], %gather3A {strides = array<i32>} : memref<64x64xf32, #tpu.memory_space<vmem>>, vector<16xf32>,
            %add3A_207 = arith.constant 16 : i32
            %add3A_208 = vector.broadcast %add3A_207 : i32 to vector<16xi32>
            %add3A_209 = arith.addi %add3A_208, %iota3A : vector<16xi32>
            %broadcast_in_dim3A_210 = vector.broadcast %rem3A_77 : i32 to vector<16xi32>
            %broadcast_in_dim3A_211 = vector.broadcast %squeeze3A_192 : i32 to vector<16xi32>
            %gather3A_212 = tpu.vector_load_idx %arg16[%broadcast_in_dim3A_210, %add3A_209, %broadcast_in_dim3A_211] : memref<2x64x128xf32, #tpu.memory_space<vmem>>[vector<16xi32>, vector<16xi32>, vector<16xi32>], vector<16xf32>,
            %swap3A_213 = arith.index_cast %and3A_199 : i32 to index
            %swap3A_214 = arith.constant 16 : index
            %swap3A_215 = tpu.vector_load %arg19[%swap3A_213, %swap3A_214] {strides = array<i32>} : memref<64x64xf32, #tpu.memory_space<vmem>>, vector<16xf32>,
            tpu.vector_store %arg19[%swap3A_213, %swap3A_214], %gather3A_212 {strides = array<i32>} : memref<64x64xf32, #tpu.memory_space<vmem>>, vector<16xf32>,
            %add3A_216 = arith.constant 32 : i32
            %add3A_217 = vector.broadcast %add3A_216 : i32 to vector<16xi32>
            %add3A_218 = arith.addi %add3A_217, %iota3A : vector<16xi32>
            %broadcast_in_dim3A_219 = vector.broadcast %rem3A_77 : i32 to vector<16xi32>
            %broadcast_in_dim3A_220 = vector.broadcast %squeeze3A_192 : i32 to vector<16xi32>
            %gather3A_221 = tpu.vector_load_idx %arg16[%broadcast_in_dim3A_219, %add3A_218, %broadcast_in_dim3A_220] : memref<2x64x128xf32, #tpu.memory_space<vmem>>[vector<16xi32>, vector<16xi32>, vector<16xi32>], vector<16xf32>,
            %swap3A_222 = arith.index_cast %and3A_199 : i32 to index
            %swap3A_223 = arith.constant 32 : index
            %swap3A_224 = tpu.vector_load %arg19[%swap3A_222, %swap3A_223] {strides = array<i32>} : memref<64x64xf32, #tpu.memory_space<vmem>>, vector<16xf32>,
            tpu.vector_store %arg19[%swap3A_222, %swap3A_223], %gather3A_221 {strides = array<i32>} : memref<64x64xf32, #tpu.memory_space<vmem>>, vector<16xf32>,
            %add3A_225 = arith.constant 48 : i32
            %add3A_226 = vector.broadcast %add3A_225 : i32 to vector<16xi32>
            %add3A_227 = arith.addi %add3A_226, %iota3A : vector<16xi32>
            %broadcast_in_dim3A_228 = vector.broadcast %rem3A_77 : i32 to vector<16xi32>
            %broadcast_in_dim3A_229 = vector.broadcast %squeeze3A_192 : i32 to vector<16xi32>
            %gather3A_230 = tpu.vector_load_idx %arg16[%broadcast_in_dim3A_228, %add3A_227, %broadcast_in_dim3A_229] : memref<2x64x128xf32, #tpu.memory_space<vmem>>[vector<16xi32>, vector<16xi32>, vector<16xi32>], vector<16xf32>,
            %swap3A_231 = arith.index_cast %and3A_199 : i32 to index
            %swap3A_232 = arith.constant 48 : index
            %swap3A_233 = tpu.vector_load %arg19[%swap3A_231, %swap3A_232] {strides = array<i32>} : memref<64x64xf32, #tpu.memory_space<vmem>>, vector<16xf32>,
            tpu.vector_store %arg19[%swap3A_231, %swap3A_232], %gather3A_230 {strides = array<i32>} : memref<64x64xf32, #tpu.memory_space<vmem>>, vector<16xf32>,
            %mul3A_234 = arith.constant 64 : i32
            %mul3A_235 = arith.muli %squeeze3A_196, %mul3A_234 : i32
            %dma_start3A_236 = arith.constant 0 : i32
            %dma_start3A_237 = tpu.memref_slice %arg19[%and3A_199, %dma_start3A_236] : memref<64x64xf32, #tpu.memory_space<vmem>> -> memref<1x64xf32, #tpu.memory_space<vmem>>
            %dma_start3A_238 = tpu.memref_squeeze %dma_start3A_237 : memref<1x64xf32, #tpu.memory_space<vmem>> -> memref<64xf32, #tpu.memory_space<vmem>>
            %dma_start3A_239 = tpu.memref_slice %arg7[%mul3A_235] : memref<1048576xf32, #tpu.memory_space<hbm>> -> memref<64xf32, #tpu.memory_space<hbm>>
            %dma_start3A_240 = tpu.memref_slice %arg7[%mul3A_235] : memref<1048576xf32, #tpu.memory_space<hbm>> -> memref<64xf32, #tpu.memory_space<hbm>>
            %dma_start3A_241 = arith.constant 0 : i32
            %dma_start3A_242 = tpu.memref_slice %arg19[%and3A_199, %dma_start3A_241] : memref<64x64xf32, #tpu.memory_space<vmem>> -> memref<1x64xf32, #tpu.memory_space<vmem>>
            %dma_start3A_243 = tpu.memref_squeeze %dma_start3A_242 : memref<1x64xf32, #tpu.memory_space<vmem>> -> memref<64xf32, #tpu.memory_space<vmem>>
            tpu.enqueue_dma source(%dma_start3A_243 : memref<64xf32, #tpu.memory_space<vmem>>) target(%dma_start3A_240 : memref<64xf32, #tpu.memory_space<hbm>>) target_semaphore(%arg21 : memref<!tpu.dma_semaphore, #tpu.memory_space<semaphore_mem>>)
            %while3A_244 = arith.constant 0 : i32
            scf.yield %while3A_244 : i32
          }
          %while3A_185 = arith.constant 1 : i32
          %while3A_186 = scf.for %while3A_187 = %while3A_182 to %while3A_178 step %while3A_185 iter_args(%while3A_188 = %while3A_184) -> (i32)  : i32 {
            %get3A_189 = arith.index_cast %while3A_187 : i32 to index
            %get3A_190 = tpu.vector_load %arg13[%get3A_189] {strides = array<i32>} : memref<32xi32, #tpu.memory_space<vmem>>, vector<16xi32>,
            %slice3A_191 = vector.extract_strided_slice %get3A_190 {offsets = [0], sizes = [1], strides = [1]} : vector<16xi32> to vector<1xi32>
            %squeeze3A_192 = vector.extract %slice3A_191[0] : i32 from vector<1xi32>
            %get3A_193 = arith.index_cast %while3A_187 : i32 to index
            %get3A_194 = tpu.vector_load %arg14[%get3A_193] {strides = array<i32>} : memref<32xi32, #tpu.memory_space<vmem>>, vector<16xi32>,
            %slice3A_195 = vector.extract_strided_slice %get3A_194 {offsets = [0], sizes = [1], strides = [1]} : vector<16xi32> to vector<1xi32>
            %squeeze3A_196 = vector.extract %slice3A_195[0] : i32 from vector<1xi32>
            %add3A_197 = arith.addi %while3A_143, %while3A_187 : i32
            %and3A_198 = arith.constant 63 : i32
            %and3A_199 = arith.andi %add3A_197, %and3A_198 : i32
            %add3A_200 = arith.constant 0 : i32
            %add3A_201 = vector.broadcast %add3A_200 : i32 to vector<16xi32>
            %add3A_202 = arith.addi %add3A_201, %iota3A : vector<16xi32>
            %broadcast_in_dim3A = vector.broadcast %rem3A_77 : i32 to vector<16xi32>
            %broadcast_in_dim3A_203 = vector.broadcast %squeeze3A_192 : i32 to vector<16xi32>
            %gather3A = tpu.vector_load_idx %arg16[%broadcast_in_dim3A, %add3A_202, %broadcast_in_dim3A_203] : memref<2x64x128xf32, #tpu.memory_space<vmem>>[vector<16xi32>, vector<16xi32>, vector<16xi32>], vector<16xf32>,
            %swap3A_204 = arith.index_cast %and3A_199 : i32 to index
            %swap3A_205 = arith.constant 0 : index
            %swap3A_206 = tpu.vector_load %arg19[%swap3A_204, %swap3A_205] {strides = array<i32>} : memref<64x64xf32, #tpu.memory_space<vmem>>, vector<16xf32>,
            tpu.vector_store %arg19[%swap3A_204, %swap3A_205], %gather3A {strides = array<i32>} : memref<64x64xf32, #tpu.memory_space<vmem>>, vector<16xf32>,
            %add3A_207 = arith.constant 16 : i32
            %add3A_208 = vector.broadcast %add3A_207 : i32 to vector<16xi32>
            %add3A_209 = arith.addi %add3A_208, %iota3A : vector<16xi32>
            %broadcast_in_dim3A_210 = vector.broadcast %rem3A_77 : i32 to vector<16xi32>
            %broadcast_in_dim3A_211 = vector.broadcast %squeeze3A_192 : i32 to vector<16xi32>
            %gather3A_212 = tpu.vector_load_idx %arg16[%broadcast_in_dim3A_210, %add3A_209, %broadcast_in_dim3A_211] : memref<2x64x128xf32, #tpu.memory_space<vmem>>[vector<16xi32>, vector<16xi32>, vector<16xi32>], vector<16xf32>,
            %swap3A_213 = arith.index_cast %and3A_199 : i32 to index
            %swap3A_214 = arith.constant 16 : index
            %swap3A_215 = tpu.vector_load %arg19[%swap3A_213, %swap3A_214] {strides = array<i32>} : memref<64x64xf32, #tpu.memory_space<vmem>>, vector<16xf32>,
            tpu.vector_store %arg19[%swap3A_213, %swap3A_214], %gather3A_212 {strides = array<i32>} : memref<64x64xf32, #tpu.memory_space<vmem>>, vector<16xf32>,
            %add3A_216 = arith.constant 32 : i32
            %add3A_217 = vector.broadcast %add3A_216 : i32 to vector<16xi32>
            %add3A_218 = arith.addi %add3A_217, %iota3A : vector<16xi32>
            %broadcast_in_dim3A_219 = vector.broadcast %rem3A_77 : i32 to vector<16xi32>
            %broadcast_in_dim3A_220 = vector.broadcast %squeeze3A_192 : i32 to vector<16xi32>
            %gather3A_221 = tpu.vector_load_idx %arg16[%broadcast_in_dim3A_219, %add3A_218, %broadcast_in_dim3A_220] : memref<2x64x128xf32, #tpu.memory_space<vmem>>[vector<16xi32>, vector<16xi32>, vector<16xi32>], vector<16xf32>,
            %swap3A_222 = arith.index_cast %and3A_199 : i32 to index
            %swap3A_223 = arith.constant 32 : index
            %swap3A_224 = tpu.vector_load %arg19[%swap3A_222, %swap3A_223] {strides = array<i32>} : memref<64x64xf32, #tpu.memory_space<vmem>>, vector<16xf32>,
            tpu.vector_store %arg19[%swap3A_222, %swap3A_223], %gather3A_221 {strides = array<i32>} : memref<64x64xf32, #tpu.memory_space<vmem>>, vector<16xf32>,
            %add3A_225 = arith.constant 48 : i32
            %add3A_226 = vector.broadcast %add3A_225 : i32 to vector<16xi32>
            %add3A_227 = arith.addi %add3A_226, %iota3A : vector<16xi32>
            %broadcast_in_dim3A_228 = vector.broadcast %rem3A_77 : i32 to vector<16xi32>
            %broadcast_in_dim3A_229 = vector.broadcast %squeeze3A_192 : i32 to vector<16xi32>
            %gather3A_230 = tpu.vector_load_idx %arg16[%broadcast_in_dim3A_228, %add3A_227, %broadcast_in_dim3A_229] : memref<2x64x128xf32, #tpu.memory_space<vmem>>[vector<16xi32>, vector<16xi32>, vector<16xi32>], vector<16xf32>,
            %swap3A_231 = arith.index_cast %and3A_199 : i32 to index
            %swap3A_232 = arith.constant 48 : index
            %swap3A_233 = tpu.vector_load %arg19[%swap3A_231, %swap3A_232] {strides = array<i32>} : memref<64x64xf32, #tpu.memory_space<vmem>>, vector<16xf32>,
            tpu.vector_store %arg19[%swap3A_231, %swap3A_232], %gather3A_230 {strides = array<i32>} : memref<64x64xf32, #tpu.memory_space<vmem>>, vector<16xf32>,
            %mul3A_234 = arith.constant 64 : i32
            %mul3A_235 = arith.muli %squeeze3A_196, %mul3A_234 : i32
            %dma_start3A_236 = arith.constant 0 : i32
            %dma_start3A_237 = tpu.memref_slice %arg19[%and3A_199, %dma_start3A_236] : memref<64x64xf32, #tpu.memory_space<vmem>> -> memref<1x64xf32, #tpu.memory_space<vmem>>
            %dma_start3A_238 = tpu.memref_squeeze %dma_start3A_237 : memref<1x64xf32, #tpu.memory_space<vmem>> -> memref<64xf32, #tpu.memory_space<vmem>>
            %dma_start3A_239 = tpu.memref_slice %arg7[%mul3A_235] : memref<1048576xf32, #tpu.memory_space<hbm>> -> memref<64xf32, #tpu.memory_space<hbm>>
            %dma_start3A_240 = tpu.memref_slice %arg7[%mul3A_235] : memref<1048576xf32, #tpu.memory_space<hbm>> -> memref<64xf32, #tpu.memory_space<hbm>>
            %dma_start3A_241 = arith.constant 0 : i32
            %dma_start3A_242 = tpu.memref_slice %arg19[%and3A_199, %dma_start3A_241] : memref<64x64xf32, #tpu.memory_space<vmem>> -> memref<1x64xf32, #tpu.memory_space<vmem>>
            %dma_start3A_243 = tpu.memref_squeeze %dma_start3A_242 : memref<1x64xf32, #tpu.memory_space<vmem>> -> memref<64xf32, #tpu.memory_space<vmem>>
            tpu.enqueue_dma source(%dma_start3A_243 : memref<64xf32, #tpu.memory_space<vmem>>) target(%dma_start3A_240 : memref<64xf32, #tpu.memory_space<hbm>>) target_semaphore(%arg21 : memref<!tpu.dma_semaphore, #tpu.memory_space<semaphore_mem>>)
            %while3A_244 = arith.constant 0 : i32
            scf.yield %while3A_244 : i32
          }
        } else {
        }
        %add3A_166 = arith.addi %while3A_143, %squeeze3A : i32
        scf.yield %add3A_166, %cond3A_160 : i32, i32
      }
      scf.yield %while3A_141#0, %while3A_141#1 : i32, i32
    }
    %eq3A_66 = arith.constant 31 : i32
    %eq3A_67 = arith.cmpi eq, %add3A, %eq3A_66 : i32
    %convert_element_type3A = arith.extui %eq3A_67 : i1 to i32
    %cond3A = arith.constant 0 : i32
    %cond3A_68 = arith.cmpi ne, %convert_element_type3A, %cond3A : i32
    scf.if %cond3A_68 {
      "tpu.region"() ({
        %run_scoped3A = tpu.sem_alloc : memref<!tpu.dma_semaphore, #tpu.memory_space<semaphore_mem>>
        %dma_start3A_115 = arith.constant 0 : i32
        %dma_start3A_116 = arith.constant 999936 : i32
        %dma_start3A_117 = tpu.memref_slice %arg4[%dma_start3A_115, %dma_start3A_116] : memref<64x1000000xf32, #tpu.memory_space<hbm>> -> memref<64x64xf32, #tpu.memory_space<hbm>>
        %dma_start3A_118 = arith.constant 0 : i32
        %dma_start3A_119 = arith.constant 999936 : i32
        %dma_start3A_120 = tpu.memref_slice %arg4[%dma_start3A_118, %dma_start3A_119] : memref<64x1000000xf32, #tpu.memory_space<hbm>> -> memref<64x64xf32, #tpu.memory_space<hbm>>
        tpu.enqueue_dma source(%dma_start3A_120 : memref<64x64xf32, #tpu.memory_space<hbm>>) target(%arg17 : memref<64x64xf32, #tpu.memory_space<vmem>>) target_semaphore(%run_scoped3A : memref<!tpu.dma_semaphore, #tpu.memory_space<semaphore_mem>>)
        %dma_wait3A = arith.constant 0 : i32
        %dma_wait3A_121 = arith.constant 999936 : i32
        %dma_wait3A_122 = tpu.memref_slice %arg4[%dma_wait3A, %dma_wait3A_121] : memref<64x1000000xf32, #tpu.memory_space<hbm>> -> memref<64x64xf32, #tpu.memory_space<hbm>>
        %dma_wait3A_123 = arith.constant 0 : i32
        %dma_wait3A_124 = arith.constant 999936 : i32
        %dma_wait3A_125 = tpu.memref_slice %arg4[%dma_wait3A_123, %dma_wait3A_124] : memref<64x1000000xf32, #tpu.memory_space<hbm>> -> memref<64x64xf32, #tpu.memory_space<hbm>>
        tpu.wait_dma2 semaphore(%run_scoped3A : memref<!tpu.dma_semaphore, #tpu.memory_space<semaphore_mem>>) src(%dma_wait3A_125 : memref<64x64xf32, #tpu.memory_space<hbm>>) dst(%arg17 : memref<64x64xf32, #tpu.memory_space<vmem>>)
        tpu.yield
      }) : () -> ()
      "tpu.region"() ({
        %run_scoped3A = tpu.sem_alloc : memref<!tpu.dma_semaphore, #tpu.memory_space<semaphore_mem>>
        %dma_start3A_115 = arith.constant 0 : i32
        %dma_start3A_116 = arith.constant 999936 : i32
        %dma_start3A_117 = tpu.memref_slice %arg5[%dma_start3A_115, %dma_start3A_116] : memref<64x1000000xf32, #tpu.memory_space<hbm>> -> memref<64x64xf32, #tpu.memory_space<hbm>>
        %dma_start3A_118 = arith.constant 0 : i32
        %dma_start3A_119 = arith.constant 999936 : i32
        %dma_start3A_120 = tpu.memref_slice %arg5[%dma_start3A_118, %dma_start3A_119] : memref<64x1000000xf32, #tpu.memory_space<hbm>> -> memref<64x64xf32, #tpu.memory_space<hbm>>
        tpu.enqueue_dma source(%dma_start3A_120 : memref<64x64xf32, #tpu.memory_space<hbm>>) target(%arg18 : memref<64x64xf32, #tpu.memory_space<vmem>>) target_semaphore(%run_scoped3A : memref<!tpu.dma_semaphore, #tpu.memory_space<semaphore_mem>>)
        %dma_wait3A = arith.constant 0 : i32
        %dma_wait3A_121 = arith.constant 999936 : i32
        %dma_wait3A_122 = tpu.memref_slice %arg5[%dma_wait3A, %dma_wait3A_121] : memref<64x1000000xf32, #tpu.memory_space<hbm>> -> memref<64x64xf32, #tpu.memory_space<hbm>>
        %dma_wait3A_123 = arith.constant 0 : i32
        %dma_wait3A_124 = arith.constant 999936 : i32
        %dma_wait3A_125 = tpu.memref_slice %arg5[%dma_wait3A_123, %dma_wait3A_124] : memref<64x1000000xf32, #tpu.memory_space<hbm>> -> memref<64x64xf32, #tpu.memory_space<hbm>>
        tpu.wait_dma2 semaphore(%run_scoped3A : memref<!tpu.dma_semaphore, #tpu.memory_space<semaphore_mem>>) src(%dma_wait3A_125 : memref<64x64xf32, #tpu.memory_space<hbm>>) dst(%arg18 : memref<64x64xf32, #tpu.memory_space<vmem>>)
        tpu.yield
      }) : () -> ()
      %add3A_73 = arith.constant 15 : i32
      %add3A_74 = arith.addi %scan3A_18, %add3A_73 : i32
      %shift_right_logical3A = arith.constant 4 : i32
      %shift_right_logical3A_75 = arith.shrui %add3A_74, %shift_right_logical3A : i32
      %while3A_76 = arith.constant 0 : i32
      %while3A_77 = arith.subi %shift_right_logical3A_75, %while3A_76 : i32
      %while3A_78 = arith.addi %while3A_76, %while3A_77 : i32
      %while3A_79 = arith.constant 1 : i32
      %while3A_80 = arith.divsi %while3A_77, %while3A_79 : i32
      %while3A_81 = arith.muli %while3A_80, %while3A_79 : i32
      %while3A_82 = arith.addi %while3A_76, %while3A_81 : i32
      %while3A_83 = arith.constant 1 : i32
      %while3A_84:2 = scf.for %while3A_115 = %while3A_76 to %while3A_82 step %while3A_83 iter_args(%while3A_116 = %while3A_65#0, %while3A_117 = %while3A_65#1) -> (i32, i32)  : i32 {
        %mul3A_118 = arith.constant 16 : i32
        %mul3A_119 = arith.muli %while3A_115, %mul3A_118 : i32
        %get3A = arith.index_cast %mul3A_119 : i32 to index
        %get3A_120 = tpu.vector_load %arg9[%get3A] {strides = array<i32>} : memref<16400xi32, #tpu.memory_space<vmem>>, vector<16xi32>,
        %shift_right_logical3A_121 = arith.constant 7 : i32
        %shift_right_logical3A_122 = vector.broadcast %shift_right_logical3A_121 : i32 to vector<16xi32>
        %shift_right_logical3A_123 = arith.shrui %get3A_120, %shift_right_logical3A_122 : vector<16xi32>
        %eq3A_124 = arith.constant 7812 : i32
        %eq3A_125 = vector.broadcast %eq3A_124 : i32 to vector<16xi32>
        %eq3A_126 = arith.cmpi eq, %shift_right_logical3A_123, %eq3A_125 : vector<16xi32>
        %all_reduce_population_count3A = tpu.all_reduce %eq3A_126 {dim = 0 : i64, kind = #tpu.reduction_kind<sum>} : vector<16xi1> -> vector<16xi32>
        %slice3A = vector.extract_strided_slice %all_reduce_population_count3A {offsets = [0], sizes = [1], strides = [1]} : vector<16xi32> to vector<1xi32>
        %squeeze3A = vector.extract %slice3A[0] : i32 from vector<1xi32>
        %gt3A = arith.constant 0 : i32
        %gt3A_127 = arith.cmpi sgt, %squeeze3A, %gt3A : i32
        %sub3A_128 = arith.subi %while3A_116, %while3A_117 : i32
        %gt3A_129 = arith.constant 48 : i32
        %gt3A_130 = arith.cmpi sgt, %sub3A_128, %gt3A_129 : i32
        %and3A = arith.andi %gt3A_127, %gt3A_130 : i1
        %convert_element_type3A_131 = arith.extui %and3A : i1 to i32
        %cond3A_132 = arith.constant 0 : i32
        %cond3A_133 = arith.cmpi ne, %convert_element_type3A_131, %cond3A_132 : i32
        %cond3A_134 = scf.if %cond3A_133 -> (i32) {
          %sub3A_141 = arith.subi %while3A_116, %while3A_117 : i32
          %while3A_142 = arith.constant 0 : i32
          %while3A_143 = arith.constant 0 : i32
          %while3A_144 = arith.subi %sub3A_141, %while3A_142 : i32
          %while3A_145 = arith.addi %while3A_142, %while3A_144 : i32
          %while3A_146 = arith.constant 1 : i32
          %while3A_147 = arith.divsi %while3A_144, %while3A_146 : i32
          %while3A_148 = arith.muli %while3A_147, %while3A_146 : i32
          %while3A_149 = arith.addi %while3A_142, %while3A_148 : i32
          %while3A_150 = arith.constant 1 : i32
          %while3A_151 = scf.for %while3A_154 = %while3A_142 to %while3A_149 step %while3A_150 iter_args(%while3A_155 = %while3A_143) -> (i32)  : i32 {
            %dma_wait3A = arith.constant 0 : i32
            %dma_wait3A_156 = arith.constant 0 : i32
            %dma_wait3A_157 = tpu.memref_slice %arg19[%dma_wait3A, %dma_wait3A_156] : memref<64x64xf32, #tpu.memory_space<vmem>> -> memref<1x64xf32, #tpu.memory_space<vmem>>
            %dma_wait3A_158 = tpu.memref_squeeze %dma_wait3A_157 : memref<1x64xf32, #tpu.memory_space<vmem>> -> memref<64xf32, #tpu.memory_space<vmem>>
            %dma_wait3A_159 = arith.constant 0 : i32
            %dma_wait3A_160 = tpu.memref_slice %arg6[%dma_wait3A_159] : memref<1048576xf32, #tpu.memory_space<hbm>> -> memref<64xf32, #tpu.memory_space<hbm>>
            %dma_wait3A_161 = arith.constant 0 : i32
            %dma_wait3A_162 = tpu.memref_slice %arg19[%dma_wait3A, %dma_wait3A_161] : memref<64x64xf32, #tpu.memory_space<vmem>> -> memref<1x64xf32, #tpu.memory_space<vmem>>
            %dma_wait3A_163 = tpu.memref_squeeze %dma_wait3A_162 : memref<1x64xf32, #tpu.memory_space<vmem>> -> memref<64xf32, #tpu.memory_space<vmem>>
            %dma_wait3A_164 = arith.constant 0 : i32
            %dma_wait3A_165 = tpu.memref_slice %arg6[%dma_wait3A_164] : memref<1048576xf32, #tpu.memory_space<hbm>> -> memref<64xf32, #tpu.memory_space<hbm>>
            tpu.wait_dma2 semaphore(%arg21 : memref<!tpu.dma_semaphore, #tpu.memory_space<semaphore_mem>>) src(%dma_wait3A_165 : memref<64xf32, #tpu.memory_space<hbm>>) dst(%dma_wait3A_163 : memref<64xf32, #tpu.memory_space<vmem>>)
            %while3A_166 = arith.constant 0 : i32
            scf.yield %while3A_166 : i32
          }
          %while3A_152 = arith.constant 1 : i32
          %while3A_153 = scf.for %while3A_154 = %while3A_149 to %while3A_145 step %while3A_152 iter_args(%while3A_155 = %while3A_151) -> (i32)  : i32 {
            %dma_wait3A = arith.constant 0 : i32
            %dma_wait3A_156 = arith.constant 0 : i32
            %dma_wait3A_157 = tpu.memref_slice %arg19[%dma_wait3A, %dma_wait3A_156] : memref<64x64xf32, #tpu.memory_space<vmem>> -> memref<1x64xf32, #tpu.memory_space<vmem>>
            %dma_wait3A_158 = tpu.memref_squeeze %dma_wait3A_157 : memref<1x64xf32, #tpu.memory_space<vmem>> -> memref<64xf32, #tpu.memory_space<vmem>>
            %dma_wait3A_159 = arith.constant 0 : i32
            %dma_wait3A_160 = tpu.memref_slice %arg6[%dma_wait3A_159] : memref<1048576xf32, #tpu.memory_space<hbm>> -> memref<64xf32, #tpu.memory_space<hbm>>
            %dma_wait3A_161 = arith.constant 0 : i32
            %dma_wait3A_162 = tpu.memref_slice %arg19[%dma_wait3A, %dma_wait3A_161] : memref<64x64xf32, #tpu.memory_space<vmem>> -> memref<1x64xf32, #tpu.memory_space<vmem>>
            %dma_wait3A_163 = tpu.memref_squeeze %dma_wait3A_162 : memref<1x64xf32, #tpu.memory_space<vmem>> -> memref<64xf32, #tpu.memory_space<vmem>>
            %dma_wait3A_164 = arith.constant 0 : i32
            %dma_wait3A_165 = tpu.memref_slice %arg6[%dma_wait3A_164] : memref<1048576xf32, #tpu.memory_space<hbm>> -> memref<64xf32, #tpu.memory_space<hbm>>
            tpu.wait_dma2 semaphore(%arg21 : memref<!tpu.dma_semaphore, #tpu.memory_space<semaphore_mem>>) src(%dma_wait3A_165 : memref<64xf32, #tpu.memory_space<hbm>>) dst(%dma_wait3A_163 : memref<64xf32, #tpu.memory_space<vmem>>)
            %while3A_166 = arith.constant 0 : i32
            scf.yield %while3A_166 : i32
          }
          scf.yield %while3A_116 : i32
        } else {
          scf.yield %while3A_117 : i32
        }
        %gt3A_135 = arith.constant 0 : i32
        %gt3A_136 = arith.cmpi sgt, %squeeze3A, %gt3A_135 : i32
        %convert_element_type3A_137 = arith.extui %gt3A_136 : i1 to i32
        %cond3A_138 = arith.constant 0 : i32
        %cond3A_139 = arith.cmpi ne, %convert_element_type3A_137, %cond3A_138 : i32
        scf.if %cond3A_139 {
          %and3A_141 = arith.constant 127 : i32
          %and3A_142 = vector.broadcast %and3A_141 : i32 to vector<16xi32>
          %and3A_143 = arith.andi %get3A_120, %and3A_142 : vector<16xi32>
          %swap3A = arith.constant 0 : index
          %swap3A_144 = tpu.vector_load %arg13[%swap3A] masked %eq3A_126 {strides = array<i32>} : memref<32xi32, #tpu.memory_space<vmem>>, vector<16xi32>, vector<16xi1>
          tpu.vector_store %arg13[%swap3A], %and3A_143 masked %eq3A_126 {strides = array<i32>} : memref<32xi32, #tpu.memory_space<vmem>>, vector<16xi32>, vector<16xi1>
          %get3A_145 = arith.index_cast %mul3A_119 : i32 to index
          %get3A_146 = tpu.vector_load %arg10[%get3A_145] {strides = array<i32>} : memref<16400xi32, #tpu.memory_space<vmem>>, vector<16xi32>,
          %swap3A_147 = arith.constant 0 : index
          %swap3A_148 = tpu.vector_load %arg14[%swap3A_147] masked %eq3A_126 {strides = array<i32>} : memref<32xi32, #tpu.memory_space<vmem>>, vector<16xi32>, vector<16xi1>
          tpu.vector_store %arg14[%swap3A_147], %get3A_146 masked %eq3A_126 {strides = array<i32>} : memref<32xi32, #tpu.memory_space<vmem>>, vector<16xi32>, vector<16xi1>
          %while3A_149 = arith.constant 0 : i32
          %while3A_150 = arith.constant 0 : i32
          %while3A_151 = arith.subi %squeeze3A, %while3A_149 : i32
          %while3A_152 = arith.addi %while3A_149, %while3A_151 : i32
          %while3A_153 = arith.constant 1 : i32
          %while3A_154 = arith.divsi %while3A_151, %while3A_153 : i32
          %while3A_155 = arith.muli %while3A_154, %while3A_153 : i32
          %while3A_156 = arith.addi %while3A_149, %while3A_155 : i32
          %while3A_157 = arith.constant 1 : i32
          %while3A_158 = scf.for %while3A_161 = %while3A_149 to %while3A_156 step %while3A_157 iter_args(%while3A_162 = %while3A_150) -> (i32)  : i32 {
            %get3A_163 = arith.index_cast %while3A_161 : i32 to index
            %get3A_164 = tpu.vector_load %arg13[%get3A_163] {strides = array<i32>} : memref<32xi32, #tpu.memory_space<vmem>>, vector<16xi32>,
            %slice3A_165 = vector.extract_strided_slice %get3A_164 {offsets = [0], sizes = [1], strides = [1]} : vector<16xi32> to vector<1xi32>
            %squeeze3A_166 = vector.extract %slice3A_165[0] : i32 from vector<1xi32>
            %get3A_167 = arith.index_cast %while3A_161 : i32 to index
            %get3A_168 = tpu.vector_load %arg14[%get3A_167] {strides = array<i32>} : memref<32xi32, #tpu.memory_space<vmem>>, vector<16xi32>,
            %slice3A_169 = vector.extract_strided_slice %get3A_168 {offsets = [0], sizes = [1], strides = [1]} : vector<16xi32> to vector<1xi32>
            %squeeze3A_170 = vector.extract %slice3A_169[0] : i32 from vector<1xi32>
            %add3A_171 = arith.addi %while3A_116, %while3A_161 : i32
            %and3A_172 = arith.constant 63 : i32
            %and3A_173 = arith.andi %add3A_171, %and3A_172 : i32
            %add3A_174 = arith.constant 0 : i32
            %add3A_175 = vector.broadcast %add3A_174 : i32 to vector<16xi32>
            %add3A_176 = arith.addi %add3A_175, %iota3A : vector<16xi32>
            %broadcast_in_dim3A = vector.broadcast %squeeze3A_166 : i32 to vector<16xi32>
            %gather3A = tpu.vector_load_idx %arg17[%add3A_176, %broadcast_in_dim3A] : memref<64x64xf32, #tpu.memory_space<vmem>>[vector<16xi32>, vector<16xi32>], vector<16xf32>,
            %swap3A_177 = arith.index_cast %and3A_173 : i32 to index
            %swap3A_178 = arith.constant 0 : index
            %swap3A_179 = tpu.vector_load %arg19[%swap3A_177, %swap3A_178] {strides = array<i32>} : memref<64x64xf32, #tpu.memory_space<vmem>>, vector<16xf32>,
            tpu.vector_store %arg19[%swap3A_177, %swap3A_178], %gather3A {strides = array<i32>} : memref<64x64xf32, #tpu.memory_space<vmem>>, vector<16xf32>,
            %add3A_180 = arith.constant 16 : i32
            %add3A_181 = vector.broadcast %add3A_180 : i32 to vector<16xi32>
            %add3A_182 = arith.addi %add3A_181, %iota3A : vector<16xi32>
            %broadcast_in_dim3A_183 = vector.broadcast %squeeze3A_166 : i32 to vector<16xi32>
            %gather3A_184 = tpu.vector_load_idx %arg17[%add3A_182, %broadcast_in_dim3A_183] : memref<64x64xf32, #tpu.memory_space<vmem>>[vector<16xi32>, vector<16xi32>], vector<16xf32>,
            %swap3A_185 = arith.index_cast %and3A_173 : i32 to index
            %swap3A_186 = arith.constant 16 : index
            %swap3A_187 = tpu.vector_load %arg19[%swap3A_185, %swap3A_186] {strides = array<i32>} : memref<64x64xf32, #tpu.memory_space<vmem>>, vector<16xf32>,
            tpu.vector_store %arg19[%swap3A_185, %swap3A_186], %gather3A_184 {strides = array<i32>} : memref<64x64xf32, #tpu.memory_space<vmem>>, vector<16xf32>,
            %add3A_188 = arith.constant 32 : i32
            %add3A_189 = vector.broadcast %add3A_188 : i32 to vector<16xi32>
            %add3A_190 = arith.addi %add3A_189, %iota3A : vector<16xi32>
            %broadcast_in_dim3A_191 = vector.broadcast %squeeze3A_166 : i32 to vector<16xi32>
            %gather3A_192 = tpu.vector_load_idx %arg17[%add3A_190, %broadcast_in_dim3A_191] : memref<64x64xf32, #tpu.memory_space<vmem>>[vector<16xi32>, vector<16xi32>], vector<16xf32>,
            %swap3A_193 = arith.index_cast %and3A_173 : i32 to index
            %swap3A_194 = arith.constant 32 : index
            %swap3A_195 = tpu.vector_load %arg19[%swap3A_193, %swap3A_194] {strides = array<i32>} : memref<64x64xf32, #tpu.memory_space<vmem>>, vector<16xf32>,
            tpu.vector_store %arg19[%swap3A_193, %swap3A_194], %gather3A_192 {strides = array<i32>} : memref<64x64xf32, #tpu.memory_space<vmem>>, vector<16xf32>,
            %add3A_196 = arith.constant 48 : i32
            %add3A_197 = vector.broadcast %add3A_196 : i32 to vector<16xi32>
            %add3A_198 = arith.addi %add3A_197, %iota3A : vector<16xi32>
            %broadcast_in_dim3A_199 = vector.broadcast %squeeze3A_166 : i32 to vector<16xi32>
            %gather3A_200 = tpu.vector_load_idx %arg17[%add3A_198, %broadcast_in_dim3A_199] : memref<64x64xf32, #tpu.memory_space<vmem>>[vector<16xi32>, vector<16xi32>], vector<16xf32>,
            %swap3A_201 = arith.index_cast %and3A_173 : i32 to index
            %swap3A_202 = arith.constant 48 : index
            %swap3A_203 = tpu.vector_load %arg19[%swap3A_201, %swap3A_202] {strides = array<i32>} : memref<64x64xf32, #tpu.memory_space<vmem>>, vector<16xf32>,
            tpu.vector_store %arg19[%swap3A_201, %swap3A_202], %gather3A_200 {strides = array<i32>} : memref<64x64xf32, #tpu.memory_space<vmem>>, vector<16xf32>,
            %mul3A_204 = arith.constant 64 : i32
            %mul3A_205 = arith.muli %squeeze3A_170, %mul3A_204 : i32
            %dma_start3A_206 = arith.constant 0 : i32
            %dma_start3A_207 = tpu.memref_slice %arg19[%and3A_173, %dma_start3A_206] : memref<64x64xf32, #tpu.memory_space<vmem>> -> memref<1x64xf32, #tpu.memory_space<vmem>>
            %dma_start3A_208 = tpu.memref_squeeze %dma_start3A_207 : memref<1x64xf32, #tpu.memory_space<vmem>> -> memref<64xf32, #tpu.memory_space<vmem>>
            %dma_start3A_209 = tpu.memref_slice %arg6[%mul3A_205] : memref<1048576xf32, #tpu.memory_space<hbm>> -> memref<64xf32, #tpu.memory_space<hbm>>
            %dma_start3A_210 = tpu.memref_slice %arg6[%mul3A_205] : memref<1048576xf32, #tpu.memory_space<hbm>> -> memref<64xf32, #tpu.memory_space<hbm>>
            %dma_start3A_211 = arith.constant 0 : i32
            %dma_start3A_212 = tpu.memref_slice %arg19[%and3A_173, %dma_start3A_211] : memref<64x64xf32, #tpu.memory_space<vmem>> -> memref<1x64xf32, #tpu.memory_space<vmem>>
            %dma_start3A_213 = tpu.memref_squeeze %dma_start3A_212 : memref<1x64xf32, #tpu.memory_space<vmem>> -> memref<64xf32, #tpu.memory_space<vmem>>
            tpu.enqueue_dma source(%dma_start3A_213 : memref<64xf32, #tpu.memory_space<vmem>>) target(%dma_start3A_210 : memref<64xf32, #tpu.memory_space<hbm>>) target_semaphore(%arg21 : memref<!tpu.dma_semaphore, #tpu.memory_space<semaphore_mem>>)
            %while3A_214 = arith.constant 0 : i32
            scf.yield %while3A_214 : i32
          }
          %while3A_159 = arith.constant 1 : i32
          %while3A_160 = scf.for %while3A_161 = %while3A_156 to %while3A_152 step %while3A_159 iter_args(%while3A_162 = %while3A_158) -> (i32)  : i32 {
            %get3A_163 = arith.index_cast %while3A_161 : i32 to index
            %get3A_164 = tpu.vector_load %arg13[%get3A_163] {strides = array<i32>} : memref<32xi32, #tpu.memory_space<vmem>>, vector<16xi32>,
            %slice3A_165 = vector.extract_strided_slice %get3A_164 {offsets = [0], sizes = [1], strides = [1]} : vector<16xi32> to vector<1xi32>
            %squeeze3A_166 = vector.extract %slice3A_165[0] : i32 from vector<1xi32>
            %get3A_167 = arith.index_cast %while3A_161 : i32 to index
            %get3A_168 = tpu.vector_load %arg14[%get3A_167] {strides = array<i32>} : memref<32xi32, #tpu.memory_space<vmem>>, vector<16xi32>,
            %slice3A_169 = vector.extract_strided_slice %get3A_168 {offsets = [0], sizes = [1], strides = [1]} : vector<16xi32> to vector<1xi32>
            %squeeze3A_170 = vector.extract %slice3A_169[0] : i32 from vector<1xi32>
            %add3A_171 = arith.addi %while3A_116, %while3A_161 : i32
            %and3A_172 = arith.constant 63 : i32
            %and3A_173 = arith.andi %add3A_171, %and3A_172 : i32
            %add3A_174 = arith.constant 0 : i32
            %add3A_175 = vector.broadcast %add3A_174 : i32 to vector<16xi32>
            %add3A_176 = arith.addi %add3A_175, %iota3A : vector<16xi32>
            %broadcast_in_dim3A = vector.broadcast %squeeze3A_166 : i32 to vector<16xi32>
            %gather3A = tpu.vector_load_idx %arg17[%add3A_176, %broadcast_in_dim3A] : memref<64x64xf32, #tpu.memory_space<vmem>>[vector<16xi32>, vector<16xi32>], vector<16xf32>,
            %swap3A_177 = arith.index_cast %and3A_173 : i32 to index
            %swap3A_178 = arith.constant 0 : index
            %swap3A_179 = tpu.vector_load %arg19[%swap3A_177, %swap3A_178] {strides = array<i32>} : memref<64x64xf32, #tpu.memory_space<vmem>>, vector<16xf32>,
            tpu.vector_store %arg19[%swap3A_177, %swap3A_178], %gather3A {strides = array<i32>} : memref<64x64xf32, #tpu.memory_space<vmem>>, vector<16xf32>,
            %add3A_180 = arith.constant 16 : i32
            %add3A_181 = vector.broadcast %add3A_180 : i32 to vector<16xi32>
            %add3A_182 = arith.addi %add3A_181, %iota3A : vector<16xi32>
            %broadcast_in_dim3A_183 = vector.broadcast %squeeze3A_166 : i32 to vector<16xi32>
            %gather3A_184 = tpu.vector_load_idx %arg17[%add3A_182, %broadcast_in_dim3A_183] : memref<64x64xf32, #tpu.memory_space<vmem>>[vector<16xi32>, vector<16xi32>], vector<16xf32>,
            %swap3A_185 = arith.index_cast %and3A_173 : i32 to index
            %swap3A_186 = arith.constant 16 : index
            %swap3A_187 = tpu.vector_load %arg19[%swap3A_185, %swap3A_186] {strides = array<i32>} : memref<64x64xf32, #tpu.memory_space<vmem>>, vector<16xf32>,
            tpu.vector_store %arg19[%swap3A_185, %swap3A_186], %gather3A_184 {strides = array<i32>} : memref<64x64xf32, #tpu.memory_space<vmem>>, vector<16xf32>,
            %add3A_188 = arith.constant 32 : i32
            %add3A_189 = vector.broadcast %add3A_188 : i32 to vector<16xi32>
            %add3A_190 = arith.addi %add3A_189, %iota3A : vector<16xi32>
            %broadcast_in_dim3A_191 = vector.broadcast %squeeze3A_166 : i32 to vector<16xi32>
            %gather3A_192 = tpu.vector_load_idx %arg17[%add3A_190, %broadcast_in_dim3A_191] : memref<64x64xf32, #tpu.memory_space<vmem>>[vector<16xi32>, vector<16xi32>], vector<16xf32>,
            %swap3A_193 = arith.index_cast %and3A_173 : i32 to index
            %swap3A_194 = arith.constant 32 : index
            %swap3A_195 = tpu.vector_load %arg19[%swap3A_193, %swap3A_194] {strides = array<i32>} : memref<64x64xf32, #tpu.memory_space<vmem>>, vector<16xf32>,
            tpu.vector_store %arg19[%swap3A_193, %swap3A_194], %gather3A_192 {strides = array<i32>} : memref<64x64xf32, #tpu.memory_space<vmem>>, vector<16xf32>,
            %add3A_196 = arith.constant 48 : i32
            %add3A_197 = vector.broadcast %add3A_196 : i32 to vector<16xi32>
            %add3A_198 = arith.addi %add3A_197, %iota3A : vector<16xi32>
            %broadcast_in_dim3A_199 = vector.broadcast %squeeze3A_166 : i32 to vector<16xi32>
            %gather3A_200 = tpu.vector_load_idx %arg17[%add3A_198, %broadcast_in_dim3A_199] : memref<64x64xf32, #tpu.memory_space<vmem>>[vector<16xi32>, vector<16xi32>], vector<16xf32>,
            %swap3A_201 = arith.index_cast %and3A_173 : i32 to index
            %swap3A_202 = arith.constant 48 : index
            %swap3A_203 = tpu.vector_load %arg19[%swap3A_201, %swap3A_202] {strides = array<i32>} : memref<64x64xf32, #tpu.memory_space<vmem>>, vector<16xf32>,
            tpu.vector_store %arg19[%swap3A_201, %swap3A_202], %gather3A_200 {strides = array<i32>} : memref<64x64xf32, #tpu.memory_space<vmem>>, vector<16xf32>,
            %mul3A_204 = arith.constant 64 : i32
            %mul3A_205 = arith.muli %squeeze3A_170, %mul3A_204 : i32
            %dma_start3A_206 = arith.constant 0 : i32
            %dma_start3A_207 = tpu.memref_slice %arg19[%and3A_173, %dma_start3A_206] : memref<64x64xf32, #tpu.memory_space<vmem>> -> memref<1x64xf32, #tpu.memory_space<vmem>>
            %dma_start3A_208 = tpu.memref_squeeze %dma_start3A_207 : memref<1x64xf32, #tpu.memory_space<vmem>> -> memref<64xf32, #tpu.memory_space<vmem>>
            %dma_start3A_209 = tpu.memref_slice %arg6[%mul3A_205] : memref<1048576xf32, #tpu.memory_space<hbm>> -> memref<64xf32, #tpu.memory_space<hbm>>
            %dma_start3A_210 = tpu.memref_slice %arg6[%mul3A_205] : memref<1048576xf32, #tpu.memory_space<hbm>> -> memref<64xf32, #tpu.memory_space<hbm>>
            %dma_start3A_211 = arith.constant 0 : i32
            %dma_start3A_212 = tpu.memref_slice %arg19[%and3A_173, %dma_start3A_211] : memref<64x64xf32, #tpu.memory_space<vmem>> -> memref<1x64xf32, #tpu.memory_space<vmem>>
            %dma_start3A_213 = tpu.memref_squeeze %dma_start3A_212 : memref<1x64xf32, #tpu.memory_space<vmem>> -> memref<64xf32, #tpu.memory_space<vmem>>
            tpu.enqueue_dma source(%dma_start3A_213 : memref<64xf32, #tpu.memory_space<vmem>>) target(%dma_start3A_210 : memref<64xf32, #tpu.memory_space<hbm>>) target_semaphore(%arg21 : memref<!tpu.dma_semaphore, #tpu.memory_space<semaphore_mem>>)
            %while3A_214 = arith.constant 0 : i32
            scf.yield %while3A_214 : i32
          }
        } else {
        }
        %add3A_140 = arith.addi %while3A_116, %squeeze3A : i32
        scf.yield %add3A_140, %cond3A_134 : i32, i32
      }
      %while3A_85 = arith.constant 1 : i32
      %while3A_86:2 = scf.for %while3A_115 = %while3A_82 to %while3A_78 step %while3A_85 iter_args(%while3A_116 = %while3A_84#0, %while3A_117 = %while3A_84#1) -> (i32, i32)  : i32 {
        %mul3A_118 = arith.constant 16 : i32
        %mul3A_119 = arith.muli %while3A_115, %mul3A_118 : i32
        %get3A = arith.index_cast %mul3A_119 : i32 to index
        %get3A_120 = tpu.vector_load %arg9[%get3A] {strides = array<i32>} : memref<16400xi32, #tpu.memory_space<vmem>>, vector<16xi32>,
        %shift_right_logical3A_121 = arith.constant 7 : i32
        %shift_right_logical3A_122 = vector.broadcast %shift_right_logical3A_121 : i32 to vector<16xi32>
        %shift_right_logical3A_123 = arith.shrui %get3A_120, %shift_right_logical3A_122 : vector<16xi32>
        %eq3A_124 = arith.constant 7812 : i32
        %eq3A_125 = vector.broadcast %eq3A_124 : i32 to vector<16xi32>
        %eq3A_126 = arith.cmpi eq, %shift_right_logical3A_123, %eq3A_125 : vector<16xi32>
        %all_reduce_population_count3A = tpu.all_reduce %eq3A_126 {dim = 0 : i64, kind = #tpu.reduction_kind<sum>} : vector<16xi1> -> vector<16xi32>
        %slice3A = vector.extract_strided_slice %all_reduce_population_count3A {offsets = [0], sizes = [1], strides = [1]} : vector<16xi32> to vector<1xi32>
        %squeeze3A = vector.extract %slice3A[0] : i32 from vector<1xi32>
        %gt3A = arith.constant 0 : i32
        %gt3A_127 = arith.cmpi sgt, %squeeze3A, %gt3A : i32
        %sub3A_128 = arith.subi %while3A_116, %while3A_117 : i32
        %gt3A_129 = arith.constant 48 : i32
        %gt3A_130 = arith.cmpi sgt, %sub3A_128, %gt3A_129 : i32
        %and3A = arith.andi %gt3A_127, %gt3A_130 : i1
        %convert_element_type3A_131 = arith.extui %and3A : i1 to i32
        %cond3A_132 = arith.constant 0 : i32
        %cond3A_133 = arith.cmpi ne, %convert_element_type3A_131, %cond3A_132 : i32
        %cond3A_134 = scf.if %cond3A_133 -> (i32) {
          %sub3A_141 = arith.subi %while3A_116, %while3A_117 : i32
          %while3A_142 = arith.constant 0 : i32
          %while3A_143 = arith.constant 0 : i32
          %while3A_144 = arith.subi %sub3A_141, %while3A_142 : i32
          %while3A_145 = arith.addi %while3A_142, %while3A_144 : i32
          %while3A_146 = arith.constant 1 : i32
          %while3A_147 = arith.divsi %while3A_144, %while3A_146 : i32
          %while3A_148 = arith.muli %while3A_147, %while3A_146 : i32
          %while3A_149 = arith.addi %while3A_142, %while3A_148 : i32
          %while3A_150 = arith.constant 1 : i32
          %while3A_151 = scf.for %while3A_154 = %while3A_142 to %while3A_149 step %while3A_150 iter_args(%while3A_155 = %while3A_143) -> (i32)  : i32 {
            %dma_wait3A = arith.constant 0 : i32
            %dma_wait3A_156 = arith.constant 0 : i32
            %dma_wait3A_157 = tpu.memref_slice %arg19[%dma_wait3A, %dma_wait3A_156] : memref<64x64xf32, #tpu.memory_space<vmem>> -> memref<1x64xf32, #tpu.memory_space<vmem>>
            %dma_wait3A_158 = tpu.memref_squeeze %dma_wait3A_157 : memref<1x64xf32, #tpu.memory_space<vmem>> -> memref<64xf32, #tpu.memory_space<vmem>>
            %dma_wait3A_159 = arith.constant 0 : i32
            %dma_wait3A_160 = tpu.memref_slice %arg6[%dma_wait3A_159] : memref<1048576xf32, #tpu.memory_space<hbm>> -> memref<64xf32, #tpu.memory_space<hbm>>
            %dma_wait3A_161 = arith.constant 0 : i32
            %dma_wait3A_162 = tpu.memref_slice %arg19[%dma_wait3A, %dma_wait3A_161] : memref<64x64xf32, #tpu.memory_space<vmem>> -> memref<1x64xf32, #tpu.memory_space<vmem>>
            %dma_wait3A_163 = tpu.memref_squeeze %dma_wait3A_162 : memref<1x64xf32, #tpu.memory_space<vmem>> -> memref<64xf32, #tpu.memory_space<vmem>>
            %dma_wait3A_164 = arith.constant 0 : i32
            %dma_wait3A_165 = tpu.memref_slice %arg6[%dma_wait3A_164] : memref<1048576xf32, #tpu.memory_space<hbm>> -> memref<64xf32, #tpu.memory_space<hbm>>
            tpu.wait_dma2 semaphore(%arg21 : memref<!tpu.dma_semaphore, #tpu.memory_space<semaphore_mem>>) src(%dma_wait3A_165 : memref<64xf32, #tpu.memory_space<hbm>>) dst(%dma_wait3A_163 : memref<64xf32, #tpu.memory_space<vmem>>)
            %while3A_166 = arith.constant 0 : i32
            scf.yield %while3A_166 : i32
          }
          %while3A_152 = arith.constant 1 : i32
          %while3A_153 = scf.for %while3A_154 = %while3A_149 to %while3A_145 step %while3A_152 iter_args(%while3A_155 = %while3A_151) -> (i32)  : i32 {
            %dma_wait3A = arith.constant 0 : i32
            %dma_wait3A_156 = arith.constant 0 : i32
            %dma_wait3A_157 = tpu.memref_slice %arg19[%dma_wait3A, %dma_wait3A_156] : memref<64x64xf32, #tpu.memory_space<vmem>> -> memref<1x64xf32, #tpu.memory_space<vmem>>
            %dma_wait3A_158 = tpu.memref_squeeze %dma_wait3A_157 : memref<1x64xf32, #tpu.memory_space<vmem>> -> memref<64xf32, #tpu.memory_space<vmem>>
            %dma_wait3A_159 = arith.constant 0 : i32
            %dma_wait3A_160 = tpu.memref_slice %arg6[%dma_wait3A_159] : memref<1048576xf32, #tpu.memory_space<hbm>> -> memref<64xf32, #tpu.memory_space<hbm>>
            %dma_wait3A_161 = arith.constant 0 : i32
            %dma_wait3A_162 = tpu.memref_slice %arg19[%dma_wait3A, %dma_wait3A_161] : memref<64x64xf32, #tpu.memory_space<vmem>> -> memref<1x64xf32, #tpu.memory_space<vmem>>
            %dma_wait3A_163 = tpu.memref_squeeze %dma_wait3A_162 : memref<1x64xf32, #tpu.memory_space<vmem>> -> memref<64xf32, #tpu.memory_space<vmem>>
            %dma_wait3A_164 = arith.constant 0 : i32
            %dma_wait3A_165 = tpu.memref_slice %arg6[%dma_wait3A_164] : memref<1048576xf32, #tpu.memory_space<hbm>> -> memref<64xf32, #tpu.memory_space<hbm>>
            tpu.wait_dma2 semaphore(%arg21 : memref<!tpu.dma_semaphore, #tpu.memory_space<semaphore_mem>>) src(%dma_wait3A_165 : memref<64xf32, #tpu.memory_space<hbm>>) dst(%dma_wait3A_163 : memref<64xf32, #tpu.memory_space<vmem>>)
            %while3A_166 = arith.constant 0 : i32
            scf.yield %while3A_166 : i32
          }
          scf.yield %while3A_116 : i32
        } else {
          scf.yield %while3A_117 : i32
        }
        %gt3A_135 = arith.constant 0 : i32
        %gt3A_136 = arith.cmpi sgt, %squeeze3A, %gt3A_135 : i32
        %convert_element_type3A_137 = arith.extui %gt3A_136 : i1 to i32
        %cond3A_138 = arith.constant 0 : i32
        %cond3A_139 = arith.cmpi ne, %convert_element_type3A_137, %cond3A_138 : i32
        scf.if %cond3A_139 {
          %and3A_141 = arith.constant 127 : i32
          %and3A_142 = vector.broadcast %and3A_141 : i32 to vector<16xi32>
          %and3A_143 = arith.andi %get3A_120, %and3A_142 : vector<16xi32>
          %swap3A = arith.constant 0 : index
          %swap3A_144 = tpu.vector_load %arg13[%swap3A] masked %eq3A_126 {strides = array<i32>} : memref<32xi32, #tpu.memory_space<vmem>>, vector<16xi32>, vector<16xi1>
          tpu.vector_store %arg13[%swap3A], %and3A_143 masked %eq3A_126 {strides = array<i32>} : memref<32xi32, #tpu.memory_space<vmem>>, vector<16xi32>, vector<16xi1>
          %get3A_145 = arith.index_cast %mul3A_119 : i32 to index
          %get3A_146 = tpu.vector_load %arg10[%get3A_145] {strides = array<i32>} : memref<16400xi32, #tpu.memory_space<vmem>>, vector<16xi32>,
          %swap3A_147 = arith.constant 0 : index
          %swap3A_148 = tpu.vector_load %arg14[%swap3A_147] masked %eq3A_126 {strides = array<i32>} : memref<32xi32, #tpu.memory_space<vmem>>, vector<16xi32>, vector<16xi1>
          tpu.vector_store %arg14[%swap3A_147], %get3A_146 masked %eq3A_126 {strides = array<i32>} : memref<32xi32, #tpu.memory_space<vmem>>, vector<16xi32>, vector<16xi1>
          %while3A_149 = arith.constant 0 : i32
          %while3A_150 = arith.constant 0 : i32
          %while3A_151 = arith.subi %squeeze3A, %while3A_149 : i32
          %while3A_152 = arith.addi %while3A_149, %while3A_151 : i32
          %while3A_153 = arith.constant 1 : i32
          %while3A_154 = arith.divsi %while3A_151, %while3A_153 : i32
          %while3A_155 = arith.muli %while3A_154, %while3A_153 : i32
          %while3A_156 = arith.addi %while3A_149, %while3A_155 : i32
          %while3A_157 = arith.constant 1 : i32
          %while3A_158 = scf.for %while3A_161 = %while3A_149 to %while3A_156 step %while3A_157 iter_args(%while3A_162 = %while3A_150) -> (i32)  : i32 {
            %get3A_163 = arith.index_cast %while3A_161 : i32 to index
            %get3A_164 = tpu.vector_load %arg13[%get3A_163] {strides = array<i32>} : memref<32xi32, #tpu.memory_space<vmem>>, vector<16xi32>,
            %slice3A_165 = vector.extract_strided_slice %get3A_164 {offsets = [0], sizes = [1], strides = [1]} : vector<16xi32> to vector<1xi32>
            %squeeze3A_166 = vector.extract %slice3A_165[0] : i32 from vector<1xi32>
            %get3A_167 = arith.index_cast %while3A_161 : i32 to index
            %get3A_168 = tpu.vector_load %arg14[%get3A_167] {strides = array<i32>} : memref<32xi32, #tpu.memory_space<vmem>>, vector<16xi32>,
            %slice3A_169 = vector.extract_strided_slice %get3A_168 {offsets = [0], sizes = [1], strides = [1]} : vector<16xi32> to vector<1xi32>
            %squeeze3A_170 = vector.extract %slice3A_169[0] : i32 from vector<1xi32>
            %add3A_171 = arith.addi %while3A_116, %while3A_161 : i32
            %and3A_172 = arith.constant 63 : i32
            %and3A_173 = arith.andi %add3A_171, %and3A_172 : i32
            %add3A_174 = arith.constant 0 : i32
            %add3A_175 = vector.broadcast %add3A_174 : i32 to vector<16xi32>
            %add3A_176 = arith.addi %add3A_175, %iota3A : vector<16xi32>
            %broadcast_in_dim3A = vector.broadcast %squeeze3A_166 : i32 to vector<16xi32>
            %gather3A = tpu.vector_load_idx %arg17[%add3A_176, %broadcast_in_dim3A] : memref<64x64xf32, #tpu.memory_space<vmem>>[vector<16xi32>, vector<16xi32>], vector<16xf32>,
            %swap3A_177 = arith.index_cast %and3A_173 : i32 to index
            %swap3A_178 = arith.constant 0 : index
            %swap3A_179 = tpu.vector_load %arg19[%swap3A_177, %swap3A_178] {strides = array<i32>} : memref<64x64xf32, #tpu.memory_space<vmem>>, vector<16xf32>,
            tpu.vector_store %arg19[%swap3A_177, %swap3A_178], %gather3A {strides = array<i32>} : memref<64x64xf32, #tpu.memory_space<vmem>>, vector<16xf32>,
            %add3A_180 = arith.constant 16 : i32
            %add3A_181 = vector.broadcast %add3A_180 : i32 to vector<16xi32>
            %add3A_182 = arith.addi %add3A_181, %iota3A : vector<16xi32>
            %broadcast_in_dim3A_183 = vector.broadcast %squeeze3A_166 : i32 to vector<16xi32>
            %gather3A_184 = tpu.vector_load_idx %arg17[%add3A_182, %broadcast_in_dim3A_183] : memref<64x64xf32, #tpu.memory_space<vmem>>[vector<16xi32>, vector<16xi32>], vector<16xf32>,
            %swap3A_185 = arith.index_cast %and3A_173 : i32 to index
            %swap3A_186 = arith.constant 16 : index
            %swap3A_187 = tpu.vector_load %arg19[%swap3A_185, %swap3A_186] {strides = array<i32>} : memref<64x64xf32, #tpu.memory_space<vmem>>, vector<16xf32>,
            tpu.vector_store %arg19[%swap3A_185, %swap3A_186], %gather3A_184 {strides = array<i32>} : memref<64x64xf32, #tpu.memory_space<vmem>>, vector<16xf32>,
            %add3A_188 = arith.constant 32 : i32
            %add3A_189 = vector.broadcast %add3A_188 : i32 to vector<16xi32>
            %add3A_190 = arith.addi %add3A_189, %iota3A : vector<16xi32>
            %broadcast_in_dim3A_191 = vector.broadcast %squeeze3A_166 : i32 to vector<16xi32>
            %gather3A_192 = tpu.vector_load_idx %arg17[%add3A_190, %broadcast_in_dim3A_191] : memref<64x64xf32, #tpu.memory_space<vmem>>[vector<16xi32>, vector<16xi32>], vector<16xf32>,
            %swap3A_193 = arith.index_cast %and3A_173 : i32 to index
            %swap3A_194 = arith.constant 32 : index
            %swap3A_195 = tpu.vector_load %arg19[%swap3A_193, %swap3A_194] {strides = array<i32>} : memref<64x64xf32, #tpu.memory_space<vmem>>, vector<16xf32>,
            tpu.vector_store %arg19[%swap3A_193, %swap3A_194], %gather3A_192 {strides = array<i32>} : memref<64x64xf32, #tpu.memory_space<vmem>>, vector<16xf32>,
            %add3A_196 = arith.constant 48 : i32
            %add3A_197 = vector.broadcast %add3A_196 : i32 to vector<16xi32>
            %add3A_198 = arith.addi %add3A_197, %iota3A : vector<16xi32>
            %broadcast_in_dim3A_199 = vector.broadcast %squeeze3A_166 : i32 to vector<16xi32>
            %gather3A_200 = tpu.vector_load_idx %arg17[%add3A_198, %broadcast_in_dim3A_199] : memref<64x64xf32, #tpu.memory_space<vmem>>[vector<16xi32>, vector<16xi32>], vector<16xf32>,
            %swap3A_201 = arith.index_cast %and3A_173 : i32 to index
            %swap3A_202 = arith.constant 48 : index
            %swap3A_203 = tpu.vector_load %arg19[%swap3A_201, %swap3A_202] {strides = array<i32>} : memref<64x64xf32, #tpu.memory_space<vmem>>, vector<16xf32>,
            tpu.vector_store %arg19[%swap3A_201, %swap3A_202], %gather3A_200 {strides = array<i32>} : memref<64x64xf32, #tpu.memory_space<vmem>>, vector<16xf32>,
            %mul3A_204 = arith.constant 64 : i32
            %mul3A_205 = arith.muli %squeeze3A_170, %mul3A_204 : i32
            %dma_start3A_206 = arith.constant 0 : i32
            %dma_start3A_207 = tpu.memref_slice %arg19[%and3A_173, %dma_start3A_206] : memref<64x64xf32, #tpu.memory_space<vmem>> -> memref<1x64xf32, #tpu.memory_space<vmem>>
            %dma_start3A_208 = tpu.memref_squeeze %dma_start3A_207 : memref<1x64xf32, #tpu.memory_space<vmem>> -> memref<64xf32, #tpu.memory_space<vmem>>
            %dma_start3A_209 = tpu.memref_slice %arg6[%mul3A_205] : memref<1048576xf32, #tpu.memory_space<hbm>> -> memref<64xf32, #tpu.memory_space<hbm>>
            %dma_start3A_210 = tpu.memref_slice %arg6[%mul3A_205] : memref<1048576xf32, #tpu.memory_space<hbm>> -> memref<64xf32, #tpu.memory_space<hbm>>
            %dma_start3A_211 = arith.constant 0 : i32
            %dma_start3A_212 = tpu.memref_slice %arg19[%and3A_173, %dma_start3A_211] : memref<64x64xf32, #tpu.memory_space<vmem>> -> memref<1x64xf32, #tpu.memory_space<vmem>>
            %dma_start3A_213 = tpu.memref_squeeze %dma_start3A_212 : memref<1x64xf32, #tpu.memory_space<vmem>> -> memref<64xf32, #tpu.memory_space<vmem>>
            tpu.enqueue_dma source(%dma_start3A_213 : memref<64xf32, #tpu.memory_space<vmem>>) target(%dma_start3A_210 : memref<64xf32, #tpu.memory_space<hbm>>) target_semaphore(%arg21 : memref<!tpu.dma_semaphore, #tpu.memory_space<semaphore_mem>>)
            %while3A_214 = arith.constant 0 : i32
            scf.yield %while3A_214 : i32
          }
          %while3A_159 = arith.constant 1 : i32
          %while3A_160 = scf.for %while3A_161 = %while3A_156 to %while3A_152 step %while3A_159 iter_args(%while3A_162 = %while3A_158) -> (i32)  : i32 {
            %get3A_163 = arith.index_cast %while3A_161 : i32 to index
            %get3A_164 = tpu.vector_load %arg13[%get3A_163] {strides = array<i32>} : memref<32xi32, #tpu.memory_space<vmem>>, vector<16xi32>,
            %slice3A_165 = vector.extract_strided_slice %get3A_164 {offsets = [0], sizes = [1], strides = [1]} : vector<16xi32> to vector<1xi32>
            %squeeze3A_166 = vector.extract %slice3A_165[0] : i32 from vector<1xi32>
            %get3A_167 = arith.index_cast %while3A_161 : i32 to index
            %get3A_168 = tpu.vector_load %arg14[%get3A_167] {strides = array<i32>} : memref<32xi32, #tpu.memory_space<vmem>>, vector<16xi32>,
            %slice3A_169 = vector.extract_strided_slice %get3A_168 {offsets = [0], sizes = [1], strides = [1]} : vector<16xi32> to vector<1xi32>
            %squeeze3A_170 = vector.extract %slice3A_169[0] : i32 from vector<1xi32>
            %add3A_171 = arith.addi %while3A_116, %while3A_161 : i32
            %and3A_172 = arith.constant 63 : i32
            %and3A_173 = arith.andi %add3A_171, %and3A_172 : i32
            %add3A_174 = arith.constant 0 : i32
            %add3A_175 = vector.broadcast %add3A_174 : i32 to vector<16xi32>
            %add3A_176 = arith.addi %add3A_175, %iota3A : vector<16xi32>
            %broadcast_in_dim3A = vector.broadcast %squeeze3A_166 : i32 to vector<16xi32>
            %gather3A = tpu.vector_load_idx %arg17[%add3A_176, %broadcast_in_dim3A] : memref<64x64xf32, #tpu.memory_space<vmem>>[vector<16xi32>, vector<16xi32>], vector<16xf32>,
            %swap3A_177 = arith.index_cast %and3A_173 : i32 to index
            %swap3A_178 = arith.constant 0 : index
            %swap3A_179 = tpu.vector_load %arg19[%swap3A_177, %swap3A_178] {strides = array<i32>} : memref<64x64xf32, #tpu.memory_space<vmem>>, vector<16xf32>,
            tpu.vector_store %arg19[%swap3A_177, %swap3A_178], %gather3A {strides = array<i32>} : memref<64x64xf32, #tpu.memory_space<vmem>>, vector<16xf32>,
            %add3A_180 = arith.constant 16 : i32
            %add3A_181 = vector.broadcast %add3A_180 : i32 to vector<16xi32>
            %add3A_182 = arith.addi %add3A_181, %iota3A : vector<16xi32>
            %broadcast_in_dim3A_183 = vector.broadcast %squeeze3A_166 : i32 to vector<16xi32>
            %gather3A_184 = tpu.vector_load_idx %arg17[%add3A_182, %broadcast_in_dim3A_183] : memref<64x64xf32, #tpu.memory_space<vmem>>[vector<16xi32>, vector<16xi32>], vector<16xf32>,
            %swap3A_185 = arith.index_cast %and3A_173 : i32 to index
            %swap3A_186 = arith.constant 16 : index
            %swap3A_187 = tpu.vector_load %arg19[%swap3A_185, %swap3A_186] {strides = array<i32>} : memref<64x64xf32, #tpu.memory_space<vmem>>, vector<16xf32>,
            tpu.vector_store %arg19[%swap3A_185, %swap3A_186], %gather3A_184 {strides = array<i32>} : memref<64x64xf32, #tpu.memory_space<vmem>>, vector<16xf32>,
            %add3A_188 = arith.constant 32 : i32
            %add3A_189 = vector.broadcast %add3A_188 : i32 to vector<16xi32>
            %add3A_190 = arith.addi %add3A_189, %iota3A : vector<16xi32>
            %broadcast_in_dim3A_191 = vector.broadcast %squeeze3A_166 : i32 to vector<16xi32>
            %gather3A_192 = tpu.vector_load_idx %arg17[%add3A_190, %broadcast_in_dim3A_191] : memref<64x64xf32, #tpu.memory_space<vmem>>[vector<16xi32>, vector<16xi32>], vector<16xf32>,
            %swap3A_193 = arith.index_cast %and3A_173 : i32 to index
            %swap3A_194 = arith.constant 32 : index
            %swap3A_195 = tpu.vector_load %arg19[%swap3A_193, %swap3A_194] {strides = array<i32>} : memref<64x64xf32, #tpu.memory_space<vmem>>, vector<16xf32>,
            tpu.vector_store %arg19[%swap3A_193, %swap3A_194], %gather3A_192 {strides = array<i32>} : memref<64x64xf32, #tpu.memory_space<vmem>>, vector<16xf32>,
            %add3A_196 = arith.constant 48 : i32
            %add3A_197 = vector.broadcast %add3A_196 : i32 to vector<16xi32>
            %add3A_198 = arith.addi %add3A_197, %iota3A : vector<16xi32>
            %broadcast_in_dim3A_199 = vector.broadcast %squeeze3A_166 : i32 to vector<16xi32>
            %gather3A_200 = tpu.vector_load_idx %arg17[%add3A_198, %broadcast_in_dim3A_199] : memref<64x64xf32, #tpu.memory_space<vmem>>[vector<16xi32>, vector<16xi32>], vector<16xf32>,
            %swap3A_201 = arith.index_cast %and3A_173 : i32 to index
            %swap3A_202 = arith.constant 48 : index
            %swap3A_203 = tpu.vector_load %arg19[%swap3A_201, %swap3A_202] {strides = array<i32>} : memref<64x64xf32, #tpu.memory_space<vmem>>, vector<16xf32>,
            tpu.vector_store %arg19[%swap3A_201, %swap3A_202], %gather3A_200 {strides = array<i32>} : memref<64x64xf32, #tpu.memory_space<vmem>>, vector<16xf32>,
            %mul3A_204 = arith.constant 64 : i32
            %mul3A_205 = arith.muli %squeeze3A_170, %mul3A_204 : i32
            %dma_start3A_206 = arith.constant 0 : i32
            %dma_start3A_207 = tpu.memref_slice %arg19[%and3A_173, %dma_start3A_206] : memref<64x64xf32, #tpu.memory_space<vmem>> -> memref<1x64xf32, #tpu.memory_space<vmem>>
            %dma_start3A_208 = tpu.memref_squeeze %dma_start3A_207 : memref<1x64xf32, #tpu.memory_space<vmem>> -> memref<64xf32, #tpu.memory_space<vmem>>
            %dma_start3A_209 = tpu.memref_slice %arg6[%mul3A_205] : memref<1048576xf32, #tpu.memory_space<hbm>> -> memref<64xf32, #tpu.memory_space<hbm>>
            %dma_start3A_210 = tpu.memref_slice %arg6[%mul3A_205] : memref<1048576xf32, #tpu.memory_space<hbm>> -> memref<64xf32, #tpu.memory_space<hbm>>
            %dma_start3A_211 = arith.constant 0 : i32
            %dma_start3A_212 = tpu.memref_slice %arg19[%and3A_173, %dma_start3A_211] : memref<64x64xf32, #tpu.memory_space<vmem>> -> memref<1x64xf32, #tpu.memory_space<vmem>>
            %dma_start3A_213 = tpu.memref_squeeze %dma_start3A_212 : memref<1x64xf32, #tpu.memory_space<vmem>> -> memref<64xf32, #tpu.memory_space<vmem>>
            tpu.enqueue_dma source(%dma_start3A_213 : memref<64xf32, #tpu.memory_space<vmem>>) target(%dma_start3A_210 : memref<64xf32, #tpu.memory_space<hbm>>) target_semaphore(%arg21 : memref<!tpu.dma_semaphore, #tpu.memory_space<semaphore_mem>>)
            %while3A_214 = arith.constant 0 : i32
            scf.yield %while3A_214 : i32
          }
        } else {
        }
        %add3A_140 = arith.addi %while3A_116, %squeeze3A : i32
        scf.yield %add3A_140, %cond3A_134 : i32, i32
      }
      %add3A_87 = arith.constant 15 : i32
      %add3A_88 = arith.addi %scan3A_25, %add3A_87 : i32
      %shift_right_logical3A_89 = arith.constant 4 : i32
      %shift_right_logical3A_90 = arith.shrui %add3A_88, %shift_right_logical3A_89 : i32
      %while3A_91 = arith.constant 0 : i32
      %while3A_92 = arith.subi %shift_right_logical3A_90, %while3A_91 : i32
      %while3A_93 = arith.addi %while3A_91, %while3A_92 : i32
      %while3A_94 = arith.constant 1 : i32
      %while3A_95 = arith.divsi %while3A_92, %while3A_94 : i32
      %while3A_96 = arith.muli %while3A_95, %while3A_94 : i32
      %while3A_97 = arith.addi %while3A_91, %while3A_96 : i32
      %while3A_98 = arith.constant 1 : i32
      %while3A_99:2 = scf.for %while3A_115 = %while3A_91 to %while3A_97 step %while3A_98 iter_args(%while3A_116 = %while3A_86#0, %while3A_117 = %while3A_86#1) -> (i32, i32)  : i32 {
        %mul3A_118 = arith.constant 16 : i32
        %mul3A_119 = arith.muli %while3A_115, %mul3A_118 : i32
        %get3A = arith.index_cast %mul3A_119 : i32 to index
        %get3A_120 = tpu.vector_load %arg11[%get3A] {strides = array<i32>} : memref<16400xi32, #tpu.memory_space<vmem>>, vector<16xi32>,
        %shift_right_logical3A_121 = arith.constant 7 : i32
        %shift_right_logical3A_122 = vector.broadcast %shift_right_logical3A_121 : i32 to vector<16xi32>
        %shift_right_logical3A_123 = arith.shrui %get3A_120, %shift_right_logical3A_122 : vector<16xi32>
        %eq3A_124 = arith.constant 7812 : i32
        %eq3A_125 = vector.broadcast %eq3A_124 : i32 to vector<16xi32>
        %eq3A_126 = arith.cmpi eq, %shift_right_logical3A_123, %eq3A_125 : vector<16xi32>
        %all_reduce_population_count3A = tpu.all_reduce %eq3A_126 {dim = 0 : i64, kind = #tpu.reduction_kind<sum>} : vector<16xi1> -> vector<16xi32>
        %slice3A = vector.extract_strided_slice %all_reduce_population_count3A {offsets = [0], sizes = [1], strides = [1]} : vector<16xi32> to vector<1xi32>
        %squeeze3A = vector.extract %slice3A[0] : i32 from vector<1xi32>
        %gt3A = arith.constant 0 : i32
        %gt3A_127 = arith.cmpi sgt, %squeeze3A, %gt3A : i32
        %sub3A_128 = arith.subi %while3A_116, %while3A_117 : i32
        %gt3A_129 = arith.constant 48 : i32
        %gt3A_130 = arith.cmpi sgt, %sub3A_128, %gt3A_129 : i32
        %and3A = arith.andi %gt3A_127, %gt3A_130 : i1
        %convert_element_type3A_131 = arith.extui %and3A : i1 to i32
        %cond3A_132 = arith.constant 0 : i32
        %cond3A_133 = arith.cmpi ne, %convert_element_type3A_131, %cond3A_132 : i32
        %cond3A_134 = scf.if %cond3A_133 -> (i32) {
          %sub3A_141 = arith.subi %while3A_116, %while3A_117 : i32
          %while3A_142 = arith.constant 0 : i32
          %while3A_143 = arith.constant 0 : i32
          %while3A_144 = arith.subi %sub3A_141, %while3A_142 : i32
          %while3A_145 = arith.addi %while3A_142, %while3A_144 : i32
          %while3A_146 = arith.constant 1 : i32
          %while3A_147 = arith.divsi %while3A_144, %while3A_146 : i32
          %while3A_148 = arith.muli %while3A_147, %while3A_146 : i32
          %while3A_149 = arith.addi %while3A_142, %while3A_148 : i32
          %while3A_150 = arith.constant 1 : i32
          %while3A_151 = scf.for %while3A_154 = %while3A_142 to %while3A_149 step %while3A_150 iter_args(%while3A_155 = %while3A_143) -> (i32)  : i32 {
            %dma_wait3A = arith.constant 0 : i32
            %dma_wait3A_156 = arith.constant 0 : i32
            %dma_wait3A_157 = tpu.memref_slice %arg19[%dma_wait3A, %dma_wait3A_156] : memref<64x64xf32, #tpu.memory_space<vmem>> -> memref<1x64xf32, #tpu.memory_space<vmem>>
            %dma_wait3A_158 = tpu.memref_squeeze %dma_wait3A_157 : memref<1x64xf32, #tpu.memory_space<vmem>> -> memref<64xf32, #tpu.memory_space<vmem>>
            %dma_wait3A_159 = arith.constant 0 : i32
            %dma_wait3A_160 = tpu.memref_slice %arg7[%dma_wait3A_159] : memref<1048576xf32, #tpu.memory_space<hbm>> -> memref<64xf32, #tpu.memory_space<hbm>>
            %dma_wait3A_161 = arith.constant 0 : i32
            %dma_wait3A_162 = tpu.memref_slice %arg19[%dma_wait3A, %dma_wait3A_161] : memref<64x64xf32, #tpu.memory_space<vmem>> -> memref<1x64xf32, #tpu.memory_space<vmem>>
            %dma_wait3A_163 = tpu.memref_squeeze %dma_wait3A_162 : memref<1x64xf32, #tpu.memory_space<vmem>> -> memref<64xf32, #tpu.memory_space<vmem>>
            %dma_wait3A_164 = arith.constant 0 : i32
            %dma_wait3A_165 = tpu.memref_slice %arg7[%dma_wait3A_164] : memref<1048576xf32, #tpu.memory_space<hbm>> -> memref<64xf32, #tpu.memory_space<hbm>>
            tpu.wait_dma2 semaphore(%arg21 : memref<!tpu.dma_semaphore, #tpu.memory_space<semaphore_mem>>) src(%dma_wait3A_165 : memref<64xf32, #tpu.memory_space<hbm>>) dst(%dma_wait3A_163 : memref<64xf32, #tpu.memory_space<vmem>>)
            %while3A_166 = arith.constant 0 : i32
            scf.yield %while3A_166 : i32
          }
          %while3A_152 = arith.constant 1 : i32
          %while3A_153 = scf.for %while3A_154 = %while3A_149 to %while3A_145 step %while3A_152 iter_args(%while3A_155 = %while3A_151) -> (i32)  : i32 {
            %dma_wait3A = arith.constant 0 : i32
            %dma_wait3A_156 = arith.constant 0 : i32
            %dma_wait3A_157 = tpu.memref_slice %arg19[%dma_wait3A, %dma_wait3A_156] : memref<64x64xf32, #tpu.memory_space<vmem>> -> memref<1x64xf32, #tpu.memory_space<vmem>>
            %dma_wait3A_158 = tpu.memref_squeeze %dma_wait3A_157 : memref<1x64xf32, #tpu.memory_space<vmem>> -> memref<64xf32, #tpu.memory_space<vmem>>
            %dma_wait3A_159 = arith.constant 0 : i32
            %dma_wait3A_160 = tpu.memref_slice %arg7[%dma_wait3A_159] : memref<1048576xf32, #tpu.memory_space<hbm>> -> memref<64xf32, #tpu.memory_space<hbm>>
            %dma_wait3A_161 = arith.constant 0 : i32
            %dma_wait3A_162 = tpu.memref_slice %arg19[%dma_wait3A, %dma_wait3A_161] : memref<64x64xf32, #tpu.memory_space<vmem>> -> memref<1x64xf32, #tpu.memory_space<vmem>>
            %dma_wait3A_163 = tpu.memref_squeeze %dma_wait3A_162 : memref<1x64xf32, #tpu.memory_space<vmem>> -> memref<64xf32, #tpu.memory_space<vmem>>
            %dma_wait3A_164 = arith.constant 0 : i32
            %dma_wait3A_165 = tpu.memref_slice %arg7[%dma_wait3A_164] : memref<1048576xf32, #tpu.memory_space<hbm>> -> memref<64xf32, #tpu.memory_space<hbm>>
            tpu.wait_dma2 semaphore(%arg21 : memref<!tpu.dma_semaphore, #tpu.memory_space<semaphore_mem>>) src(%dma_wait3A_165 : memref<64xf32, #tpu.memory_space<hbm>>) dst(%dma_wait3A_163 : memref<64xf32, #tpu.memory_space<vmem>>)
            %while3A_166 = arith.constant 0 : i32
            scf.yield %while3A_166 : i32
          }
          scf.yield %while3A_116 : i32
        } else {
          scf.yield %while3A_117 : i32
        }
        %gt3A_135 = arith.constant 0 : i32
        %gt3A_136 = arith.cmpi sgt, %squeeze3A, %gt3A_135 : i32
        %convert_element_type3A_137 = arith.extui %gt3A_136 : i1 to i32
        %cond3A_138 = arith.constant 0 : i32
        %cond3A_139 = arith.cmpi ne, %convert_element_type3A_137, %cond3A_138 : i32
        scf.if %cond3A_139 {
          %and3A_141 = arith.constant 127 : i32
          %and3A_142 = vector.broadcast %and3A_141 : i32 to vector<16xi32>
          %and3A_143 = arith.andi %get3A_120, %and3A_142 : vector<16xi32>
          %swap3A = arith.constant 0 : index
          %swap3A_144 = tpu.vector_load %arg13[%swap3A] masked %eq3A_126 {strides = array<i32>} : memref<32xi32, #tpu.memory_space<vmem>>, vector<16xi32>, vector<16xi1>
          tpu.vector_store %arg13[%swap3A], %and3A_143 masked %eq3A_126 {strides = array<i32>} : memref<32xi32, #tpu.memory_space<vmem>>, vector<16xi32>, vector<16xi1>
          %get3A_145 = arith.index_cast %mul3A_119 : i32 to index
          %get3A_146 = tpu.vector_load %arg12[%get3A_145] {strides = array<i32>} : memref<16400xi32, #tpu.memory_space<vmem>>, vector<16xi32>,
          %swap3A_147 = arith.constant 0 : index
          %swap3A_148 = tpu.vector_load %arg14[%swap3A_147] masked %eq3A_126 {strides = array<i32>} : memref<32xi32, #tpu.memory_space<vmem>>, vector<16xi32>, vector<16xi1>
          tpu.vector_store %arg14[%swap3A_147], %get3A_146 masked %eq3A_126 {strides = array<i32>} : memref<32xi32, #tpu.memory_space<vmem>>, vector<16xi32>, vector<16xi1>
          %while3A_149 = arith.constant 0 : i32
          %while3A_150 = arith.constant 0 : i32
          %while3A_151 = arith.subi %squeeze3A, %while3A_149 : i32
          %while3A_152 = arith.addi %while3A_149, %while3A_151 : i32
          %while3A_153 = arith.constant 1 : i32
          %while3A_154 = arith.divsi %while3A_151, %while3A_153 : i32
          %while3A_155 = arith.muli %while3A_154, %while3A_153 : i32
          %while3A_156 = arith.addi %while3A_149, %while3A_155 : i32
          %while3A_157 = arith.constant 1 : i32
          %while3A_158 = scf.for %while3A_161 = %while3A_149 to %while3A_156 step %while3A_157 iter_args(%while3A_162 = %while3A_150) -> (i32)  : i32 {
            %get3A_163 = arith.index_cast %while3A_161 : i32 to index
            %get3A_164 = tpu.vector_load %arg13[%get3A_163] {strides = array<i32>} : memref<32xi32, #tpu.memory_space<vmem>>, vector<16xi32>,
            %slice3A_165 = vector.extract_strided_slice %get3A_164 {offsets = [0], sizes = [1], strides = [1]} : vector<16xi32> to vector<1xi32>
            %squeeze3A_166 = vector.extract %slice3A_165[0] : i32 from vector<1xi32>
            %get3A_167 = arith.index_cast %while3A_161 : i32 to index
            %get3A_168 = tpu.vector_load %arg14[%get3A_167] {strides = array<i32>} : memref<32xi32, #tpu.memory_space<vmem>>, vector<16xi32>,
            %slice3A_169 = vector.extract_strided_slice %get3A_168 {offsets = [0], sizes = [1], strides = [1]} : vector<16xi32> to vector<1xi32>
            %squeeze3A_170 = vector.extract %slice3A_169[0] : i32 from vector<1xi32>
            %add3A_171 = arith.addi %while3A_116, %while3A_161 : i32
            %and3A_172 = arith.constant 63 : i32
            %and3A_173 = arith.andi %add3A_171, %and3A_172 : i32
            %add3A_174 = arith.constant 0 : i32
            %add3A_175 = vector.broadcast %add3A_174 : i32 to vector<16xi32>
            %add3A_176 = arith.addi %add3A_175, %iota3A : vector<16xi32>
            %broadcast_in_dim3A = vector.broadcast %squeeze3A_166 : i32 to vector<16xi32>
            %gather3A = tpu.vector_load_idx %arg18[%add3A_176, %broadcast_in_dim3A] : memref<64x64xf32, #tpu.memory_space<vmem>>[vector<16xi32>, vector<16xi32>], vector<16xf32>,
            %swap3A_177 = arith.index_cast %and3A_173 : i32 to index
            %swap3A_178 = arith.constant 0 : index
            %swap3A_179 = tpu.vector_load %arg19[%swap3A_177, %swap3A_178] {strides = array<i32>} : memref<64x64xf32, #tpu.memory_space<vmem>>, vector<16xf32>,
            tpu.vector_store %arg19[%swap3A_177, %swap3A_178], %gather3A {strides = array<i32>} : memref<64x64xf32, #tpu.memory_space<vmem>>, vector<16xf32>,
            %add3A_180 = arith.constant 16 : i32
            %add3A_181 = vector.broadcast %add3A_180 : i32 to vector<16xi32>
            %add3A_182 = arith.addi %add3A_181, %iota3A : vector<16xi32>
            %broadcast_in_dim3A_183 = vector.broadcast %squeeze3A_166 : i32 to vector<16xi32>
            %gather3A_184 = tpu.vector_load_idx %arg18[%add3A_182, %broadcast_in_dim3A_183] : memref<64x64xf32, #tpu.memory_space<vmem>>[vector<16xi32>, vector<16xi32>], vector<16xf32>,
            %swap3A_185 = arith.index_cast %and3A_173 : i32 to index
            %swap3A_186 = arith.constant 16 : index
            %swap3A_187 = tpu.vector_load %arg19[%swap3A_185, %swap3A_186] {strides = array<i32>} : memref<64x64xf32, #tpu.memory_space<vmem>>, vector<16xf32>,
            tpu.vector_store %arg19[%swap3A_185, %swap3A_186], %gather3A_184 {strides = array<i32>} : memref<64x64xf32, #tpu.memory_space<vmem>>, vector<16xf32>,
            %add3A_188 = arith.constant 32 : i32
            %add3A_189 = vector.broadcast %add3A_188 : i32 to vector<16xi32>
            %add3A_190 = arith.addi %add3A_189, %iota3A : vector<16xi32>
            %broadcast_in_dim3A_191 = vector.broadcast %squeeze3A_166 : i32 to vector<16xi32>
            %gather3A_192 = tpu.vector_load_idx %arg18[%add3A_190, %broadcast_in_dim3A_191] : memref<64x64xf32, #tpu.memory_space<vmem>>[vector<16xi32>, vector<16xi32>], vector<16xf32>,
            %swap3A_193 = arith.index_cast %and3A_173 : i32 to index
            %swap3A_194 = arith.constant 32 : index
            %swap3A_195 = tpu.vector_load %arg19[%swap3A_193, %swap3A_194] {strides = array<i32>} : memref<64x64xf32, #tpu.memory_space<vmem>>, vector<16xf32>,
            tpu.vector_store %arg19[%swap3A_193, %swap3A_194], %gather3A_192 {strides = array<i32>} : memref<64x64xf32, #tpu.memory_space<vmem>>, vector<16xf32>,
            %add3A_196 = arith.constant 48 : i32
            %add3A_197 = vector.broadcast %add3A_196 : i32 to vector<16xi32>
            %add3A_198 = arith.addi %add3A_197, %iota3A : vector<16xi32>
            %broadcast_in_dim3A_199 = vector.broadcast %squeeze3A_166 : i32 to vector<16xi32>
            %gather3A_200 = tpu.vector_load_idx %arg18[%add3A_198, %broadcast_in_dim3A_199] : memref<64x64xf32, #tpu.memory_space<vmem>>[vector<16xi32>, vector<16xi32>], vector<16xf32>,
            %swap3A_201 = arith.index_cast %and3A_173 : i32 to index
            %swap3A_202 = arith.constant 48 : index
            %swap3A_203 = tpu.vector_load %arg19[%swap3A_201, %swap3A_202] {strides = array<i32>} : memref<64x64xf32, #tpu.memory_space<vmem>>, vector<16xf32>,
            tpu.vector_store %arg19[%swap3A_201, %swap3A_202], %gather3A_200 {strides = array<i32>} : memref<64x64xf32, #tpu.memory_space<vmem>>, vector<16xf32>,
            %mul3A_204 = arith.constant 64 : i32
            %mul3A_205 = arith.muli %squeeze3A_170, %mul3A_204 : i32
            %dma_start3A_206 = arith.constant 0 : i32
            %dma_start3A_207 = tpu.memref_slice %arg19[%and3A_173, %dma_start3A_206] : memref<64x64xf32, #tpu.memory_space<vmem>> -> memref<1x64xf32, #tpu.memory_space<vmem>>
            %dma_start3A_208 = tpu.memref_squeeze %dma_start3A_207 : memref<1x64xf32, #tpu.memory_space<vmem>> -> memref<64xf32, #tpu.memory_space<vmem>>
            %dma_start3A_209 = tpu.memref_slice %arg7[%mul3A_205] : memref<1048576xf32, #tpu.memory_space<hbm>> -> memref<64xf32, #tpu.memory_space<hbm>>
            %dma_start3A_210 = tpu.memref_slice %arg7[%mul3A_205] : memref<1048576xf32, #tpu.memory_space<hbm>> -> memref<64xf32, #tpu.memory_space<hbm>>
            %dma_start3A_211 = arith.constant 0 : i32
            %dma_start3A_212 = tpu.memref_slice %arg19[%and3A_173, %dma_start3A_211] : memref<64x64xf32, #tpu.memory_space<vmem>> -> memref<1x64xf32, #tpu.memory_space<vmem>>
            %dma_start3A_213 = tpu.memref_squeeze %dma_start3A_212 : memref<1x64xf32, #tpu.memory_space<vmem>> -> memref<64xf32, #tpu.memory_space<vmem>>
            tpu.enqueue_dma source(%dma_start3A_213 : memref<64xf32, #tpu.memory_space<vmem>>) target(%dma_start3A_210 : memref<64xf32, #tpu.memory_space<hbm>>) target_semaphore(%arg21 : memref<!tpu.dma_semaphore, #tpu.memory_space<semaphore_mem>>)
            %while3A_214 = arith.constant 0 : i32
            scf.yield %while3A_214 : i32
          }
          %while3A_159 = arith.constant 1 : i32
          %while3A_160 = scf.for %while3A_161 = %while3A_156 to %while3A_152 step %while3A_159 iter_args(%while3A_162 = %while3A_158) -> (i32)  : i32 {
            %get3A_163 = arith.index_cast %while3A_161 : i32 to index
            %get3A_164 = tpu.vector_load %arg13[%get3A_163] {strides = array<i32>} : memref<32xi32, #tpu.memory_space<vmem>>, vector<16xi32>,
            %slice3A_165 = vector.extract_strided_slice %get3A_164 {offsets = [0], sizes = [1], strides = [1]} : vector<16xi32> to vector<1xi32>
            %squeeze3A_166 = vector.extract %slice3A_165[0] : i32 from vector<1xi32>
            %get3A_167 = arith.index_cast %while3A_161 : i32 to index
            %get3A_168 = tpu.vector_load %arg14[%get3A_167] {strides = array<i32>} : memref<32xi32, #tpu.memory_space<vmem>>, vector<16xi32>,
            %slice3A_169 = vector.extract_strided_slice %get3A_168 {offsets = [0], sizes = [1], strides = [1]} : vector<16xi32> to vector<1xi32>
            %squeeze3A_170 = vector.extract %slice3A_169[0] : i32 from vector<1xi32>
            %add3A_171 = arith.addi %while3A_116, %while3A_161 : i32
            %and3A_172 = arith.constant 63 : i32
            %and3A_173 = arith.andi %add3A_171, %and3A_172 : i32
            %add3A_174 = arith.constant 0 : i32
            %add3A_175 = vector.broadcast %add3A_174 : i32 to vector<16xi32>
            %add3A_176 = arith.addi %add3A_175, %iota3A : vector<16xi32>
            %broadcast_in_dim3A = vector.broadcast %squeeze3A_166 : i32 to vector<16xi32>
            %gather3A = tpu.vector_load_idx %arg18[%add3A_176, %broadcast_in_dim3A] : memref<64x64xf32, #tpu.memory_space<vmem>>[vector<16xi32>, vector<16xi32>], vector<16xf32>,
            %swap3A_177 = arith.index_cast %and3A_173 : i32 to index
            %swap3A_178 = arith.constant 0 : index
            %swap3A_179 = tpu.vector_load %arg19[%swap3A_177, %swap3A_178] {strides = array<i32>} : memref<64x64xf32, #tpu.memory_space<vmem>>, vector<16xf32>,
            tpu.vector_store %arg19[%swap3A_177, %swap3A_178], %gather3A {strides = array<i32>} : memref<64x64xf32, #tpu.memory_space<vmem>>, vector<16xf32>,
            %add3A_180 = arith.constant 16 : i32
            %add3A_181 = vector.broadcast %add3A_180 : i32 to vector<16xi32>
            %add3A_182 = arith.addi %add3A_181, %iota3A : vector<16xi32>
            %broadcast_in_dim3A_183 = vector.broadcast %squeeze3A_166 : i32 to vector<16xi32>
            %gather3A_184 = tpu.vector_load_idx %arg18[%add3A_182, %broadcast_in_dim3A_183] : memref<64x64xf32, #tpu.memory_space<vmem>>[vector<16xi32>, vector<16xi32>], vector<16xf32>,
            %swap3A_185 = arith.index_cast %and3A_173 : i32 to index
            %swap3A_186 = arith.constant 16 : index
            %swap3A_187 = tpu.vector_load %arg19[%swap3A_185, %swap3A_186] {strides = array<i32>} : memref<64x64xf32, #tpu.memory_space<vmem>>, vector<16xf32>,
            tpu.vector_store %arg19[%swap3A_185, %swap3A_186], %gather3A_184 {strides = array<i32>} : memref<64x64xf32, #tpu.memory_space<vmem>>, vector<16xf32>,
            %add3A_188 = arith.constant 32 : i32
            %add3A_189 = vector.broadcast %add3A_188 : i32 to vector<16xi32>
            %add3A_190 = arith.addi %add3A_189, %iota3A : vector<16xi32>
            %broadcast_in_dim3A_191 = vector.broadcast %squeeze3A_166 : i32 to vector<16xi32>
            %gather3A_192 = tpu.vector_load_idx %arg18[%add3A_190, %broadcast_in_dim3A_191] : memref<64x64xf32, #tpu.memory_space<vmem>>[vector<16xi32>, vector<16xi32>], vector<16xf32>,
            %swap3A_193 = arith.index_cast %and3A_173 : i32 to index
            %swap3A_194 = arith.constant 32 : index
            %swap3A_195 = tpu.vector_load %arg19[%swap3A_193, %swap3A_194] {strides = array<i32>} : memref<64x64xf32, #tpu.memory_space<vmem>>, vector<16xf32>,
            tpu.vector_store %arg19[%swap3A_193, %swap3A_194], %gather3A_192 {strides = array<i32>} : memref<64x64xf32, #tpu.memory_space<vmem>>, vector<16xf32>,
            %add3A_196 = arith.constant 48 : i32
            %add3A_197 = vector.broadcast %add3A_196 : i32 to vector<16xi32>
            %add3A_198 = arith.addi %add3A_197, %iota3A : vector<16xi32>
            %broadcast_in_dim3A_199 = vector.broadcast %squeeze3A_166 : i32 to vector<16xi32>
            %gather3A_200 = tpu.vector_load_idx %arg18[%add3A_198, %broadcast_in_dim3A_199] : memref<64x64xf32, #tpu.memory_space<vmem>>[vector<16xi32>, vector<16xi32>], vector<16xf32>,
            %swap3A_201 = arith.index_cast %and3A_173 : i32 to index
            %swap3A_202 = arith.constant 48 : index
            %swap3A_203 = tpu.vector_load %arg19[%swap3A_201, %swap3A_202] {strides = array<i32>} : memref<64x64xf32, #tpu.memory_space<vmem>>, vector<16xf32>,
            tpu.vector_store %arg19[%swap3A_201, %swap3A_202], %gather3A_200 {strides = array<i32>} : memref<64x64xf32, #tpu.memory_space<vmem>>, vector<16xf32>,
            %mul3A_204 = arith.constant 64 : i32
            %mul3A_205 = arith.muli %squeeze3A_170, %mul3A_204 : i32
            %dma_start3A_206 = arith.constant 0 : i32
            %dma_start3A_207 = tpu.memref_slice %arg19[%and3A_173, %dma_start3A_206] : memref<64x64xf32, #tpu.memory_space<vmem>> -> memref<1x64xf32, #tpu.memory_space<vmem>>
            %dma_start3A_208 = tpu.memref_squeeze %dma_start3A_207 : memref<1x64xf32, #tpu.memory_space<vmem>> -> memref<64xf32, #tpu.memory_space<vmem>>
            %dma_start3A_209 = tpu.memref_slice %arg7[%mul3A_205] : memref<1048576xf32, #tpu.memory_space<hbm>> -> memref<64xf32, #tpu.memory_space<hbm>>
            %dma_start3A_210 = tpu.memref_slice %arg7[%mul3A_205] : memref<1048576xf32, #tpu.memory_space<hbm>> -> memref<64xf32, #tpu.memory_space<hbm>>
            %dma_start3A_211 = arith.constant 0 : i32
            %dma_start3A_212 = tpu.memref_slice %arg19[%and3A_173, %dma_start3A_211] : memref<64x64xf32, #tpu.memory_space<vmem>> -> memref<1x64xf32, #tpu.memory_space<vmem>>
            %dma_start3A_213 = tpu.memref_squeeze %dma_start3A_212 : memref<1x64xf32, #tpu.memory_space<vmem>> -> memref<64xf32, #tpu.memory_space<vmem>>
            tpu.enqueue_dma source(%dma_start3A_213 : memref<64xf32, #tpu.memory_space<vmem>>) target(%dma_start3A_210 : memref<64xf32, #tpu.memory_space<hbm>>) target_semaphore(%arg21 : memref<!tpu.dma_semaphore, #tpu.memory_space<semaphore_mem>>)
            %while3A_214 = arith.constant 0 : i32
            scf.yield %while3A_214 : i32
          }
        } else {
        }
        %add3A_140 = arith.addi %while3A_116, %squeeze3A : i32
        scf.yield %add3A_140, %cond3A_134 : i32, i32
      }
      %while3A_100 = arith.constant 1 : i32
      %while3A_101:2 = scf.for %while3A_115 = %while3A_97 to %while3A_93 step %while3A_100 iter_args(%while3A_116 = %while3A_99#0, %while3A_117 = %while3A_99#1) -> (i32, i32)  : i32 {
        %mul3A_118 = arith.constant 16 : i32
        %mul3A_119 = arith.muli %while3A_115, %mul3A_118 : i32
        %get3A = arith.index_cast %mul3A_119 : i32 to index
        %get3A_120 = tpu.vector_load %arg11[%get3A] {strides = array<i32>} : memref<16400xi32, #tpu.memory_space<vmem>>, vector<16xi32>,
        %shift_right_logical3A_121 = arith.constant 7 : i32
        %shift_right_logical3A_122 = vector.broadcast %shift_right_logical3A_121 : i32 to vector<16xi32>
        %shift_right_logical3A_123 = arith.shrui %get3A_120, %shift_right_logical3A_122 : vector<16xi32>
        %eq3A_124 = arith.constant 7812 : i32
        %eq3A_125 = vector.broadcast %eq3A_124 : i32 to vector<16xi32>
        %eq3A_126 = arith.cmpi eq, %shift_right_logical3A_123, %eq3A_125 : vector<16xi32>
        %all_reduce_population_count3A = tpu.all_reduce %eq3A_126 {dim = 0 : i64, kind = #tpu.reduction_kind<sum>} : vector<16xi1> -> vector<16xi32>
        %slice3A = vector.extract_strided_slice %all_reduce_population_count3A {offsets = [0], sizes = [1], strides = [1]} : vector<16xi32> to vector<1xi32>
        %squeeze3A = vector.extract %slice3A[0] : i32 from vector<1xi32>
        %gt3A = arith.constant 0 : i32
        %gt3A_127 = arith.cmpi sgt, %squeeze3A, %gt3A : i32
        %sub3A_128 = arith.subi %while3A_116, %while3A_117 : i32
        %gt3A_129 = arith.constant 48 : i32
        %gt3A_130 = arith.cmpi sgt, %sub3A_128, %gt3A_129 : i32
        %and3A = arith.andi %gt3A_127, %gt3A_130 : i1
        %convert_element_type3A_131 = arith.extui %and3A : i1 to i32
        %cond3A_132 = arith.constant 0 : i32
        %cond3A_133 = arith.cmpi ne, %convert_element_type3A_131, %cond3A_132 : i32
        %cond3A_134 = scf.if %cond3A_133 -> (i32) {
          %sub3A_141 = arith.subi %while3A_116, %while3A_117 : i32
          %while3A_142 = arith.constant 0 : i32
          %while3A_143 = arith.constant 0 : i32
          %while3A_144 = arith.subi %sub3A_141, %while3A_142 : i32
          %while3A_145 = arith.addi %while3A_142, %while3A_144 : i32
          %while3A_146 = arith.constant 1 : i32
          %while3A_147 = arith.divsi %while3A_144, %while3A_146 : i32
          %while3A_148 = arith.muli %while3A_147, %while3A_146 : i32
          %while3A_149 = arith.addi %while3A_142, %while3A_148 : i32
          %while3A_150 = arith.constant 1 : i32
          %while3A_151 = scf.for %while3A_154 = %while3A_142 to %while3A_149 step %while3A_150 iter_args(%while3A_155 = %while3A_143) -> (i32)  : i32 {
            %dma_wait3A = arith.constant 0 : i32
            %dma_wait3A_156 = arith.constant 0 : i32
            %dma_wait3A_157 = tpu.memref_slice %arg19[%dma_wait3A, %dma_wait3A_156] : memref<64x64xf32, #tpu.memory_space<vmem>> -> memref<1x64xf32, #tpu.memory_space<vmem>>
            %dma_wait3A_158 = tpu.memref_squeeze %dma_wait3A_157 : memref<1x64xf32, #tpu.memory_space<vmem>> -> memref<64xf32, #tpu.memory_space<vmem>>
            %dma_wait3A_159 = arith.constant 0 : i32
            %dma_wait3A_160 = tpu.memref_slice %arg7[%dma_wait3A_159] : memref<1048576xf32, #tpu.memory_space<hbm>> -> memref<64xf32, #tpu.memory_space<hbm>>
            %dma_wait3A_161 = arith.constant 0 : i32
            %dma_wait3A_162 = tpu.memref_slice %arg19[%dma_wait3A, %dma_wait3A_161] : memref<64x64xf32, #tpu.memory_space<vmem>> -> memref<1x64xf32, #tpu.memory_space<vmem>>
            %dma_wait3A_163 = tpu.memref_squeeze %dma_wait3A_162 : memref<1x64xf32, #tpu.memory_space<vmem>> -> memref<64xf32, #tpu.memory_space<vmem>>
            %dma_wait3A_164 = arith.constant 0 : i32
            %dma_wait3A_165 = tpu.memref_slice %arg7[%dma_wait3A_164] : memref<1048576xf32, #tpu.memory_space<hbm>> -> memref<64xf32, #tpu.memory_space<hbm>>
            tpu.wait_dma2 semaphore(%arg21 : memref<!tpu.dma_semaphore, #tpu.memory_space<semaphore_mem>>) src(%dma_wait3A_165 : memref<64xf32, #tpu.memory_space<hbm>>) dst(%dma_wait3A_163 : memref<64xf32, #tpu.memory_space<vmem>>)
            %while3A_166 = arith.constant 0 : i32
            scf.yield %while3A_166 : i32
          }
          %while3A_152 = arith.constant 1 : i32
          %while3A_153 = scf.for %while3A_154 = %while3A_149 to %while3A_145 step %while3A_152 iter_args(%while3A_155 = %while3A_151) -> (i32)  : i32 {
            %dma_wait3A = arith.constant 0 : i32
            %dma_wait3A_156 = arith.constant 0 : i32
            %dma_wait3A_157 = tpu.memref_slice %arg19[%dma_wait3A, %dma_wait3A_156] : memref<64x64xf32, #tpu.memory_space<vmem>> -> memref<1x64xf32, #tpu.memory_space<vmem>>
            %dma_wait3A_158 = tpu.memref_squeeze %dma_wait3A_157 : memref<1x64xf32, #tpu.memory_space<vmem>> -> memref<64xf32, #tpu.memory_space<vmem>>
            %dma_wait3A_159 = arith.constant 0 : i32
            %dma_wait3A_160 = tpu.memref_slice %arg7[%dma_wait3A_159] : memref<1048576xf32, #tpu.memory_space<hbm>> -> memref<64xf32, #tpu.memory_space<hbm>>
            %dma_wait3A_161 = arith.constant 0 : i32
            %dma_wait3A_162 = tpu.memref_slice %arg19[%dma_wait3A, %dma_wait3A_161] : memref<64x64xf32, #tpu.memory_space<vmem>> -> memref<1x64xf32, #tpu.memory_space<vmem>>
            %dma_wait3A_163 = tpu.memref_squeeze %dma_wait3A_162 : memref<1x64xf32, #tpu.memory_space<vmem>> -> memref<64xf32, #tpu.memory_space<vmem>>
            %dma_wait3A_164 = arith.constant 0 : i32
            %dma_wait3A_165 = tpu.memref_slice %arg7[%dma_wait3A_164] : memref<1048576xf32, #tpu.memory_space<hbm>> -> memref<64xf32, #tpu.memory_space<hbm>>
            tpu.wait_dma2 semaphore(%arg21 : memref<!tpu.dma_semaphore, #tpu.memory_space<semaphore_mem>>) src(%dma_wait3A_165 : memref<64xf32, #tpu.memory_space<hbm>>) dst(%dma_wait3A_163 : memref<64xf32, #tpu.memory_space<vmem>>)
            %while3A_166 = arith.constant 0 : i32
            scf.yield %while3A_166 : i32
          }
          scf.yield %while3A_116 : i32
        } else {
          scf.yield %while3A_117 : i32
        }
        %gt3A_135 = arith.constant 0 : i32
        %gt3A_136 = arith.cmpi sgt, %squeeze3A, %gt3A_135 : i32
        %convert_element_type3A_137 = arith.extui %gt3A_136 : i1 to i32
        %cond3A_138 = arith.constant 0 : i32
        %cond3A_139 = arith.cmpi ne, %convert_element_type3A_137, %cond3A_138 : i32
        scf.if %cond3A_139 {
          %and3A_141 = arith.constant 127 : i32
          %and3A_142 = vector.broadcast %and3A_141 : i32 to vector<16xi32>
          %and3A_143 = arith.andi %get3A_120, %and3A_142 : vector<16xi32>
          %swap3A = arith.constant 0 : index
          %swap3A_144 = tpu.vector_load %arg13[%swap3A] masked %eq3A_126 {strides = array<i32>} : memref<32xi32, #tpu.memory_space<vmem>>, vector<16xi32>, vector<16xi1>
          tpu.vector_store %arg13[%swap3A], %and3A_143 masked %eq3A_126 {strides = array<i32>} : memref<32xi32, #tpu.memory_space<vmem>>, vector<16xi32>, vector<16xi1>
          %get3A_145 = arith.index_cast %mul3A_119 : i32 to index
          %get3A_146 = tpu.vector_load %arg12[%get3A_145] {strides = array<i32>} : memref<16400xi32, #tpu.memory_space<vmem>>, vector<16xi32>,
          %swap3A_147 = arith.constant 0 : index
          %swap3A_148 = tpu.vector_load %arg14[%swap3A_147] masked %eq3A_126 {strides = array<i32>} : memref<32xi32, #tpu.memory_space<vmem>>, vector<16xi32>, vector<16xi1>
          tpu.vector_store %arg14[%swap3A_147], %get3A_146 masked %eq3A_126 {strides = array<i32>} : memref<32xi32, #tpu.memory_space<vmem>>, vector<16xi32>, vector<16xi1>
          %while3A_149 = arith.constant 0 : i32
          %while3A_150 = arith.constant 0 : i32
          %while3A_151 = arith.subi %squeeze3A, %while3A_149 : i32
          %while3A_152 = arith.addi %while3A_149, %while3A_151 : i32
          %while3A_153 = arith.constant 1 : i32
          %while3A_154 = arith.divsi %while3A_151, %while3A_153 : i32
          %while3A_155 = arith.muli %while3A_154, %while3A_153 : i32
          %while3A_156 = arith.addi %while3A_149, %while3A_155 : i32
          %while3A_157 = arith.constant 1 : i32
          %while3A_158 = scf.for %while3A_161 = %while3A_149 to %while3A_156 step %while3A_157 iter_args(%while3A_162 = %while3A_150) -> (i32)  : i32 {
            %get3A_163 = arith.index_cast %while3A_161 : i32 to index
            %get3A_164 = tpu.vector_load %arg13[%get3A_163] {strides = array<i32>} : memref<32xi32, #tpu.memory_space<vmem>>, vector<16xi32>,
            %slice3A_165 = vector.extract_strided_slice %get3A_164 {offsets = [0], sizes = [1], strides = [1]} : vector<16xi32> to vector<1xi32>
            %squeeze3A_166 = vector.extract %slice3A_165[0] : i32 from vector<1xi32>
            %get3A_167 = arith.index_cast %while3A_161 : i32 to index
            %get3A_168 = tpu.vector_load %arg14[%get3A_167] {strides = array<i32>} : memref<32xi32, #tpu.memory_space<vmem>>, vector<16xi32>,
            %slice3A_169 = vector.extract_strided_slice %get3A_168 {offsets = [0], sizes = [1], strides = [1]} : vector<16xi32> to vector<1xi32>
            %squeeze3A_170 = vector.extract %slice3A_169[0] : i32 from vector<1xi32>
            %add3A_171 = arith.addi %while3A_116, %while3A_161 : i32
            %and3A_172 = arith.constant 63 : i32
            %and3A_173 = arith.andi %add3A_171, %and3A_172 : i32
            %add3A_174 = arith.constant 0 : i32
            %add3A_175 = vector.broadcast %add3A_174 : i32 to vector<16xi32>
            %add3A_176 = arith.addi %add3A_175, %iota3A : vector<16xi32>
            %broadcast_in_dim3A = vector.broadcast %squeeze3A_166 : i32 to vector<16xi32>
            %gather3A = tpu.vector_load_idx %arg18[%add3A_176, %broadcast_in_dim3A] : memref<64x64xf32, #tpu.memory_space<vmem>>[vector<16xi32>, vector<16xi32>], vector<16xf32>,
            %swap3A_177 = arith.index_cast %and3A_173 : i32 to index
            %swap3A_178 = arith.constant 0 : index
            %swap3A_179 = tpu.vector_load %arg19[%swap3A_177, %swap3A_178] {strides = array<i32>} : memref<64x64xf32, #tpu.memory_space<vmem>>, vector<16xf32>,
            tpu.vector_store %arg19[%swap3A_177, %swap3A_178], %gather3A {strides = array<i32>} : memref<64x64xf32, #tpu.memory_space<vmem>>, vector<16xf32>,
            %add3A_180 = arith.constant 16 : i32
            %add3A_181 = vector.broadcast %add3A_180 : i32 to vector<16xi32>
            %add3A_182 = arith.addi %add3A_181, %iota3A : vector<16xi32>
            %broadcast_in_dim3A_183 = vector.broadcast %squeeze3A_166 : i32 to vector<16xi32>
            %gather3A_184 = tpu.vector_load_idx %arg18[%add3A_182, %broadcast_in_dim3A_183] : memref<64x64xf32, #tpu.memory_space<vmem>>[vector<16xi32>, vector<16xi32>], vector<16xf32>,
            %swap3A_185 = arith.index_cast %and3A_173 : i32 to index
            %swap3A_186 = arith.constant 16 : index
            %swap3A_187 = tpu.vector_load %arg19[%swap3A_185, %swap3A_186] {strides = array<i32>} : memref<64x64xf32, #tpu.memory_space<vmem>>, vector<16xf32>,
            tpu.vector_store %arg19[%swap3A_185, %swap3A_186], %gather3A_184 {strides = array<i32>} : memref<64x64xf32, #tpu.memory_space<vmem>>, vector<16xf32>,
            %add3A_188 = arith.constant 32 : i32
            %add3A_189 = vector.broadcast %add3A_188 : i32 to vector<16xi32>
            %add3A_190 = arith.addi %add3A_189, %iota3A : vector<16xi32>
            %broadcast_in_dim3A_191 = vector.broadcast %squeeze3A_166 : i32 to vector<16xi32>
            %gather3A_192 = tpu.vector_load_idx %arg18[%add3A_190, %broadcast_in_dim3A_191] : memref<64x64xf32, #tpu.memory_space<vmem>>[vector<16xi32>, vector<16xi32>], vector<16xf32>,
            %swap3A_193 = arith.index_cast %and3A_173 : i32 to index
            %swap3A_194 = arith.constant 32 : index
            %swap3A_195 = tpu.vector_load %arg19[%swap3A_193, %swap3A_194] {strides = array<i32>} : memref<64x64xf32, #tpu.memory_space<vmem>>, vector<16xf32>,
            tpu.vector_store %arg19[%swap3A_193, %swap3A_194], %gather3A_192 {strides = array<i32>} : memref<64x64xf32, #tpu.memory_space<vmem>>, vector<16xf32>,
            %add3A_196 = arith.constant 48 : i32
            %add3A_197 = vector.broadcast %add3A_196 : i32 to vector<16xi32>
            %add3A_198 = arith.addi %add3A_197, %iota3A : vector<16xi32>
            %broadcast_in_dim3A_199 = vector.broadcast %squeeze3A_166 : i32 to vector<16xi32>
            %gather3A_200 = tpu.vector_load_idx %arg18[%add3A_198, %broadcast_in_dim3A_199] : memref<64x64xf32, #tpu.memory_space<vmem>>[vector<16xi32>, vector<16xi32>], vector<16xf32>,
            %swap3A_201 = arith.index_cast %and3A_173 : i32 to index
            %swap3A_202 = arith.constant 48 : index
            %swap3A_203 = tpu.vector_load %arg19[%swap3A_201, %swap3A_202] {strides = array<i32>} : memref<64x64xf32, #tpu.memory_space<vmem>>, vector<16xf32>,
            tpu.vector_store %arg19[%swap3A_201, %swap3A_202], %gather3A_200 {strides = array<i32>} : memref<64x64xf32, #tpu.memory_space<vmem>>, vector<16xf32>,
            %mul3A_204 = arith.constant 64 : i32
            %mul3A_205 = arith.muli %squeeze3A_170, %mul3A_204 : i32
            %dma_start3A_206 = arith.constant 0 : i32
            %dma_start3A_207 = tpu.memref_slice %arg19[%and3A_173, %dma_start3A_206] : memref<64x64xf32, #tpu.memory_space<vmem>> -> memref<1x64xf32, #tpu.memory_space<vmem>>
            %dma_start3A_208 = tpu.memref_squeeze %dma_start3A_207 : memref<1x64xf32, #tpu.memory_space<vmem>> -> memref<64xf32, #tpu.memory_space<vmem>>
            %dma_start3A_209 = tpu.memref_slice %arg7[%mul3A_205] : memref<1048576xf32, #tpu.memory_space<hbm>> -> memref<64xf32, #tpu.memory_space<hbm>>
            %dma_start3A_210 = tpu.memref_slice %arg7[%mul3A_205] : memref<1048576xf32, #tpu.memory_space<hbm>> -> memref<64xf32, #tpu.memory_space<hbm>>
            %dma_start3A_211 = arith.constant 0 : i32
            %dma_start3A_212 = tpu.memref_slice %arg19[%and3A_173, %dma_start3A_211] : memref<64x64xf32, #tpu.memory_space<vmem>> -> memref<1x64xf32, #tpu.memory_space<vmem>>
            %dma_start3A_213 = tpu.memref_squeeze %dma_start3A_212 : memref<1x64xf32, #tpu.memory_space<vmem>> -> memref<64xf32, #tpu.memory_space<vmem>>
            tpu.enqueue_dma source(%dma_start3A_213 : memref<64xf32, #tpu.memory_space<vmem>>) target(%dma_start3A_210 : memref<64xf32, #tpu.memory_space<hbm>>) target_semaphore(%arg21 : memref<!tpu.dma_semaphore, #tpu.memory_space<semaphore_mem>>)
            %while3A_214 = arith.constant 0 : i32
            scf.yield %while3A_214 : i32
          }
          %while3A_159 = arith.constant 1 : i32
          %while3A_160 = scf.for %while3A_161 = %while3A_156 to %while3A_152 step %while3A_159 iter_args(%while3A_162 = %while3A_158) -> (i32)  : i32 {
            %get3A_163 = arith.index_cast %while3A_161 : i32 to index
            %get3A_164 = tpu.vector_load %arg13[%get3A_163] {strides = array<i32>} : memref<32xi32, #tpu.memory_space<vmem>>, vector<16xi32>,
            %slice3A_165 = vector.extract_strided_slice %get3A_164 {offsets = [0], sizes = [1], strides = [1]} : vector<16xi32> to vector<1xi32>
            %squeeze3A_166 = vector.extract %slice3A_165[0] : i32 from vector<1xi32>
            %get3A_167 = arith.index_cast %while3A_161 : i32 to index
            %get3A_168 = tpu.vector_load %arg14[%get3A_167] {strides = array<i32>} : memref<32xi32, #tpu.memory_space<vmem>>, vector<16xi32>,
            %slice3A_169 = vector.extract_strided_slice %get3A_168 {offsets = [0], sizes = [1], strides = [1]} : vector<16xi32> to vector<1xi32>
            %squeeze3A_170 = vector.extract %slice3A_169[0] : i32 from vector<1xi32>
            %add3A_171 = arith.addi %while3A_116, %while3A_161 : i32
            %and3A_172 = arith.constant 63 : i32
            %and3A_173 = arith.andi %add3A_171, %and3A_172 : i32
            %add3A_174 = arith.constant 0 : i32
            %add3A_175 = vector.broadcast %add3A_174 : i32 to vector<16xi32>
            %add3A_176 = arith.addi %add3A_175, %iota3A : vector<16xi32>
            %broadcast_in_dim3A = vector.broadcast %squeeze3A_166 : i32 to vector<16xi32>
            %gather3A = tpu.vector_load_idx %arg18[%add3A_176, %broadcast_in_dim3A] : memref<64x64xf32, #tpu.memory_space<vmem>>[vector<16xi32>, vector<16xi32>], vector<16xf32>,
            %swap3A_177 = arith.index_cast %and3A_173 : i32 to index
            %swap3A_178 = arith.constant 0 : index
            %swap3A_179 = tpu.vector_load %arg19[%swap3A_177, %swap3A_178] {strides = array<i32>} : memref<64x64xf32, #tpu.memory_space<vmem>>, vector<16xf32>,
            tpu.vector_store %arg19[%swap3A_177, %swap3A_178], %gather3A {strides = array<i32>} : memref<64x64xf32, #tpu.memory_space<vmem>>, vector<16xf32>,
            %add3A_180 = arith.constant 16 : i32
            %add3A_181 = vector.broadcast %add3A_180 : i32 to vector<16xi32>
            %add3A_182 = arith.addi %add3A_181, %iota3A : vector<16xi32>
            %broadcast_in_dim3A_183 = vector.broadcast %squeeze3A_166 : i32 to vector<16xi32>
            %gather3A_184 = tpu.vector_load_idx %arg18[%add3A_182, %broadcast_in_dim3A_183] : memref<64x64xf32, #tpu.memory_space<vmem>>[vector<16xi32>, vector<16xi32>], vector<16xf32>,
            %swap3A_185 = arith.index_cast %and3A_173 : i32 to index
            %swap3A_186 = arith.constant 16 : index
            %swap3A_187 = tpu.vector_load %arg19[%swap3A_185, %swap3A_186] {strides = array<i32>} : memref<64x64xf32, #tpu.memory_space<vmem>>, vector<16xf32>,
            tpu.vector_store %arg19[%swap3A_185, %swap3A_186], %gather3A_184 {strides = array<i32>} : memref<64x64xf32, #tpu.memory_space<vmem>>, vector<16xf32>,
            %add3A_188 = arith.constant 32 : i32
            %add3A_189 = vector.broadcast %add3A_188 : i32 to vector<16xi32>
            %add3A_190 = arith.addi %add3A_189, %iota3A : vector<16xi32>
            %broadcast_in_dim3A_191 = vector.broadcast %squeeze3A_166 : i32 to vector<16xi32>
            %gather3A_192 = tpu.vector_load_idx %arg18[%add3A_190, %broadcast_in_dim3A_191] : memref<64x64xf32, #tpu.memory_space<vmem>>[vector<16xi32>, vector<16xi32>], vector<16xf32>,
            %swap3A_193 = arith.index_cast %and3A_173 : i32 to index
            %swap3A_194 = arith.constant 32 : index
            %swap3A_195 = tpu.vector_load %arg19[%swap3A_193, %swap3A_194] {strides = array<i32>} : memref<64x64xf32, #tpu.memory_space<vmem>>, vector<16xf32>,
            tpu.vector_store %arg19[%swap3A_193, %swap3A_194], %gather3A_192 {strides = array<i32>} : memref<64x64xf32, #tpu.memory_space<vmem>>, vector<16xf32>,
            %add3A_196 = arith.constant 48 : i32
            %add3A_197 = vector.broadcast %add3A_196 : i32 to vector<16xi32>
            %add3A_198 = arith.addi %add3A_197, %iota3A : vector<16xi32>
            %broadcast_in_dim3A_199 = vector.broadcast %squeeze3A_166 : i32 to vector<16xi32>
            %gather3A_200 = tpu.vector_load_idx %arg18[%add3A_198, %broadcast_in_dim3A_199] : memref<64x64xf32, #tpu.memory_space<vmem>>[vector<16xi32>, vector<16xi32>], vector<16xf32>,
            %swap3A_201 = arith.index_cast %and3A_173 : i32 to index
            %swap3A_202 = arith.constant 48 : index
            %swap3A_203 = tpu.vector_load %arg19[%swap3A_201, %swap3A_202] {strides = array<i32>} : memref<64x64xf32, #tpu.memory_space<vmem>>, vector<16xf32>,
            tpu.vector_store %arg19[%swap3A_201, %swap3A_202], %gather3A_200 {strides = array<i32>} : memref<64x64xf32, #tpu.memory_space<vmem>>, vector<16xf32>,
            %mul3A_204 = arith.constant 64 : i32
            %mul3A_205 = arith.muli %squeeze3A_170, %mul3A_204 : i32
            %dma_start3A_206 = arith.constant 0 : i32
            %dma_start3A_207 = tpu.memref_slice %arg19[%and3A_173, %dma_start3A_206] : memref<64x64xf32, #tpu.memory_space<vmem>> -> memref<1x64xf32, #tpu.memory_space<vmem>>
            %dma_start3A_208 = tpu.memref_squeeze %dma_start3A_207 : memref<1x64xf32, #tpu.memory_space<vmem>> -> memref<64xf32, #tpu.memory_space<vmem>>
            %dma_start3A_209 = tpu.memref_slice %arg7[%mul3A_205] : memref<1048576xf32, #tpu.memory_space<hbm>> -> memref<64xf32, #tpu.memory_space<hbm>>
            %dma_start3A_210 = tpu.memref_slice %arg7[%mul3A_205] : memref<1048576xf32, #tpu.memory_space<hbm>> -> memref<64xf32, #tpu.memory_space<hbm>>
            %dma_start3A_211 = arith.constant 0 : i32
            %dma_start3A_212 = tpu.memref_slice %arg19[%and3A_173, %dma_start3A_211] : memref<64x64xf32, #tpu.memory_space<vmem>> -> memref<1x64xf32, #tpu.memory_space<vmem>>
            %dma_start3A_213 = tpu.memref_squeeze %dma_start3A_212 : memref<1x64xf32, #tpu.memory_space<vmem>> -> memref<64xf32, #tpu.memory_space<vmem>>
            tpu.enqueue_dma source(%dma_start3A_213 : memref<64xf32, #tpu.memory_space<vmem>>) target(%dma_start3A_210 : memref<64xf32, #tpu.memory_space<hbm>>) target_semaphore(%arg21 : memref<!tpu.dma_semaphore, #tpu.memory_space<semaphore_mem>>)
            %while3A_214 = arith.constant 0 : i32
            scf.yield %while3A_214 : i32
          }
        } else {
        }
        %add3A_140 = arith.addi %while3A_116, %squeeze3A : i32
        scf.yield %add3A_140, %cond3A_134 : i32, i32
      }
      %sub3A_102 = arith.subi %while3A_101#0, %while3A_101#1 : i32
      %while3A_103 = arith.constant 0 : i32
      %while3A_104 = arith.constant 0 : i32
      %while3A_105 = arith.subi %sub3A_102, %while3A_103 : i32
      %while3A_106 = arith.addi %while3A_103, %while3A_105 : i32
      %while3A_107 = arith.constant 1 : i32
      %while3A_108 = arith.divsi %while3A_105, %while3A_107 : i32
      %while3A_109 = arith.muli %while3A_108, %while3A_107 : i32
      %while3A_110 = arith.addi %while3A_103, %while3A_109 : i32
      %while3A_111 = arith.constant 1 : i32
      %while3A_112 = scf.for %while3A_115 = %while3A_103 to %while3A_110 step %while3A_111 iter_args(%while3A_116 = %while3A_104) -> (i32)  : i32 {
        %dma_wait3A = arith.constant 0 : i32
        %dma_wait3A_117 = arith.constant 0 : i32
        %dma_wait3A_118 = tpu.memref_slice %arg19[%dma_wait3A, %dma_wait3A_117] : memref<64x64xf32, #tpu.memory_space<vmem>> -> memref<1x64xf32, #tpu.memory_space<vmem>>
        %dma_wait3A_119 = tpu.memref_squeeze %dma_wait3A_118 : memref<1x64xf32, #tpu.memory_space<vmem>> -> memref<64xf32, #tpu.memory_space<vmem>>
        %dma_wait3A_120 = arith.constant 0 : i32
        %dma_wait3A_121 = tpu.memref_slice %arg6[%dma_wait3A_120] : memref<1048576xf32, #tpu.memory_space<hbm>> -> memref<64xf32, #tpu.memory_space<hbm>>
        %dma_wait3A_122 = arith.constant 0 : i32
        %dma_wait3A_123 = tpu.memref_slice %arg19[%dma_wait3A, %dma_wait3A_122] : memref<64x64xf32, #tpu.memory_space<vmem>> -> memref<1x64xf32, #tpu.memory_space<vmem>>
        %dma_wait3A_124 = tpu.memref_squeeze %dma_wait3A_123 : memref<1x64xf32, #tpu.memory_space<vmem>> -> memref<64xf32, #tpu.memory_space<vmem>>
        %dma_wait3A_125 = arith.constant 0 : i32
        %dma_wait3A_126 = tpu.memref_slice %arg6[%dma_wait3A_125] : memref<1048576xf32, #tpu.memory_space<hbm>> -> memref<64xf32, #tpu.memory_space<hbm>>
        tpu.wait_dma2 semaphore(%arg21 : memref<!tpu.dma_semaphore, #tpu.memory_space<semaphore_mem>>) src(%dma_wait3A_126 : memref<64xf32, #tpu.memory_space<hbm>>) dst(%dma_wait3A_124 : memref<64xf32, #tpu.memory_space<vmem>>)
        %while3A_127 = arith.constant 0 : i32
        scf.yield %while3A_127 : i32
      }
      %while3A_113 = arith.constant 1 : i32
      %while3A_114 = scf.for %while3A_115 = %while3A_110 to %while3A_106 step %while3A_113 iter_args(%while3A_116 = %while3A_112) -> (i32)  : i32 {
        %dma_wait3A = arith.constant 0 : i32
        %dma_wait3A_117 = arith.constant 0 : i32
        %dma_wait3A_118 = tpu.memref_slice %arg19[%dma_wait3A, %dma_wait3A_117] : memref<64x64xf32, #tpu.memory_space<vmem>> -> memref<1x64xf32, #tpu.memory_space<vmem>>
        %dma_wait3A_119 = tpu.memref_squeeze %dma_wait3A_118 : memref<1x64xf32, #tpu.memory_space<vmem>> -> memref<64xf32, #tpu.memory_space<vmem>>
        %dma_wait3A_120 = arith.constant 0 : i32
        %dma_wait3A_121 = tpu.memref_slice %arg6[%dma_wait3A_120] : memref<1048576xf32, #tpu.memory_space<hbm>> -> memref<64xf32, #tpu.memory_space<hbm>>
        %dma_wait3A_122 = arith.constant 0 : i32
        %dma_wait3A_123 = tpu.memref_slice %arg19[%dma_wait3A, %dma_wait3A_122] : memref<64x64xf32, #tpu.memory_space<vmem>> -> memref<1x64xf32, #tpu.memory_space<vmem>>
        %dma_wait3A_124 = tpu.memref_squeeze %dma_wait3A_123 : memref<1x64xf32, #tpu.memory_space<vmem>> -> memref<64xf32, #tpu.memory_space<vmem>>
        %dma_wait3A_125 = arith.constant 0 : i32
        %dma_wait3A_126 = tpu.memref_slice %arg6[%dma_wait3A_125] : memref<1048576xf32, #tpu.memory_space<hbm>> -> memref<64xf32, #tpu.memory_space<hbm>>
        tpu.wait_dma2 semaphore(%arg21 : memref<!tpu.dma_semaphore, #tpu.memory_space<semaphore_mem>>) src(%dma_wait3A_126 : memref<64xf32, #tpu.memory_space<hbm>>) dst(%dma_wait3A_124 : memref<64xf32, #tpu.memory_space<vmem>>)
        %while3A_127 = arith.constant 0 : i32
        scf.yield %while3A_127 : i32
      }
    } else {
    }
    %ne3A = arith.constant 31 : i32
    %ne3A_69 = arith.cmpi ne, %add3A, %ne3A : i32
    %convert_element_type3A_70 = arith.extui %ne3A_69 : i1 to i32
    %cond3A_71 = arith.constant 0 : i32
    %cond3A_72 = arith.cmpi ne, %convert_element_type3A_70, %cond3A_71 : i32
    scf.if %cond3A_72 {
      %sub3A_73 = arith.subi %while3A_65#0, %while3A_65#1 : i32
      %while3A_74 = arith.constant 0 : i32
      %while3A_75 = arith.constant 0 : i32
      %while3A_76 = arith.subi %sub3A_73, %while3A_74 : i32
      %while3A_77 = arith.addi %while3A_74, %while3A_76 : i32
      %while3A_78 = arith.constant 1 : i32
      %while3A_79 = arith.divsi %while3A_76, %while3A_78 : i32
      %while3A_80 = arith.muli %while3A_79, %while3A_78 : i32
      %while3A_81 = arith.addi %while3A_74, %while3A_80 : i32
      %while3A_82 = arith.constant 1 : i32
      %while3A_83 = scf.for %while3A_86 = %while3A_74 to %while3A_81 step %while3A_82 iter_args(%while3A_87 = %while3A_75) -> (i32)  : i32 {
        %dma_wait3A = arith.constant 0 : i32
        %dma_wait3A_88 = arith.constant 0 : i32
        %dma_wait3A_89 = tpu.memref_slice %arg19[%dma_wait3A, %dma_wait3A_88] : memref<64x64xf32, #tpu.memory_space<vmem>> -> memref<1x64xf32, #tpu.memory_space<vmem>>
        %dma_wait3A_90 = tpu.memref_squeeze %dma_wait3A_89 : memref<1x64xf32, #tpu.memory_space<vmem>> -> memref<64xf32, #tpu.memory_space<vmem>>
        %dma_wait3A_91 = arith.constant 0 : i32
        %dma_wait3A_92 = tpu.memref_slice %arg6[%dma_wait3A_91] : memref<1048576xf32, #tpu.memory_space<hbm>> -> memref<64xf32, #tpu.memory_space<hbm>>
        %dma_wait3A_93 = arith.constant 0 : i32
        %dma_wait3A_94 = tpu.memref_slice %arg19[%dma_wait3A, %dma_wait3A_93] : memref<64x64xf32, #tpu.memory_space<vmem>> -> memref<1x64xf32, #tpu.memory_space<vmem>>
        %dma_wait3A_95 = tpu.memref_squeeze %dma_wait3A_94 : memref<1x64xf32, #tpu.memory_space<vmem>> -> memref<64xf32, #tpu.memory_space<vmem>>
        %dma_wait3A_96 = arith.constant 0 : i32
        %dma_wait3A_97 = tpu.memref_slice %arg6[%dma_wait3A_96] : memref<1048576xf32, #tpu.memory_space<hbm>> -> memref<64xf32, #tpu.memory_space<hbm>>
        tpu.wait_dma2 semaphore(%arg21 : memref<!tpu.dma_semaphore, #tpu.memory_space<semaphore_mem>>) src(%dma_wait3A_97 : memref<64xf32, #tpu.memory_space<hbm>>) dst(%dma_wait3A_95 : memref<64xf32, #tpu.memory_space<vmem>>)
        %while3A_98 = arith.constant 0 : i32
        scf.yield %while3A_98 : i32
      }
      %while3A_84 = arith.constant 1 : i32
      %while3A_85 = scf.for %while3A_86 = %while3A_81 to %while3A_77 step %while3A_84 iter_args(%while3A_87 = %while3A_83) -> (i32)  : i32 {
        %dma_wait3A = arith.constant 0 : i32
        %dma_wait3A_88 = arith.constant 0 : i32
        %dma_wait3A_89 = tpu.memref_slice %arg19[%dma_wait3A, %dma_wait3A_88] : memref<64x64xf32, #tpu.memory_space<vmem>> -> memref<1x64xf32, #tpu.memory_space<vmem>>
        %dma_wait3A_90 = tpu.memref_squeeze %dma_wait3A_89 : memref<1x64xf32, #tpu.memory_space<vmem>> -> memref<64xf32, #tpu.memory_space<vmem>>
        %dma_wait3A_91 = arith.constant 0 : i32
        %dma_wait3A_92 = tpu.memref_slice %arg6[%dma_wait3A_91] : memref<1048576xf32, #tpu.memory_space<hbm>> -> memref<64xf32, #tpu.memory_space<hbm>>
        %dma_wait3A_93 = arith.constant 0 : i32
        %dma_wait3A_94 = tpu.memref_slice %arg19[%dma_wait3A, %dma_wait3A_93] : memref<64x64xf32, #tpu.memory_space<vmem>> -> memref<1x64xf32, #tpu.memory_space<vmem>>
        %dma_wait3A_95 = tpu.memref_squeeze %dma_wait3A_94 : memref<1x64xf32, #tpu.memory_space<vmem>> -> memref<64xf32, #tpu.memory_space<vmem>>
        %dma_wait3A_96 = arith.constant 0 : i32
        %dma_wait3A_97 = tpu.memref_slice %arg6[%dma_wait3A_96] : memref<1048576xf32, #tpu.memory_space<hbm>> -> memref<64xf32, #tpu.memory_space<hbm>>
        tpu.wait_dma2 semaphore(%arg21 : memref<!tpu.dma_semaphore, #tpu.memory_space<semaphore_mem>>) src(%dma_wait3A_97 : memref<64xf32, #tpu.memory_space<hbm>>) dst(%dma_wait3A_95 : memref<64xf32, #tpu.memory_space<vmem>>)
        %while3A_98 = arith.constant 0 : i32
        scf.yield %while3A_98 : i32
      }
    } else {
    }
    return
  }
}

</mosaic_0001>

<sc_bundles>
// kernel: _run.4.cloned.1.call-start
scs
__scs_entry_jumppad:
0x0: {  	(pc) =	sbr.rel $0x88, $3  }
0x1: {  	(tag) =	ssettag $0x0;
	lr =	simm.s32 $0x1  }
0x2: {  	[smem:$0x3F9D] =	sst lr;
	_ =	strace $0xD0000000  }
0x3: {  	_ = 	snop  }
0x4: {  	_ = 	snop  }
0x5: {  	_ = 	snop  }
0x6: {  	_ = 	snop  }
0x7: {  	_ = 	snop  }
__scs_overlays_trampoline_lowered:
0x8: {  	[smem:$0x3FAC] =	sst s0  }
0x9: {  	[smem:$0x3FAD] =	sst s1  }
0xa: {  	[smem:$0x3FAE] =	sst s2  }
0xb: {  	[smem:$0x3FAF] =	sst s3  }
0xc: {  	[smem:$0x3FB0] =	sst s4  }
0xd: {  	[smem:$0x3FB1] =	sst s5  }
0xe: {  	[smem:$0x3FB2] =	sst s6  }
0xf: {  	[smem:$0x3FB3] =	sst s7  }
0x10: {  	[smem:$0x3FB4] =	sst s8  }
0x11: {  	[smem:$0x3FB5] =	sst s9;
	s0 =	simm.s32 @!p0 $0x0  }
0x12: {  	s1 =	sld [smem:$0x3F9B];
	s0 =	simm.s32 @p0 $0x1  }
0x13: {  	[smem:$0x3FB6] =	sst s0;
	s0 =	simm.s32 @!p1 $0x0  }
0x14: {  	s2 =	sld [smem:$0x3F9A];
	s0 =	simm.s32 @p1 $0x1  }
0x15: {  	[smem:$0x3FB7] =	sst s0;
	s0 =	simm.s32 @!p2 $0x0  }
0x16: {  	s3 =	sld [smem:$0x3FDB];
	s0 =	simm.s32 @p2 $0x1  }
0x17: {  	s4 =	simm.s32 $0x1BF5;
	[smem:$0x3FB9] =	sst s0  }
0x18: {  	s0 =	sld [smem:$0x3F9C];
	_ =	swait.ge [sflag:s4], $0x0  }
0x19: {  	s7 =	sld [smem:$0x3F9D]  }
0x1a: {  	s8 =	sadd.s32 $0xFFFFE003, lr  }
0x1b: {  	s9 =	sadd.s32 $0xFFFFFEF7, lr;
	s5 =	simm.s32 $0xFFFFFFFF;
	p2 =	slt.u32 s8, $0xFFFFF086  }
0x1c: {  	p1 =	slt.u32 s9, $0xF7A;
	s5 =	simm.s32 @!p2 $0x0  }
0x1d: {  	s5 =	simm.s32 @p1 $0x1;
	p0 =	seq.s32 s7, s2  }
0x1e: {  	s7 =	smul.u32 @!p0 $0xF7A, s2;
	p2 =	seq.s32 @!p0 s5, $0x0  }
0x1f: {  	s9 =	smul.u32 $0xF7A, s1;
	s8 =	simm.s32 @!p0 $0x1BF5;
	p2 =	por !p2, p0  }
0x20: {  	[sflag:s8] =	ssyncset.s32 @!p0 $0xFFFFF086;
	s6 =	sadd.s32 @!p0 s3, s7;
	s7 =	simm.s32 @!p0 $0x108  }
0x21: {  	s3 =	sadd.s32 s3, s9;
	s6 =	sadd.s32 @!p0 $0x88, s6;
	s7 =	simm.s32 @p2 $0x1082  }
0x22: {  	[simem:s7], [sflag:s8] =	dma.local @!p0 [hbm:s6], $0xF7A  }
0x23: {  	s9 =	sor.u32 $0xD0000000, s2;
	s6 =	simm.s32 $0x108;
	_ =	swait.ge @!p0 [sflag:s8], $0x0  }
0x24: {  	s3 =	sadd.s32 $0x88, s3;
	s6 =	simm.s32 @!p1 $0x1082;
	[sflag:s4] =	ssyncset.s32 $0xFFFFF086  }
0x25: {  	[simem:s6], [sflag:s4] =	dma.local [hbm:s3], $0xF7A  }
0x26: {  	[smem:$0x3F9D] =	sst s1;
	(tag) =	ssettag s2;
	_ =	strace s9  }
0x27: {  	s1 =	sld [smem:$0x3FAD]  }
0x28: {  	s2 =	sld [smem:$0x3FAE]  }
0x29: {  	s4 =	sld [smem:$0x3FB0]  }
0x2a: {  	p0 =	seq.s32 s5, $0x0;
	s5 =	sld [smem:$0x3FB1]  }
0x2b: {  	s6 =	sld [smem:$0x3FB2]  }
0x2c: {  	s7 =	sld [smem:$0x3FB3]  }
0x2d: {  	s3 =	simm.s32 $0x108;
	s8 =	sld [smem:$0x3FB4]  }
0x2e: {  	s3 =	simm.s32 @!p0 $0x1082;
	s9 =	sld [smem:$0x3FB5]  }
0x2f: {  	lr =	sadd.s32 s0, s3;
	s0 =	sld [smem:$0x3FAC]  }
0x30: {  	s3 =	sld [smem:$0x3FAF]  }
0x31: {  	[smem:$0x3FB8] =	sst s10  }
0x32: {  	s10 =	sld [smem:$0x3FB6];
	_ =	sdelay $0x3  }
0x33: {  	p0 =	seq.s32 s10, $0x1;
	s10 =	sld [smem:$0x3FB8];
	_ =	sdelay $0x3  }
0x34: {  	[smem:$0x3FB8] =	sst s10  }
0x35: {  	s10 =	sld [smem:$0x3FB7];
	_ =	sdelay $0x3  }
0x36: {  	p1 =	seq.s32 s10, $0x1;
	s10 =	sld [smem:$0x3FB8];
	_ =	sdelay $0x3  }
0x37: {  	[smem:$0x3FB8] =	sst s10  }
0x38: {  	s10 =	sld [smem:$0x3FB9]  }
0x39: {  	_ = 	snop;
	(pc) =	sbr.ind lr, $3  }
0x3a: {  	_ = 	snop  }
0x3b: {  	_ = 	snop  }
0x3c: {  	p2 =	seq.s32 s10, $0x1;
	s10 =	sld [smem:$0x3FB8]  }
0x3d: {  	_ =	shalt  }
0x3e: {  	_ =	shalt  }
0x3f: {  	_ =	shalt  }
0x40: {  	_ =	shalt  }
0x41: {  	_ =	shalt  }
0x42: {  	_ =	shalt  }
0x43: {  	_ =	shalt  }
0x44: {  	_ =	shalt  }
0x45: {  	_ =	shalt  }
0x46: {  	_ =	shalt  }
0x47: {  	_ =	shalt  }
0x48: {  	_ =	shalt  }
0x49: {  	_ =	shalt  }
0x4a: {  	_ =	shalt  }
0x4b: {  	_ =	shalt  }
0x4c: {  	_ =	shalt  }
0x4d: {  	_ =	shalt  }
0x4e: {  	_ =	shalt  }
0x4f: {  	_ =	shalt  }
0x50: {  	_ =	shalt  }
0x51: {  	_ =	shalt  }
0x52: {  	_ =	shalt  }
0x53: {  	_ =	shalt  }
0x54: {  	_ =	shalt  }
0x55: {  	_ =	shalt  }
0x56: {  	_ =	shalt  }
0x57: {  	_ =	shalt  }
0x58: {  	_ =	shalt  }
0x59: {  	_ =	shalt  }
0x5a: {  	_ =	shalt  }
0x5b: {  	_ =	shalt  }
0x5c: {  	_ =	shalt  }
0x5d: {  	_ =	shalt  }
0x5e: {  	_ =	shalt  }
0x5f: {  	_ =	shalt  }
0x60: {  	_ =	shalt  }
0x61: {  	_ =	shalt  }
0x62: {  	_ =	shalt  }
0x63: {  	_ =	shalt  }
0x64: {  	_ =	shalt  }
0x65: {  	_ =	shalt  }
0x66: {  	_ =	shalt  }
0x67: {  	_ =	shalt  }
0x68: {  	_ =	shalt  }
0x69: {  	_ =	shalt  }
0x6a: {  	_ =	shalt  }
0x6b: {  	_ =	shalt  }
0x6c: {  	_ =	shalt  }
0x6d: {  	_ =	shalt  }
0x6e: {  	_ =	shalt  }
0x6f: {  	_ =	shalt  }
0x70: {  	_ =	shalt  }
0x71: {  	_ =	shalt  }
0x72: {  	_ =	shalt  }
0x73: {  	_ =	shalt  }
0x74: {  	_ =	shalt  }
0x75: {  	_ =	shalt  }
0x76: {  	_ =	shalt  }
0x77: {  	_ =	shalt  }
0x78: {  	_ =	shalt  }
0x79: {  	_ =	shalt  }
0x7a: {  	_ =	shalt  }
0x7b: {  	_ =	shalt  }
0x7c: {  	_ =	shalt  }
0x7d: {  	_ =	shalt  }
0x7e: {  	_ =	shalt  }
0x7f: {  	_ =	shalt  }
0x80: {  	_ =	shalt  }
0x81: {  	_ =	shalt  }
0x82: {  	_ =	shalt  }
0x83: {  	_ =	shalt  }
0x84: {  	_ =	shalt  }
0x85: {  	_ =	shalt  }
0x86: {  	_ =	shalt  }
0x87: {  	_ =	shalt  }
.Lfunc_end0:
.L_simem_size_0:
called_computation_lowered:
.L_overlay_start_0:
0x88: {  	s2 =	sld [smem:$0x3FD9]  }
0x89: {  	s3 =	sld [smem:$0x3FFE];
	_ =	sdelay $0x1  }
0x8a: {  	s1 =	srdreg.scid  }
0x8b: {  	s0 =	sand.u32 $0x1, s1  }
0x8c: {  	s17 =	sshll.u32 s0, $0xA;
	s2 =	sadd.s32 s3, s2  }
0x8d: {  	s2 =	sadd.s32 s2, s17  }
0x8e: {  	[smem:$0x3FC4] =	sst s2  }
0x8f: {  	_ = 	snop  }
0x90: {  	s2 =	sld [smem:$0x3FC9]  }
0x91: {  	s18 =	sld [smem:$0x3FC8]  }
0x92: {  	s4 =	sld [smem:$0x3FC7]  }
0x93: {  	s5 =	sld [smem:$0x3FC6];
	(tm) =	ssettm $0x1  }
0x94: {  	s6 =	sld [smem:$0x3FFB];
	_ =	sdelay $0x3  }
0x95: {  	_ =	strace s6  }
0x96: {  	s6 =	sld [smem:$0x3FFC];
	_ =	sdelay $0x3  }
0x97: {  	_ =	strace s6  }
0x98: {  	s6 =	sld [smem:$0x3FFD];
	_ =	sdelay $0x3  }
0x99: {  	_ =	strace s6  }
0x9a: {  	_ =	strace $0x8FFFFFFF  }
0x9b: {  	s19 =	sld [smem:$0x3FDB];
	_ =	sdelay $0x1  }
0x9c: {  	s7 =	simm.s32 $_scs_section_size  }
0x9d: {  	s8 =	simm.s32 $_size__tile_overlayer_lowered;
	s9 =	simm.s32 $_tile_overlayer_lowered  }
0x9e: {  	s22 =	simm.s32 $0x1BFF;
	s21 =	sshll.u32 s9, $0x1;
	s6 =	sadd.s32 s7, s19  }
0x9f: {  	s10 =	simm.s32 $0x0;
	s20 =	sshll.u32 s8, $0x1;
	s8 =	sadd.s32 s21, s6  }
0xa0: {  	[timem:s10], [sflag:s22] =	dma.local [hbm:s8], s20  }
0xa1: {  	_ =	swait.ge [sflag:s22], s20  }
0xa2: {  	s7 =	ssub.s32 $0x0, s20;
	[sflag:s22] =	ssyncset.done $0x0  }
0xa3: {  	[sflag:s22] =	ssyncadd.s32 s7;
	_ =	sdelay $0x1  }
0xa4: {  	s23 =	simm.s32 $0x1B8B  }
0xa5: {  	_ =	swait.ge [sflag:s23], $0x1  }
0xa6: {  	[sflag:s23] =	ssyncset.done $0x0  }
0xa7: {  	s25 =	simm.s32 $0x1B8E;
	s24 =	sld [smem:$0x3FFE];
	[sflag:s23] =	ssyncadd.s32 $0xFFFFFFFF  }
0xa8: {  	s26 =	simm.s32 $execute0_lowered;
	[smem:$0x3FD2] =	sst s25  }
0xa9: {  	s8 =	sshll.u32 s26, $0x1;
	_ =	strace $0x80000046;
	[dreg:$0x1] =	wrdreg $0xFFFFFFFF  }
0xaa: {  	s28 =	simm.s32 $_size_execute0_lowered;
	s6 =	sadd.s32 s6, s8;
	[dreg:$0x0] =	wrdreg $0x0  }
0xab: {  	s8 =	sshll.u32 s28, $0x1;
	[dreg:$0x2] =	wrdreg s6  }
0xac: {  	[dreg:$0x3] =	wrdreg s8  }
0xad: {  	[dreg:$0x4] =	wrdreg $0xC0  }
0xae: {  	_ =	task [dreg:s10], $0x5FFFF  }
0xaf: {  	[dreg:$0x1] =	wrdreg $0xFFFFFFFF  }
0xb0: {  	[dreg:$0x0] =	wrdreg $0x60  }
0xb1: {  	[dreg:$0x2] =	wrdreg s2  }
0xb2: {  	[dreg:$0x3] =	wrdreg s18  }
0xb3: {  	[dreg:$0x4] =	wrdreg s4  }
0xb4: {  	[dreg:$0x5] =	wrdreg s5  }
0xb5: {  	[dreg:$0x6] =	wrdreg s24  }
0xb6: {  	[dreg:$0x7] =	wrdreg $0x9  }
0xb7: {  	_ =	task.clear_ibuf [dreg:s10], $0x8FFFF;
	_ =	strace $0x90000046  }
0xb8: {  	s29 =	simm.s32 $0x9;
	_ =	strace $0x80000048  }
0xb9: {  	_ =	swait.ge [sflag:s29], $0x1  }
0xba: {  	[sflag:s29] =	ssyncadd.s32 $0xFFFFFFFF  }
0xbb: {  	_ =	strace $0x90000048  }
0xbc: {  	_ =	sfence  }
0xbd: {  	s30 =	sld [smem:$0x0];
	_ =	sdelay $0x2  }
0xbe: {  	s31 =	sshll.u32 s1, $0xD;
	s1 =	sshrl.u32 s1, $0x2  }
0xbf: {  	s3 =	sand.u32 $0x4000, s31;
	s1 =	sadd.s32 s1, s30  }
0xc0: {  	s0 =	sor.u32 s3, s0;
	s1 =	sshll.u32 s1, $0x11  }
0xc1: {  	s0 =	sor.u32 s1, s0  }
0xc2: {  	s0 =	sadd.s32 $0x8F2B, s0  }
0xc3: {  	[sflag:s0] =	ssyncadd.remote.s32 $0x1  }
0xc4: {  	_ =	sfence.sel $0xFFFF  }
0xc5: {  	[dreg:$0x0] =	wrdreg $0xFFFFFFFF;
	(pc) =	sbr.abs _section_cstart, $3  }
0xc6: {  	[dreg:$0x1] =	wrdreg $0xFFFFFFFF  }
0xc7: {  	_ =	task.clear_ibuf [dreg:s10], $0x2FFFF;
	_ =	strace $0x9FFFFFFF  }
0xc8: {  	(tm) =	ssettm $0x7FFFFFFF  }
0xc9: {  	_ =	shalt  }
tec
execute0_lowered:
.L_overlay_start_1:
0x0: {  	(tag) =	ssettag $0x1  }
0x1: {  	s1 =	rddreg [dreg:$0x0]  }
0x2: {  	s2 =	rddreg [dreg:$0x1]  }
0x3: {  	s3 =	rddreg [dreg:$0x2]  }
0x4: {  	s4 =	rddreg [dreg:$0x3]  }
0x5: {  	s0 =	rddreg [dreg:$0x4]  }
0x6: {  	s6 =	simm.s32 $0x0;
	s5 =	srdreg.scid;
	s7 =	stileid.u32  }
0x7: {  	s11 =	simm.s32 $0xF5;
	s13 =	simm.s32 $0x1;
	s17 =	simm.s32 $0x3  }
0x8: {  	s20 =	simm.s32 $0x10500;
	s21 =	simm.s32 $0x14500;
	s22 =	simm.s32 $0x18500  }
0x9: {  	s23 =	simm.s32 $0x1A500;
	s24 =	simm.s32 $0x2;
	[smem:$0x7FF] =	sst s6  }
0xa: {  	s5 =	sand.u32 $0x1, s5;
	s7 =	sshll.u32 s7, $0x1;
	s8 =	sadd.s32 $0x20C00, s0  }
0xb: {  	s30 =	sadd.s32 $0xF4200, s3;
	s31 =	sadd.s32 $0xF4200, s4;
	_ =	strace $0x80000047  }
0xc: {  	s12 =	sor.u32 s5, s7;
	s7 =	sadd.s32 $0xC00, s0;
	[dreg:$0x8] =	wrdreg s30  }
0xd: {  	s5 =	ssub.s32 $0x2, s5;
	[dreg:$0x9] =	wrdreg s31;
	s9 =	smul.u32 $0xF4, s12  }
0xe: {  	s26 =	sshrl.u32 s5, $0x1;
	s10 =	smin.u32 s12, $0x5;
	p0 =	slt.u32 s12, $0x5  }
0xf: {  	s11 =	simm.s32 @!p0 $0xF4;
	p0 =	seq.s32 s12, $0x1F;
	s0 =	ssub.s32 s5, s26  }
.Ltmp0:
0x10: {  	v0 =	vlaneseq.u32;
	s5 =	simm.s32 $0x0;
	s9 =	sadd.s32 s10, s9;
	(pc) =	sbr.rel .LBB2_1-.Ltmp0, $4  }
0x11: {  	v0 =	vmul.u32 $0x80, v0;
	s13 =	simm.s32 @!p0 $0x0;
	s0 =	smax.u32 s0, $0x1;
	s29 =	sshll.u32 s9, $0x7  }
0x12: {  	s28 =	sadd.s32 s11, s9;
	[dreg:$0xa] =	wrdreg s0;
	s14 =	sadd.s32 s3, s29  }
0x13: {  	v3 =	vor.u32 $0x800, v0;
	v4 =	vor.u32 $0x1000, v0;
	s11 =	ssub.s32 s11, s13;
	s13 =	sadd.s32 s4, s29;
	[dreg:$0x6] =	wrdreg s14  }
0x14: {  	v5 =	vor.u32 $0x1800, v0;
	s10 =	simm.s32 $0x1;
	p0 =	sne.s32 s12, $0x1F;
	v1 =	vmov s9;
	v2 =	vmov s28;
	[dreg:$0x7] =	wrdreg s13  }
.LBB2_61:
0x15: {  	[sflag:s24] =	ssyncadd.s32 $0xFFFFFFC0  }
.LBB2_62:
0x16: {  	s5 =	sadd.s32 $0x1, s5;
	s0 =	rddreg [dreg:$0xa]  }
0x17: {  	p1 =	sne.s32 s5, s0  }
.Ltmp1:
0x18: {  	_ = 	snop;
	(pc) =	sbr.rel @!p1 .LBB2_63-.Ltmp1, $1  }
0x19: {  	_ =	sdelay $0x3  }
.LBB2_1:
0x1a: {  	[dreg:$0xb] =	wrdreg s5  }
0x1b: {  	s12 =	simm.s32 $0x0;
	s0 =	simm.s32 $0x0;
	s14 =	simm.s32 $0x0  }
.LBB2_2:
0x1c: {  	s5 =	sshll.u32 s14, $0x6  }
0x1d: {  	s13 =	simm.s32 $0x0;
	s5 =	sadd.s32 s1, s5  }
0x1e: {  	[tilespmem:s13], [sflag:$0x3] =	stream.linear.gather [hbm4b:s5+s13], $0x200, $0x38;
	[tilespmem:$0x1E500] =	vst v63  }
0x1f: {  	_ =	swait.ge [sflag:s17], $0x200  }
0x20: {  	[sflag:s17] =	ssyncset.done $0x0  }
0x21: {  	s30 =	simm.s32 $0x0;
	[sflag:s17] =	ssyncadd.s32 $0xFFFFFE00  }
0x22: {  	v6 =	vld [tilespmem:s30+$0x0];
	_ =	sdelay $0x4  }
0x23: {  	v7 =	vshrl.u32 v6, $0x7  }
0x24: {  	vm0 =	vge.u32 v7, v1;
	vm1 =	vlt.u32 v7, v2  }
0x25: {  	vm0 =	vmand vm0, vm1  }
0x26: {  	v7 =	vmpcnt.ones.xlane vm0;
	_ =	sdelay $0x1  }
0x27: {  	(v2sf) =	vpush v7, $0x0;
	_ =	sdelay $0xe  }
0x28: {  	s31 =	spop (v2sf)  }
0x29: {  	p2 =	slt.s32 s31, $0x1  }
0x2a: {  	s5 =	smov.u32 s0;
	s15 =	sadd.s32 s0, s31;
	v7 =	vlaneseq.u32 @!p2  }
0x2b: {  	s13 =	simm.s32 $0x40;
	[tilespmem:s0+$0x200] =	vst.msk @!p2 vm0, v6;
	s0 =	smov.u32 s15;
	s15 =	smov.u32 s12;
	v6 =	vor.u32 @!p2 s12, v7  }
.LBB2_3:
0x2c: {  	s16 =	sshra.s32 s13, $0x2;
	s13 =	sadd.s32 $0x40, s13;
	[tilespmem:s5+$0x4280] =	vst.msk @!p2 vm0, v6;
	s5 =	smov.u32 s0  }
0x2d: {  	v7 =	vld [tilespmem:s16+$0x0];
	p1 =	sne.s32 s13, $0x800;
	_ =	sdelay $0x4  }
0x2e: {  	v6 =	vshrl.u32 v7, $0x7  }
0x2f: {  	vm0 =	vge.u32 v6, v1;
	vm1 =	vlt.u32 v6, v2  }
0x30: {  	vm0 =	vmand vm0, vm1  }
0x31: {  	v6 =	vmpcnt.ones.xlane vm0;
	_ =	sdelay $0x1  }
0x32: {  	(v2sf) =	vpush v6, $0x0;
	_ =	sdelay $0xd  }
.Ltmp2:
0x33: {  	(pc) =	sbr.rel @p1 .LBB2_3-.Ltmp2, $4  }
0x34: {  	s16 =	spop (v2sf)  }
0x35: {  	p2 =	slt.s32 s16, $0x1;
	s0 =	sadd.s32 s0, s16  }
0x36: {  	s15 =	sadd.s32 $0x10, s15;
	v6 =	vlaneseq.u32 @!p2  }
0x37: {  	v6 =	vor.u32 @!p2 s15, v6;
	[tilespmem:s5+$0x200] =	vst.msk @!p2 vm0, v7  }
0x38: {  	s14 =	sadd.s32 $0x1, s14  }
0x39: {  	p1 =	sne.s32 s14, $0x20  }
.Ltmp3:
0x3a: {  	_ = 	snop;
	(pc) =	sbr.rel @p1 .LBB2_2-.Ltmp3, $2  }
0x3b: {  	_ =	sdelay $0x2  }
0x3c: {  	[tilespmem:s5+$0x4280] =	vst.msk @!p2 vm0, v6;
	s12 =	sadd.s32 $0x200, s12;
	s5 =	simm.s32 $0x0  }
0x3d: {  	s14 =	simm.s32 $0x0;
	s12 =	simm.s32 $0x0;
	s13 =	simm.s32 $0x0  }
.LBB2_6:
0x3e: {  	s15 =	sshll.u32 s13, $0x6  }
0x3f: {  	s15 =	sadd.s32 s2, s15  }
0x40: {  	[tilespmem:s5], [sflag:$0x3] =	stream.linear.gather [hbm4b:s15+s5], $0x200, $0x38;
	[tilespmem:$0x1E500] =	vst v63  }
0x41: {  	_ =	swait.ge [sflag:s17], $0x200  }
0x42: {  	[sflag:s17] =	ssyncset.done $0x0  }
0x43: {  	s30 =	simm.s32 $0x0;
	[sflag:s17] =	ssyncadd.s32 $0xFFFFFE00  }
0x44: {  	v6 =	vld [tilespmem:s30+$0x0];
	_ =	sdelay $0x4  }
0x45: {  	v7 =	vshrl.u32 v6, $0x7  }
0x46: {  	vm0 =	vge.u32 v7, v1;
	vm1 =	vlt.u32 v7, v2  }
0x47: {  	vm0 =	vmand vm0, vm1  }
0x48: {  	v7 =	vmpcnt.ones.xlane vm0;
	_ =	sdelay $0x1  }
0x49: {  	(v2sf) =	vpush v7, $0x0;
	_ =	sdelay $0xe  }
0x4a: {  	s31 =	spop (v2sf)  }
0x4b: {  	p2 =	slt.s32 s31, $0x1  }
0x4c: {  	s16 =	simm.s32 $0x40;
	s18 =	sadd.s32 s12, s31;
	v7 =	vlaneseq.u32 @!p2  }
0x4d: {  	s15 =	smov.u32 s12;
	[tilespmem:s12+$0x8300] =	vst.msk @!p2 vm0, v6;
	s12 =	smov.u32 s18;
	s18 =	smov.u32 s14;
	v6 =	vor.u32 @!p2 s14, v7  }
.LBB2_7:
0x4e: {  	s19 =	sshra.s32 s16, $0x2;
	s16 =	sadd.s32 $0x40, s16;
	[tilespmem:s15+$0xC380] =	vst.msk @!p2 vm0, v6;
	s15 =	smov.u32 s12  }
0x4f: {  	v7 =	vld [tilespmem:s19+$0x0];
	p1 =	sne.s32 s16, $0x800;
	_ =	sdelay $0x4  }
0x50: {  	v6 =	vshrl.u32 v7, $0x7  }
0x51: {  	vm0 =	vge.u32 v6, v1;
	vm1 =	vlt.u32 v6, v2  }
0x52: {  	vm0 =	vmand vm0, vm1  }
0x53: {  	v6 =	vmpcnt.ones.xlane vm0;
	_ =	sdelay $0x1  }
0x54: {  	(v2sf) =	vpush v6, $0x0;
	_ =	sdelay $0xd  }
.Ltmp4:
0x55: {  	(pc) =	sbr.rel @p1 .LBB2_7-.Ltmp4, $4  }
0x56: {  	s19 =	spop (v2sf)  }
0x57: {  	p2 =	slt.s32 s19, $0x1;
	s12 =	sadd.s32 s12, s19  }
0x58: {  	s18 =	sadd.s32 $0x10, s18;
	v6 =	vlaneseq.u32 @!p2  }
0x59: {  	v6 =	vor.u32 @!p2 s18, v6;
	[tilespmem:s15+$0x8300] =	vst.msk @!p2 vm0, v7  }
0x5a: {  	s13 =	sadd.s32 $0x1, s13  }
0x5b: {  	p1 =	sne.s32 s13, $0x20  }
.Ltmp5:
0x5c: {  	_ = 	snop;
	(pc) =	sbr.rel @p1 .LBB2_6-.Ltmp5, $2  }
0x5d: {  	_ =	sdelay $0x2  }
0x5e: {  	[tilespmem:s15+$0xC380] =	vst.msk @!p2 vm0, v6;
	s14 =	sadd.s32 $0x200, s14  }
0x5f: {  	s1 =	rddreg [dreg:$0x6];
	s5 =	simm.s32 $0x400  }
0x60: {  	s13 =	simm.s32 $0x7A1400;
	s25 =	rddreg [dreg:$0x7];
	s0 =	sadd.s32 $0xF, s0  }
.Ltmp6:
0x61: {  	s26 =	sadd.s32 $0xF, s12;
	s29 =	simm.s32 $0x0;
	(pc) =	sbr.rel .LBB2_11-.Ltmp6, $4  }
0x62: {  	[tilespmem:s20], [sflag:$0x1] =	stream.strided.gather [hbm4b:s1+s5], $0x2000, s13, s5, $0x38;
	[tilespmem:$0x1E500] =	vst v63  }
0x63: {  	s31 =	simm.s32 $0x0;
	s30 =	sshrl.u32 s0, $0x4;
	s28 =	sshrl.u32 s26, $0x4  }
0x64: {  	s26 =	simm.s32 $0x0;
	p2 =	seq.s32 s30, $0x0;
	p1 =	seq.s32 s28, $0x0  }
0x65: {  	[tilespmem:s21], [sflag:$0x1] =	stream.strided.gather [hbm4b:s25+s5], $0x2000, s13, s5, $0x38;
	[tilespmem:$0x1E500] =	vst v63  }
.LBB2_10:
0x66: {  	p3 =	seq.s32 s31, s11  }
.Ltmp7:
0x67: {  	_ = 	snop;
	(pc) =	sbr.rel @p3 .LBB2_33-.Ltmp7, $1  }
0x68: {  	_ =	sdelay $0x3  }
.LBB2_11:
0x69: {  	s0 =	sadd.s32 s9, s31;
	_ =	swait.ge [sflag:s10], $0x2000  }
0x6a: {  	s5 =	sand.u32 $0x1, s31;
	s31 =	sadd.s32 $0x1, s31;
	[sflag:s10] =	ssyncset.done $0x0  }
0x6b: {  	p3 =	sge.u32 s31, s11;
	[sflag:s10] =	ssyncadd.s32 $0xFFFFE000  }
0x6c: {  	s12 =	sshll.u32 @!p3 s0, $0x7;
	s13 =	sshll.u32 @!p3 s5, $0xD;
	s18 =	simm.s32 @!p3 $0x7A1400  }
0x6d: {  	s16 =	simm.s32 @!p3 $0x400;
	_ =	swait.ge [sflag:s10], $0x2000;
	s12 =	sand.u32 @!p3 $0x1FFFFF80, s12  }
.Ltmp8:
0x6e: {  	[sflag:s10] =	ssyncset.done $0x0;
	s12 =	sadd.s32 @!p3 $0x80, s12;
	(pc) =	sbr.rel @p2 .LBB2_22-.Ltmp8, $4  }
0x6f: {  	s14 =	sxor.u32 @!p3 $0x12500, s13;
	[sflag:s10] =	ssyncadd.s32 $0xFFFFE000;
	s15 =	sadd.s32 @!p3 s3, s12  }
0x70: {  	[tilespmem:s14], [sflag:$0x1] =	stream.strided.gather @!p3 [hbm4b:s15+s16], $0x2000, s18, s16, $0x38;
	[tilespmem:$0x1E500] =	vst v63  }
0x71: {  	s13 =	sxor.u32 @!p3 $0x16500, s13;
	s12 =	sadd.s32 @!p3 s4, s12  }
0x72: {  	[tilespmem:s13], [sflag:$0x1] =	stream.strided.gather @!p3 [hbm4b:s12+s16], $0x2000, s18, s16, $0x38;
	[tilespmem:$0x1E500] =	vst v63  }
.Ltmp9:
0x73: {  	(pc) =	sbr.rel .LBB2_13-.Ltmp9, $4  }
0x74: {  	_ = 	snop  }
0x75: {  	s12 =	sshll.u32 s5, $0xD  }
0x76: {  	v6 =	vmov s0;
	v7 =	vor.u32 s12, v0  }
0x77: {  	s14 =	simm.s32 $0x0;
	v8 =	vor.u32 s12, v3;
	v9 =	vor.u32 s12, v4;
	v10 =	vor.u32 s12, v5  }
.LBB2_20:
0x78: {  	[hbm4b:s25+s6] =	stream.linear.scatter [tilespmem:s19], [sflag:$0x2], $0x40, $0x38;
	[tilespmem:$0x1E500] =	vst v63  }
.LBB2_21:
0x79: {  	s14 =	sadd.s32 $0x1, s14  }
0x7a: {  	s26 =	smov.u32 @p3 s29;
	p3 =	sne.s32 s14, s30  }
.Ltmp10:
0x7b: {  	_ = 	snop;
	(pc) =	sbr.rel @!p3 .LBB2_22-.Ltmp10, $2  }
0x7c: {  	_ =	sdelay $0x2  }
0x7d: {  	s29 =	sadd.s32 s29, s15  }
.LBB2_13:
0x7e: {  	s12 =	sshll.u32 s14, $0x4  }
0x7f: {  	v11 =	vld [tilespmem:s12+$0x200];
	_ =	sdelay $0x4  }
0x80: {  	v12 =	vshrl.u32 v11, $0x7  }
0x81: {  	vm0 =	veq.s32 v12, v6  }
0x82: {  	v12 =	vmpcnt.ones.xlane vm0;
	_ =	sdelay $0x1  }
0x83: {  	(v2sf) =	vpush v12, $0x0;
	_ =	sdelay $0xe  }
0x84: {  	s13 =	ssub.s32 s29, s26;
	s15 =	spop (v2sf)  }
0x85: {  	p4 =	sgt.s32 s13, $0x30;
	p3 =	sgt.s32 s15, $0x0  }
0x86: {  	p3 =	por !p4, !p3  }
0x87: {  	p3 =	por !p3, !p3  }
.Ltmp11:
0x88: {  	_ = 	snop;
	(pc) =	sbr.rel @!p3 .LBB2_17-.Ltmp11, $1  }
0x89: {  	_ =	sdelay $0x3  }
0x8a: {  	p4 =	seq.s32 s13, $0x1  }
.Ltmp12:
0x8b: {  	_ = 	snop;
	(pc) =	sbr.rel @p4 .LBB2_16-.Ltmp12, $3  }
0x8c: {  	_ =	sdelay $0x1  }
0x8d: {  	_ =	swait.ge [sflag:s24], $0x40  }
0x8e: {  	s13 =	sadd.s32 $0xFFFFFFFF, s13;
	[sflag:s24] =	ssyncset.done $0x0  }
.LBB2_15:
0x8f: {  	p4 =	seq.s32 s13, $0x1;
	s13 =	sadd.s32 $0xFFFFFFFF, s13;
	[sflag:s24] =	ssyncadd.s32 $0xFFFFFFC0  }
.Ltmp13:
0x90: {  	(pc) =	sbr.rel @!p4 .LBB2_15-.Ltmp13, $3  }
0x91: {  	_ =	sdelay $0x1  }
0x92: {  	_ =	swait.ge [sflag:s24], $0x40  }
0x93: {  	[sflag:s24] =	ssyncset.done $0x0  }
.LBB2_16:
.Ltmp14:
0x94: {  	(pc) =	sbr.rel .LBB2_18-.Ltmp14, $2  }
0x95: {  	_ =	sdelay $0x2  }
0x96: {  	[sflag:s24] =	ssyncadd.s32 $0xFFFFFFC0  }
.LBB2_17:
0x97: {  	p4 =	slt.s32 s15, $0x1  }
.Ltmp15:
0x98: {  	_ = 	snop;
	(pc) =	sbr.rel @p4 .LBB2_21-.Ltmp15, $1  }
0x99: {  	_ =	sdelay $0x3  }
.LBB2_18:
0x9a: {  	v11 =	vand.u32 $0x7F, v11;
	s13 =	simm.s32 $0x10400  }
0x9b: {  	[tilespmem:s13+$0x0] =	vst.msk vm0, v11  }
0x9c: {  	v11 =	vld [tilespmem:s12+$0x4280];
	_ =	sdelay $0x3  }
0x9d: {  	s18 =	simm.s32 $0x10480  }
0x9e: {  	[tilespmem:s18+$0x0] =	vst.msk vm0, v11  }
0x9f: {  	v11 =	vld.msk [tilespmem:s13+$0x0 ss:$0x0], $0xffff;
	_ =	sdelay $0x4  }
0xa0: {  	v12 =	vand.u32 $0xFFFFFF80, v11  }
0xa1: {  	v11 =	vand.u32 $0x7F, v11;
	v13 =	vadd.s32 v12, v7  }
0xa2: {  	v13 =	vor.u32 v11, v13;
	_ =	sdelay $0x3  }
0xa3: {  	v15 =	vld [tilespmem:s18+$0x0]  }
0xa4: {  	v14 =	vadd.s32 v12, v8;
	v13 =	vld.idx.msk [tilespmem:v13+s20+$0x0], $0xffff  }
0xa5: {  	v14 =	vor.u32 v11, v14;
	_ =	sdelay $0x1  }
0xa6: {  	s18 =	sshll.u32 s29, $0x7  }
0xa7: {  	s25 =	sand.u32 $0x1F80, s18  }
0xa8: {  	(v2sf) =	vpush v15, $0x0;
	[tilespmem:s25+$0x1C500] =	vst v13  }
0xa9: {  	v63 =	vadd.s32 v12, v9;
	v14 =	vld.idx.msk [tilespmem:v14+s20+$0x0], $0xffff  }
0xaa: {  	v13 =	vor.u32 v11, v63;
	_ =	sdelay $0x3  }
0xab: {  	[tilespmem:s25+$0x1C510] =	vst v14  }
0xac: {  	v12 =	vadd.s32 v12, v10;
	v13 =	vld.idx.msk [tilespmem:v13+s20+$0x0], $0xffff  }
0xad: {  	v11 =	vor.u32 v11, v12;
	_ =	sdelay $0x3  }
0xae: {  	[tilespmem:s25+$0x1C520] =	vst v13  }
0xaf: {  	p4 =	sne.s32 s15, $0x1;
	v11 =	vld.idx.msk [tilespmem:v11+s20+$0x0], $0xffff  }
.Ltmp16:
0xb0: {  	_ = 	snop;
	(pc) =	sbr.rel @!p4 .LBB2_20-.Ltmp16, $4  }
0xb1: {  	s19 =	spop (v2sf)  }
0xb2: {  	s16 =	simm.s32 $0x10401;
	s13 =	sshll.u32 s19, $0x3  }
0xb3: {  	s12 =	sadd.s32 $0xFFFFFFFF, s15;
	s18 =	sadd.s32 $0x80, s18;
	s1 =	sand.u32 $0x1FFFFFF8, s13  }
0xb4: {  	s19 =	sadd.s32 $0x1C500, s25;
	s13 =	simm.s32 $0x10481;
	[tilespmem:s25+$0x1C530] =	vst v11;
	s25 =	sadd.s32 s7, s1  }
.LBB2_19:
0xb5: {  	[hbm4b:s25+s6] =	stream.linear.scatter [tilespmem:s19], [sflag:$0x2], $0x40, $0x38;
	[tilespmem:$0x1E500] =	vst v63  }
0xb6: {  	p4 =	sne.s32 s12, $0x1;
	s12 =	sadd.s32 $0xFFFFFFFF, s12;
	v11 =	vld.msk [tilespmem:s16+$0x0 ss:$0x0], $0xffff;
	_ =	sdelay $0x5  }
0xb7: {  	v12 =	vand.u32 $0xFFFFFF80, v11  }
0xb8: {  	v11 =	vand.u32 $0x7F, v11;
	v13 =	vadd.s32 v12, v7;
	v14 =	vadd.s32 v12, v8  }
0xb9: {  	v15 =	vadd.s32 v12, v9;
	v13 =	vor.u32 v11, v13;
	v14 =	vor.u32 v11, v14  }
0xba: {  	v12 =	vadd.s32 v12, v10;
	v15 =	vor.u32 v11, v15  }
0xbb: {  	v11 =	vor.u32 v11, v12;
	_ =	sdelay $0x2  }
0xbc: {  	v12 =	vld.idx.msk [tilespmem:v13+s20+$0x0], $0xffff;
	_ =	sdelay $0x3  }
0xbd: {  	v13 =	vld [tilespmem:s13+$0x0]  }
0xbe: {  	s1 =	sand.u32 $0x1F80, s18  }
0xbf: {  	[tilespmem:s1+$0x1C500] =	vst v12  }
0xc0: {  	v12 =	vld.idx.msk [tilespmem:v14+s20+$0x0], $0xffff;
	_ =	sdelay $0x1  }
0xc1: {  	(v2sf) =	vpush v13, $0x0;
	_ =	sdelay $0x3  }
0xc2: {  	[tilespmem:s1+$0x1C510] =	vst v12  }
0xc3: {  	v12 =	vld.idx.msk [tilespmem:v15+s20+$0x0], $0xffff;
	_ =	sdelay $0x5  }
0xc4: {  	[tilespmem:s1+$0x1C520] =	vst v12  }
0xc5: {  	v11 =	vld.idx.msk [tilespmem:v11+s20+$0x0], $0xffff;
	_ =	sdelay $0x1  }
.Ltmp17:
0xc6: {  	(pc) =	sbr.rel @p4 .LBB2_19-.Ltmp17, $4  }
0xc7: {  	s19 =	spop (v2sf)  }
0xc8: {  	s19 =	sshll.u32 s19, $0x3  }
0xc9: {  	s16 =	sadd.s32 $0x1, s16;
	s13 =	sadd.s32 $0x1, s13;
	s25 =	sand.u32 $0x1FFFFFF8, s19  }
0xca: {  	s18 =	sadd.s32 $0x80, s18;
	s19 =	sadd.s32 $0x1C500, s1;
	[tilespmem:s1+$0x1C530] =	vst v11;
	s25 =	sadd.s32 s7, s25  }
.Ltmp18:
0xcb: {  	_ = 	snop;
	(pc) =	sbr.rel .LBB2_20-.Ltmp18, $1  }
0xcc: {  	_ =	sdelay $0x3  }
.LBB2_22:
.Ltmp19:
0xcd: {  	(pc) =	sbr.rel @p1 .LBB2_10-.Ltmp19, $1  }
0xce: {  	_ =	sdelay $0x3  }
.Ltmp20:
0xcf: {  	(pc) =	sbr.rel .LBB2_24-.Ltmp20, $4  }
0xd0: {  	_ = 	snop  }
0xd1: {  	s1 =	sshll.u32 s5, $0xD  }
0xd2: {  	v6 =	vmov s0;
	v7 =	vor.u32 s1, v0  }
0xd3: {  	s0 =	simm.s32 $0x0;
	v8 =	vor.u32 s1, v3;
	v9 =	vor.u32 s1, v4;
	v10 =	vor.u32 s1, v5  }
.LBB2_31:
0xd4: {  	[hbm4b:s18+s6] =	stream.linear.scatter [tilespmem:s16], [sflag:$0x2], $0x40, $0x38;
	[tilespmem:$0x1E500] =	vst v63  }
.LBB2_32:
0xd5: {  	s0 =	sadd.s32 $0x1, s0  }
0xd6: {  	s26 =	smov.u32 @p3 s29;
	p3 =	seq.s32 s0, s28  }
.Ltmp21:
0xd7: {  	_ = 	snop;
	(pc) =	sbr.rel @p3 .LBB2_10-.Ltmp21, $2  }
0xd8: {  	_ =	sdelay $0x2  }
0xd9: {  	s29 =	sadd.s32 s29, s5  }
.LBB2_24:
0xda: {  	s12 =	sshll.u32 s0, $0x4  }
0xdb: {  	v11 =	vld [tilespmem:s12+$0x8300];
	_ =	sdelay $0x4  }
0xdc: {  	v12 =	vshrl.u32 v11, $0x7  }
0xdd: {  	vm0 =	veq.s32 v12, v6  }
0xde: {  	v12 =	vmpcnt.ones.xlane vm0;
	_ =	sdelay $0x1  }
0xdf: {  	(v2sf) =	vpush v12, $0x0;
	_ =	sdelay $0xe  }
0xe0: {  	s13 =	ssub.s32 s29, s26;
	s5 =	spop (v2sf)  }
0xe1: {  	p4 =	sgt.s32 s13, $0x30;
	p3 =	sgt.s32 s5, $0x0  }
0xe2: {  	p3 =	por !p4, !p3  }
0xe3: {  	p3 =	por !p3, !p3  }
.Ltmp22:
0xe4: {  	_ = 	snop;
	(pc) =	sbr.rel @!p3 .LBB2_28-.Ltmp22, $1  }
0xe5: {  	_ =	sdelay $0x3  }
0xe6: {  	p4 =	seq.s32 s13, $0x1  }
.Ltmp23:
0xe7: {  	_ = 	snop;
	(pc) =	sbr.rel @p4 .LBB2_27-.Ltmp23, $3  }
0xe8: {  	_ =	sdelay $0x1  }
0xe9: {  	_ =	swait.ge [sflag:s24], $0x40  }
0xea: {  	s13 =	sadd.s32 $0xFFFFFFFF, s13;
	[sflag:s24] =	ssyncset.done $0x0  }
.LBB2_26:
0xeb: {  	p4 =	seq.s32 s13, $0x1;
	s13 =	sadd.s32 $0xFFFFFFFF, s13;
	[sflag:s24] =	ssyncadd.s32 $0xFFFFFFC0  }
.Ltmp24:
0xec: {  	(pc) =	sbr.rel @!p4 .LBB2_26-.Ltmp24, $3  }
0xed: {  	_ =	sdelay $0x1  }
0xee: {  	_ =	swait.ge [sflag:s24], $0x40  }
0xef: {  	[sflag:s24] =	ssyncset.done $0x0  }
.LBB2_27:
.Ltmp25:
0xf0: {  	(pc) =	sbr.rel .LBB2_29-.Ltmp25, $2  }
0xf1: {  	_ =	sdelay $0x2  }
0xf2: {  	[sflag:s24] =	ssyncadd.s32 $0xFFFFFFC0  }
.LBB2_28:
0xf3: {  	p4 =	slt.s32 s5, $0x1  }
.Ltmp26:
0xf4: {  	_ = 	snop;
	(pc) =	sbr.rel @p4 .LBB2_32-.Ltmp26, $1  }
0xf5: {  	_ =	sdelay $0x3  }
.LBB2_29:
0xf6: {  	v11 =	vand.u32 $0x7F, v11;
	s1 =	simm.s32 $0x10400  }
0xf7: {  	[tilespmem:s1+$0x0] =	vst.msk vm0, v11  }
0xf8: {  	v11 =	vld [tilespmem:s12+$0xC380];
	_ =	sdelay $0x3  }
0xf9: {  	s19 =	simm.s32 $0x10480  }
0xfa: {  	[tilespmem:s19+$0x0] =	vst.msk vm0, v11  }
0xfb: {  	v11 =	vld.msk [tilespmem:s1+$0x0 ss:$0x0], $0xffff;
	_ =	sdelay $0x4  }
0xfc: {  	v12 =	vand.u32 $0xFFFFFF80, v11  }
0xfd: {  	v11 =	vand.u32 $0x7F, v11;
	v13 =	vadd.s32 v12, v7  }
0xfe: {  	v13 =	vor.u32 v11, v13;
	_ =	sdelay $0x3  }
0xff: {  	v15 =	vld [tilespmem:s19+$0x0]  }
0x100: {  	v14 =	vadd.s32 v12, v8;
	v13 =	vld.idx.msk [tilespmem:v13+s21+$0x0], $0xffff  }
0x101: {  	v14 =	vor.u32 v11, v14;
	_ =	sdelay $0x1  }
0x102: {  	s25 =	sshll.u32 s29, $0x7  }
0x103: {  	s15 =	sand.u32 $0x1F80, s25  }
0x104: {  	(v2sf) =	vpush v15, $0x0;
	[tilespmem:s15+$0x1C500] =	vst v13  }
0x105: {  	v63 =	vadd.s32 v12, v9;
	v14 =	vld.idx.msk [tilespmem:v14+s21+$0x0], $0xffff  }
0x106: {  	v13 =	vor.u32 v11, v63;
	_ =	sdelay $0x3  }
0x107: {  	[tilespmem:s15+$0x1C510] =	vst v14  }
0x108: {  	v12 =	vadd.s32 v12, v10;
	v13 =	vld.idx.msk [tilespmem:v13+s21+$0x0], $0xffff  }
0x109: {  	v11 =	vor.u32 v11, v12;
	_ =	sdelay $0x3  }
0x10a: {  	[tilespmem:s15+$0x1C520] =	vst v13  }
0x10b: {  	p4 =	sne.s32 s5, $0x1;
	v11 =	vld.idx.msk [tilespmem:v11+s21+$0x0], $0xffff  }
.Ltmp27:
0x10c: {  	_ = 	snop;
	(pc) =	sbr.rel @!p4 .LBB2_31-.Ltmp27, $4  }
0x10d: {  	s13 =	spop (v2sf)  }
0x10e: {  	s14 =	simm.s32 $0x10401;
	s13 =	sshll.u32 s13, $0x3  }
0x10f: {  	s12 =	sadd.s32 $0xFFFFFFFF, s5;
	s16 =	sadd.s32 $0x1C500, s15;
	s18 =	sand.u32 $0x1FFFFFF8, s13  }
0x110: {  	s13 =	simm.s32 $0x10481;
	s18 =	sadd.s32 s8, s18;
	[tilespmem:s15+$0x1C530] =	vst v11;
	s15 =	sadd.s32 $0x80, s25  }
.LBB2_30:
0x111: {  	[hbm4b:s18+s6] =	stream.linear.scatter [tilespmem:s16], [sflag:$0x2], $0x40, $0x38;
	[tilespmem:$0x1E500] =	vst v63  }
0x112: {  	p4 =	sne.s32 s12, $0x1;
	s12 =	sadd.s32 $0xFFFFFFFF, s12;
	v11 =	vld.msk [tilespmem:s14+$0x0 ss:$0x0], $0xffff;
	_ =	sdelay $0x5  }
0x113: {  	v12 =	vand.u32 $0xFFFFFF80, v11  }
0x114: {  	v11 =	vand.u32 $0x7F, v11;
	v13 =	vadd.s32 v12, v7;
	v14 =	vadd.s32 v12, v8  }
0x115: {  	v15 =	vadd.s32 v12, v9;
	v13 =	vor.u32 v11, v13;
	v14 =	vor.u32 v11, v14  }
0x116: {  	v12 =	vadd.s32 v12, v10;
	v15 =	vor.u32 v11, v15  }
0x117: {  	v11 =	vor.u32 v11, v12;
	_ =	sdelay $0x2  }
0x118: {  	v12 =	vld.idx.msk [tilespmem:v13+s21+$0x0], $0xffff;
	_ =	sdelay $0x3  }
0x119: {  	v13 =	vld [tilespmem:s13+$0x0]  }
0x11a: {  	s1 =	sand.u32 $0x1F80, s15  }
0x11b: {  	[tilespmem:s1+$0x1C500] =	vst v12  }
0x11c: {  	v12 =	vld.idx.msk [tilespmem:v14+s21+$0x0], $0xffff;
	_ =	sdelay $0x1  }
0x11d: {  	(v2sf) =	vpush v13, $0x0;
	_ =	sdelay $0x3  }
0x11e: {  	[tilespmem:s1+$0x1C510] =	vst v12  }
0x11f: {  	v12 =	vld.idx.msk [tilespmem:v15+s21+$0x0], $0xffff;
	_ =	sdelay $0x5  }
0x120: {  	[tilespmem:s1+$0x1C520] =	vst v12  }
0x121: {  	v11 =	vld.idx.msk [tilespmem:v11+s21+$0x0], $0xffff;
	_ =	sdelay $0x1  }
.Ltmp28:
0x122: {  	(pc) =	sbr.rel @p4 .LBB2_30-.Ltmp28, $4  }
0x123: {  	s16 =	spop (v2sf)  }
0x124: {  	s16 =	sshll.u32 s16, $0x3  }
0x125: {  	s14 =	sadd.s32 $0x1, s14;
	s13 =	sadd.s32 $0x1, s13;
	s18 =	sand.u32 $0x1FFFFFF8, s16  }
0x126: {  	s15 =	sadd.s32 $0x80, s15;
	s16 =	sadd.s32 $0x1C500, s1;
	[tilespmem:s1+$0x1C530] =	vst v11;
	s18 =	sadd.s32 s8, s18  }
.Ltmp29:
0x127: {  	_ = 	snop;
	(pc) =	sbr.rel .LBB2_31-.Ltmp29, $1  }
0x128: {  	_ =	sdelay $0x3  }
.LBB2_33:
.Ltmp30:
0x129: {  	(pc) =	sbr.rel @p0 .LBB2_58-.Ltmp30, $1  }
0x12a: {  	_ =	sdelay $0x3  }
0x12b: {  	s0 =	rddreg [dreg:$0x8];
	s1 =	simm.s32 $0x400;
	s5 =	simm.s32 $0x7A1400  }
0x12c: {  	[tilespmem:s22], [sflag:$0x3] =	stream.strided.gather [hbm4b:s0+s1], $0x2000, s5, s1, $0x38;
	[tilespmem:$0x1E500] =	vst v63  }
0x12d: {  	_ =	swait.ge [sflag:s17], $0x2000  }
0x12e: {  	[sflag:s17] =	ssyncset.done $0x0  }
.Ltmp31:
0x12f: {  	s31 =	rddreg [dreg:$0x9];
	[sflag:s17] =	ssyncadd.s32 $0xFFFFE000;
	(pc) =	sbr.rel @!p2 .LBB2_35-.Ltmp31, $4  }
0x130: {  	[tilespmem:s23], [sflag:$0x3] =	stream.strided.gather [hbm4b:s31+s1], $0x2000, s5, s1, $0x38;
	[tilespmem:$0x1E500] =	vst v63  }
0x131: {  	_ =	swait.ge [sflag:s17], $0x2000  }
0x132: {  	[sflag:s17] =	ssyncset.done $0x0  }
0x133: {  	s0 =	simm.s32 $0x0;
	[sflag:s17] =	ssyncadd.s32 $0xFFFFE000  }
.LBB2_44:
.Ltmp32:
0x134: {  	(pc) =	sbr.rel @!p1 .LBB2_45-.Ltmp32, $2  }
0x135: {  	_ =	sdelay $0x2  }
0x136: {  	s0 =	simm.s32 $0x0  }
.LBB2_54:
0x137: {  	s0 =	ssub.s32 s29, s26  }
0x138: {  	p1 =	slt.s32 s0, $0x1  }
.Ltmp33:
0x139: {  	_ = 	snop;
	(pc) =	sbr.rel @p1 .LBB2_62-.Ltmp33, $3  }
0x13a: {  	_ =	sdelay $0x1  }
0x13b: {  	s1 =	rddreg [dreg:$0x0]  }
0x13c: {  	s5 =	rddreg [dreg:$0xb]  }
0x13d: {  	p1 =	seq.s32 s0, $0x1  }
.Ltmp34:
0x13e: {  	_ = 	snop;
	(pc) =	sbr.rel @p1 .LBB2_57-.Ltmp34, $3  }
0x13f: {  	_ =	sdelay $0x1  }
0x140: {  	_ =	swait.ge [sflag:s24], $0x40  }
0x141: {  	s0 =	sadd.s32 $0xFFFFFFFF, s0;
	[sflag:s24] =	ssyncset.done $0x0  }
.LBB2_56:
0x142: {  	p1 =	seq.s32 s0, $0x1;
	s0 =	sadd.s32 $0xFFFFFFFF, s0;
	[sflag:s24] =	ssyncadd.s32 $0xFFFFFFC0  }
.Ltmp35:
0x143: {  	(pc) =	sbr.rel @!p1 .LBB2_56-.Ltmp35, $3  }
0x144: {  	_ =	sdelay $0x1  }
0x145: {  	_ =	swait.ge [sflag:s24], $0x40  }
0x146: {  	[sflag:s24] =	ssyncset.done $0x0  }
.LBB2_57:
.Ltmp36:
0x147: {  	(pc) =	sbr.rel .LBB2_62-.Ltmp36, $2  }
0x148: {  	_ =	sdelay $0x2  }
0x149: {  	[sflag:s24] =	ssyncadd.s32 $0xFFFFFFC0  }
.LBB2_42:
0x14a: {  	[hbm4b:s18+s6] =	stream.linear.scatter [tilespmem:s16], [sflag:$0x2], $0x40, $0x38;
	[tilespmem:$0x1E500] =	vst v63  }
.LBB2_43:
0x14b: {  	s0 =	sadd.s32 $0x1, s0  }
0x14c: {  	s26 =	smov.u32 @p2 s29;
	p2 =	sne.s32 s0, s30  }
.Ltmp37:
0x14d: {  	_ = 	snop;
	(pc) =	sbr.rel @!p2 .LBB2_44-.Ltmp37, $2  }
0x14e: {  	_ =	sdelay $0x2  }
0x14f: {  	s29 =	sadd.s32 s29, s5  }
.LBB2_35:
0x150: {  	s12 =	sshll.u32 s0, $0x4  }
0x151: {  	v6 =	vld [tilespmem:s12+$0x200];
	_ =	sdelay $0x4  }
0x152: {  	v7 =	vand.u32 $0xFFFFFF80, v6  }
0x153: {  	vm0 =	veq.s32 v7, $0xF4200  }
0x154: {  	v7 =	vmpcnt.ones.xlane vm0;
	_ =	sdelay $0x1  }
0x155: {  	(v2sf) =	vpush v7, $0x0;
	_ =	sdelay $0xe  }
0x156: {  	s13 =	ssub.s32 s29, s26;
	s5 =	spop (v2sf)  }
0x157: {  	p3 =	sgt.s32 s13, $0x30;
	p2 =	sgt.s32 s5, $0x0  }
0x158: {  	p2 =	por !p3, !p2  }
0x159: {  	p2 =	por !p2, !p2  }
.Ltmp38:
0x15a: {  	_ = 	snop;
	(pc) =	sbr.rel @!p2 .LBB2_39-.Ltmp38, $1  }
0x15b: {  	_ =	sdelay $0x3  }
0x15c: {  	p3 =	seq.s32 s13, $0x1  }
.Ltmp39:
0x15d: {  	_ = 	snop;
	(pc) =	sbr.rel @p3 .LBB2_38-.Ltmp39, $3  }
0x15e: {  	_ =	sdelay $0x1  }
0x15f: {  	_ =	swait.ge [sflag:s24], $0x40  }
0x160: {  	s13 =	sadd.s32 $0xFFFFFFFF, s13;
	[sflag:s24] =	ssyncset.done $0x0  }
.LBB2_37:
0x161: {  	p3 =	seq.s32 s13, $0x1;
	s13 =	sadd.s32 $0xFFFFFFFF, s13;
	[sflag:s24] =	ssyncadd.s32 $0xFFFFFFC0  }
.Ltmp40:
0x162: {  	(pc) =	sbr.rel @!p3 .LBB2_37-.Ltmp40, $3  }
0x163: {  	_ =	sdelay $0x1  }
0x164: {  	_ =	swait.ge [sflag:s24], $0x40  }
0x165: {  	[sflag:s24] =	ssyncset.done $0x0  }
.LBB2_38:
.Ltmp41:
0x166: {  	(pc) =	sbr.rel .LBB2_40-.Ltmp41, $2  }
0x167: {  	_ =	sdelay $0x2  }
0x168: {  	[sflag:s24] =	ssyncadd.s32 $0xFFFFFFC0  }
.LBB2_39:
0x169: {  	p3 =	slt.s32 s5, $0x1  }
.Ltmp42:
0x16a: {  	_ = 	snop;
	(pc) =	sbr.rel @p3 .LBB2_43-.Ltmp42, $1  }
0x16b: {  	_ =	sdelay $0x3  }
.LBB2_40:
0x16c: {  	v6 =	vand.u32 $0x7F, v6;
	s1 =	simm.s32 $0x10400  }
0x16d: {  	[tilespmem:s1+$0x0] =	vst.msk vm0, v6  }
0x16e: {  	v6 =	vld [tilespmem:s12+$0x4280];
	_ =	sdelay $0x3  }
0x16f: {  	s25 =	simm.s32 $0x10480  }
0x170: {  	[tilespmem:s25+$0x0] =	vst.msk vm0, v6  }
0x171: {  	v6 =	vld.msk [tilespmem:s1+$0x0 ss:$0x0], $0xffff;
	_ =	sdelay $0x4  }
0x172: {  	v7 =	vadd.s32 v0, v6;
	_ =	sdelay $0x3  }
0x173: {  	v8 =	vld [tilespmem:s25+$0x0]  }
0x174: {  	v7 =	vld.idx.msk [tilespmem:v7+s22+$0x0], $0xffff  }
0x175: {  	v9 =	vadd.s32 v3, v6;
	_ =	sdelay $0x1  }
0x176: {  	s31 =	sshll.u32 s29, $0x7  }
0x177: {  	s15 =	sand.u32 $0x1F80, s31  }
0x178: {  	(v2sf) =	vpush v8, $0x0;
	[tilespmem:s15+$0x1C500] =	vst v7  }
0x179: {  	v7 =	vld.idx.msk [tilespmem:v9+s22+$0x0], $0xffff  }
0x17a: {  	v63 =	vadd.s32 v4, v6;
	_ =	sdelay $0x3  }
0x17b: {  	[tilespmem:s15+$0x1C510] =	vst v7  }
0x17c: {  	v7 =	vld.idx.msk [tilespmem:v63+s22+$0x0], $0xffff  }
0x17d: {  	v6 =	vadd.s32 v5, v6;
	_ =	sdelay $0x3  }
0x17e: {  	[tilespmem:s15+$0x1C520] =	vst v7  }
0x17f: {  	p3 =	sne.s32 s5, $0x1;
	v6 =	vld.idx.msk [tilespmem:v6+s22+$0x0], $0xffff  }
.Ltmp43:
0x180: {  	_ = 	snop;
	(pc) =	sbr.rel @!p3 .LBB2_42-.Ltmp43, $4  }
0x181: {  	s13 =	spop (v2sf)  }
0x182: {  	s14 =	simm.s32 $0x10401;
	s13 =	sshll.u32 s13, $0x3  }
0x183: {  	s12 =	sadd.s32 $0xFFFFFFFF, s5;
	s16 =	sadd.s32 $0x1C500, s15;
	s18 =	sand.u32 $0x1FFFFFF8, s13  }
0x184: {  	s13 =	simm.s32 $0x10481;
	s18 =	sadd.s32 s7, s18;
	[tilespmem:s15+$0x1C530] =	vst v6;
	s15 =	sadd.s32 $0x80, s31  }
.LBB2_41:
0x185: {  	[hbm4b:s18+s6] =	stream.linear.scatter [tilespmem:s16], [sflag:$0x2], $0x40, $0x38;
	[tilespmem:$0x1E500] =	vst v63  }
0x186: {  	p3 =	sne.s32 s12, $0x1;
	s12 =	sadd.s32 $0xFFFFFFFF, s12;
	v6 =	vld.msk [tilespmem:s14+$0x0 ss:$0x0], $0xffff;
	_ =	sdelay $0x5  }
0x187: {  	v7 =	vadd.s32 v0, v6;
	_ =	sdelay $0x4  }
0x188: {  	v7 =	vld.idx.msk [tilespmem:v7+s22+$0x0], $0xffff;
	_ =	sdelay $0x1  }
0x189: {  	v8 =	vadd.s32 v3, v6;
	_ =	sdelay $0x1  }
0x18a: {  	v9 =	vld [tilespmem:s13+$0x0]  }
0x18b: {  	s1 =	sand.u32 $0x1F80, s15  }
0x18c: {  	[tilespmem:s1+$0x1C500] =	vst v7  }
0x18d: {  	v7 =	vld.idx.msk [tilespmem:v8+s22+$0x0], $0xffff;
	_ =	sdelay $0x1  }
0x18e: {  	v8 =	vadd.s32 v4, v6;
	(v2sf) =	vpush v9, $0x0;
	_ =	sdelay $0x3  }
0x18f: {  	[tilespmem:s1+$0x1C510] =	vst v7  }
0x190: {  	v7 =	vld.idx.msk [tilespmem:v8+s22+$0x0], $0xffff;
	_ =	sdelay $0x1  }
0x191: {  	v6 =	vadd.s32 v5, v6;
	_ =	sdelay $0x3  }
0x192: {  	[tilespmem:s1+$0x1C520] =	vst v7  }
0x193: {  	v6 =	vld.idx.msk [tilespmem:v6+s22+$0x0], $0xffff;
	_ =	sdelay $0x1  }
.Ltmp44:
0x194: {  	(pc) =	sbr.rel @p3 .LBB2_41-.Ltmp44, $4  }
0x195: {  	s16 =	spop (v2sf)  }
0x196: {  	s16 =	sshll.u32 s16, $0x3  }
0x197: {  	s14 =	sadd.s32 $0x1, s14;
	s13 =	sadd.s32 $0x1, s13;
	s18 =	sand.u32 $0x1FFFFFF8, s16  }
0x198: {  	s15 =	sadd.s32 $0x80, s15;
	s16 =	sadd.s32 $0x1C500, s1;
	[tilespmem:s1+$0x1C530] =	vst v6;
	s18 =	sadd.s32 s7, s18  }
.Ltmp45:
0x199: {  	_ = 	snop;
	(pc) =	sbr.rel .LBB2_42-.Ltmp45, $1  }
0x19a: {  	_ =	sdelay $0x3  }
.LBB2_52:
0x19b: {  	[hbm4b:s18+s6] =	stream.linear.scatter [tilespmem:s16], [sflag:$0x2], $0x40, $0x38;
	[tilespmem:$0x1E500] =	vst v63  }
.LBB2_53:
0x19c: {  	s0 =	sadd.s32 $0x1, s0  }
0x19d: {  	s26 =	smov.u32 @p1 s29;
	p1 =	sne.s32 s0, s28  }
.Ltmp46:
0x19e: {  	_ = 	snop;
	(pc) =	sbr.rel @!p1 .LBB2_54-.Ltmp46, $2  }
0x19f: {  	_ =	sdelay $0x2  }
0x1a0: {  	s29 =	sadd.s32 s29, s5  }
.LBB2_45:
0x1a1: {  	s12 =	sshll.u32 s0, $0x4  }
0x1a2: {  	v6 =	vld [tilespmem:s12+$0x8300];
	_ =	sdelay $0x4  }
0x1a3: {  	v7 =	vand.u32 $0xFFFFFF80, v6  }
0x1a4: {  	vm0 =	veq.s32 v7, $0xF4200  }
0x1a5: {  	v7 =	vmpcnt.ones.xlane vm0;
	_ =	sdelay $0x1  }
0x1a6: {  	(v2sf) =	vpush v7, $0x0;
	_ =	sdelay $0xe  }
0x1a7: {  	s13 =	ssub.s32 s29, s26;
	s5 =	spop (v2sf)  }
0x1a8: {  	p2 =	sgt.s32 s13, $0x30;
	p1 =	sgt.s32 s5, $0x0  }
0x1a9: {  	p1 =	por !p2, !p1  }
0x1aa: {  	p1 =	por !p1, !p1  }
.Ltmp47:
0x1ab: {  	_ = 	snop;
	(pc) =	sbr.rel @!p1 .LBB2_49-.Ltmp47, $1  }
0x1ac: {  	_ =	sdelay $0x3  }
0x1ad: {  	p2 =	seq.s32 s13, $0x1  }
.Ltmp48:
0x1ae: {  	_ = 	snop;
	(pc) =	sbr.rel @p2 .LBB2_48-.Ltmp48, $3  }
0x1af: {  	_ =	sdelay $0x1  }
0x1b0: {  	_ =	swait.ge [sflag:s24], $0x40  }
0x1b1: {  	s13 =	sadd.s32 $0xFFFFFFFF, s13;
	[sflag:s24] =	ssyncset.done $0x0  }
.LBB2_47:
0x1b2: {  	p2 =	seq.s32 s13, $0x1;
	s13 =	sadd.s32 $0xFFFFFFFF, s13;
	[sflag:s24] =	ssyncadd.s32 $0xFFFFFFC0  }
.Ltmp49:
0x1b3: {  	(pc) =	sbr.rel @!p2 .LBB2_47-.Ltmp49, $3  }
0x1b4: {  	_ =	sdelay $0x1  }
0x1b5: {  	_ =	swait.ge [sflag:s24], $0x40  }
0x1b6: {  	[sflag:s24] =	ssyncset.done $0x0  }
.LBB2_48:
.Ltmp50:
0x1b7: {  	(pc) =	sbr.rel .LBB2_50-.Ltmp50, $2  }
0x1b8: {  	_ =	sdelay $0x2  }
0x1b9: {  	[sflag:s24] =	ssyncadd.s32 $0xFFFFFFC0  }
.LBB2_49:
0x1ba: {  	p2 =	slt.s32 s5, $0x1  }
.Ltmp51:
0x1bb: {  	_ = 	snop;
	(pc) =	sbr.rel @p2 .LBB2_53-.Ltmp51, $1  }
0x1bc: {  	_ =	sdelay $0x3  }
.LBB2_50:
0x1bd: {  	v6 =	vand.u32 $0x7F, v6;
	s1 =	simm.s32 $0x10400  }
0x1be: {  	[tilespmem:s1+$0x0] =	vst.msk vm0, v6  }
0x1bf: {  	v6 =	vld [tilespmem:s12+$0xC380];
	_ =	sdelay $0x3  }
0x1c0: {  	s30 =	simm.s32 $0x10480  }
0x1c1: {  	[tilespmem:s30+$0x0] =	vst.msk vm0, v6  }
0x1c2: {  	v6 =	vld.msk [tilespmem:s1+$0x0 ss:$0x0], $0xffff;
	_ =	sdelay $0x4  }
0x1c3: {  	v7 =	vadd.s32 v0, v6;
	_ =	sdelay $0x3  }
0x1c4: {  	v8 =	vld [tilespmem:s30+$0x0]  }
0x1c5: {  	v7 =	vld.idx.msk [tilespmem:v7+s23+$0x0], $0xffff  }
0x1c6: {  	v9 =	vadd.s32 v3, v6;
	_ =	sdelay $0x1  }
0x1c7: {  	s31 =	sshll.u32 s29, $0x7  }
0x1c8: {  	s15 =	sand.u32 $0x1F80, s31  }
0x1c9: {  	(v2sf) =	vpush v8, $0x0;
	[tilespmem:s15+$0x1C500] =	vst v7  }
0x1ca: {  	v7 =	vld.idx.msk [tilespmem:v9+s23+$0x0], $0xffff  }
0x1cb: {  	v63 =	vadd.s32 v4, v6;
	_ =	sdelay $0x3  }
0x1cc: {  	[tilespmem:s15+$0x1C510] =	vst v7  }
0x1cd: {  	v7 =	vld.idx.msk [tilespmem:v63+s23+$0x0], $0xffff  }
0x1ce: {  	v6 =	vadd.s32 v5, v6;
	_ =	sdelay $0x3  }
0x1cf: {  	[tilespmem:s15+$0x1C520] =	vst v7  }
0x1d0: {  	p2 =	sne.s32 s5, $0x1;
	v6 =	vld.idx.msk [tilespmem:v6+s23+$0x0], $0xffff  }
.Ltmp52:
0x1d1: {  	_ = 	snop;
	(pc) =	sbr.rel @!p2 .LBB2_52-.Ltmp52, $4  }
0x1d2: {  	s13 =	spop (v2sf)  }
0x1d3: {  	s14 =	simm.s32 $0x10401;
	s13 =	sshll.u32 s13, $0x3  }
0x1d4: {  	s12 =	sadd.s32 $0xFFFFFFFF, s5;
	s16 =	sadd.s32 $0x1C500, s15;
	s18 =	sand.u32 $0x1FFFFFF8, s13  }
0x1d5: {  	s13 =	simm.s32 $0x10481;
	s18 =	sadd.s32 s8, s18;
	[tilespmem:s15+$0x1C530] =	vst v6;
	s15 =	sadd.s32 $0x80, s31  }
.LBB2_51:
0x1d6: {  	[hbm4b:s18+s6] =	stream.linear.scatter [tilespmem:s16], [sflag:$0x2], $0x40, $0x38;
	[tilespmem:$0x1E500] =	vst v63  }
0x1d7: {  	p2 =	sne.s32 s12, $0x1;
	s12 =	sadd.s32 $0xFFFFFFFF, s12;
	v6 =	vld.msk [tilespmem:s14+$0x0 ss:$0x0], $0xffff;
	_ =	sdelay $0x5  }
0x1d8: {  	v7 =	vadd.s32 v0, v6;
	_ =	sdelay $0x4  }
0x1d9: {  	v7 =	vld.idx.msk [tilespmem:v7+s23+$0x0], $0xffff;
	_ =	sdelay $0x1  }
0x1da: {  	v8 =	vadd.s32 v3, v6;
	_ =	sdelay $0x1  }
0x1db: {  	v9 =	vld [tilespmem:s13+$0x0]  }
0x1dc: {  	s1 =	sand.u32 $0x1F80, s15  }
0x1dd: {  	[tilespmem:s1+$0x1C500] =	vst v7  }
0x1de: {  	v7 =	vld.idx.msk [tilespmem:v8+s23+$0x0], $0xffff;
	_ =	sdelay $0x1  }
0x1df: {  	v8 =	vadd.s32 v4, v6;
	(v2sf) =	vpush v9, $0x0;
	_ =	sdelay $0x3  }
0x1e0: {  	[tilespmem:s1+$0x1C510] =	vst v7  }
0x1e1: {  	v7 =	vld.idx.msk [tilespmem:v8+s23+$0x0], $0xffff;
	_ =	sdelay $0x1  }
0x1e2: {  	v6 =	vadd.s32 v5, v6;
	_ =	sdelay $0x3  }
0x1e3: {  	[tilespmem:s1+$0x1C520] =	vst v7  }
0x1e4: {  	v6 =	vld.idx.msk [tilespmem:v6+s23+$0x0], $0xffff;
	_ =	sdelay $0x1  }
.Ltmp53:
0x1e5: {  	(pc) =	sbr.rel @p2 .LBB2_51-.Ltmp53, $4  }
0x1e6: {  	s16 =	spop (v2sf)  }
0x1e7: {  	s16 =	sshll.u32 s16, $0x3  }
0x1e8: {  	s14 =	sadd.s32 $0x1, s14;
	s13 =	sadd.s32 $0x1, s13;
	s18 =	sand.u32 $0x1FFFFFF8, s16  }
0x1e9: {  	s15 =	sadd.s32 $0x80, s15;
	s16 =	sadd.s32 $0x1C500, s1;
	[tilespmem:s1+$0x1C530] =	vst v6;
	s18 =	sadd.s32 s8, s18  }
.Ltmp54:
0x1ea: {  	_ = 	snop;
	(pc) =	sbr.rel .LBB2_52-.Ltmp54, $1  }
0x1eb: {  	_ =	sdelay $0x3  }
.LBB2_58:
0x1ec: {  	s0 =	ssub.s32 s29, s26  }
0x1ed: {  	p1 =	slt.s32 s0, $0x1  }
.Ltmp55:
0x1ee: {  	_ = 	snop;
	(pc) =	sbr.rel @p1 .LBB2_62-.Ltmp55, $3  }
0x1ef: {  	_ =	sdelay $0x1  }
0x1f0: {  	s1 =	rddreg [dreg:$0x0]  }
0x1f1: {  	s5 =	rddreg [dreg:$0xb]  }
0x1f2: {  	p1 =	sne.s32 s0, $0x1  }
.Ltmp56:
0x1f3: {  	_ = 	snop;
	(pc) =	sbr.rel @!p1 .LBB2_61-.Ltmp56, $3  }
0x1f4: {  	_ =	sdelay $0x1  }
0x1f5: {  	_ =	swait.ge [sflag:s24], $0x40  }
0x1f6: {  	s0 =	sadd.s32 $0xFFFFFFFF, s0;
	[sflag:s24] =	ssyncset.done $0x0  }
.LBB2_60:
0x1f7: {  	p1 =	sne.s32 s0, $0x1;
	s0 =	sadd.s32 $0xFFFFFFFF, s0;
	[sflag:s24] =	ssyncadd.s32 $0xFFFFFFC0  }
.Ltmp57:
0x1f8: {  	(pc) =	sbr.rel @p1 .LBB2_60-.Ltmp57, $3  }
0x1f9: {  	_ =	sdelay $0x1  }
0x1fa: {  	_ =	swait.ge [sflag:s24], $0x40  }
0x1fb: {  	[sflag:s24] =	ssyncset.done $0x0  }
.Ltmp58:
0x1fc: {  	_ = 	snop;
	(pc) =	sbr.rel .LBB2_61-.Ltmp58, $1  }
0x1fd: {  	_ =	sdelay $0x3  }
.LBB2_63:
0x1fe: {  	_ =	sfence.sel $0x180000  }
0x1ff: {  	[bflag:$0x0] =	sbarrier.arrive $0xFFFF  }
0x200: {  	_ =	strace $0x90000047  }
0x201: {  	s0 =	stileid.u32;
	[bflag:$0x2] =	sbarrier.arrive $0xFFFF  }
0x202: {  	p0 =	sne.s32 s0, $0x0;
	s0 =	rddreg [dreg:$0x5]  }
0x203: {  	s0 =	sadd.s32 @!p0 $0x100000, s0  }
0x204: {  	[sflag:s0] =	ssyncadd.tile.s32 @!p0 $0x1;
	_ =	shalt  }
.Lfunc_end2:
_tile_overlayer_lowered:
.L_overlay_start_2:
0x205: {  	(tag) =	ssettag $0x2  }
0x206: {  	s0 =	rddreg [dreg:$0x0];
	s2 =	stileid.u32  }
0x207: {  	s1 =	rddreg [dreg:$0x1];
	p0 =	sne.s32 s2, $0x0  }
0x208: {  	s3 =	rddreg [dreg:$0x2];
	[bflag:$0x3] =	sbarrier.arrive $0xFFFF;
	s2 =	simm.s32 @!p0 $0x1C03  }
0x209: {  	[timem:s3], [sflag:s2] =	dma.local @!p0 [hbm:s0], s1  }
0x20a: {  	s0 =	simm.s32 @!p0 $0x3  }
0x20b: {  	_ =	swait.ge @!p0 [sflag:s0], s1  }
0x20c: {  	s1 =	ssub.s32 @!p0 $0x0, s1;
	[sflag:s0] =	ssyncset.done @!p0 $0x0  }
0x20d: {  	[sflag:s0] =	ssyncadd.s32 @!p0 s1  }
0x20e: {  	[bflag:$0x3] =	sbarrier.arrive $0xFFFF  }
0x20f: {  	_ =	shalt  }

// kernel: _run.7.cloned.1.call-start
scs
__scs_entry_jumppad:
0x0: {  	(pc) =	sbr.rel $0x88, $3  }
0x1: {  	(tag) =	ssettag $0x0;
	lr =	simm.s32 $0x1  }
0x2: {  	[smem:$0x3F9D] =	sst lr;
	_ =	strace $0xD0000000  }
0x3: {  	_ = 	snop  }
0x4: {  	_ = 	snop  }
0x5: {  	_ = 	snop  }
0x6: {  	_ = 	snop  }
0x7: {  	_ = 	snop  }
__scs_overlays_trampoline_lowered:
0x8: {  	[smem:$0x3FAC] =	sst s0  }
0x9: {  	[smem:$0x3FAD] =	sst s1  }
0xa: {  	[smem:$0x3FAE] =	sst s2  }
0xb: {  	[smem:$0x3FAF] =	sst s3  }
0xc: {  	[smem:$0x3FB0] =	sst s4  }
0xd: {  	[smem:$0x3FB1] =	sst s5  }
0xe: {  	[smem:$0x3FB2] =	sst s6  }
0xf: {  	[smem:$0x3FB3] =	sst s7  }
0x10: {  	[smem:$0x3FB4] =	sst s8  }
0x11: {  	[smem:$0x3FB5] =	sst s9;
	s0 =	simm.s32 @!p0 $0x0  }
0x12: {  	s1 =	sld [smem:$0x3F9B];
	s0 =	simm.s32 @p0 $0x1  }
0x13: {  	[smem:$0x3FB6] =	sst s0;
	s0 =	simm.s32 @!p1 $0x0  }
0x14: {  	s2 =	sld [smem:$0x3F9A];
	s0 =	simm.s32 @p1 $0x1  }
0x15: {  	[smem:$0x3FB7] =	sst s0;
	s0 =	simm.s32 @!p2 $0x0  }
0x16: {  	s3 =	sld [smem:$0x3FDB];
	s0 =	simm.s32 @p2 $0x1  }
0x17: {  	s4 =	simm.s32 $0x1BF5;
	[smem:$0x3FB9] =	sst s0  }
0x18: {  	s0 =	sld [smem:$0x3F9C];
	_ =	swait.ge [sflag:s4], $0x0  }
0x19: {  	s7 =	sld [smem:$0x3F9D]  }
0x1a: {  	s8 =	sadd.s32 $0xFFFFE003, lr  }
0x1b: {  	s9 =	sadd.s32 $0xFFFFFEF7, lr;
	s5 =	simm.s32 $0xFFFFFFFF;
	p2 =	slt.u32 s8, $0xFFFFF086  }
0x1c: {  	p1 =	slt.u32 s9, $0xF7A;
	s5 =	simm.s32 @!p2 $0x0  }
0x1d: {  	s5 =	simm.s32 @p1 $0x1;
	p0 =	seq.s32 s7, s2  }
0x1e: {  	s7 =	smul.u32 @!p0 $0xF7A, s2;
	p2 =	seq.s32 @!p0 s5, $0x0  }
0x1f: {  	s9 =	smul.u32 $0xF7A, s1;
	s8 =	simm.s32 @!p0 $0x1BF5;
	p2 =	por !p2, p0  }
0x20: {  	[sflag:s8] =	ssyncset.s32 @!p0 $0xFFFFF086;
	s6 =	sadd.s32 @!p0 s3, s7;
	s7 =	simm.s32 @!p0 $0x108  }
0x21: {  	s3 =	sadd.s32 s3, s9;
	s6 =	sadd.s32 @!p0 $0x88, s6;
	s7 =	simm.s32 @p2 $0x1082  }
0x22: {  	[simem:s7], [sflag:s8] =	dma.local @!p0 [hbm:s6], $0xF7A  }
0x23: {  	s9 =	sor.u32 $0xD0000000, s2;
	s6 =	simm.s32 $0x108;
	_ =	swait.ge @!p0 [sflag:s8], $0x0  }
0x24: {  	s3 =	sadd.s32 $0x88, s3;
	s6 =	simm.s32 @!p1 $0x1082;
	[sflag:s4] =	ssyncset.s32 $0xFFFFF086  }
0x25: {  	[simem:s6], [sflag:s4] =	dma.local [hbm:s3], $0xF7A  }
0x26: {  	[smem:$0x3F9D] =	sst s1;
	(tag) =	ssettag s2;
	_ =	strace s9  }
0x27: {  	s1 =	sld [smem:$0x3FAD]  }
0x28: {  	s2 =	sld [smem:$0x3FAE]  }
0x29: {  	s4 =	sld [smem:$0x3FB0]  }
0x2a: {  	p0 =	seq.s32 s5, $0x0;
	s5 =	sld [smem:$0x3FB1]  }
0x2b: {  	s6 =	sld [smem:$0x3FB2]  }
0x2c: {  	s7 =	sld [smem:$0x3FB3]  }
0x2d: {  	s3 =	simm.s32 $0x108;
	s8 =	sld [smem:$0x3FB4]  }
0x2e: {  	s3 =	simm.s32 @!p0 $0x1082;
	s9 =	sld [smem:$0x3FB5]  }
0x2f: {  	lr =	sadd.s32 s0, s3;
	s0 =	sld [smem:$0x3FAC]  }
0x30: {  	s3 =	sld [smem:$0x3FAF]  }
0x31: {  	[smem:$0x3FB8] =	sst s10  }
0x32: {  	s10 =	sld [smem:$0x3FB6];
	_ =	sdelay $0x3  }
0x33: {  	p0 =	seq.s32 s10, $0x1;
	s10 =	sld [smem:$0x3FB8];
	_ =	sdelay $0x3  }
0x34: {  	[smem:$0x3FB8] =	sst s10  }
0x35: {  	s10 =	sld [smem:$0x3FB7];
	_ =	sdelay $0x3  }
0x36: {  	p1 =	seq.s32 s10, $0x1;
	s10 =	sld [smem:$0x3FB8];
	_ =	sdelay $0x3  }
0x37: {  	[smem:$0x3FB8] =	sst s10  }
0x38: {  	s10 =	sld [smem:$0x3FB9]  }
0x39: {  	_ = 	snop;
	(pc) =	sbr.ind lr, $3  }
0x3a: {  	_ = 	snop  }
0x3b: {  	_ = 	snop  }
0x3c: {  	p2 =	seq.s32 s10, $0x1;
	s10 =	sld [smem:$0x3FB8]  }
0x3d: {  	_ =	shalt  }
0x3e: {  	_ =	shalt  }
0x3f: {  	_ =	shalt  }
0x40: {  	_ =	shalt  }
0x41: {  	_ =	shalt  }
0x42: {  	_ =	shalt  }
0x43: {  	_ =	shalt  }
0x44: {  	_ =	shalt  }
0x45: {  	_ =	shalt  }
0x46: {  	_ =	shalt  }
0x47: {  	_ =	shalt  }
0x48: {  	_ =	shalt  }
0x49: {  	_ =	shalt  }
0x4a: {  	_ =	shalt  }
0x4b: {  	_ =	shalt  }
0x4c: {  	_ =	shalt  }
0x4d: {  	_ =	shalt  }
0x4e: {  	_ =	shalt  }
0x4f: {  	_ =	shalt  }
0x50: {  	_ =	shalt  }
0x51: {  	_ =	shalt  }
0x52: {  	_ =	shalt  }
0x53: {  	_ =	shalt  }
0x54: {  	_ =	shalt  }
0x55: {  	_ =	shalt  }
0x56: {  	_ =	shalt  }
0x57: {  	_ =	shalt  }
0x58: {  	_ =	shalt  }
0x59: {  	_ =	shalt  }
0x5a: {  	_ =	shalt  }
0x5b: {  	_ =	shalt  }
0x5c: {  	_ =	shalt  }
0x5d: {  	_ =	shalt  }
0x5e: {  	_ =	shalt  }
0x5f: {  	_ =	shalt  }
0x60: {  	_ =	shalt  }
0x61: {  	_ =	shalt  }
0x62: {  	_ =	shalt  }
0x63: {  	_ =	shalt  }
0x64: {  	_ =	shalt  }
0x65: {  	_ =	shalt  }
0x66: {  	_ =	shalt  }
0x67: {  	_ =	shalt  }
0x68: {  	_ =	shalt  }
0x69: {  	_ =	shalt  }
0x6a: {  	_ =	shalt  }
0x6b: {  	_ =	shalt  }
0x6c: {  	_ =	shalt  }
0x6d: {  	_ =	shalt  }
0x6e: {  	_ =	shalt  }
0x6f: {  	_ =	shalt  }
0x70: {  	_ =	shalt  }
0x71: {  	_ =	shalt  }
0x72: {  	_ =	shalt  }
0x73: {  	_ =	shalt  }
0x74: {  	_ =	shalt  }
0x75: {  	_ =	shalt  }
0x76: {  	_ =	shalt  }
0x77: {  	_ =	shalt  }
0x78: {  	_ =	shalt  }
0x79: {  	_ =	shalt  }
0x7a: {  	_ =	shalt  }
0x7b: {  	_ =	shalt  }
0x7c: {  	_ =	shalt  }
0x7d: {  	_ =	shalt  }
0x7e: {  	_ =	shalt  }
0x7f: {  	_ =	shalt  }
0x80: {  	_ =	shalt  }
0x81: {  	_ =	shalt  }
0x82: {  	_ =	shalt  }
0x83: {  	_ =	shalt  }
0x84: {  	_ =	shalt  }
0x85: {  	_ =	shalt  }
0x86: {  	_ =	shalt  }
0x87: {  	_ =	shalt  }
.Lfunc_end0:
.L_simem_size_0:
called_computation.1_lowered:
.L_overlay_start_0:
0x88: {  	s2 =	sld [smem:$0x3FD9]  }
0x89: {  	s3 =	sld [smem:$0x3FFE];
	_ =	sdelay $0x1  }
0x8a: {  	s1 =	srdreg.scid  }
0x8b: {  	s0 =	sand.u32 $0x1, s1  }
0x8c: {  	s17 =	sshll.u32 s0, $0xA;
	s2 =	sadd.s32 s3, s2  }
0x8d: {  	s2 =	sadd.s32 s2, s17  }
0x8e: {  	[smem:$0x3FC4] =	sst s2  }
0x8f: {  	_ = 	snop  }
0x90: {  	s2 =	sld [smem:$0x3FD0];
	(tm) =	ssettm $0x1  }
0x91: {  	s18 =	sld [smem:$0x3FFB];
	_ =	sdelay $0x3  }
0x92: {  	_ =	strace s18  }
0x93: {  	s3 =	sld [smem:$0x3FFC];
	_ =	sdelay $0x3  }
0x94: {  	_ =	strace s3  }
0x95: {  	s3 =	sld [smem:$0x3FFD];
	_ =	sdelay $0x3  }
0x96: {  	_ =	strace s3  }
0x97: {  	_ =	strace $0x8FFFFFFF  }
0x98: {  	s19 =	sld [smem:$0x3FDB];
	_ =	sdelay $0x1  }
0x99: {  	s4 =	simm.s32 $_scs_section_size  }
0x9a: {  	s5 =	simm.s32 $_size__tile_overlayer_lowered;
	s6 =	simm.s32 $_tile_overlayer_lowered  }
0x9b: {  	s22 =	simm.s32 $0x1BFF;
	s21 =	sshll.u32 s6, $0x1;
	s3 =	sadd.s32 s4, s19  }
0x9c: {  	s7 =	simm.s32 $0x0;
	s20 =	sshll.u32 s5, $0x1;
	s5 =	sadd.s32 s21, s3  }
0x9d: {  	[timem:s7], [sflag:s22] =	dma.local [hbm:s5], s20  }
0x9e: {  	_ =	swait.ge [sflag:s22], s20  }
0x9f: {  	s4 =	ssub.s32 $0x0, s20;
	[sflag:s22] =	ssyncset.done $0x0  }
0xa0: {  	[sflag:s22] =	ssyncadd.s32 s4;
	_ =	sdelay $0x1  }
0xa1: {  	s23 =	simm.s32 $0x1B8B  }
0xa2: {  	_ =	swait.ge [sflag:s23], $0x1  }
0xa3: {  	[sflag:s23] =	ssyncset.done $0x0  }
0xa4: {  	s25 =	simm.s32 $0x1B8E;
	s24 =	sld [smem:$0x3FFE];
	[sflag:s23] =	ssyncadd.s32 $0xFFFFFFFF  }
0xa5: {  	s26 =	simm.s32 $execute0_lowered;
	[smem:$0x3FD2] =	sst s25  }
0xa6: {  	s5 =	sshll.u32 s26, $0x1;
	_ =	strace $0x80000049;
	[dreg:$0x1] =	wrdreg $0xFFFFFFFF  }
0xa7: {  	s28 =	simm.s32 $_size_execute0_lowered;
	s3 =	sadd.s32 s3, s5;
	[dreg:$0x0] =	wrdreg $0x0  }
0xa8: {  	s5 =	sshll.u32 s28, $0x1;
	[dreg:$0x2] =	wrdreg s3  }
0xa9: {  	[dreg:$0x3] =	wrdreg s5  }
0xaa: {  	[dreg:$0x4] =	wrdreg $0xC0  }
0xab: {  	_ =	task [dreg:s7], $0x5FFFF  }
0xac: {  	[dreg:$0x1] =	wrdreg $0xFFFFFFFF  }
0xad: {  	[dreg:$0x0] =	wrdreg $0x60  }
0xae: {  	[dreg:$0x2] =	wrdreg s24  }
0xaf: {  	[dreg:$0x3] =	wrdreg s2  }
0xb0: {  	[dreg:$0x4] =	wrdreg $0x9  }
0xb1: {  	_ =	task.clear_ibuf [dreg:s7], $0x5FFFF;
	_ =	strace $0x90000049  }
0xb2: {  	s29 =	simm.s32 $0x9;
	_ =	strace $0x8000004B  }
0xb3: {  	_ =	swait.ge [sflag:s29], $0x1  }
0xb4: {  	[sflag:s29] =	ssyncadd.s32 $0xFFFFFFFF  }
0xb5: {  	_ =	strace $0x9000004B  }
0xb6: {  	_ =	sfence  }
0xb7: {  	s30 =	sld [smem:$0x0];
	_ =	sdelay $0x2  }
0xb8: {  	s31 =	sshll.u32 s1, $0xD;
	s1 =	sshrl.u32 s1, $0x2  }
0xb9: {  	s3 =	sand.u32 $0x4000, s31;
	s1 =	sadd.s32 s1, s30  }
0xba: {  	s0 =	sor.u32 s3, s0;
	s1 =	sshll.u32 s1, $0x11  }
0xbb: {  	s0 =	sor.u32 s1, s0  }
0xbc: {  	s0 =	sadd.s32 $0x8F2B, s0  }
0xbd: {  	[sflag:s0] =	ssyncadd.remote.s32 $0x1  }
0xbe: {  	_ =	sfence.sel $0xFFFF  }
0xbf: {  	[dreg:$0x0] =	wrdreg $0xFFFFFFFF;
	(pc) =	sbr.abs _section_cstart, $3  }
0xc0: {  	[dreg:$0x1] =	wrdreg $0xFFFFFFFF  }
0xc1: {  	_ =	task.clear_ibuf [dreg:s7], $0x2FFFF;
	_ =	strace $0x9FFFFFFF  }
0xc2: {  	(tm) =	ssettm $0x7FFFFFFF  }
0xc3: {  	_ =	shalt  }
tec
execute0_lowered:
.L_overlay_start_1:
0x0: {  	(tag) =	ssettag $0x1  }
0x1: {  	s3 =	rddreg [dreg:$0x0]  }
0x2: {  	s5 =	rddreg [dreg:$0x1]  }
0x3: {  	s2 =	srdreg.scid;
	s1 =	stileid.u32  }
0x4: {  	s0 =	rddreg [dreg:$0x2];
	s9 =	simm.s32 $0x10000;
	s10 =	simm.s32 $0x0  }
0x5: {  	s4 =	sand.u32 $0x1, s2;
	s6 =	sshll.u32 s1, $0x1;
	s2 =	simm.s32 $0x0  }
0x6: {  	vm0 =	vmmov $0x1;
	vm1 =	vmmov $0x3;
	vm2 =	vmmov $0x7;
	s6 =	sor.u32 s4, s6;
	s4 =	ssub.s32 $0x2, s4;
	[smem:$0x7FF] =	sst s2  }
0x7: {  	vm3 =	vmmov $0xf;
	vm4 =	vmmov $0x1f;
	vm5 =	vmmov $0x3f;
	s7 =	sshll.u32 s6, $0xC;
	s8 =	sshrl.u32 s4, $0x1;
	_ =	strace $0x8000004A  }
0x8: {  	vm6 =	vmmov $0x7f;
	vm7 =	vmmov $0xff;
	vm8 =	vmmov $0x1ff;
	s6 =	sshll.u32 s6, $0x1;
	s7 =	sadd.s32 s7, s3;
	s8 =	ssub.s32 s4, s8  }
0x9: {  	vm9 =	vmmov $0x3ff;
	vm10 =	vmmov $0x7ff;
	vm11 =	vmmov $0xfff;
	s5 =	sadd.s32 s5, s6;
	s3 =	sadd.s32 $0xC00, s7;
	s4 =	sadd.s32 $0x20C00, s7  }
0xa: {  	vm12 =	vmmov $0x1fff;
	vm13 =	vmmov $0x3fff;
	vm14 =	vmmov $0x7fff;
	s6 =	smax.u32 s8, $0x1;
	s7 =	simm.s32 $0x1;
	s8 =	simm.s32 $0x8000  }
.LBB2_1:
0xb: {  	[tilespmem:s2], [sflag:$0x1] =	stream.linear.gather [hbm4b:s3+s2], $0x8000, $0x38;
	[tilespmem:$0x10080] =	vst v63  }
0xc: {  	_ =	swait.ge [sflag:s7], $0x8000  }
0xd: {  	[sflag:s7] =	ssyncset.done $0x0  }
0xe: {  	[sflag:s7] =	ssyncadd.s32 $0xFFFF8000  }
0xf: {  	[tilespmem:s8], [sflag:$0x1] =	stream.linear.gather [hbm4b:s4+s2], $0x8000, $0x38;
	[tilespmem:$0x10080] =	vst v63  }
0x10: {  	_ =	swait.ge [sflag:s7], $0x8000  }
0x11: {  	[sflag:s7] =	ssyncset.done $0x0  }
0x12: {  	s11 =	simm.s32 $0x0;
	[sflag:s7] =	ssyncadd.s32 $0xFFFF8000  }
0x13: {  	v0 =	vld [tilespmem:s11+$0x370];
	_ =	sdelay $0x4  }
0x14: {  	[tilespmem:$0x1FEA0] =	vst v0;
	v0 =	vld [tilespmem:s11+$0x8370]  }
0x15: {  	v19 =	vld [tilespmem:s11+$0x3B0]  }
0x16: {  	v48 =	vld [tilespmem:s11+$0x83B0]  }
0x17: {  	v39 =	vld [tilespmem:s11+$0x3A0]  }
0x18: {  	v33 =	vld [tilespmem:s11+$0x83A0]  }
0x19: {  	[tilespmem:$0x1FEB0] =	vst v0;
	v0 =	vld [tilespmem:s11+$0x3C0]  }
0x1a: {  	v31 =	vld [tilespmem:s11+$0x380]  }
0x1b: {  	v32 =	vld [tilespmem:s11+$0x8380]  }
0x1c: {  	v36 =	vld [tilespmem:s11+$0x390]  }
0x1d: {  	v38 =	vld [tilespmem:s11+$0x8390]  }
0x1e: {  	[tilespmem:$0x1FEC0] =	vst v0;
	v0 =	vld [tilespmem:s11+$0x83C0]  }
0x1f: {  	v8 =	vld [tilespmem:s11+$0x270]  }
0x20: {  	v9 =	vld [tilespmem:s11+$0x8270]  }
0x21: {  	v51 =	vld [tilespmem:s11+$0x2E0]  }
0x22: {  	v35 =	vld [tilespmem:s11+$0x82E0]  }
0x23: {  	[tilespmem:$0x1FED0] =	vst v0;
	v0 =	vld [tilespmem:s11+$0x330]  }
0x24: {  	v5 =	vld [tilespmem:s11+$0x230]  }
0x25: {  	v7 =	vld [tilespmem:s11+$0x8230]  }
0x26: {  	v46 =	vld [tilespmem:s11+$0x300]  }
0x27: {  	v47 =	vld [tilespmem:s11+$0x8300]  }
0x28: {  	[tilespmem:$0x1FF90] =	vst v0;
	v0 =	vld [tilespmem:s11+$0x8330]  }
0x29: {  	v3 =	vld [tilespmem:s11+$0x310]  }
0x2a: {  	v49 =	vld [tilespmem:s11+$0x8310]  }
0x2b: {  	v61 =	vld [tilespmem:s11+$0x260]  }
0x2c: {  	v58 =	vld [tilespmem:s11+$0x8260]  }
0x2d: {  	[tilespmem:$0x1FFA0] =	vst v0;
	v0 =	vld [tilespmem:s11+$0x2F0]  }
0x2e: {  	v52 =	vld [tilespmem:s11+$0x2C0]  }
0x2f: {  	v53 =	vld [tilespmem:s11+$0x82C0]  }
0x30: {  	v54 =	vld [tilespmem:s11+$0x2D0]  }
0x31: {  	v55 =	vld [tilespmem:s11+$0x82D0]  }
0x32: {  	[tilespmem:$0x1FFB0] =	vst v0;
	v0 =	vld [tilespmem:s11+$0x82F0]  }
0x33: {  	v12 =	vld [tilespmem:s11+$0x1B0]  }
0x34: {  	v13 =	vld [tilespmem:s11+$0x81B0]  }
0x35: {  	v14 =	vld [tilespmem:s11+$0x280]  }
0x36: {  	v10 =	vld [tilespmem:s11+$0x170]  }
0x37: {  	[tilespmem:$0x1FFC0] =	vst v0;
	v0 =	vld [tilespmem:s11+$0x360]  }
0x38: {  	v11 =	vld [tilespmem:s11+$0x8170]  }
0x39: {  	v15 =	vld [tilespmem:s11+$0x1E0]  }
0x3a: {  	v62 =	vld [tilespmem:s11+$0x240]  }
0x3b: {  	v63 =	vld [tilespmem:s11+$0x8240]  }
0x3c: {  	[tilespmem:$0x1FEE0] =	vst v0;
	v0 =	vld [tilespmem:s11+$0x2B0]  }
0x3d: {  	v40 =	vld [tilespmem:s11+$0x250]  }
0x3e: {  	v37 =	vld [tilespmem:s11+$0x8250]  }
0x3f: {  	v16 =	vld [tilespmem:s11+$0x130]  }
0x40: {  	v50 =	vld [tilespmem:s11+$0x1A0]  }
0x41: {  	[tilespmem:$0x1FEF0] =	vst v0;
	v0 =	vld [tilespmem:s11+$0x320]  }
0x42: {  	v45 =	vld [tilespmem:s11+$0x81A0]  }
0x43: {  	v44 =	vld [tilespmem:s11+$0x200]  }
0x44: {  	v43 =	vld [tilespmem:s11+$0x8200]  }
0x45: {  	v42 =	vld [tilespmem:s11+$0x210]  }
0x46: {  	[tilespmem:$0x1FF70] =	vst v0;
	v0 =	vld [tilespmem:s11+$0x8320]  }
0x47: {  	v41 =	vld [tilespmem:s11+$0x8210]  }
0x48: {  	v26 =	vld [tilespmem:s11+$0xF0]  }
0x49: {  	v28 =	vld [tilespmem:s11+$0x80F0]  }
0x4a: {  	v60 =	vld [tilespmem:s11+$0x160]  }
0x4b: {  	[tilespmem:$0x1FF80] =	vst v0;
	v0 =	vld [tilespmem:s11+$0x340]  }
0x4c: {  	v57 =	vld [tilespmem:s11+$0x8160]  }
0x4d: {  	v17 =	vld [tilespmem:s11+$0x1C0]  }
0x4e: {  	v18 =	vld [tilespmem:s11+$0x81C0]  }
0x4f: {  	v20 =	vld [tilespmem:s11+$0x1D0]  }
0x50: {  	[tilespmem:$0x1FF00] =	vst v0;
	v0 =	vld [tilespmem:s11+$0x8340]  }
0x51: {  	v25 =	vld [tilespmem:s11+$0xB0]  }
0x52: {  	v27 =	vld [tilespmem:s11+$0x80B0]  }
0x53: {  	v21 =	vld [tilespmem:s11+$0x120]  }
0x54: {  	v6 =	vld [tilespmem:s11+$0x180]  }
0x55: {  	[tilespmem:$0x1FF10] =	vst v0;
	v0 =	vld [tilespmem:s11+$0x350]  }
0x56: {  	v2 =	vld [tilespmem:s11+$0x8180]  }
0x57: {  	v1 =	vld [tilespmem:s11+$0x190]  }
0x58: {  	v29 =	vld [tilespmem:s11+$0x30]  }
0x59: {  	v30 =	vld [tilespmem:s11+$0x8030]  }
0x5a: {  	[tilespmem:$0x1FF20] =	vst v0;
	v0 =	vld [tilespmem:s11+$0x2A0]  }
0x5b: {  	v23 =	vld [tilespmem:s11+$0x70]  }
0x5c: {  	v59 =	vld [tilespmem:s11+$0xE0]  }
0x5d: {  	v56 =	vld [tilespmem:s11+$0x80E0]  }
0x5e: {  	v34 =	vld [tilespmem:s11+$0x140]  }
0x5f: {  	[tilespmem:$0x1FF30] =	vst v0;
	v0 =	vld [tilespmem:s11+$0x1F0]  }
0x60: {  	v24 =	vld [tilespmem:s11+$0x8140]  }
0x61: {  	v22 =	vld [tilespmem:s11+$0x150]  }
0x62: {  	v4 =	vld [tilespmem:s11+$0x8150]  }
0x63: {  	v31 =	vmul.f32 v32, v31;
	v32 =	vmul.f32 v38, v36;
	v38 =	vld [tilespmem:s11+$0xA0]  }
0x64: {  	[tilespmem:$0x1FF40] =	vst v0;
	v0 =	vld [tilespmem:s11+$0x220]  }
0x65: {  	v33 =	vmul.f32 v33, v39;
	v39 =	vld [tilespmem:s11+$0x80A0];
	v46 =	vmul.f32 v47, v46  }
0x66: {  	v47 =	vmul.f32 v49, v3;
	v3 =	vmul.f32 v53, v52;
	v53 =	vld [tilespmem:$0x1FF70]  }
0x67: {  	v49 =	vmul.f32 v55, v54;
	v54 =	vld [tilespmem:$0x1FF80]  }
0x68: {  	v55 =	vmul.f32 v35, v51;
	v35 =	vld [tilespmem:s11+$0x8020]  }
0x69: {  	[tilespmem:$0x1FFD0] =	vst v0;
	v0 =	vld [tilespmem:s11+$0x8220]  }
0x6a: {  	v37 =	vmul.f32 v37, v40;
	v40 =	vld [tilespmem:s11+$0x80]  }
0x6b: {  	v51 =	vld [tilespmem:$0x1FFA0]  }
0x6c: {  	v46 =	vadd.f32 v47, v46;
	v47 =	vmul.f32 v54, v53;
	v53 =	vmul.f32 v48, v19;
	v19 =	vld [tilespmem:$0x1FF90]  }
0x6d: {  	v2 =	vmul.f32 v2, v6;
	v6 =	vld [tilespmem:s11+$0x8080]  }
0x6e: {  	v36 =	vadd.f32 v32, v31;
	[tilespmem:$0x1FFE0] =	vst v0;
	v0 =	vld [tilespmem:s11+$0x8280]  }
0x6f: {  	v41 =	vmul.f32 v41, v42;
	v42 =	vld [tilespmem:s11+$0x90]  }
0x70: {  	v24 =	vmul.f32 v24, v34;
	v34 =	vld [tilespmem:s11+$0x40];
	v52 =	vadd.f32 v33, v36  }
0x71: {  	v46 =	vadd.f32 v47, v46;
	v47 =	vmul.f32 v51, v19;
	v19 =	vld [tilespmem:$0x1FFB0]  }
0x72: {  	v51 =	vadd.f32 v53, v52;
	v53 =	vld [tilespmem:$0x1FFC0]  }
0x73: {  	[tilespmem:$0x1FF50] =	vst v0;
	v0 =	vld [tilespmem:s11+$0x290]  }
0x74: {  	v31 =	vld [tilespmem:s11+$0x100]  }
0x75: {  	v32 =	vld [tilespmem:s11+$0x8100];
	v3 =	vadd.f32 v49, v3  }
0x76: {  	v36 =	vld [tilespmem:s11+$0x110]  }
0x77: {  	v3 =	vadd.f32 v55, v3;
	v54 =	vmul.f32 v63, v62;
	v49 =	vmul.f32 v53, v19;
	v62 =	vld [tilespmem:$0x1FFD0]  }
0x78: {  	v46 =	vadd.f32 v47, v46;
	[tilespmem:$0x1FF60] =	vst v0;
	v0 =	vld [tilespmem:s11+$0x8190]  }
0x79: {  	(xrf2) =	vadd.scan.msk.f32 $0xffff, v51;
	v55 =	vadd.f32 v49, v3;
	v63 =	vld [tilespmem:$0x1FFE0]  }
0x7a: {  	v33 =	vld [tilespmem:s11+$0x20];
	(xrf2) =	vadd.scan.msk.f32 $0xffff, v46  }
0x7b: {  	v58 =	vmul.f32 v58, v61;
	v43 =	vmul.f32 v43, v44;
	v52 =	vld [tilespmem:s11+$0xC0];
	(xrf2) =	vadd.scan.msk.f32 $0xffff, v55  }
0x7c: {  	v61 =	vmul.f32 v9, v8;
	v4 =	vmul.f32 v4, v22;
	v46 =	vld [tilespmem:s11+$0x80D0]  }
0x7d: {  	v41 =	vadd.f32 v41, v43;
	v37 =	vadd.f32 v37, v54;
	v3 =	vld [tilespmem:s11+$0xD0];
	v0 =	vmul.f32 v0, v1  }
0x7e: {  	v4 =	vadd.f32 v4, v24;
	v24 =	vmul.f32 v57, v60;
	v47 =	vld [tilespmem:s11+$0x80C0];
	v8 =	vmul.f32 v63, v62  }
0x7f: {  	v9 =	vmul.f32 v45, v50;
	v53 =	vld [tilespmem:s11+$0x8090];
	v1 =	vadd.f32 v58, v37;
	v2 =	vadd.f32 v0, v2  }
0x80: {  	v24 =	vadd.f32 v24, v4;
	v55 =	vmul.f32 v7, v5;
	v22 =	vadd.f32 v8, v41;
	v37 =	vld [tilespmem:s11+$0x8010]  }
0x81: {  	v54 =	vadd.f32 v61, v1;
	v0 =	vld [tilespmem:s11+$0x0];
	v61 =	vmul.f32 v13, v12;
	v58 =	vadd.f32 v9, v2  }
0x82: {  	v46 =	vmul.f32 v46, v3;
	v3 =	vimm.f32 $0.0e+00;
	v22 =	vadd.f32 v55, v22;
	v1 =	vld [tilespmem:s11+$0x8000]  }
0x83: {  	v48, _, _ =	vpop (xrf2);
	v62 =	vmul.f32 v47, v52;
	v63 =	vmul.f32 v11, v10;
	v2 =	vld [tilespmem:s11+$0x10];
	(xrf2) =	vadd.scan.msk.f32 $0xffff, v54;
	v41 =	vadd.f32 v61, v58  }
0x84: {  	v45 =	vmul.f32 v56, v59;
	v44 =	vmul.f32 v6, v40;
	v40 =	vld [tilespmem:s11+$0x8040];
	[tilespmem:$0x1FFF0] =	vst v3;
	v50, _, _ =	vpop (xrf2);
	(xrf2) =	vadd.scan.msk.f32 $0xffff, v22  }
0x85: {  	s12 =	simm.s32 $0x1000;
	v43 =	vadd.f32 v46, v62;
	v46 =	vmul.f32 v53, v42;
	v42 =	vadd.f32 v63, v24;
	v24, _, _ =	vpop (xrf2);
	(xrf2) =	vadd.scan.msk.f32 $0xffff, v41;
	v41 =	vld [tilespmem:s11+$0x50]  }
.LBB2_2:
0x86: {  	v47 =	vld [tilespmem:s11+$0x8050]  }
0x87: {  	v3 =	vmul.f32 v28, v26;
	v28 =	vld [tilespmem:s11+$0x60]  }
0x88: {  	v0 =	vmul.f32 v1, v0;
	v1 =	vmul.f32 v37, v2;
	v2 =	vld [tilespmem:s11+$0x8060]  }
0x89: {  	v43 =	vadd.f32 v45, v43;
	v44 =	vadd.f32 v46, v44  }
0x8a: {  	v38 =	vmul.f32 v39, v38;
	v0 =	vadd.f32 v1, v0;
	v1 =	vmul.f32 v35, v33  }
0x8b: {  	v59 =	vld [tilespmem:s11+$0x8070];
	v60 =	vmul.f32 v47, v41;
	v58 =	vadd.f32 v3, v43;
	v3 =	vmul.f32 v40, v34  }
0x8c: {  	v25 =	vmul.f32 v27, v25;
	v27 =	vld [tilespmem:s11+$0x8110];
	v38 =	vadd.f32 v38, v44;
	v0 =	vadd.f32 v1, v0  }
0x8d: {  	v61 =	vld [tilespmem:s11+$0x8120];
	v1 =	vmul.f32 v30, v29;
	v30 =	vadd.f32 v60, v3;
	v2 =	vmul.f32 v2, v28  }
0x8e: {  	(xrf2) =	vadd.scan.msk.f32 $0xffff, v42;
	v3 =	vld [tilespmem:$0x1FF60]  }
0x8f: {  	v25 =	vadd.f32 v25, v38;
	v2 =	vadd.f32 v2, v30;
	v30 =	vld [tilespmem:s11+$0x8290]  }
0x90: {  	v26, _, _ =	vpop (xrf2);
	(xrf2) =	vadd.scan.msk.f32 $0xffff, v58;
	v29 =	vld [tilespmem:s11+$0x81D0]  }
0x91: {  	v62, _, _ =	vpop (xrf2);
	v28 =	vld [tilespmem:s11+$0x8130];
	(xrf2) =	vadd.scan.msk.f32 $0xffff, v25;
	v0 =	vadd.f32 v1, v0;
	v1 =	vmul.f32 v32, v31;
	v25 =	vmul.f32 v27, v36  }
0x92: {  	v27 =	vld [tilespmem:s11+$0x81E0]  }
0x93: {  	v23 =	vmul.f32 v59, v23;
	v1 =	vadd.f32 v25, v1;
	v25 =	vld [tilespmem:s11+$0x81F0]  }
0x94: {  	v21 =	vmul.f32 v61, v21;
	v12 =	vmul.f32 v30, v3;
	v3 =	vld [tilespmem:$0x1FF40];
	_ =	sdelay $0x1  }
0x95: {  	v63, _, _ =	vpop (xrf2);
	(xrf2) =	vadd.scan.msk.f32 $0xffff, v0;
	v0 =	vadd.f32 v23, v2;
	v1 =	vadd.f32 v21, v1;
	v16 =	vmul.f32 v28, v16  }
0x96: {  	v19 =	vld [tilespmem:s11+$0x82A0];
	v2 =	vmul.f32 v18, v17;
	v17 =	vmul.f32 v29, v20  }
0x97: {  	v20, _, _ =	vpop (xrf2);
	(xrf2) =	vadd.scan.msk.f32 $0xffff, v0;
	v0 =	vadd.f32 v16, v1;
	v1 =	vld [tilespmem:$0x1FF50]  }
0x98: {  	v2 =	vadd.f32 v17, v2;
	v15 =	vmul.f32 v27, v15;
	v11 =	vmul.f32 v25, v3;
	v3 =	vld [tilespmem:$0x1FF30];
	_ =	sdelay $0x1  }
0x99: {  	v13 =	vld [tilespmem:s11+$0x8360];
	v2 =	vadd.f32 v15, v2  }
0x9a: {  	v8 =	vld [tilespmem:s11+$0x3E0]  }
0x9b: {  	v1 =	vmul.f32 v1, v14;
	v14, _, _ =	vpop (xrf2);
	(xrf2) =	vadd.scan.msk.f32 $0xffff, v0;
	v0 =	vadd.f32 v11, v2;
	v2 =	vld [tilespmem:$0x1FF00]  }
0x9c: {  	v10 =	vmul.f32 v19, v3;
	v3 =	vld [tilespmem:$0x1FF10]  }
0x9d: {  	v41 =	vld [tilespmem:s11+$0x83F0]  }
0x9e: {  	v40 =	vld [tilespmem:s11+$0x3F0]  }
0x9f: {  	v43 =	vld [tilespmem:$0x1FED0]  }
0xa0: {  	v21 =	vld [tilespmem:s11+$0x8350]  }
0xa1: {  	v2 =	vmul.f32 v3, v2;
	v3 =	vld [tilespmem:$0x1FF20]  }
0xa2: {  	v38 =	vld [tilespmem:s11+$0x83E0]  }
0xa3: {  	v17 =	vld [tilespmem:s11+$0x82B0]  }
0xa4: {  	v15 =	vld [tilespmem:s11+$0x3D0]  }
0xa5: {  	v49 =	vbroadcast v14, $0xF;
	v14 =	vld [tilespmem:$0x1FFF0]  }
0xa6: {  	v7 =	vmul.f32 v21, v3;
	v3 =	vld [tilespmem:$0x1FEF0]  }
0xa7: {  	v1 =	vadd.f32 v12, v1;
	v12 =	vld [tilespmem:s11+$0x83D0];
	s11 =	sshra.s32 s12, $0x2  }
0xa8: {  	v31 =	vld [tilespmem:s11+$0x3B0]  }
0xa9: {  	v32 =	vld [tilespmem:s11+$0x83B0]  }
0xaa: {  	v45 =	vld [tilespmem:s11+$0x8370]  }
0xab: {  	v5 =	vmul.f32 v17, v3;
	v3 =	vld [tilespmem:$0x1FEE0]  }
0xac: {  	v33 =	vld [tilespmem:s11+$0x330]  }
0xad: {  	v35 =	vld [tilespmem:s11+$0x8330];
	v1 =	vadd.f32 v10, v1  }
0xae: {  	v36 =	vld [tilespmem:s11+$0x3A0]  }
0xaf: {  	v9, _, _ =	vpop (xrf2);
	(xrf2) =	vadd.scan.msk.f32 $0xffff, v0;
	v0 =	vadd.f32 v5, v1;
	v1 =	vld [tilespmem:$0x1FEA0]  }
0xb0: {  	v42, _, _ =	vpop (xrf2);
	v4 =	vmul.f32 v13, v3;
	v3 =	vld [tilespmem:$0x1FEB0]  }
0xb1: {  	v46 =	vbroadcast v42, $0xF;
	v42 =	vld [tilespmem:s11+$0x8320]  }
0xb2: {  	v39 =	vld [tilespmem:s11+$0x380]  }
0xb3: {  	(xrf2) =	vadd.scan.msk.f32 $0xffff, v0;
	v0 =	vld [tilespmem:s11+$0x370]  }
0xb4: {  	v34 =	vld [tilespmem:s11+$0x82E0];
	v2 =	vadd.f32 v7, v2  }
0xb5: {  	v1 =	vmul.f32 v3, v1;
	v3 =	vld [tilespmem:$0x1FEC0]  }
0xb6: {  	v37 =	vld [tilespmem:s11+$0x8230];
	v2 =	vadd.f32 v4, v2  }
0xb7: {  	v58 =	vld [tilespmem:s11+$0x300]  }
0xb8: {  	v60 =	vld [tilespmem:s11+$0x8300];
	[tilespmem:$0x1FEA0] =	vst v0;
	v0 =	vadd.f32 v1, v2  }
0xb9: {  	v61 =	vld [tilespmem:s11+$0x310]  }
0xba: {  	v6 =	vmul.f32 v43, v3;
	v3, _, _ =	vpop (xrf2);
	(xrf2) =	vadd.scan.msk.f32 $0xffff, v0;
	v0 =	vld [tilespmem:s11+$0x83C0]  }
0xbb: {  	v47 =	vbroadcast v3, $0xF;
	v3 =	vld [tilespmem:s11+$0x3C0]  }
0xbc: {  	v52 =	vbroadcast v63, $0xF;
	v63 =	vld [tilespmem:s11+$0x2C0]  }
0xbd: {  	v56 =	vld [tilespmem:s11+$0x280]  }
0xbe: {  	v9 =	vbroadcast v9, $0xF;
	v57 =	vld [tilespmem:s11+$0x8280];
	v44 =	vmul.f32 v12, v15  }
0xbf: {  	v59 =	vld [tilespmem:s11+$0x290];
	v2 =	vmul.f32 v38, v8;
	v51, _, _ =	vpop (xrf2);
	[tilespmem:$0x1FED0] =	vst v0;
	v0 =	vsel vm0, v46, v47  }
0xc0: {  	v11 =	vld [tilespmem:s11+$0x8210];
	v1 =	vadd.f32 v44, v6;
	[tilespmem:$0x1FEC0] =	vst v3;
	v0 =	vsel vm1, v0, v9;
	v3 =	vbroadcast v51, $0xF  }
0xc1: {  	v28 =	vld [tilespmem:s11+$0x80F0];
	v0 =	vsel vm2, v0, v49  }
0xc2: {  	v1 =	vadd.f32 v2, v1;
	v2 =	vmul.f32 v41, v40;
	v0 =	vsel vm3, v0, v3;
	v3 =	vld [tilespmem:s11+$0x82F0]  }
0xc3: {  	v22 =	vld [tilespmem:s11+$0x1C0]  }
0xc4: {  	v18 =	vld [tilespmem:s11+$0x81C0];
	v1 =	vadd.f32 v2, v1;
	v2 =	vbroadcast v20, $0xF  }
0xc5: {  	v19 =	vld [tilespmem:s11+$0x8140]  }
0xc6: {  	v0 =	vsel vm4, v0, v2;
	v2 =	vld [tilespmem:s11+$0x2F0]  }
0xc7: {  	[tilespmem:$0x1FE50] =	vst v3;
	v3 =	vld [tilespmem:s11+$0x360]  }
0xc8: {  	v10 =	vld [tilespmem:s11+$0x210]  }
0xc9: {  	v12 =	vld [tilespmem:s11+$0x180];
	[tilespmem:$0x1FE90] =	vst v56  }
0xca: {  	[tilespmem:$0x1FF50] =	vst v57;
	v56 =	vld [tilespmem:s11+$0x1A0];
	v53, _, _ =	vpop (xrf2);
	(xrf2) =	vadd.scan.msk.f32 $0xffff, v1  }
0xcb: {  	v57 =	vld [tilespmem:s11+$0x81A0];
	v1 =	vbroadcast v53, $0xF;
	[tilespmem:$0x1FE40] =	vst v2  }
0xcc: {  	v0 =	vsel vm5, v0, v52;
	v2 =	vbroadcast v62, $0xF;
	[tilespmem:$0x1FEE0] =	vst v3;
	v3 =	vld [tilespmem:s11+$0x2B0]  }
0xcd: {  	[tilespmem:$0x1FF60] =	vst v59;
	v59 =	vld [tilespmem:s11+$0x160];
	v54, _, _ =	vpop (xrf2);
	v0 =	vsel vm6, v0, v1;
	v1 =	vbroadcast v26, $0xF  }
0xce: {  	v58 =	vmul.f32 v60, v58;
	v60 =	vld [tilespmem:s11+$0xC0];
	v0 =	vsel vm7, v0, v2;
	v2 =	vbroadcast v54, $0xF  }
0xcf: {  	v7 =	vld [tilespmem:s11+$0x8250];
	v0 =	vsel vm8, v0, v1;
	v1 =	vbroadcast v24, $0xF  }
0xd0: {  	v5 =	vld [tilespmem:s11+$0x8240];
	[tilespmem:$0x1FEB0] =	vst v45;
	v55, _, _ =	vpop (xrf2);
	v0 =	vsel vm9, v0, v2;
	v2 =	vbroadcast v50, $0xF  }
0xd1: {  	v45 =	vld [tilespmem:s11+$0x81B0];
	v0 =	vsel vm10, v0, v1;
	[tilespmem:$0x1FEF0] =	vst v3;
	v3 =	vbroadcast v55, $0xF  }
0xd2: {  	v13 =	vld [tilespmem:s11+$0x8180];
	v0 =	vsel vm11, v0, v2;
	v2 =	vbroadcast v48, $0xF  }
0xd3: {  	v4 =	vld [tilespmem:s11+$0x240];
	v0 =	vsel vm12, v0, v3  }
0xd4: {  	v38 =	vld [tilespmem:s11+$0x83A0];
	v1, _, _ =	vpop (xrf2);
	v0 =	vsel vm13, v0, v2  }
0xd5: {  	v21 =	vsel vm14, v0, v1;
	v0 =	vld [tilespmem:s11+$0x270]  }
0xd6: {  	v1 =	vld [tilespmem:s11+$0x8270]  }
0xd7: {  	v8 =	vld [tilespmem:s11+$0x200]  }
0xd8: {  	v43 =	vld [tilespmem:s11+$0x1B0]  }
0xd9: {  	v44 =	vld [tilespmem:s11+$0x170]  }
0xda: {  	v6 =	vld [tilespmem:s11+$0x250];
	[tilespmem:$0x1FE60] =	vst v0  }
0xdb: {  	v0 =	vand.u32 $0x7FFFFFFF, v21;
	[tilespmem:$0x1FE70] =	vst v1;
	v1 =	vld [tilespmem:s11+$0x340]  }
0xdc: {  	v36 =	vmul.f32 v38, v36;
	v38 =	vld [tilespmem:s11+$0xA0];
	v0 =	vsub.f32 $0.0e+00, v0  }
0xdd: {  	v41 =	vld [tilespmem:s11+$0x320]  }
0xde: {  	v40 =	vld [tilespmem:s11+$0x1E0];
	v0 =	vmul.f32 $1.442695020e+00, v0  }
0xdf: {  	v47 =	vld [tilespmem:s11+$0x2E0]  }
0xe0: {  	[tilespmem:$0x1FF00] =	vst v1;
	v1 =	vld [tilespmem:s11+$0x8340];
	(erf) = vpow2.f32 v0  }
0xe1: {  	v46 =	vld [tilespmem:s11+$0x8170]  }
0xe2: {  	v51 =	vld [tilespmem:s11+$0x8260]  }
0xe3: {  	v9 =	vld [tilespmem:s11+$0x8200]  }
0xe4: {  	v49 =	vld [tilespmem:s11+$0x260]  }
0xe5: {  	[tilespmem:$0x1FF10] =	vst v1;
	v1 =	vld [tilespmem:s11+$0x1F0]  }
0xe6: {  	v53 =	vld [tilespmem:s11+$0x220]  }
0xe7: {  	v52 =	vld [tilespmem:s11+$0x390]  }
0xe8: {  	v26 =	vld [tilespmem:s11+$0xF0]  }
0xe9: {  	v0 =	vld [tilespmem:s11+$0x350];
	v15 =	vpop (erf)  }
0xea: {  	v62 =	vld [tilespmem:s11+$0x8160];
	[tilespmem:$0x1FF40] =	vst v1;
	v1 =	vadd.f32 $2.000000000e+00, v15  }
0xeb: {  	v54 =	vld [tilespmem:s11+$0x8220]  }
0xec: {  	v24 =	vld [tilespmem:s11+$0x130];
	(erf) = vrcp.f32 v1  }
0xed: {  	v50 =	vld [tilespmem:s11+$0x8380]  }
0xee: {  	[tilespmem:$0x1FF20] =	vst v0;
	v0 =	vld [tilespmem:s11+$0x230]  }
0xef: {  	v48 =	vld [tilespmem:s11+$0x140]  }
0xf0: {  	v53 =	vmul.f32 v54, v53;
	v54 =	vld [tilespmem:s11+$0x8080]  }
0xf1: {  	v55 =	vld [tilespmem:s11+$0x8390]  }
0xf2: {  	v3 =	vld [tilespmem:s11+$0x82D0]  }
0xf3: {  	[tilespmem:$0x1FE80] =	vst v0;
	v0 =	vld [tilespmem:s11+$0x2A0]  }
0xf4: {  	v2 =	vld [tilespmem:s11+$0x2D0]  }
0xf5: {  	v39 =	vmul.f32 v50, v39;
	v1 =	vld [tilespmem:s11+$0x82C0];
	v16 =	vpop (erf)  }
0xf6: {  	v50 =	vmul.f32 v55, v52;
	v52 =	vld [tilespmem:s11+$0x150];
	v23 =	vmul.f32 v16, v15  }
0xf7: {  	v55 =	vld [tilespmem:s11+$0x8150]  }
0xf8: {  	[tilespmem:$0x1FF30] =	vst v0;
	v0 =	vld [tilespmem:s11+$0x8310];
	v20 =	vmul.f32 v23, v23  }
0xf9: {  	v50 =	vadd.f32 v50, v39;
	v39 =	vld [tilespmem:s11+$0x80A0];
	v2 =	vmul.f32 v3, v2  }
0xfa: {  	v30 =	vsub.f32 $0.0e+00, v21;
	v21 =	vld [tilespmem:s11+$0x120];
	v1 =	vmul.f32 v1, v63;
	v16 =	vmul.f32 $9.090909360e-02, v20  }
0xfb: {  	v36 =	vadd.f32 v36, v50;
	v50 =	vmul.f32 v35, v33;
	v33 =	vld [tilespmem:s11+$0x20]  }
0xfc: {  	v35 =	vld [tilespmem:s11+$0x8020];
	v1 =	vadd.f32 v2, v1;
	v2 =	vmul.f32 v34, v47;
	v17 =	vadd.f32 $1.111111120e-01, v16  }
0xfd: {  	v63 =	vld [tilespmem:s11+$0x80C0];
	v0 =	vmul.f32 v0, v61;
	v61 =	vmul.f32 v32, v31  }
0xfe: {  	v1 =	vadd.f32 v2, v1;
	v2 =	vld [tilespmem:$0x1FE40];
	v17 =	vmul.f32 v17, v20  }
0xff: {  	v41 =	vmul.f32 v42, v41;
	v0 =	vadd.f32 v0, v58;
	v3 =	vadd.f32 v61, v36;
	v61 =	vld [tilespmem:$0x1FE50]  }
0x100: {  	v47 =	vld [tilespmem:s11+$0x80D0];
	v17 =	vadd.f32 $1.428571490e-01, v17  }
0x101: {  	v34 =	vmul.f32 v51, v49;
	v51 =	vld [tilespmem:$0x1FE70];
	v58 =	vmul.f32 v7, v6;
	v0 =	vadd.f32 v41, v0  }
0x102: {  	v31 =	vld [tilespmem:s11+$0x100];
	(xrf2) =	vadd.scan.msk.f32 $0xffff, v3;
	v3 =	vmul.f32 v5, v4;
	v17 =	vmul.f32 v17, v20  }
0x103: {  	v32 =	vld [tilespmem:s11+$0x8100];
	v0 =	vadd.f32 v50, v0  }
0x104: {  	v15 =	vld [tilespmem:s11+$0x8190];
	v3 =	vadd.f32 v58, v3;
	v2 =	vmul.f32 v61, v2;
	v17 =	vadd.f32 $2.000000030e-01, v17  }
0x105: {  	v42 =	vmul.f32 v11, v10;
	v41 =	vld [tilespmem:s11+$0xD0];
	(xrf2) =	vadd.scan.msk.f32 $0xffff, v0;
	v0 =	vmul.f32 v9, v8  }
0x106: {  	v1 =	vadd.f32 v2, v1;
	v2 =	vadd.f32 v34, v3;
	v3 =	vld [tilespmem:$0x1FE60];
	v17 =	vmul.f32 v17, v20  }
0x107: {  	v36 =	vld [tilespmem:s11+$0x110];
	v0 =	vadd.f32 v42, v0  }
0x108: {  	v4 =	vld [tilespmem:s11+$0x80];
	v25 =	vadd.f32 $3.333333430e-01, v17  }
0x109: {  	v8 =	vadd.f32 v53, v0;
	v0 =	vld [tilespmem:$0x1FE80]  }
0x10a: {  	v5 =	vmul.f32 v63, v60;
	v34 =	vld [tilespmem:s11+$0x40];
	v27 =	vmul.f32 v25, v20  }
0x10b: {  	v60 =	vmul.f32 v47, v41;
	v41 =	vld [tilespmem:s11+$0x50];
	v3 =	vmul.f32 v51, v3  }
0x10c: {  	(xrf2) =	vadd.scan.msk.f32 $0xffff, v1;
	v1 =	vmul.f32 v13, v12;
	v13 =	vld [tilespmem:s11+$0x8090];
	v29 =	vadd.f32 $1.000000000e+00, v27  }
0x10d: {  	v2 =	vadd.f32 v3, v2;
	v3 =	vld [tilespmem:s11+$0x90]  }
0x10e: {  	v12 =	vmul.f32 v37, v0;
	v0 =	vld [tilespmem:s11+$0x0];
	v23 =	vmul.f32 v29, v23;
	v29 =	vmax.f32 v30, $0.0e+00  }
0x10f: {  	v29 =	vadd.f32 v29, v14;
	v14 =	vld [tilespmem:s11+$0x190]  }
0x110: {  	v37 =	vld [tilespmem:s11+$0x8010]  }
0x111: {  	(xrf2) =	vadd.scan.msk.f32 $0xffff, v2;
	v2 =	vld [tilespmem:s11+$0x10]  }
0x112: {  	v17 =	vld [tilespmem:s11+$0x80E0];
	v23 =	vadd.f32 v23, v23  }
0x113: {  	v20 =	vld [tilespmem:s11+$0x1D0]  }
0x114: {  	v25 =	vld [tilespmem:s11+$0xB0];
	v16 =	vadd.f32 v23, v29;
	v58 =	vmul.f32 v15, v14  }
0x115: {  	v27 =	vld [tilespmem:s11+$0x80B0];
	v14 =	vmul.f32 v57, v56  }
0x116: {  	[tilespmem:$0x1FFF0] =	vst v16;
	v16 =	vld [tilespmem:s11+$0xE0];
	v15 =	vmul.f32 v19, v48;
	v19 =	vmul.f32 v55, v52;
	v11 =	vadd.f32 v58, v1  }
0x117: {  	p0 =	sne.s32 s12, $0x1F000;
	v8 =	vadd.f32 v12, v8;
	v12 =	vmul.f32 v45, v43;
	v30 =	vld [tilespmem:s11+$0x8030]  }
.Ltmp0:
0x118: {  	v29 =	vld [tilespmem:s11+$0x30];
	v11 =	vadd.f32 v14, v11;
	v14 =	vadd.f32 v19, v15;
	v19 =	vmul.f32 v62, v59;
	(pc) =	sbr.rel @p0 .LBB2_2-.Ltmp0, $4  }
0x119: {  	v63 =	vmul.f32 v46, v44;
	v43 =	vadd.f32 v60, v5;
	v23 =	vld [tilespmem:s11+$0x70]  }
0x11a: {  	v44 =	vmul.f32 v54, v4;
	v48, _, _ =	vpop (xrf2);
	v1 =	vld [tilespmem:s11+$0x8000];
	v61 =	vadd.f32 v12, v11;
	v62 =	vadd.f32 v19, v14  }
0x11b: {  	v46 =	vmul.f32 v13, v3;
	(xrf2) =	vadd.scan.msk.f32 $0xffff, v8;
	v50, _, _ =	vpop (xrf2);
	v15 =	vmov v40;
	v40 =	vld [tilespmem:s11+$0x8040];
	v45 =	vmul.f32 v17, v16  }
0x11c: {  	s12 =	sadd.s32 $0x1000, s12;
	v17 =	vmov v22;
	v16 =	vmov v24;
	v24, _, _ =	vpop (xrf2);
	v14 =	vld [tilespmem:$0x1FE90];
	(xrf2) =	vadd.scan.msk.f32 $0xffff, v61;
	v42 =	vadd.f32 v63, v62  }
0x11d: {  	v3 =	vld [tilespmem:s11+$0x8050]  }
0x11e: {  	v4 =	vld [tilespmem:s11+$0x60]  }
0x11f: {  	v7 =	vld [tilespmem:s11+$0x8060]  }
0x120: {  	v10 =	vld [tilespmem:s11+$0x8110]  }
0x121: {  	v22 =	vld [tilespmem:s11+$0x8070]  }
0x122: {  	v12 =	vld [tilespmem:s11+$0x81D0]  }
0x123: {  	v13 =	vmul.f32 v37, v2;
	v37 =	vld [tilespmem:s11+$0x8130]  }
0x124: {  	v8 =	vadd.f32 v46, v44;
	v44 =	vld [tilespmem:s11+$0x81F0]  }
0x125: {  	v47 =	vld [tilespmem:s11+$0x82A0]  }
0x126: {  	v52 =	vld [tilespmem:s11+$0x8350]  }
0x127: {  	v54 =	vld [tilespmem:s11+$0x82B0]  }
0x128: {  	v55 =	vld [tilespmem:$0x1FF50]  }
0x129: {  	v56 =	vld [tilespmem:$0x1FF60]  }
0x12a: {  	v57 =	vld [tilespmem:s11+$0x8360]  }
0x12b: {  	v58 =	vld [tilespmem:$0x1FF40]  }
0x12c: {  	v6 =	vmul.f32 v28, v26;
	v9 =	vmul.f32 v39, v38;
	v59 =	vld [tilespmem:s11+$0x3D0]  }
0x12d: {  	v11 =	vmul.f32 v27, v25;
	v35 =	vmul.f32 v35, v33;
	v61 =	vld [tilespmem:$0x1FF30]  }
0x12e: {  	v5 =	vadd.f32 v45, v43;
	v38 =	vmul.f32 v32, v31;
	v62 =	vld [tilespmem:s11+$0x83D0];
	v0 =	vmul.f32 v1, v0  }
0x12f: {  	v28 =	vmul.f32 v40, v34;
	v34 =	vld [tilespmem:s11+$0x8120];
	v3 =	vmul.f32 v3, v41  }
0x130: {  	v45 =	vmul.f32 v18, v17;
	v18 =	vld [tilespmem:$0x1FF00];
	v19 =	vadd.f32 v6, v5;
	v0 =	vadd.f32 v13, v0  }
0x131: {  	v27 =	vld [tilespmem:$0x1FEE0];
	v26 =	vadd.f32 v9, v8;
	v4 =	vmul.f32 v7, v4;
	v3 =	vadd.f32 v3, v28  }
0x132: {  	v40 =	vld [tilespmem:s11+$0x81E0];
	v13 =	vmul.f32 v30, v29;
	v39 =	vmul.f32 v10, v36;
	v0 =	vadd.f32 v35, v0  }
0x133: {  	(xrf2) =	vadd.scan.msk.f32 $0xffff, v42;
	v42 =	vld [tilespmem:s11+$0x8290];
	v6 =	vadd.f32 v11, v26;
	v41 =	vmul.f32 v22, v23;
	v3 =	vadd.f32 v4, v3  }
0x134: {  	v31 =	vld [tilespmem:$0x1FEB0];
	(xrf2) =	vadd.scan.msk.f32 $0xffff, v19;
	v1 =	vadd.f32 v39, v38;
	v0 =	vadd.f32 v13, v0;
	v43 =	vmul.f32 v34, v21  }
0x135: {  	v19 =	vld [tilespmem:$0x1FF10];
	v46 =	vmul.f32 v12, v20;
	(xrf2) =	vadd.scan.msk.f32 $0xffff, v6;
	v3 =	vadd.f32 v41, v3  }
0x136: {  	v51 =	vmul.f32 v37, v16;
	v20 =	vld [tilespmem:$0x1FF20];
	(xrf2) =	vadd.scan.msk.f32 $0xffff, v0;
	v49 =	vadd.f32 v43, v1  }
0x137: {  	v23 =	vld [tilespmem:$0x1FEF0];
	v53 =	vmul.f32 v40, v15;
	v4 =	vadd.f32 v46, v45;
	(xrf2) =	vadd.scan.msk.f32 $0xffff, v3  }
0x138: {  	v30 =	vld [tilespmem:$0x1FEA0];
	v1 =	vmul.f32 v55, v14;
	v0 =	vadd.f32 v51, v49;
	v3 =	vmul.f32 v42, v56  }
0x139: {  	v6 =	vmul.f32 v44, v58;
	v35 =	vld [tilespmem:$0x1FED0];
	v4 =	vadd.f32 v53, v4  }
0x13a: {  	v60, _, _ =	vpop (xrf2);
	v34 =	vld [tilespmem:$0x1FEC0];
	(xrf2) =	vadd.scan.msk.f32 $0xffff, v0;
	v1 =	vadd.f32 v3, v1;
	v3 =	vmul.f32 v47, v61  }
0x13b: {  	v25 =	vld [tilespmem:s11+$0x83E0];
	v63, _, _ =	vpop (xrf2);
	v2 =	vmul.f32 v52, v20;
	v4 =	vadd.f32 v6, v4;
	v6 =	vmul.f32 v19, v18  }
0x13c: {  	v21 =	vld [tilespmem:s11+$0x3E0];
	v22, _, _ =	vpop (xrf2);
	v1 =	vadd.f32 v3, v1;
	v3 =	vmul.f32 v54, v23  }
0x13d: {  	v32 =	vld [tilespmem:s11+$0x83F0];
	v5 =	vmul.f32 v57, v27;
	v26, _, _ =	vpop (xrf2);
	v2 =	vadd.f32 v2, v6;
	(xrf2) =	vadd.scan.msk.f32 $0xffff, v4  }
0x13e: {  	v8 =	vmul.f32 v62, v59;
	v28 =	vld [tilespmem:s11+$0x3F0];
	v29, _, _ =	vpop (xrf2);
	v1 =	vadd.f32 v3, v1  }
0x13f: {  	v33, _, _ =	vpop (xrf2);
	v2 =	vadd.f32 v5, v2;
	v5 =	vmul.f32 v35, v34;
	v3 =	vmul.f32 v31, v30  }
0x140: {  	v36, _, _ =	vpop (xrf2);
	(xrf2) =	vadd.scan.msk.f32 $0xffff, v1  }
0x141: {  	v39 =	vmul.f32 v25, v21;
	v38 =	vadd.f32 v8, v5;
	v37 =	vadd.f32 v3, v2;
	v40, _, _ =	vpop (xrf2)  }
0x142: {  	v41 =	vbroadcast v36, $0xF;
	v5 =	vbroadcast v40, $0xF  }
0x143: {  	v43 =	vmul.f32 v32, v28;
	v42 =	vbroadcast v33, $0xF;
	v2 =	vadd.f32 v39, v38;
	(xrf2) =	vadd.scan.msk.f32 $0xffff, v37  }
0x144: {  	v4 =	vbroadcast v29, $0xF;
	v45, _, _ =	vpop (xrf2);
	v44 =	vsel vm0, v41, v5  }
0x145: {  	v2 =	vadd.f32 v43, v2;
	v5 =	vbroadcast v45, $0xF;
	v1 =	vsel vm1, v44, v42  }
0x146: {  	v46 =	vbroadcast v26, $0xF;
	v1 =	vsel vm2, v1, v4  }
0x147: {  	v47 =	vbroadcast v22, $0xF;
	v49, _, _ =	vpop (xrf2);
	(xrf2) =	vadd.scan.msk.f32 $0xffff, v2;
	v1 =	vsel vm3, v1, v5  }
0x148: {  	v51 =	vbroadcast v49, $0xF;
	v1 =	vsel vm4, v1, v46  }
0x149: {  	v0 =	vbroadcast v63, $0xF;
	v1 =	vsel vm5, v1, v47  }
0x14a: {  	v52 =	vbroadcast v60, $0xF;
	v53, _, _ =	vpop (xrf2);
	v1 =	vsel vm6, v1, v51  }
0x14b: {  	v54 =	vbroadcast v53, $0xF;
	v0 =	vsel vm7, v1, v0  }
0x14c: {  	v55 =	vbroadcast v24, $0xF;
	v0 =	vsel vm8, v0, v52  }
0x14d: {  	v56 =	vbroadcast v50, $0xF;
	v57, _, _ =	vpop (xrf2);
	v0 =	vsel vm9, v0, v54  }
0x14e: {  	v58 =	vbroadcast v57, $0xF;
	v0 =	vsel vm10, v0, v55  }
0x14f: {  	v59 =	vbroadcast v48, $0xF;
	v0 =	vsel vm11, v0, v56  }
0x150: {  	v0 =	vsel vm12, v0, v58  }
0x151: {  	v60, _, _ =	vpop (xrf2);
	v0 =	vsel vm13, v0, v59  }
0x152: {  	v0 =	vsel vm14, v0, v60  }
0x153: {  	v1 =	vand.u32 $0x7FFFFFFF, v0  }
0x154: {  	v1 =	vsub.f32 $0.0e+00, v1;
	_ =	sdelay $0x1  }
0x155: {  	v1 =	vmul.f32 $1.442695020e+00, v1;
	_ =	sdelay $0x1  }
0x156: {  	(erf) = vpow2.f32 v1;
	_ =	sdelay $0x8  }
0x157: {  	v1 =	vpop (erf)  }
0x158: {  	v61 =	vadd.f32 $2.000000000e+00, v1;
	_ =	sdelay $0x1  }
0x159: {  	(erf) = vrcp.f32 v61;
	_ =	sdelay $0x8  }
0x15a: {  	v2 =	vpop (erf)  }
0x15b: {  	v1 =	vmul.f32 v2, v1;
	_ =	sdelay $0x1  }
0x15c: {  	v2 =	vmul.f32 v1, v1;
	_ =	sdelay $0x1  }
0x15d: {  	v62 =	vmul.f32 $9.090909360e-02, v2;
	_ =	sdelay $0x1  }
0x15e: {  	v3 =	vadd.f32 $1.111111120e-01, v62;
	_ =	sdelay $0x1  }
0x15f: {  	v3 =	vmul.f32 v3, v2;
	_ =	sdelay $0x1  }
0x160: {  	v3 =	vadd.f32 $1.428571490e-01, v3;
	_ =	sdelay $0x1  }
0x161: {  	v3 =	vmul.f32 v3, v2;
	_ =	sdelay $0x1  }
0x162: {  	v3 =	vadd.f32 $2.000000030e-01, v3;
	_ =	sdelay $0x1  }
0x163: {  	v3 =	vmul.f32 v3, v2;
	_ =	sdelay $0x1  }
0x164: {  	v3 =	vadd.f32 $3.333333430e-01, v3;
	_ =	sdelay $0x1  }
0x165: {  	v2 =	vmul.f32 v3, v2  }
0x166: {  	v63 =	vld [tilespmem:$0x1FFF0]  }
0x167: {  	v2 =	vadd.f32 $1.000000000e+00, v2  }
0x168: {  	v0 =	vsub.f32 $0.0e+00, v0  }
0x169: {  	v1 =	vmul.f32 v2, v1  }
0x16a: {  	v0 =	vmax.f32 v0, $0.0e+00  }
0x16b: {  	v0 =	vadd.f32 v0, v63;
	v1 =	vadd.f32 v1, v1;
	_ =	sdelay $0x1  }
0x16c: {  	s10 =	sadd.s32 $0x1, s10;
	v0 =	vadd.f32 v1, v0  }
0x16d: {  	p0 =	sne.s32 s10, s6  }
.Ltmp1:
0x16e: {  	[tilespmem:$0x10000] =	vst v0;
	(pc) =	sbr.rel @p0 .LBB2_1-.Ltmp1, $4  }
0x16f: {  	[hbm4b:s5+s2] =	stream.linear.scatter [tilespmem:s9], [sflag:$0x1], $0x10, $0x38;
	[tilespmem:$0x10080] =	vst v63  }
0x170: {  	_ =	swait.ge [sflag:s7], $0x10  }
0x171: {  	[sflag:s7] =	ssyncset.done $0x0  }
0x172: {  	[sflag:s7] =	ssyncadd.s32 $0xFFFFFFF0  }
0x173: {  	_ =	sfence.sel $0x180000  }
0x174: {  	[bflag:$0x0] =	sbarrier.arrive $0xFFFF  }
0x175: {  	p0 =	sne.s32 s1, $0x0;
	_ =	strace $0x9000004A  }
0x176: {  	s0 =	sadd.s32 @!p0 $0x100000, s0;
	[bflag:$0x2] =	sbarrier.arrive $0xFFFF  }
0x177: {  	[sflag:s0] =	ssyncadd.tile.s32 @!p0 $0x1;
	_ =	shalt  }
.Lfunc_end2:
_tile_overlayer_lowered:
.L_overlay_start_2:
0x178: {  	(tag) =	ssettag $0x2  }
0x179: {  	s0 =	rddreg [dreg:$0x0];
	s2 =	stileid.u32  }
0x17a: {  	s1 =	rddreg [dreg:$0x1];
	p0 =	sne.s32 s2, $0x0  }
0x17b: {  	s3 =	rddreg [dreg:$0x2];
	[bflag:$0x3] =	sbarrier.arrive $0xFFFF;
	s2 =	simm.s32 @!p0 $0x1C01  }
0x17c: {  	[timem:s3], [sflag:s2] =	dma.local @!p0 [hbm:s0], s1  }
0x17d: {  	s0 =	simm.s32 @!p0 $0x1  }
0x17e: {  	_ =	swait.ge @!p0 [sflag:s0], s1  }
0x17f: {  	s1 =	ssub.s32 @!p0 $0x0, s1;
	[sflag:s0] =	ssyncset.done @!p0 $0x0  }
0x180: {  	[sflag:s0] =	ssyncadd.s32 @!p0 s1  }
0x181: {  	[bflag:$0x3] =	sbarrier.arrive $0xFFFF  }
0x182: {  	_ =	shalt  }

</sc_bundles>
